<compile_context>
chip_gen: v7x
topology: tpu7x:2x2x1
jax: 0.10.2.dev20260603
libtpu: 0.0.44.dev20260713+nightly
codegen_flags: <defaults>
</compile_context>

<pallas_src>
import functools

import jax
import jax.numpy as jnp
from jax import lax
from jax.experimental import pallas as pl
from jax.experimental.pallas import tpu as pltpu
from jax.experimental.pallas import tpu_sc as plsc

N = 10000
E = 320000
D = 128
CW = 16
NC = 2
NS = 16
NW = NC * NS
EPW = E // NW
B = 128
NCHF = EPW // B
TB = EPW - NCHF * B
N_PAD = 10240
RPT = N_PAD // NS


@functools.lru_cache(maxsize=None)
def _make_sc_aggregate(with_count):
    mesh = plsc.VectorSubcoreMesh(core_axis_name="c", subcore_axis_name="s",
                                  num_cores=NC, num_subcores=NS)

    out_type = [jax.ShapeDtypeStruct((NC, N_PAD, D), jnp.bfloat16)]
    scratch = [
        pltpu.VMEM((4, 2, B), jnp.int32),
        pltpu.VMEM((4, B, D), jnp.bfloat16),
        pltpu.VMEM((2, TB), jnp.int32),
        pltpu.VMEM((TB, D), jnp.bfloat16),
        pltpu.SemaphoreType.DMA,
        pltpu.SemaphoreType.DMA,
        pltpu.SemaphoreType.DMA,
        pltpu.SemaphoreType.DMA,
        pltpu.SemaphoreType.DMA,
        pltpu.SemaphoreType.DMA,
        pltpu.SemaphoreType.DMA,
        pltpu.SemaphoreType.DMA,
        pltpu.VMEM_SHARED((N_PAD, D), jnp.bfloat16),
    ]
    if with_count:
        out_type.append(jax.ShapeDtypeStruct((NC, N_PAD, CW), jnp.float32))
        scratch += [
            pltpu.VMEM((B, CW), jnp.float32),
            pltpu.VMEM_SHARED((N_PAD, CW), jnp.float32),
        ]

    @functools.partial(
        pl.kernel,
        out_type=tuple(out_type) if with_count else out_type[0],
        mesh=mesh,
        scratch_types=scratch,
        compiler_params=pltpu.CompilerParams(use_tc_tiling_on_sc=False),
    )
    def agg_kernel(x_hbm, ei_hbm, zf_hbm, *rest):
        if with_count:
            (zc_hbm, out_hbm, cnt_hbm,
             idx, rows, tidx, trows, i0, i1, i2, i3, r0, r1, r2, r3,
             acc, ones_v, cacc) = rest
        else:
            (out_hbm, idx, rows, tidx, trows, i0, i1, i2, i3, r0, r1, r2, r3,
             acc) = rest
        isem = (i0, i1, i2, i3)
        rsem = (r0, r1, r2, r3)
        cid = lax.axis_index("c")
        sid = lax.axis_index("s")
        wid = sid * NC + cid

        sl = pl.ds(sid * RPT, RPT)
        pltpu.sync_copy(zf_hbm, acc.at[sl])
        if with_count:
            pltpu.sync_copy(zc_hbm, cacc.at[sl])

            def fill_ones(i, _):
                ones_v[i] = jnp.ones((CW,), jnp.float32)
                return ()

            lax.fori_loop(0, B, fill_ones, ())
        plsc.subcore_barrier()

        ebase = wid * EPW

        def idxload(i, slot):
            sl_e = pl.ds(ebase + i * B, B)
            pltpu.async_copy(ei_hbm.at[0, sl_e], idx.at[slot, 0], isem[slot])
            pltpu.async_copy(ei_hbm.at[1, sl_e], idx.at[slot, 1], isem[slot])

        def wait_idx(i, slot):
            sl_e = pl.ds(ebase + i * B, B)
            pltpu.make_async_copy(ei_hbm.at[0, sl_e], idx.at[slot, 0],
                                  isem[slot]).wait()
            pltpu.make_async_copy(ei_hbm.at[1, sl_e], idx.at[slot, 1],
                                  isem[slot]).wait()

        def gather(rb, slot):
            pltpu.async_copy(x_hbm.at[idx.at[slot, 0]], rows.at[rb], rsem[rb])

        def wait_gather(rb, slot):
            pltpu.make_async_copy(x_hbm.at[idx.at[slot, 0]], rows.at[rb],
                                  rsem[rb]).wait()

        def scat(rb, slot):
            pltpu.sync_copy(rows.at[rb], acc.at[idx.at[slot, 1]], add=True)
            if with_count:
                pltpu.sync_copy(ones_v, cacc.at[idx.at[slot, 1]], add=True)

        for k in range(4):
            idxload(k, k)
        for k in range(3):
            wait_idx(k, k)
            gather(k, k)

        def body(j, _):
            base = 4 * j
            for k in range(4):
                i = base + k
                slot = k
                wait_gather(slot, slot)
                scat(slot, slot)
                idxload(i + 4, slot)
                wait_idx(i + 3, (k + 3) % 4)
                gather((k + 3) % 4, (k + 3) % 4)
            return ()

        lax.fori_loop(0, (NCHF - 6) // 4, body, ())

        for k in range(6):
            i = NCHF - 6 + k
            slot = i % 4
            wait_gather(slot, slot)
            scat(slot, slot)
            if k < 2:
                idxload(i + 4, slot)
            if k < 3:
                wait_idx(i + 3, (i + 3) % 4)
                gather((i + 3) % 4, (i + 3) % 4)

        tl = pl.ds(ebase + NCHF * B, TB)
        pltpu.async_copy(ei_hbm.at[0, tl], tidx.at[0], i0)
        pltpu.async_copy(ei_hbm.at[1, tl], tidx.at[1], i0)
        pltpu.make_async_copy(ei_hbm.at[0, tl], tidx.at[0], i0).wait()
        pltpu.make_async_copy(ei_hbm.at[1, tl], tidx.at[1], i0).wait()
        pltpu.async_copy(x_hbm.at[tidx.at[0]], trows, r0)
        pltpu.make_async_copy(x_hbm.at[tidx.at[0]], trows, r0).wait()
        pltpu.sync_copy(trows, acc.at[tidx.at[1]], add=True)
        if with_count:
            pltpu.sync_copy(ones_v.at[pl.ds(0, TB)],
                            cacc.at[tidx.at[1]], add=True)

        plsc.subcore_barrier()
        pltpu.sync_copy(acc.at[sl], out_hbm.at[cid, sl])
        if with_count:
            pltpu.sync_copy(cacc.at[sl], cnt_hbm.at[cid, sl])

    return agg_kernel


_ROWS = 5000
_GRID = N // _ROWS


def _tc1_body(p_ref, c_ref, x_ref, wl_ref, bl_ref, wr_ref, h_ref):
    p = p_ref[...].astype(jnp.float32)
    s = p[0] + p[1]
    c = c_ref[...]
    cnt = (c[0] + c[1])[:, 0:1]
    inv = 1.0 / jnp.maximum(cnt, 1.0)
    agg = s * inv
    out = (lax.dot_general(agg, wl_ref[...], (((1,), (1,)), ((), ())),
                           preferred_element_type=jnp.float32)
           + bl_ref[...]
           + lax.dot_general(x_ref[...], wr_ref[...], (((1,), (1,)), ((), ())),
                             preferred_element_type=jnp.float32))
    norm = jnp.sqrt(jnp.sum(out * out, axis=1, keepdims=True))
    out = out / jnp.maximum(norm, 1e-12)
    h_ref[...] = jnp.maximum(out, 0.0).astype(jnp.bfloat16)


def _tc2_body(q_ref, c_ref, h_ref, wl_ref, bl_ref, wr_ref, fcw_ref, fcb_ref, o_ref):
    q = q_ref[...].astype(jnp.float32)
    s2 = q[0] + q[1]
    c = c_ref[...]
    cnt = (c[0] + c[1])[:, 0:1]
    inv = 1.0 / jnp.maximum(cnt, 1.0)
    agg = s2 * inv
    out = (lax.dot_general(agg, wl_ref[...], (((1,), (1,)), ((), ())),
                           preferred_element_type=jnp.float32)
           + bl_ref[...]
           + lax.dot_general(h_ref[...].astype(jnp.float32), wr_ref[...], (((1,), (1,)), ((), ())),
                             preferred_element_type=jnp.float32))
    norm = jnp.sqrt(jnp.sum(out * out, axis=1, keepdims=True))
    out = out / jnp.maximum(norm, 1e-12)
    logits = lax.dot_general(out, fcw_ref[...], (((1,), (1,)), ((), ())),
                             preferred_element_type=jnp.float32) + fcb_ref[...]
    m = jnp.max(logits, axis=1, keepdims=True)
    e = jnp.exp(logits - m)
    o_ref[...] = e / jnp.sum(e, axis=1, keepdims=True)


def _row_blocked(width):
    return pl.BlockSpec((_ROWS, width), lambda i: (i, 0))


def _partial_blocked(width):
    return pl.BlockSpec((NC, _ROWS, width), lambda i: (0, i, 0))


def _whole(shape):
    return pl.BlockSpec(shape, lambda i: tuple(0 for _ in shape))


def kernel(feat, edge_index, W1l, b1l, W1r, W2l, b2l, W2r, fcW, fcb):
    ei = edge_index.astype(jnp.int32)

    feat_bf = feat.astype(jnp.bfloat16)
    zf = jnp.zeros((RPT, D), jnp.bfloat16)
    zc = jnp.zeros((RPT, CW), jnp.float32)

    part1, cnt1 = _make_sc_aggregate(True)(feat_bf, ei, zf, zc)

    h = pl.pallas_call(
        _tc1_body,
        grid=(_GRID,),
        in_specs=[_partial_blocked(D), _partial_blocked(CW), _row_blocked(D),
                  _whole((D, D)), _whole((1, D)), _whole((D, D))],
        out_specs=_row_blocked(D),
        out_shape=jax.ShapeDtypeStruct((N, D), jnp.bfloat16),
    )(part1, cnt1, feat, W1l, b1l.reshape(1, D), W1r)

    part2 = _make_sc_aggregate(False)(h, ei, zf)

    out = pl.pallas_call(
        _tc2_body,
        grid=(_GRID,),
        in_specs=[_partial_blocked(D), _partial_blocked(CW), _row_blocked(D),
                  _whole((D, D)), _whole((1, D)), _whole((D, D)),
                  _whole((2, D)), _whole((1, 2))],
        out_specs=_row_blocked(2),
        out_shape=jax.ShapeDtypeStruct((N, 2), jnp.float32),
    )(part2, cnt1, h, W2l, b2l.reshape(1, D), W2r, fcW, fcb.reshape(1, 2))

    return out

# --- scband reference (transcript-rebuilt; emitter-appended) ---
"""Pipeline reference for scband-graph-sage-15384572854647 (READ-ONLY COPY).

The authoritative reference and input builder live on the scoring server;
editing this copy changes nothing except your own understanding.
"""

import jax, jax.numpy as jnp
import numpy as np

N_NODES = 10000
N_EDGES = 320000
D_IN = 128
D_HID = 128
D_OUT = 128


def _xavier(key, shape):
    fan_in, fan_out = shape[1], shape[0]
    a = jnp.sqrt(6.0 / (fan_in + fan_out))
    return jax.random.uniform(key, shape, minval=-a, maxval=a, dtype=jnp.float32)


def setup_inputs(seed: int = 0) -> dict:
    key = jax.random.key(seed)
    ks = jax.random.split(key, 12)
    feat = jax.random.normal(ks[0], (N_NODES, D_IN), dtype=jnp.float32)
    edge_index = jax.random.randint(ks[1], (2, N_EDGES), 0, N_NODES, dtype=jnp.int64 if jax.config.read('jax_enable_x64') else jnp.int32)
    W1l = _xavier(ks[2], (D_HID, D_IN))
    b1l = jnp.zeros((D_HID,), dtype=jnp.float32)
    W1r = _xavier(ks[3], (D_HID, D_IN))
    W2l = _xavier(ks[4], (D_OUT, D_HID))
    b2l = jnp.zeros((D_OUT,), dtype=jnp.float32)
    W2r = _xavier(ks[5], (D_OUT, D_HID))
    fcW = _xavier(ks[6], (2, D_OUT))
    fcb = jnp.zeros((2,), dtype=jnp.float32)
    return {"feat": feat, "edge_index": edge_index, "W1l": W1l, "b1l": b1l, "W1r": W1r,
            "W2l": W2l, "b2l": b2l, "W2r": W2r, "fcW": fcW, "fcb": fcb}


def _sage_layer(x, src, dst, Wl, bl, Wr):
    # message: x_j = x[src]; aggr='mean' at dst
    msg = jnp.take(x, src, axis=0)
    agg_sum = jax.ops.segment_sum(msg, dst, num_segments=N_NODES)
    cnt = jax.ops.segment_sum(jnp.ones((src.shape[0],), dtype=x.dtype), dst, num_segments=N_NODES)
    agg = agg_sum / jnp.clip(cnt, 1.0)[:, None]
    out = agg @ Wl.T + bl + x @ Wr.T
    # F.normalize(out, p=2, dim=-1)
    norm = jnp.sqrt(jnp.sum(out * out, axis=-1, keepdims=True))
    out = out / jnp.clip(norm, 1e-12)
    return out


def reference(feat, edge_index, W1l, b1l, W1r, W2l, b2l, W2r, fcW, fcb):
    src = edge_index[0]
    dst = edge_index[1]
    h = _sage_layer(feat, src, dst, W1l, b1l, W1r)
    h = jax.nn.relu(h)
    h = _sage_layer(h, src, dst, W2l, b2l, W2r)
    out = h @ fcW.T + fcb
    return jax.nn.softmax(out, axis=-1)

if __name__ == "__main__":
    import jax
    _d = setup_inputs()
    print(jax.jit(kernel)(*tuple(_d.values())))

</pallas_src>

<mosaic_0001>
#map = affine_map<(d0, d1) -> (0, 0)>
#map1 = affine_map<(d0, d1) -> (0, 0, 0)>
module attributes {stable_mosaic.version = 14 : i64} {
  func.func @agg_kernel(%arg0: i32, %arg1: i32, %arg2: memref<10000x128xbf16, #tpu.memory_space<hbm>>, %arg3: memref<2x320000xi32, #tpu.memory_space<hbm>>, %arg4: memref<640x128xbf16, #tpu.memory_space<hbm>>, %arg5: memref<2x10240x128xbf16, #tpu.memory_space<hbm>>, %arg6: memref<4x2x128xi32, #tpu.memory_space<vmem>>, %arg7: memref<4x128x128xbf16, #tpu.memory_space<vmem>>, %arg8: memref<2x16xi32, #tpu.memory_space<vmem>>, %arg9: memref<16x128xbf16, #tpu.memory_space<vmem>>, %arg10: memref<!tpu.dma_semaphore, #tpu.memory_space<semaphore_mem>>, %arg11: memref<!tpu.dma_semaphore, #tpu.memory_space<semaphore_mem>>, %arg12: memref<!tpu.dma_semaphore, #tpu.memory_space<semaphore_mem>>, %arg13: memref<!tpu.dma_semaphore, #tpu.memory_space<semaphore_mem>>, %arg14: memref<!tpu.dma_semaphore, #tpu.memory_space<semaphore_mem>>, %arg15: memref<!tpu.dma_semaphore, #tpu.memory_space<semaphore_mem>>, %arg16: memref<!tpu.dma_semaphore, #tpu.memory_space<semaphore_mem>>, %arg17: memref<!tpu.dma_semaphore, #tpu.memory_space<semaphore_mem>>, %arg18: memref<10240x128xbf16, #tpu.memory_space<vmem_shared>>) attributes {dimension_semantics = [#tpu.dimension_semantics<core_parallel>, #tpu.dimension_semantics<subcore_parallel>], iteration_bounds = array<i64: 2, 16>, scalar_prefetch = 0 : i64, scratch_operands = 13 : i64, tpu.core_type = #tpu.core_type<sc_vector_subcore>, window_params = [{transform_indices = #map}, {transform_indices = #map}, {transform_indices = #map}, {transform_indices = #map1}]} {
    %mul3A = arith.constant 2 : i32
    %mul3A_0 = arith.muli %arg1, %mul3A : i32
    %add3A = arith.addi %mul3A_0, %arg0 : i32
    %mul3A_1 = arith.constant 640 : i32
    %mul3A_2 = arith.muli %arg1, %mul3A_1 : i32
    "tpu.region"() ({
      %run_scoped3A_582 = tpu.sem_alloc : memref<!tpu.dma_semaphore, #tpu.memory_space<semaphore_mem>>
      %dma_start3A_583 = arith.constant 0 : i32
      %dma_start3A_584 = tpu.memref_slice %arg18[%mul3A_2, %dma_start3A_583] : memref<10240x128xbf16, #tpu.memory_space<vmem_shared>> -> memref<640x128xbf16, #tpu.memory_space<vmem_shared>>
      tpu.enqueue_dma source(%arg4 : memref<640x128xbf16, #tpu.memory_space<hbm>>) target(%dma_start3A_584 : memref<640x128xbf16, #tpu.memory_space<vmem_shared>>) target_semaphore(%run_scoped3A_582 : memref<!tpu.dma_semaphore, #tpu.memory_space<semaphore_mem>>)
      %dma_wait3A_585 = arith.constant 0 : i32
      %dma_wait3A_586 = tpu.memref_slice %arg18[%mul3A_2, %dma_wait3A_585] : memref<10240x128xbf16, #tpu.memory_space<vmem_shared>> -> memref<640x128xbf16, #tpu.memory_space<vmem_shared>>
      tpu.wait_dma2 semaphore(%run_scoped3A_582 : memref<!tpu.dma_semaphore, #tpu.memory_space<semaphore_mem>>) src(%arg4 : memref<640x128xbf16, #tpu.memory_space<hbm>>) dst(%dma_wait3A_586 : memref<640x128xbf16, #tpu.memory_space<vmem_shared>>)
      tpu.yield
    }) : () -> ()
    %barrier3A = arith.constant 0 : index
    tpu.barrier barrier_id(%barrier3A)
    %mul3A_3 = arith.constant 10000 : i32
    %mul3A_4 = arith.muli %add3A, %mul3A_3 : i32
    %add3A_5 = arith.constant 0 : i32
    %add3A_6 = arith.addi %mul3A_4, %add3A_5 : i32
    %dma_start3A = arith.constant 0 : i32
    %dma_start3A_7 = arith.constant 0 : i32
    %dma_start3A_8 = arith.constant 0 : i32
    %dma_start3A_9 = arith.constant 0 : i32
    %dma_start3A_10 = tpu.memref_slice %arg6[%dma_start3A_7, %dma_start3A_8, %dma_start3A_9] : memref<4x2x128xi32, #tpu.memory_space<vmem>> -> memref<1x1x128xi32, #tpu.memory_space<vmem>>
    %dma_start3A_11 = tpu.memref_squeeze %dma_start3A_10 : memref<1x1x128xi32, #tpu.memory_space<vmem>> -> memref<128xi32, #tpu.memory_space<vmem>>
    %dma_start3A_12 = tpu.memref_slice %arg3[%dma_start3A, %add3A_6] : memref<2x320000xi32, #tpu.memory_space<hbm>> -> memref<1x128xi32, #tpu.memory_space<hbm>>
    %dma_start3A_13 = tpu.memref_squeeze %dma_start3A_12 : memref<1x128xi32, #tpu.memory_space<hbm>> -> memref<128xi32, #tpu.memory_space<hbm>>
    %dma_start3A_14 = arith.constant 0 : i32
    %dma_start3A_15 = tpu.memref_slice %arg6[%dma_start3A_7, %dma_start3A_8, %dma_start3A_14] : memref<4x2x128xi32, #tpu.memory_space<vmem>> -> memref<1x1x128xi32, #tpu.memory_space<vmem>>
    %dma_start3A_16 = tpu.memref_squeeze %dma_start3A_15 : memref<1x1x128xi32, #tpu.memory_space<vmem>> -> memref<128xi32, #tpu.memory_space<vmem>>
    %dma_start3A_17 = tpu.memref_slice %arg3[%dma_start3A, %add3A_6] : memref<2x320000xi32, #tpu.memory_space<hbm>> -> memref<1x128xi32, #tpu.memory_space<hbm>>
    %dma_start3A_18 = tpu.memref_squeeze %dma_start3A_17 : memref<1x128xi32, #tpu.memory_space<hbm>> -> memref<128xi32, #tpu.memory_space<hbm>>
    tpu.enqueue_dma source(%dma_start3A_18 : memref<128xi32, #tpu.memory_space<hbm>>) target(%dma_start3A_16 : memref<128xi32, #tpu.memory_space<vmem>>) target_semaphore(%arg10 : memref<!tpu.dma_semaphore, #tpu.memory_space<semaphore_mem>>)
    %dma_start3A_19 = arith.constant 1 : i32
    %dma_start3A_20 = arith.constant 0 : i32
    %dma_start3A_21 = arith.constant 1 : i32
    %dma_start3A_22 = arith.constant 0 : i32
    %dma_start3A_23 = tpu.memref_slice %arg6[%dma_start3A_20, %dma_start3A_21, %dma_start3A_22] : memref<4x2x128xi32, #tpu.memory_space<vmem>> -> memref<1x1x128xi32, #tpu.memory_space<vmem>>
    %dma_start3A_24 = tpu.memref_squeeze %dma_start3A_23 : memref<1x1x128xi32, #tpu.memory_space<vmem>> -> memref<128xi32, #tpu.memory_space<vmem>>
    %dma_start3A_25 = tpu.memref_slice %arg3[%dma_start3A_19, %add3A_6] : memref<2x320000xi32, #tpu.memory_space<hbm>> -> memref<1x128xi32, #tpu.memory_space<hbm>>
    %dma_start3A_26 = tpu.memref_squeeze %dma_start3A_25 : memref<1x128xi32, #tpu.memory_space<hbm>> -> memref<128xi32, #tpu.memory_space<hbm>>
    %dma_start3A_27 = arith.constant 0 : i32
    %dma_start3A_28 = tpu.memref_slice %arg6[%dma_start3A_20, %dma_start3A_21, %dma_start3A_27] : memref<4x2x128xi32, #tpu.memory_space<vmem>> -> memref<1x1x128xi32, #tpu.memory_space<vmem>>
    %dma_start3A_29 = tpu.memref_squeeze %dma_start3A_28 : memref<1x1x128xi32, #tpu.memory_space<vmem>> -> memref<128xi32, #tpu.memory_space<vmem>>
    %dma_start3A_30 = tpu.memref_slice %arg3[%dma_start3A_19, %add3A_6] : memref<2x320000xi32, #tpu.memory_space<hbm>> -> memref<1x128xi32, #tpu.memory_space<hbm>>
    %dma_start3A_31 = tpu.memref_squeeze %dma_start3A_30 : memref<1x128xi32, #tpu.memory_space<hbm>> -> memref<128xi32, #tpu.memory_space<hbm>>
    tpu.enqueue_dma source(%dma_start3A_31 : memref<128xi32, #tpu.memory_space<hbm>>) target(%dma_start3A_29 : memref<128xi32, #tpu.memory_space<vmem>>) target_semaphore(%arg10 : memref<!tpu.dma_semaphore, #tpu.memory_space<semaphore_mem>>)
    %add3A_32 = arith.constant 128 : i32
    %add3A_33 = arith.addi %mul3A_4, %add3A_32 : i32
    %dma_start3A_34 = arith.constant 0 : i32
    %dma_start3A_35 = arith.constant 1 : i32
    %dma_start3A_36 = arith.constant 0 : i32
    %dma_start3A_37 = arith.constant 0 : i32
    %dma_start3A_38 = tpu.memref_slice %arg6[%dma_start3A_35, %dma_start3A_36, %dma_start3A_37] : memref<4x2x128xi32, #tpu.memory_space<vmem>> -> memref<1x1x128xi32, #tpu.memory_space<vmem>>
    %dma_start3A_39 = tpu.memref_squeeze %dma_start3A_38 : memref<1x1x128xi32, #tpu.memory_space<vmem>> -> memref<128xi32, #tpu.memory_space<vmem>>
    %dma_start3A_40 = tpu.memref_slice %arg3[%dma_start3A_34, %add3A_33] : memref<2x320000xi32, #tpu.memory_space<hbm>> -> memref<1x128xi32, #tpu.memory_space<hbm>>
    %dma_start3A_41 = tpu.memref_squeeze %dma_start3A_40 : memref<1x128xi32, #tpu.memory_space<hbm>> -> memref<128xi32, #tpu.memory_space<hbm>>
    %dma_start3A_42 = arith.constant 0 : i32
    %dma_start3A_43 = tpu.memref_slice %arg6[%dma_start3A_35, %dma_start3A_36, %dma_start3A_42] : memref<4x2x128xi32, #tpu.memory_space<vmem>> -> memref<1x1x128xi32, #tpu.memory_space<vmem>>
    %dma_start3A_44 = tpu.memref_squeeze %dma_start3A_43 : memref<1x1x128xi32, #tpu.memory_space<vmem>> -> memref<128xi32, #tpu.memory_space<vmem>>
    %dma_start3A_45 = tpu.memref_slice %arg3[%dma_start3A_34, %add3A_33] : memref<2x320000xi32, #tpu.memory_space<hbm>> -> memref<1x128xi32, #tpu.memory_space<hbm>>
    %dma_start3A_46 = tpu.memref_squeeze %dma_start3A_45 : memref<1x128xi32, #tpu.memory_space<hbm>> -> memref<128xi32, #tpu.memory_space<hbm>>
    tpu.enqueue_dma source(%dma_start3A_46 : memref<128xi32, #tpu.memory_space<hbm>>) target(%dma_start3A_44 : memref<128xi32, #tpu.memory_space<vmem>>) target_semaphore(%arg11 : memref<!tpu.dma_semaphore, #tpu.memory_space<semaphore_mem>>)
    %dma_start3A_47 = arith.constant 1 : i32
    %dma_start3A_48 = arith.constant 1 : i32
    %dma_start3A_49 = arith.constant 1 : i32
    %dma_start3A_50 = arith.constant 0 : i32
    %dma_start3A_51 = tpu.memref_slice %arg6[%dma_start3A_48, %dma_start3A_49, %dma_start3A_50] : memref<4x2x128xi32, #tpu.memory_space<vmem>> -> memref<1x1x128xi32, #tpu.memory_space<vmem>>
    %dma_start3A_52 = tpu.memref_squeeze %dma_start3A_51 : memref<1x1x128xi32, #tpu.memory_space<vmem>> -> memref<128xi32, #tpu.memory_space<vmem>>
    %dma_start3A_53 = tpu.memref_slice %arg3[%dma_start3A_47, %add3A_33] : memref<2x320000xi32, #tpu.memory_space<hbm>> -> memref<1x128xi32, #tpu.memory_space<hbm>>
    %dma_start3A_54 = tpu.memref_squeeze %dma_start3A_53 : memref<1x128xi32, #tpu.memory_space<hbm>> -> memref<128xi32, #tpu.memory_space<hbm>>
    %dma_start3A_55 = arith.constant 0 : i32
    %dma_start3A_56 = tpu.memref_slice %arg6[%dma_start3A_48, %dma_start3A_49, %dma_start3A_55] : memref<4x2x128xi32, #tpu.memory_space<vmem>> -> memref<1x1x128xi32, #tpu.memory_space<vmem>>
    %dma_start3A_57 = tpu.memref_squeeze %dma_start3A_56 : memref<1x1x128xi32, #tpu.memory_space<vmem>> -> memref<128xi32, #tpu.memory_space<vmem>>
    %dma_start3A_58 = tpu.memref_slice %arg3[%dma_start3A_47, %add3A_33] : memref<2x320000xi32, #tpu.memory_space<hbm>> -> memref<1x128xi32, #tpu.memory_space<hbm>>
    %dma_start3A_59 = tpu.memref_squeeze %dma_start3A_58 : memref<1x128xi32, #tpu.memory_space<hbm>> -> memref<128xi32, #tpu.memory_space<hbm>>
    tpu.enqueue_dma source(%dma_start3A_59 : memref<128xi32, #tpu.memory_space<hbm>>) target(%dma_start3A_57 : memref<128xi32, #tpu.memory_space<vmem>>) target_semaphore(%arg11 : memref<!tpu.dma_semaphore, #tpu.memory_space<semaphore_mem>>)
    %add3A_60 = arith.constant 256 : i32
    %add3A_61 = arith.addi %mul3A_4, %add3A_60 : i32
    %dma_start3A_62 = arith.constant 0 : i32
    %dma_start3A_63 = arith.constant 2 : i32
    %dma_start3A_64 = arith.constant 0 : i32
    %dma_start3A_65 = arith.constant 0 : i32
    %dma_start3A_66 = tpu.memref_slice %arg6[%dma_start3A_63, %dma_start3A_64, %dma_start3A_65] : memref<4x2x128xi32, #tpu.memory_space<vmem>> -> memref<1x1x128xi32, #tpu.memory_space<vmem>>
    %dma_start3A_67 = tpu.memref_squeeze %dma_start3A_66 : memref<1x1x128xi32, #tpu.memory_space<vmem>> -> memref<128xi32, #tpu.memory_space<vmem>>
    %dma_start3A_68 = tpu.memref_slice %arg3[%dma_start3A_62, %add3A_61] : memref<2x320000xi32, #tpu.memory_space<hbm>> -> memref<1x128xi32, #tpu.memory_space<hbm>>
    %dma_start3A_69 = tpu.memref_squeeze %dma_start3A_68 : memref<1x128xi32, #tpu.memory_space<hbm>> -> memref<128xi32, #tpu.memory_space<hbm>>
    %dma_start3A_70 = arith.constant 0 : i32
    %dma_start3A_71 = tpu.memref_slice %arg6[%dma_start3A_63, %dma_start3A_64, %dma_start3A_70] : memref<4x2x128xi32, #tpu.memory_space<vmem>> -> memref<1x1x128xi32, #tpu.memory_space<vmem>>
    %dma_start3A_72 = tpu.memref_squeeze %dma_start3A_71 : memref<1x1x128xi32, #tpu.memory_space<vmem>> -> memref<128xi32, #tpu.memory_space<vmem>>
    %dma_start3A_73 = tpu.memref_slice %arg3[%dma_start3A_62, %add3A_61] : memref<2x320000xi32, #tpu.memory_space<hbm>> -> memref<1x128xi32, #tpu.memory_space<hbm>>
    %dma_start3A_74 = tpu.memref_squeeze %dma_start3A_73 : memref<1x128xi32, #tpu.memory_space<hbm>> -> memref<128xi32, #tpu.memory_space<hbm>>
    tpu.enqueue_dma source(%dma_start3A_74 : memref<128xi32, #tpu.memory_space<hbm>>) target(%dma_start3A_72 : memref<128xi32, #tpu.memory_space<vmem>>) target_semaphore(%arg12 : memref<!tpu.dma_semaphore, #tpu.memory_space<semaphore_mem>>)
    %dma_start3A_75 = arith.constant 1 : i32
    %dma_start3A_76 = arith.constant 2 : i32
    %dma_start3A_77 = arith.constant 1 : i32
    %dma_start3A_78 = arith.constant 0 : i32
    %dma_start3A_79 = tpu.memref_slice %arg6[%dma_start3A_76, %dma_start3A_77, %dma_start3A_78] : memref<4x2x128xi32, #tpu.memory_space<vmem>> -> memref<1x1x128xi32, #tpu.memory_space<vmem>>
    %dma_start3A_80 = tpu.memref_squeeze %dma_start3A_79 : memref<1x1x128xi32, #tpu.memory_space<vmem>> -> memref<128xi32, #tpu.memory_space<vmem>>
    %dma_start3A_81 = tpu.memref_slice %arg3[%dma_start3A_75, %add3A_61] : memref<2x320000xi32, #tpu.memory_space<hbm>> -> memref<1x128xi32, #tpu.memory_space<hbm>>
    %dma_start3A_82 = tpu.memref_squeeze %dma_start3A_81 : memref<1x128xi32, #tpu.memory_space<hbm>> -> memref<128xi32, #tpu.memory_space<hbm>>
    %dma_start3A_83 = arith.constant 0 : i32
    %dma_start3A_84 = tpu.memref_slice %arg6[%dma_start3A_76, %dma_start3A_77, %dma_start3A_83] : memref<4x2x128xi32, #tpu.memory_space<vmem>> -> memref<1x1x128xi32, #tpu.memory_space<vmem>>
    %dma_start3A_85 = tpu.memref_squeeze %dma_start3A_84 : memref<1x1x128xi32, #tpu.memory_space<vmem>> -> memref<128xi32, #tpu.memory_space<vmem>>
    %dma_start3A_86 = tpu.memref_slice %arg3[%dma_start3A_75, %add3A_61] : memref<2x320000xi32, #tpu.memory_space<hbm>> -> memref<1x128xi32, #tpu.memory_space<hbm>>
    %dma_start3A_87 = tpu.memref_squeeze %dma_start3A_86 : memref<1x128xi32, #tpu.memory_space<hbm>> -> memref<128xi32, #tpu.memory_space<hbm>>
    tpu.enqueue_dma source(%dma_start3A_87 : memref<128xi32, #tpu.memory_space<hbm>>) target(%dma_start3A_85 : memref<128xi32, #tpu.memory_space<vmem>>) target_semaphore(%arg12 : memref<!tpu.dma_semaphore, #tpu.memory_space<semaphore_mem>>)
    %add3A_88 = arith.constant 384 : i32
    %add3A_89 = arith.addi %mul3A_4, %add3A_88 : i32
    %dma_start3A_90 = arith.constant 0 : i32
    %dma_start3A_91 = arith.constant 3 : i32
    %dma_start3A_92 = arith.constant 0 : i32
    %dma_start3A_93 = arith.constant 0 : i32
    %dma_start3A_94 = tpu.memref_slice %arg6[%dma_start3A_91, %dma_start3A_92, %dma_start3A_93] : memref<4x2x128xi32, #tpu.memory_space<vmem>> -> memref<1x1x128xi32, #tpu.memory_space<vmem>>
    %dma_start3A_95 = tpu.memref_squeeze %dma_start3A_94 : memref<1x1x128xi32, #tpu.memory_space<vmem>> -> memref<128xi32, #tpu.memory_space<vmem>>
    %dma_start3A_96 = tpu.memref_slice %arg3[%dma_start3A_90, %add3A_89] : memref<2x320000xi32, #tpu.memory_space<hbm>> -> memref<1x128xi32, #tpu.memory_space<hbm>>
    %dma_start3A_97 = tpu.memref_squeeze %dma_start3A_96 : memref<1x128xi32, #tpu.memory_space<hbm>> -> memref<128xi32, #tpu.memory_space<hbm>>
    %dma_start3A_98 = arith.constant 0 : i32
    %dma_start3A_99 = tpu.memref_slice %arg6[%dma_start3A_91, %dma_start3A_92, %dma_start3A_98] : memref<4x2x128xi32, #tpu.memory_space<vmem>> -> memref<1x1x128xi32, #tpu.memory_space<vmem>>
    %dma_start3A_100 = tpu.memref_squeeze %dma_start3A_99 : memref<1x1x128xi32, #tpu.memory_space<vmem>> -> memref<128xi32, #tpu.memory_space<vmem>>
    %dma_start3A_101 = tpu.memref_slice %arg3[%dma_start3A_90, %add3A_89] : memref<2x320000xi32, #tpu.memory_space<hbm>> -> memref<1x128xi32, #tpu.memory_space<hbm>>
    %dma_start3A_102 = tpu.memref_squeeze %dma_start3A_101 : memref<1x128xi32, #tpu.memory_space<hbm>> -> memref<128xi32, #tpu.memory_space<hbm>>
    tpu.enqueue_dma source(%dma_start3A_102 : memref<128xi32, #tpu.memory_space<hbm>>) target(%dma_start3A_100 : memref<128xi32, #tpu.memory_space<vmem>>) target_semaphore(%arg13 : memref<!tpu.dma_semaphore, #tpu.memory_space<semaphore_mem>>)
    %dma_start3A_103 = arith.constant 1 : i32
    %dma_start3A_104 = arith.constant 3 : i32
    %dma_start3A_105 = arith.constant 1 : i32
    %dma_start3A_106 = arith.constant 0 : i32
    %dma_start3A_107 = tpu.memref_slice %arg6[%dma_start3A_104, %dma_start3A_105, %dma_start3A_106] : memref<4x2x128xi32, #tpu.memory_space<vmem>> -> memref<1x1x128xi32, #tpu.memory_space<vmem>>
    %dma_start3A_108 = tpu.memref_squeeze %dma_start3A_107 : memref<1x1x128xi32, #tpu.memory_space<vmem>> -> memref<128xi32, #tpu.memory_space<vmem>>
    %dma_start3A_109 = tpu.memref_slice %arg3[%dma_start3A_103, %add3A_89] : memref<2x320000xi32, #tpu.memory_space<hbm>> -> memref<1x128xi32, #tpu.memory_space<hbm>>
    %dma_start3A_110 = tpu.memref_squeeze %dma_start3A_109 : memref<1x128xi32, #tpu.memory_space<hbm>> -> memref<128xi32, #tpu.memory_space<hbm>>
    %dma_start3A_111 = arith.constant 0 : i32
    %dma_start3A_112 = tpu.memref_slice %arg6[%dma_start3A_104, %dma_start3A_105, %dma_start3A_111] : memref<4x2x128xi32, #tpu.memory_space<vmem>> -> memref<1x1x128xi32, #tpu.memory_space<vmem>>
    %dma_start3A_113 = tpu.memref_squeeze %dma_start3A_112 : memref<1x1x128xi32, #tpu.memory_space<vmem>> -> memref<128xi32, #tpu.memory_space<vmem>>
    %dma_start3A_114 = tpu.memref_slice %arg3[%dma_start3A_103, %add3A_89] : memref<2x320000xi32, #tpu.memory_space<hbm>> -> memref<1x128xi32, #tpu.memory_space<hbm>>
    %dma_start3A_115 = tpu.memref_squeeze %dma_start3A_114 : memref<1x128xi32, #tpu.memory_space<hbm>> -> memref<128xi32, #tpu.memory_space<hbm>>
    tpu.enqueue_dma source(%dma_start3A_115 : memref<128xi32, #tpu.memory_space<hbm>>) target(%dma_start3A_113 : memref<128xi32, #tpu.memory_space<vmem>>) target_semaphore(%arg13 : memref<!tpu.dma_semaphore, #tpu.memory_space<semaphore_mem>>)
    %add3A_116 = arith.constant 0 : i32
    %add3A_117 = arith.addi %mul3A_4, %add3A_116 : i32
    %dma_wait3A = arith.constant 0 : i32
    %dma_wait3A_118 = arith.constant 0 : i32
    %dma_wait3A_119 = arith.constant 0 : i32
    %dma_wait3A_120 = arith.constant 0 : i32
    %dma_wait3A_121 = tpu.memref_slice %arg6[%dma_wait3A_118, %dma_wait3A_119, %dma_wait3A_120] : memref<4x2x128xi32, #tpu.memory_space<vmem>> -> memref<1x1x128xi32, #tpu.memory_space<vmem>>
    %dma_wait3A_122 = tpu.memref_squeeze %dma_wait3A_121 : memref<1x1x128xi32, #tpu.memory_space<vmem>> -> memref<128xi32, #tpu.memory_space<vmem>>
    %dma_wait3A_123 = tpu.memref_slice %arg3[%dma_wait3A, %add3A_117] : memref<2x320000xi32, #tpu.memory_space<hbm>> -> memref<1x128xi32, #tpu.memory_space<hbm>>
    %dma_wait3A_124 = tpu.memref_squeeze %dma_wait3A_123 : memref<1x128xi32, #tpu.memory_space<hbm>> -> memref<128xi32, #tpu.memory_space<hbm>>
    %dma_wait3A_125 = arith.constant 0 : i32
    %dma_wait3A_126 = tpu.memref_slice %arg6[%dma_wait3A_118, %dma_wait3A_119, %dma_wait3A_125] : memref<4x2x128xi32, #tpu.memory_space<vmem>> -> memref<1x1x128xi32, #tpu.memory_space<vmem>>
    %dma_wait3A_127 = tpu.memref_squeeze %dma_wait3A_126 : memref<1x1x128xi32, #tpu.memory_space<vmem>> -> memref<128xi32, #tpu.memory_space<vmem>>
    %dma_wait3A_128 = tpu.memref_slice %arg3[%dma_wait3A, %add3A_117] : memref<2x320000xi32, #tpu.memory_space<hbm>> -> memref<1x128xi32, #tpu.memory_space<hbm>>
    %dma_wait3A_129 = tpu.memref_squeeze %dma_wait3A_128 : memref<1x128xi32, #tpu.memory_space<hbm>> -> memref<128xi32, #tpu.memory_space<hbm>>
    tpu.wait_dma2 semaphore(%arg10 : memref<!tpu.dma_semaphore, #tpu.memory_space<semaphore_mem>>) src(%dma_wait3A_129 : memref<128xi32, #tpu.memory_space<hbm>>) dst(%dma_wait3A_127 : memref<128xi32, #tpu.memory_space<vmem>>)
    %dma_wait3A_130 = arith.constant 1 : i32
    %dma_wait3A_131 = arith.constant 0 : i32
    %dma_wait3A_132 = arith.constant 1 : i32
    %dma_wait3A_133 = arith.constant 0 : i32
    %dma_wait3A_134 = tpu.memref_slice %arg6[%dma_wait3A_131, %dma_wait3A_132, %dma_wait3A_133] : memref<4x2x128xi32, #tpu.memory_space<vmem>> -> memref<1x1x128xi32, #tpu.memory_space<vmem>>
    %dma_wait3A_135 = tpu.memref_squeeze %dma_wait3A_134 : memref<1x1x128xi32, #tpu.memory_space<vmem>> -> memref<128xi32, #tpu.memory_space<vmem>>
    %dma_wait3A_136 = tpu.memref_slice %arg3[%dma_wait3A_130, %add3A_117] : memref<2x320000xi32, #tpu.memory_space<hbm>> -> memref<1x128xi32, #tpu.memory_space<hbm>>
    %dma_wait3A_137 = tpu.memref_squeeze %dma_wait3A_136 : memref<1x128xi32, #tpu.memory_space<hbm>> -> memref<128xi32, #tpu.memory_space<hbm>>
    %dma_wait3A_138 = arith.constant 0 : i32
    %dma_wait3A_139 = tpu.memref_slice %arg6[%dma_wait3A_131, %dma_wait3A_132, %dma_wait3A_138] : memref<4x2x128xi32, #tpu.memory_space<vmem>> -> memref<1x1x128xi32, #tpu.memory_space<vmem>>
    %dma_wait3A_140 = tpu.memref_squeeze %dma_wait3A_139 : memref<1x1x128xi32, #tpu.memory_space<vmem>> -> memref<128xi32, #tpu.memory_space<vmem>>
    %dma_wait3A_141 = tpu.memref_slice %arg3[%dma_wait3A_130, %add3A_117] : memref<2x320000xi32, #tpu.memory_space<hbm>> -> memref<1x128xi32, #tpu.memory_space<hbm>>
    %dma_wait3A_142 = tpu.memref_squeeze %dma_wait3A_141 : memref<1x128xi32, #tpu.memory_space<hbm>> -> memref<128xi32, #tpu.memory_space<hbm>>
    tpu.wait_dma2 semaphore(%arg10 : memref<!tpu.dma_semaphore, #tpu.memory_space<semaphore_mem>>) src(%dma_wait3A_142 : memref<128xi32, #tpu.memory_space<hbm>>) dst(%dma_wait3A_140 : memref<128xi32, #tpu.memory_space<vmem>>)
    %dma_start3A_143 = arith.constant 0 : i32
    %dma_start3A_144 = arith.constant 0 : i32
    %dma_start3A_145 = arith.constant 0 : i32
    %dma_start3A_146 = arith.constant 0 : i32
    %dma_start3A_147 = arith.constant 0 : i32
    %dma_start3A_148 = tpu.memref_slice %arg7[%dma_start3A_145, %dma_start3A_146, %dma_start3A_147] : memref<4x128x128xbf16, #tpu.memory_space<vmem>> -> memref<1x128x128xbf16, #tpu.memory_space<vmem>>
    %dma_start3A_149 = tpu.memref_squeeze %dma_start3A_148 : memref<1x128x128xbf16, #tpu.memory_space<vmem>> -> memref<128x128xbf16, #tpu.memory_space<vmem>>
    %dma_start3A_150 = arith.constant 0 : i32
    %dma_start3A_151 = tpu.memref_slice %arg6[%dma_start3A_143, %dma_start3A_144, %dma_start3A_150] : memref<4x2x128xi32, #tpu.memory_space<vmem>> -> memref<1x1x128xi32, #tpu.memory_space<vmem>>
    %dma_start3A_152 = tpu.memref_squeeze %dma_start3A_151 : memref<1x1x128xi32, #tpu.memory_space<vmem>> -> memref<128xi32, #tpu.memory_space<vmem>>
    %dma_start3A_153 = arith.constant 0 : i32
    %dma_start3A_154 = arith.constant 0 : i32
    %dma_start3A_155 = tpu.memref_slice %arg2[%dma_start3A_153, %dma_start3A_154] : memref<10000x128xbf16, #tpu.memory_space<hbm>> -> memref<10000x128xbf16, #tpu.memory_space<hbm>>
    tpu.enqueue_indirect_dma source(%dma_start3A_155 : memref<10000x128xbf16, #tpu.memory_space<hbm>>) target(%dma_start3A_149 : memref<128x128xbf16, #tpu.memory_space<vmem>>) offsets(%dma_start3A_152 : memref<128xi32, #tpu.memory_space<vmem>>) semaphore(%arg14 : memref<!tpu.dma_semaphore, #tpu.memory_space<semaphore_mem>>)
    %add3A_156 = arith.constant 128 : i32
    %add3A_157 = arith.addi %mul3A_4, %add3A_156 : i32
    %dma_wait3A_158 = arith.constant 0 : i32
    %dma_wait3A_159 = arith.constant 1 : i32
    %dma_wait3A_160 = arith.constant 0 : i32
    %dma_wait3A_161 = arith.constant 0 : i32
    %dma_wait3A_162 = tpu.memref_slice %arg6[%dma_wait3A_159, %dma_wait3A_160, %dma_wait3A_161] : memref<4x2x128xi32, #tpu.memory_space<vmem>> -> memref<1x1x128xi32, #tpu.memory_space<vmem>>
    %dma_wait3A_163 = tpu.memref_squeeze %dma_wait3A_162 : memref<1x1x128xi32, #tpu.memory_space<vmem>> -> memref<128xi32, #tpu.memory_space<vmem>>
    %dma_wait3A_164 = tpu.memref_slice %arg3[%dma_wait3A_158, %add3A_157] : memref<2x320000xi32, #tpu.memory_space<hbm>> -> memref<1x128xi32, #tpu.memory_space<hbm>>
    %dma_wait3A_165 = tpu.memref_squeeze %dma_wait3A_164 : memref<1x128xi32, #tpu.memory_space<hbm>> -> memref<128xi32, #tpu.memory_space<hbm>>
    %dma_wait3A_166 = arith.constant 0 : i32
    %dma_wait3A_167 = tpu.memref_slice %arg6[%dma_wait3A_159, %dma_wait3A_160, %dma_wait3A_166] : memref<4x2x128xi32, #tpu.memory_space<vmem>> -> memref<1x1x128xi32, #tpu.memory_space<vmem>>
    %dma_wait3A_168 = tpu.memref_squeeze %dma_wait3A_167 : memref<1x1x128xi32, #tpu.memory_space<vmem>> -> memref<128xi32, #tpu.memory_space<vmem>>
    %dma_wait3A_169 = tpu.memref_slice %arg3[%dma_wait3A_158, %add3A_157] : memref<2x320000xi32, #tpu.memory_space<hbm>> -> memref<1x128xi32, #tpu.memory_space<hbm>>
    %dma_wait3A_170 = tpu.memref_squeeze %dma_wait3A_169 : memref<1x128xi32, #tpu.memory_space<hbm>> -> memref<128xi32, #tpu.memory_space<hbm>>
    tpu.wait_dma2 semaphore(%arg11 : memref<!tpu.dma_semaphore, #tpu.memory_space<semaphore_mem>>) src(%dma_wait3A_170 : memref<128xi32, #tpu.memory_space<hbm>>) dst(%dma_wait3A_168 : memref<128xi32, #tpu.memory_space<vmem>>)
    %dma_wait3A_171 = arith.constant 1 : i32
    %dma_wait3A_172 = arith.constant 1 : i32
    %dma_wait3A_173 = arith.constant 1 : i32
    %dma_wait3A_174 = arith.constant 0 : i32
    %dma_wait3A_175 = tpu.memref_slice %arg6[%dma_wait3A_172, %dma_wait3A_173, %dma_wait3A_174] : memref<4x2x128xi32, #tpu.memory_space<vmem>> -> memref<1x1x128xi32, #tpu.memory_space<vmem>>
    %dma_wait3A_176 = tpu.memref_squeeze %dma_wait3A_175 : memref<1x1x128xi32, #tpu.memory_space<vmem>> -> memref<128xi32, #tpu.memory_space<vmem>>
    %dma_wait3A_177 = tpu.memref_slice %arg3[%dma_wait3A_171, %add3A_157] : memref<2x320000xi32, #tpu.memory_space<hbm>> -> memref<1x128xi32, #tpu.memory_space<hbm>>
    %dma_wait3A_178 = tpu.memref_squeeze %dma_wait3A_177 : memref<1x128xi32, #tpu.memory_space<hbm>> -> memref<128xi32, #tpu.memory_space<hbm>>
    %dma_wait3A_179 = arith.constant 0 : i32
    %dma_wait3A_180 = tpu.memref_slice %arg6[%dma_wait3A_172, %dma_wait3A_173, %dma_wait3A_179] : memref<4x2x128xi32, #tpu.memory_space<vmem>> -> memref<1x1x128xi32, #tpu.memory_space<vmem>>
    %dma_wait3A_181 = tpu.memref_squeeze %dma_wait3A_180 : memref<1x1x128xi32, #tpu.memory_space<vmem>> -> memref<128xi32, #tpu.memory_space<vmem>>
    %dma_wait3A_182 = tpu.memref_slice %arg3[%dma_wait3A_171, %add3A_157] : memref<2x320000xi32, #tpu.memory_space<hbm>> -> memref<1x128xi32, #tpu.memory_space<hbm>>
    %dma_wait3A_183 = tpu.memref_squeeze %dma_wait3A_182 : memref<1x128xi32, #tpu.memory_space<hbm>> -> memref<128xi32, #tpu.memory_space<hbm>>
    tpu.wait_dma2 semaphore(%arg11 : memref<!tpu.dma_semaphore, #tpu.memory_space<semaphore_mem>>) src(%dma_wait3A_183 : memref<128xi32, #tpu.memory_space<hbm>>) dst(%dma_wait3A_181 : memref<128xi32, #tpu.memory_space<vmem>>)
    %dma_start3A_184 = arith.constant 1 : i32
    %dma_start3A_185 = arith.constant 0 : i32
    %dma_start3A_186 = arith.constant 1 : i32
    %dma_start3A_187 = arith.constant 0 : i32
    %dma_start3A_188 = arith.constant 0 : i32
    %dma_start3A_189 = tpu.memref_slice %arg7[%dma_start3A_186, %dma_start3A_187, %dma_start3A_188] : memref<4x128x128xbf16, #tpu.memory_space<vmem>> -> memref<1x128x128xbf16, #tpu.memory_space<vmem>>
    %dma_start3A_190 = tpu.memref_squeeze %dma_start3A_189 : memref<1x128x128xbf16, #tpu.memory_space<vmem>> -> memref<128x128xbf16, #tpu.memory_space<vmem>>
    %dma_start3A_191 = arith.constant 0 : i32
    %dma_start3A_192 = tpu.memref_slice %arg6[%dma_start3A_184, %dma_start3A_185, %dma_start3A_191] : memref<4x2x128xi32, #tpu.memory_space<vmem>> -> memref<1x1x128xi32, #tpu.memory_space<vmem>>
    %dma_start3A_193 = tpu.memref_squeeze %dma_start3A_192 : memref<1x1x128xi32, #tpu.memory_space<vmem>> -> memref<128xi32, #tpu.memory_space<vmem>>
    %dma_start3A_194 = arith.constant 0 : i32
    %dma_start3A_195 = arith.constant 0 : i32
    %dma_start3A_196 = tpu.memref_slice %arg2[%dma_start3A_194, %dma_start3A_195] : memref<10000x128xbf16, #tpu.memory_space<hbm>> -> memref<10000x128xbf16, #tpu.memory_space<hbm>>
    tpu.enqueue_indirect_dma source(%dma_start3A_196 : memref<10000x128xbf16, #tpu.memory_space<hbm>>) target(%dma_start3A_190 : memref<128x128xbf16, #tpu.memory_space<vmem>>) offsets(%dma_start3A_193 : memref<128xi32, #tpu.memory_space<vmem>>) semaphore(%arg15 : memref<!tpu.dma_semaphore, #tpu.memory_space<semaphore_mem>>)
    %add3A_197 = arith.constant 256 : i32
    %add3A_198 = arith.addi %mul3A_4, %add3A_197 : i32
    %dma_wait3A_199 = arith.constant 0 : i32
    %dma_wait3A_200 = arith.constant 2 : i32
    %dma_wait3A_201 = arith.constant 0 : i32
    %dma_wait3A_202 = arith.constant 0 : i32
    %dma_wait3A_203 = tpu.memref_slice %arg6[%dma_wait3A_200, %dma_wait3A_201, %dma_wait3A_202] : memref<4x2x128xi32, #tpu.memory_space<vmem>> -> memref<1x1x128xi32, #tpu.memory_space<vmem>>
    %dma_wait3A_204 = tpu.memref_squeeze %dma_wait3A_203 : memref<1x1x128xi32, #tpu.memory_space<vmem>> -> memref<128xi32, #tpu.memory_space<vmem>>
    %dma_wait3A_205 = tpu.memref_slice %arg3[%dma_wait3A_199, %add3A_198] : memref<2x320000xi32, #tpu.memory_space<hbm>> -> memref<1x128xi32, #tpu.memory_space<hbm>>
    %dma_wait3A_206 = tpu.memref_squeeze %dma_wait3A_205 : memref<1x128xi32, #tpu.memory_space<hbm>> -> memref<128xi32, #tpu.memory_space<hbm>>
    %dma_wait3A_207 = arith.constant 0 : i32
    %dma_wait3A_208 = tpu.memref_slice %arg6[%dma_wait3A_200, %dma_wait3A_201, %dma_wait3A_207] : memref<4x2x128xi32, #tpu.memory_space<vmem>> -> memref<1x1x128xi32, #tpu.memory_space<vmem>>
    %dma_wait3A_209 = tpu.memref_squeeze %dma_wait3A_208 : memref<1x1x128xi32, #tpu.memory_space<vmem>> -> memref<128xi32, #tpu.memory_space<vmem>>
    %dma_wait3A_210 = tpu.memref_slice %arg3[%dma_wait3A_199, %add3A_198] : memref<2x320000xi32, #tpu.memory_space<hbm>> -> memref<1x128xi32, #tpu.memory_space<hbm>>
    %dma_wait3A_211 = tpu.memref_squeeze %dma_wait3A_210 : memref<1x128xi32, #tpu.memory_space<hbm>> -> memref<128xi32, #tpu.memory_space<hbm>>
    tpu.wait_dma2 semaphore(%arg12 : memref<!tpu.dma_semaphore, #tpu.memory_space<semaphore_mem>>) src(%dma_wait3A_211 : memref<128xi32, #tpu.memory_space<hbm>>) dst(%dma_wait3A_209 : memref<128xi32, #tpu.memory_space<vmem>>)
    %dma_wait3A_212 = arith.constant 1 : i32
    %dma_wait3A_213 = arith.constant 2 : i32
    %dma_wait3A_214 = arith.constant 1 : i32
    %dma_wait3A_215 = arith.constant 0 : i32
    %dma_wait3A_216 = tpu.memref_slice %arg6[%dma_wait3A_213, %dma_wait3A_214, %dma_wait3A_215] : memref<4x2x128xi32, #tpu.memory_space<vmem>> -> memref<1x1x128xi32, #tpu.memory_space<vmem>>
    %dma_wait3A_217 = tpu.memref_squeeze %dma_wait3A_216 : memref<1x1x128xi32, #tpu.memory_space<vmem>> -> memref<128xi32, #tpu.memory_space<vmem>>
    %dma_wait3A_218 = tpu.memref_slice %arg3[%dma_wait3A_212, %add3A_198] : memref<2x320000xi32, #tpu.memory_space<hbm>> -> memref<1x128xi32, #tpu.memory_space<hbm>>
    %dma_wait3A_219 = tpu.memref_squeeze %dma_wait3A_218 : memref<1x128xi32, #tpu.memory_space<hbm>> -> memref<128xi32, #tpu.memory_space<hbm>>
    %dma_wait3A_220 = arith.constant 0 : i32
    %dma_wait3A_221 = tpu.memref_slice %arg6[%dma_wait3A_213, %dma_wait3A_214, %dma_wait3A_220] : memref<4x2x128xi32, #tpu.memory_space<vmem>> -> memref<1x1x128xi32, #tpu.memory_space<vmem>>
    %dma_wait3A_222 = tpu.memref_squeeze %dma_wait3A_221 : memref<1x1x128xi32, #tpu.memory_space<vmem>> -> memref<128xi32, #tpu.memory_space<vmem>>
    %dma_wait3A_223 = tpu.memref_slice %arg3[%dma_wait3A_212, %add3A_198] : memref<2x320000xi32, #tpu.memory_space<hbm>> -> memref<1x128xi32, #tpu.memory_space<hbm>>
    %dma_wait3A_224 = tpu.memref_squeeze %dma_wait3A_223 : memref<1x128xi32, #tpu.memory_space<hbm>> -> memref<128xi32, #tpu.memory_space<hbm>>
    tpu.wait_dma2 semaphore(%arg12 : memref<!tpu.dma_semaphore, #tpu.memory_space<semaphore_mem>>) src(%dma_wait3A_224 : memref<128xi32, #tpu.memory_space<hbm>>) dst(%dma_wait3A_222 : memref<128xi32, #tpu.memory_space<vmem>>)
    %dma_start3A_225 = arith.constant 2 : i32
    %dma_start3A_226 = arith.constant 0 : i32
    %dma_start3A_227 = arith.constant 2 : i32
    %dma_start3A_228 = arith.constant 0 : i32
    %dma_start3A_229 = arith.constant 0 : i32
    %dma_start3A_230 = tpu.memref_slice %arg7[%dma_start3A_227, %dma_start3A_228, %dma_start3A_229] : memref<4x128x128xbf16, #tpu.memory_space<vmem>> -> memref<1x128x128xbf16, #tpu.memory_space<vmem>>
    %dma_start3A_231 = tpu.memref_squeeze %dma_start3A_230 : memref<1x128x128xbf16, #tpu.memory_space<vmem>> -> memref<128x128xbf16, #tpu.memory_space<vmem>>
    %dma_start3A_232 = arith.constant 0 : i32
    %dma_start3A_233 = tpu.memref_slice %arg6[%dma_start3A_225, %dma_start3A_226, %dma_start3A_232] : memref<4x2x128xi32, #tpu.memory_space<vmem>> -> memref<1x1x128xi32, #tpu.memory_space<vmem>>
    %dma_start3A_234 = tpu.memref_squeeze %dma_start3A_233 : memref<1x1x128xi32, #tpu.memory_space<vmem>> -> memref<128xi32, #tpu.memory_space<vmem>>
    %dma_start3A_235 = arith.constant 0 : i32
    %dma_start3A_236 = arith.constant 0 : i32
    %dma_start3A_237 = tpu.memref_slice %arg2[%dma_start3A_235, %dma_start3A_236] : memref<10000x128xbf16, #tpu.memory_space<hbm>> -> memref<10000x128xbf16, #tpu.memory_space<hbm>>
    tpu.enqueue_indirect_dma source(%dma_start3A_237 : memref<10000x128xbf16, #tpu.memory_space<hbm>>) target(%dma_start3A_231 : memref<128x128xbf16, #tpu.memory_space<vmem>>) offsets(%dma_start3A_234 : memref<128xi32, #tpu.memory_space<vmem>>) semaphore(%arg16 : memref<!tpu.dma_semaphore, #tpu.memory_space<semaphore_mem>>)
    %scan3A = arith.constant 0 : i32
    %scan3A_238 = arith.constant 18 : i32
    %scan3A_239 = arith.addi %scan3A, %scan3A_238 : i32
    %scan3A_240 = arith.constant 1 : i32
    scf.for %scan3A_582 = %scan3A to %scan3A_239 step %scan3A_240  : i32 {
      %mul3A_583 = arith.constant 4 : i32
      %mul3A_584 = arith.muli %mul3A_583, %scan3A_582 : i32
      %add3A_585 = arith.constant 0 : i32
      %add3A_586 = arith.addi %mul3A_584, %add3A_585 : i32
      %dma_wait3A_587 = arith.constant 0 : i32
      %dma_wait3A_588 = arith.constant 0 : i32
      %dma_wait3A_589 = arith.constant 0 : i32
      %dma_wait3A_590 = arith.constant 0 : i32
      %dma_wait3A_591 = arith.constant 0 : i32
      %dma_wait3A_592 = tpu.memref_slice %arg7[%dma_wait3A_589, %dma_wait3A_590, %dma_wait3A_591] : memref<4x128x128xbf16, #tpu.memory_space<vmem>> -> memref<1x128x128xbf16, #tpu.memory_space<vmem>>
      %dma_wait3A_593 = tpu.memref_squeeze %dma_wait3A_592 : memref<1x128x128xbf16, #tpu.memory_space<vmem>> -> memref<128x128xbf16, #tpu.memory_space<vmem>>
      %dma_wait3A_594 = arith.constant 0 : i32
      %dma_wait3A_595 = tpu.memref_slice %arg6[%dma_wait3A_587, %dma_wait3A_588, %dma_wait3A_594] : memref<4x2x128xi32, #tpu.memory_space<vmem>> -> memref<1x1x128xi32, #tpu.memory_space<vmem>>
      %dma_wait3A_596 = tpu.memref_squeeze %dma_wait3A_595 : memref<1x1x128xi32, #tpu.memory_space<vmem>> -> memref<128xi32, #tpu.memory_space<vmem>>
      %dma_wait3A_597 = arith.constant 0 : i32
      %dma_wait3A_598 = arith.constant 0 : i32
      %dma_wait3A_599 = tpu.memref_slice %arg2[%dma_wait3A_597, %dma_wait3A_598] : memref<10000x128xbf16, #tpu.memory_space<hbm>> -> memref<10000x128xbf16, #tpu.memory_space<hbm>>
      tpu.wait_indirect_dma semaphore(%arg14 : memref<!tpu.dma_semaphore, #tpu.memory_space<semaphore_mem>>) src(%dma_wait3A_599 : memref<10000x128xbf16, #tpu.memory_space<hbm>>) dst(%dma_wait3A_593 : memref<128x128xbf16, #tpu.memory_space<vmem>>)
      %run_scoped3A_600 = arith.constant 0 : i32
      %run_scoped3A_601 = arith.constant 0 : i32
      %run_scoped3A_602 = arith.constant 1 : i32
      "tpu.region"() ({
        %run_scoped3A_957 = tpu.sem_alloc : memref<!tpu.dma_semaphore, #tpu.memory_space<semaphore_mem>>
        %dma_start3A_958 = arith.constant 0 : i32
        %dma_start3A_959 = arith.constant 0 : i32
        %dma_start3A_960 = tpu.memref_slice %arg7[%run_scoped3A_600, %dma_start3A_958, %dma_start3A_959] : memref<4x128x128xbf16, #tpu.memory_space<vmem>> -> memref<1x128x128xbf16, #tpu.memory_space<vmem>>
        %dma_start3A_961 = tpu.memref_squeeze %dma_start3A_960 : memref<1x128x128xbf16, #tpu.memory_space<vmem>> -> memref<128x128xbf16, #tpu.memory_space<vmem>>
        %dma_start3A_962 = arith.constant 0 : i32
        %dma_start3A_963 = tpu.memref_slice %arg6[%run_scoped3A_601, %run_scoped3A_602, %dma_start3A_962] : memref<4x2x128xi32, #tpu.memory_space<vmem>> -> memref<1x1x128xi32, #tpu.memory_space<vmem>>
        %dma_start3A_964 = tpu.memref_squeeze %dma_start3A_963 : memref<1x1x128xi32, #tpu.memory_space<vmem>> -> memref<128xi32, #tpu.memory_space<vmem>>
        %dma_start3A_965 = arith.constant 0 : i32
        %dma_start3A_966 = arith.constant 0 : i32
        %dma_start3A_967 = tpu.memref_slice %arg18[%dma_start3A_965, %dma_start3A_966] : memref<10240x128xbf16, #tpu.memory_space<vmem_shared>> -> memref<10240x128xbf16, #tpu.memory_space<vmem_shared>>
        tpu.enqueue_indirect_dma source(%dma_start3A_961 : memref<128x128xbf16, #tpu.memory_space<vmem>>) target(%dma_start3A_967 : memref<10240x128xbf16, #tpu.memory_space<vmem_shared>>) offsets(%dma_start3A_964 : memref<128xi32, #tpu.memory_space<vmem>>) semaphore(%run_scoped3A_957 : memref<!tpu.dma_semaphore, #tpu.memory_space<semaphore_mem>>) {add = true}
        %dma_wait3A_968 = arith.constant 0 : i32
        %dma_wait3A_969 = arith.constant 0 : i32
        %dma_wait3A_970 = tpu.memref_slice %arg7[%run_scoped3A_600, %dma_wait3A_968, %dma_wait3A_969] : memref<4x128x128xbf16, #tpu.memory_space<vmem>> -> memref<1x128x128xbf16, #tpu.memory_space<vmem>>
        %dma_wait3A_971 = tpu.memref_squeeze %dma_wait3A_970 : memref<1x128x128xbf16, #tpu.memory_space<vmem>> -> memref<128x128xbf16, #tpu.memory_space<vmem>>
        %dma_wait3A_972 = arith.constant 0 : i32
        %dma_wait3A_973 = tpu.memref_slice %arg6[%run_scoped3A_601, %run_scoped3A_602, %dma_wait3A_972] : memref<4x2x128xi32, #tpu.memory_space<vmem>> -> memref<1x1x128xi32, #tpu.memory_space<vmem>>
        %dma_wait3A_974 = tpu.memref_squeeze %dma_wait3A_973 : memref<1x1x128xi32, #tpu.memory_space<vmem>> -> memref<128xi32, #tpu.memory_space<vmem>>
        %dma_wait3A_975 = arith.constant 0 : i32
        %dma_wait3A_976 = arith.constant 0 : i32
        %dma_wait3A_977 = tpu.memref_slice %arg18[%dma_wait3A_975, %dma_wait3A_976] : memref<10240x128xbf16, #tpu.memory_space<vmem_shared>> -> memref<10240x128xbf16, #tpu.memory_space<vmem_shared>>
        tpu.wait_indirect_dma semaphore(%run_scoped3A_957 : memref<!tpu.dma_semaphore, #tpu.memory_space<semaphore_mem>>) src(%dma_wait3A_971 : memref<128x128xbf16, #tpu.memory_space<vmem>>) dst(%dma_wait3A_977 : memref<10240x128xbf16, #tpu.memory_space<vmem_shared>>)
        tpu.yield
      }) : () -> ()
      %add3A_603 = arith.constant 4 : i32
      %add3A_604 = arith.addi %add3A_586, %add3A_603 : i32
      %mul3A_605 = arith.constant 128 : i32
      %mul3A_606 = arith.muli %add3A_604, %mul3A_605 : i32
      %add3A_607 = arith.addi %mul3A_4, %mul3A_606 : i32
      %dma_start3A_608 = arith.constant 0 : i32
      %dma_start3A_609 = arith.constant 0 : i32
      %dma_start3A_610 = arith.constant 0 : i32
      %dma_start3A_611 = arith.constant 0 : i32
      %dma_start3A_612 = tpu.memref_slice %arg6[%dma_start3A_609, %dma_start3A_610, %dma_start3A_611] : memref<4x2x128xi32, #tpu.memory_space<vmem>> -> memref<1x1x128xi32, #tpu.memory_space<vmem>>
      %dma_start3A_613 = tpu.memref_squeeze %dma_start3A_612 : memref<1x1x128xi32, #tpu.memory_space<vmem>> -> memref<128xi32, #tpu.memory_space<vmem>>
      %dma_start3A_614 = tpu.memref_slice %arg3[%dma_start3A_608, %add3A_607] : memref<2x320000xi32, #tpu.memory_space<hbm>> -> memref<1x128xi32, #tpu.memory_space<hbm>>
      %dma_start3A_615 = tpu.memref_squeeze %dma_start3A_614 : memref<1x128xi32, #tpu.memory_space<hbm>> -> memref<128xi32, #tpu.memory_space<hbm>>
      %dma_start3A_616 = arith.constant 0 : i32
      %dma_start3A_617 = tpu.memref_slice %arg6[%dma_start3A_609, %dma_start3A_610, %dma_start3A_616] : memref<4x2x128xi32, #tpu.memory_space<vmem>> -> memref<1x1x128xi32, #tpu.memory_space<vmem>>
      %dma_start3A_618 = tpu.memref_squeeze %dma_start3A_617 : memref<1x1x128xi32, #tpu.memory_space<vmem>> -> memref<128xi32, #tpu.memory_space<vmem>>
      %dma_start3A_619 = tpu.memref_slice %arg3[%dma_start3A_608, %add3A_607] : memref<2x320000xi32, #tpu.memory_space<hbm>> -> memref<1x128xi32, #tpu.memory_space<hbm>>
      %dma_start3A_620 = tpu.memref_squeeze %dma_start3A_619 : memref<1x128xi32, #tpu.memory_space<hbm>> -> memref<128xi32, #tpu.memory_space<hbm>>
      tpu.enqueue_dma source(%dma_start3A_620 : memref<128xi32, #tpu.memory_space<hbm>>) target(%dma_start3A_618 : memref<128xi32, #tpu.memory_space<vmem>>) target_semaphore(%arg10 : memref<!tpu.dma_semaphore, #tpu.memory_space<semaphore_mem>>)
      %dma_start3A_621 = arith.constant 1 : i32
      %dma_start3A_622 = arith.constant 0 : i32
      %dma_start3A_623 = arith.constant 1 : i32
      %dma_start3A_624 = arith.constant 0 : i32
      %dma_start3A_625 = tpu.memref_slice %arg6[%dma_start3A_622, %dma_start3A_623, %dma_start3A_624] : memref<4x2x128xi32, #tpu.memory_space<vmem>> -> memref<1x1x128xi32, #tpu.memory_space<vmem>>
      %dma_start3A_626 = tpu.memref_squeeze %dma_start3A_625 : memref<1x1x128xi32, #tpu.memory_space<vmem>> -> memref<128xi32, #tpu.memory_space<vmem>>
      %dma_start3A_627 = tpu.memref_slice %arg3[%dma_start3A_621, %add3A_607] : memref<2x320000xi32, #tpu.memory_space<hbm>> -> memref<1x128xi32, #tpu.memory_space<hbm>>
      %dma_start3A_628 = tpu.memref_squeeze %dma_start3A_627 : memref<1x128xi32, #tpu.memory_space<hbm>> -> memref<128xi32, #tpu.memory_space<hbm>>
      %dma_start3A_629 = arith.constant 0 : i32
      %dma_start3A_630 = tpu.memref_slice %arg6[%dma_start3A_622, %dma_start3A_623, %dma_start3A_629] : memref<4x2x128xi32, #tpu.memory_space<vmem>> -> memref<1x1x128xi32, #tpu.memory_space<vmem>>
      %dma_start3A_631 = tpu.memref_squeeze %dma_start3A_630 : memref<1x1x128xi32, #tpu.memory_space<vmem>> -> memref<128xi32, #tpu.memory_space<vmem>>
      %dma_start3A_632 = tpu.memref_slice %arg3[%dma_start3A_621, %add3A_607] : memref<2x320000xi32, #tpu.memory_space<hbm>> -> memref<1x128xi32, #tpu.memory_space<hbm>>
      %dma_start3A_633 = tpu.memref_squeeze %dma_start3A_632 : memref<1x128xi32, #tpu.memory_space<hbm>> -> memref<128xi32, #tpu.memory_space<hbm>>
      tpu.enqueue_dma source(%dma_start3A_633 : memref<128xi32, #tpu.memory_space<hbm>>) target(%dma_start3A_631 : memref<128xi32, #tpu.memory_space<vmem>>) target_semaphore(%arg10 : memref<!tpu.dma_semaphore, #tpu.memory_space<semaphore_mem>>)
      %add3A_634 = arith.constant 3 : i32
      %add3A_635 = arith.addi %add3A_586, %add3A_634 : i32
      %mul3A_636 = arith.constant 128 : i32
      %mul3A_637 = arith.muli %add3A_635, %mul3A_636 : i32
      %add3A_638 = arith.addi %mul3A_4, %mul3A_637 : i32
      %dma_wait3A_639 = arith.constant 0 : i32
      %dma_wait3A_640 = arith.constant 3 : i32
      %dma_wait3A_641 = arith.constant 0 : i32
      %dma_wait3A_642 = arith.constant 0 : i32
      %dma_wait3A_643 = tpu.memref_slice %arg6[%dma_wait3A_640, %dma_wait3A_641, %dma_wait3A_642] : memref<4x2x128xi32, #tpu.memory_space<vmem>> -> memref<1x1x128xi32, #tpu.memory_space<vmem>>
      %dma_wait3A_644 = tpu.memref_squeeze %dma_wait3A_643 : memref<1x1x128xi32, #tpu.memory_space<vmem>> -> memref<128xi32, #tpu.memory_space<vmem>>
      %dma_wait3A_645 = tpu.memref_slice %arg3[%dma_wait3A_639, %add3A_638] : memref<2x320000xi32, #tpu.memory_space<hbm>> -> memref<1x128xi32, #tpu.memory_space<hbm>>
      %dma_wait3A_646 = tpu.memref_squeeze %dma_wait3A_645 : memref<1x128xi32, #tpu.memory_space<hbm>> -> memref<128xi32, #tpu.memory_space<hbm>>
      %dma_wait3A_647 = arith.constant 0 : i32
      %dma_wait3A_648 = tpu.memref_slice %arg6[%dma_wait3A_640, %dma_wait3A_641, %dma_wait3A_647] : memref<4x2x128xi32, #tpu.memory_space<vmem>> -> memref<1x1x128xi32, #tpu.memory_space<vmem>>
      %dma_wait3A_649 = tpu.memref_squeeze %dma_wait3A_648 : memref<1x1x128xi32, #tpu.memory_space<vmem>> -> memref<128xi32, #tpu.memory_space<vmem>>
      %dma_wait3A_650 = tpu.memref_slice %arg3[%dma_wait3A_639, %add3A_638] : memref<2x320000xi32, #tpu.memory_space<hbm>> -> memref<1x128xi32, #tpu.memory_space<hbm>>
      %dma_wait3A_651 = tpu.memref_squeeze %dma_wait3A_650 : memref<1x128xi32, #tpu.memory_space<hbm>> -> memref<128xi32, #tpu.memory_space<hbm>>
      tpu.wait_dma2 semaphore(%arg13 : memref<!tpu.dma_semaphore, #tpu.memory_space<semaphore_mem>>) src(%dma_wait3A_651 : memref<128xi32, #tpu.memory_space<hbm>>) dst(%dma_wait3A_649 : memref<128xi32, #tpu.memory_space<vmem>>)
      %dma_wait3A_652 = arith.constant 1 : i32
      %dma_wait3A_653 = arith.constant 3 : i32
      %dma_wait3A_654 = arith.constant 1 : i32
      %dma_wait3A_655 = arith.constant 0 : i32
      %dma_wait3A_656 = tpu.memref_slice %arg6[%dma_wait3A_653, %dma_wait3A_654, %dma_wait3A_655] : memref<4x2x128xi32, #tpu.memory_space<vmem>> -> memref<1x1x128xi32, #tpu.memory_space<vmem>>
      %dma_wait3A_657 = tpu.memref_squeeze %dma_wait3A_656 : memref<1x1x128xi32, #tpu.memory_space<vmem>> -> memref<128xi32, #tpu.memory_space<vmem>>
      %dma_wait3A_658 = tpu.memref_slice %arg3[%dma_wait3A_652, %add3A_638] : memref<2x320000xi32, #tpu.memory_space<hbm>> -> memref<1x128xi32, #tpu.memory_space<hbm>>
      %dma_wait3A_659 = tpu.memref_squeeze %dma_wait3A_658 : memref<1x128xi32, #tpu.memory_space<hbm>> -> memref<128xi32, #tpu.memory_space<hbm>>
      %dma_wait3A_660 = arith.constant 0 : i32
      %dma_wait3A_661 = tpu.memref_slice %arg6[%dma_wait3A_653, %dma_wait3A_654, %dma_wait3A_660] : memref<4x2x128xi32, #tpu.memory_space<vmem>> -> memref<1x1x128xi32, #tpu.memory_space<vmem>>
      %dma_wait3A_662 = tpu.memref_squeeze %dma_wait3A_661 : memref<1x1x128xi32, #tpu.memory_space<vmem>> -> memref<128xi32, #tpu.memory_space<vmem>>
      %dma_wait3A_663 = tpu.memref_slice %arg3[%dma_wait3A_652, %add3A_638] : memref<2x320000xi32, #tpu.memory_space<hbm>> -> memref<1x128xi32, #tpu.memory_space<hbm>>
      %dma_wait3A_664 = tpu.memref_squeeze %dma_wait3A_663 : memref<1x128xi32, #tpu.memory_space<hbm>> -> memref<128xi32, #tpu.memory_space<hbm>>
      tpu.wait_dma2 semaphore(%arg13 : memref<!tpu.dma_semaphore, #tpu.memory_space<semaphore_mem>>) src(%dma_wait3A_664 : memref<128xi32, #tpu.memory_space<hbm>>) dst(%dma_wait3A_662 : memref<128xi32, #tpu.memory_space<vmem>>)
      %dma_start3A_665 = arith.constant 3 : i32
      %dma_start3A_666 = arith.constant 0 : i32
      %dma_start3A_667 = arith.constant 3 : i32
      %dma_start3A_668 = arith.constant 0 : i32
      %dma_start3A_669 = arith.constant 0 : i32
      %dma_start3A_670 = tpu.memref_slice %arg7[%dma_start3A_667, %dma_start3A_668, %dma_start3A_669] : memref<4x128x128xbf16, #tpu.memory_space<vmem>> -> memref<1x128x128xbf16, #tpu.memory_space<vmem>>
      %dma_start3A_671 = tpu.memref_squeeze %dma_start3A_670 : memref<1x128x128xbf16, #tpu.memory_space<vmem>> -> memref<128x128xbf16, #tpu.memory_space<vmem>>
      %dma_start3A_672 = arith.constant 0 : i32
      %dma_start3A_673 = tpu.memref_slice %arg6[%dma_start3A_665, %dma_start3A_666, %dma_start3A_672] : memref<4x2x128xi32, #tpu.memory_space<vmem>> -> memref<1x1x128xi32, #tpu.memory_space<vmem>>
      %dma_start3A_674 = tpu.memref_squeeze %dma_start3A_673 : memref<1x1x128xi32, #tpu.memory_space<vmem>> -> memref<128xi32, #tpu.memory_space<vmem>>
      %dma_start3A_675 = arith.constant 0 : i32
      %dma_start3A_676 = arith.constant 0 : i32
      %dma_start3A_677 = tpu.memref_slice %arg2[%dma_start3A_675, %dma_start3A_676] : memref<10000x128xbf16, #tpu.memory_space<hbm>> -> memref<10000x128xbf16, #tpu.memory_space<hbm>>
      tpu.enqueue_indirect_dma source(%dma_start3A_677 : memref<10000x128xbf16, #tpu.memory_space<hbm>>) target(%dma_start3A_671 : memref<128x128xbf16, #tpu.memory_space<vmem>>) offsets(%dma_start3A_674 : memref<128xi32, #tpu.memory_space<vmem>>) semaphore(%arg17 : memref<!tpu.dma_semaphore, #tpu.memory_space<semaphore_mem>>)
      %add3A_678 = arith.constant 1 : i32
      %add3A_679 = arith.addi %mul3A_584, %add3A_678 : i32
      %dma_wait3A_680 = arith.constant 1 : i32
      %dma_wait3A_681 = arith.constant 0 : i32
      %dma_wait3A_682 = arith.constant 1 : i32
      %dma_wait3A_683 = arith.constant 0 : i32
      %dma_wait3A_684 = arith.constant 0 : i32
      %dma_wait3A_685 = tpu.memref_slice %arg7[%dma_wait3A_682, %dma_wait3A_683, %dma_wait3A_684] : memref<4x128x128xbf16, #tpu.memory_space<vmem>> -> memref<1x128x128xbf16, #tpu.memory_space<vmem>>
      %dma_wait3A_686 = tpu.memref_squeeze %dma_wait3A_685 : memref<1x128x128xbf16, #tpu.memory_space<vmem>> -> memref<128x128xbf16, #tpu.memory_space<vmem>>
      %dma_wait3A_687 = arith.constant 0 : i32
      %dma_wait3A_688 = tpu.memref_slice %arg6[%dma_wait3A_680, %dma_wait3A_681, %dma_wait3A_687] : memref<4x2x128xi32, #tpu.memory_space<vmem>> -> memref<1x1x128xi32, #tpu.memory_space<vmem>>
      %dma_wait3A_689 = tpu.memref_squeeze %dma_wait3A_688 : memref<1x1x128xi32, #tpu.memory_space<vmem>> -> memref<128xi32, #tpu.memory_space<vmem>>
      %dma_wait3A_690 = arith.constant 0 : i32
      %dma_wait3A_691 = arith.constant 0 : i32
      %dma_wait3A_692 = tpu.memref_slice %arg2[%dma_wait3A_690, %dma_wait3A_691] : memref<10000x128xbf16, #tpu.memory_space<hbm>> -> memref<10000x128xbf16, #tpu.memory_space<hbm>>
      tpu.wait_indirect_dma semaphore(%arg15 : memref<!tpu.dma_semaphore, #tpu.memory_space<semaphore_mem>>) src(%dma_wait3A_692 : memref<10000x128xbf16, #tpu.memory_space<hbm>>) dst(%dma_wait3A_686 : memref<128x128xbf16, #tpu.memory_space<vmem>>)
      %run_scoped3A_693 = arith.constant 1 : i32
      %run_scoped3A_694 = arith.constant 1 : i32
      %run_scoped3A_695 = arith.constant 1 : i32
      "tpu.region"() ({
        %run_scoped3A_957 = tpu.sem_alloc : memref<!tpu.dma_semaphore, #tpu.memory_space<semaphore_mem>>
        %dma_start3A_958 = arith.constant 0 : i32
        %dma_start3A_959 = arith.constant 0 : i32
        %dma_start3A_960 = tpu.memref_slice %arg7[%run_scoped3A_693, %dma_start3A_958, %dma_start3A_959] : memref<4x128x128xbf16, #tpu.memory_space<vmem>> -> memref<1x128x128xbf16, #tpu.memory_space<vmem>>
        %dma_start3A_961 = tpu.memref_squeeze %dma_start3A_960 : memref<1x128x128xbf16, #tpu.memory_space<vmem>> -> memref<128x128xbf16, #tpu.memory_space<vmem>>
        %dma_start3A_962 = arith.constant 0 : i32
        %dma_start3A_963 = tpu.memref_slice %arg6[%run_scoped3A_694, %run_scoped3A_695, %dma_start3A_962] : memref<4x2x128xi32, #tpu.memory_space<vmem>> -> memref<1x1x128xi32, #tpu.memory_space<vmem>>
        %dma_start3A_964 = tpu.memref_squeeze %dma_start3A_963 : memref<1x1x128xi32, #tpu.memory_space<vmem>> -> memref<128xi32, #tpu.memory_space<vmem>>
        %dma_start3A_965 = arith.constant 0 : i32
        %dma_start3A_966 = arith.constant 0 : i32
        %dma_start3A_967 = tpu.memref_slice %arg18[%dma_start3A_965, %dma_start3A_966] : memref<10240x128xbf16, #tpu.memory_space<vmem_shared>> -> memref<10240x128xbf16, #tpu.memory_space<vmem_shared>>
        tpu.enqueue_indirect_dma source(%dma_start3A_961 : memref<128x128xbf16, #tpu.memory_space<vmem>>) target(%dma_start3A_967 : memref<10240x128xbf16, #tpu.memory_space<vmem_shared>>) offsets(%dma_start3A_964 : memref<128xi32, #tpu.memory_space<vmem>>) semaphore(%run_scoped3A_957 : memref<!tpu.dma_semaphore, #tpu.memory_space<semaphore_mem>>) {add = true}
        %dma_wait3A_968 = arith.constant 0 : i32
        %dma_wait3A_969 = arith.constant 0 : i32
        %dma_wait3A_970 = tpu.memref_slice %arg7[%run_scoped3A_693, %dma_wait3A_968, %dma_wait3A_969] : memref<4x128x128xbf16, #tpu.memory_space<vmem>> -> memref<1x128x128xbf16, #tpu.memory_space<vmem>>
        %dma_wait3A_971 = tpu.memref_squeeze %dma_wait3A_970 : memref<1x128x128xbf16, #tpu.memory_space<vmem>> -> memref<128x128xbf16, #tpu.memory_space<vmem>>
        %dma_wait3A_972 = arith.constant 0 : i32
        %dma_wait3A_973 = tpu.memref_slice %arg6[%run_scoped3A_694, %run_scoped3A_695, %dma_wait3A_972] : memref<4x2x128xi32, #tpu.memory_space<vmem>> -> memref<1x1x128xi32, #tpu.memory_space<vmem>>
        %dma_wait3A_974 = tpu.memref_squeeze %dma_wait3A_973 : memref<1x1x128xi32, #tpu.memory_space<vmem>> -> memref<128xi32, #tpu.memory_space<vmem>>
        %dma_wait3A_975 = arith.constant 0 : i32
        %dma_wait3A_976 = arith.constant 0 : i32
        %dma_wait3A_977 = tpu.memref_slice %arg18[%dma_wait3A_975, %dma_wait3A_976] : memref<10240x128xbf16, #tpu.memory_space<vmem_shared>> -> memref<10240x128xbf16, #tpu.memory_space<vmem_shared>>
        tpu.wait_indirect_dma semaphore(%run_scoped3A_957 : memref<!tpu.dma_semaphore, #tpu.memory_space<semaphore_mem>>) src(%dma_wait3A_971 : memref<128x128xbf16, #tpu.memory_space<vmem>>) dst(%dma_wait3A_977 : memref<10240x128xbf16, #tpu.memory_space<vmem_shared>>)
        tpu.yield
      }) : () -> ()
      %add3A_696 = arith.constant 4 : i32
      %add3A_697 = arith.addi %add3A_679, %add3A_696 : i32
      %mul3A_698 = arith.constant 128 : i32
      %mul3A_699 = arith.muli %add3A_697, %mul3A_698 : i32
      %add3A_700 = arith.addi %mul3A_4, %mul3A_699 : i32
      %dma_start3A_701 = arith.constant 0 : i32
      %dma_start3A_702 = arith.constant 1 : i32
      %dma_start3A_703 = arith.constant 0 : i32
      %dma_start3A_704 = arith.constant 0 : i32
      %dma_start3A_705 = tpu.memref_slice %arg6[%dma_start3A_702, %dma_start3A_703, %dma_start3A_704] : memref<4x2x128xi32, #tpu.memory_space<vmem>> -> memref<1x1x128xi32, #tpu.memory_space<vmem>>
      %dma_start3A_706 = tpu.memref_squeeze %dma_start3A_705 : memref<1x1x128xi32, #tpu.memory_space<vmem>> -> memref<128xi32, #tpu.memory_space<vmem>>
      %dma_start3A_707 = tpu.memref_slice %arg3[%dma_start3A_701, %add3A_700] : memref<2x320000xi32, #tpu.memory_space<hbm>> -> memref<1x128xi32, #tpu.memory_space<hbm>>
      %dma_start3A_708 = tpu.memref_squeeze %dma_start3A_707 : memref<1x128xi32, #tpu.memory_space<hbm>> -> memref<128xi32, #tpu.memory_space<hbm>>
      %dma_start3A_709 = arith.constant 0 : i32
      %dma_start3A_710 = tpu.memref_slice %arg6[%dma_start3A_702, %dma_start3A_703, %dma_start3A_709] : memref<4x2x128xi32, #tpu.memory_space<vmem>> -> memref<1x1x128xi32, #tpu.memory_space<vmem>>
      %dma_start3A_711 = tpu.memref_squeeze %dma_start3A_710 : memref<1x1x128xi32, #tpu.memory_space<vmem>> -> memref<128xi32, #tpu.memory_space<vmem>>
      %dma_start3A_712 = tpu.memref_slice %arg3[%dma_start3A_701, %add3A_700] : memref<2x320000xi32, #tpu.memory_space<hbm>> -> memref<1x128xi32, #tpu.memory_space<hbm>>
      %dma_start3A_713 = tpu.memref_squeeze %dma_start3A_712 : memref<1x128xi32, #tpu.memory_space<hbm>> -> memref<128xi32, #tpu.memory_space<hbm>>
      tpu.enqueue_dma source(%dma_start3A_713 : memref<128xi32, #tpu.memory_space<hbm>>) target(%dma_start3A_711 : memref<128xi32, #tpu.memory_space<vmem>>) target_semaphore(%arg11 : memref<!tpu.dma_semaphore, #tpu.memory_space<semaphore_mem>>)
      %dma_start3A_714 = arith.constant 1 : i32
      %dma_start3A_715 = arith.constant 1 : i32
      %dma_start3A_716 = arith.constant 1 : i32
      %dma_start3A_717 = arith.constant 0 : i32
      %dma_start3A_718 = tpu.memref_slice %arg6[%dma_start3A_715, %dma_start3A_716, %dma_start3A_717] : memref<4x2x128xi32, #tpu.memory_space<vmem>> -> memref<1x1x128xi32, #tpu.memory_space<vmem>>
      %dma_start3A_719 = tpu.memref_squeeze %dma_start3A_718 : memref<1x1x128xi32, #tpu.memory_space<vmem>> -> memref<128xi32, #tpu.memory_space<vmem>>
      %dma_start3A_720 = tpu.memref_slice %arg3[%dma_start3A_714, %add3A_700] : memref<2x320000xi32, #tpu.memory_space<hbm>> -> memref<1x128xi32, #tpu.memory_space<hbm>>
      %dma_start3A_721 = tpu.memref_squeeze %dma_start3A_720 : memref<1x128xi32, #tpu.memory_space<hbm>> -> memref<128xi32, #tpu.memory_space<hbm>>
      %dma_start3A_722 = arith.constant 0 : i32
      %dma_start3A_723 = tpu.memref_slice %arg6[%dma_start3A_715, %dma_start3A_716, %dma_start3A_722] : memref<4x2x128xi32, #tpu.memory_space<vmem>> -> memref<1x1x128xi32, #tpu.memory_space<vmem>>
      %dma_start3A_724 = tpu.memref_squeeze %dma_start3A_723 : memref<1x1x128xi32, #tpu.memory_space<vmem>> -> memref<128xi32, #tpu.memory_space<vmem>>
      %dma_start3A_725 = tpu.memref_slice %arg3[%dma_start3A_714, %add3A_700] : memref<2x320000xi32, #tpu.memory_space<hbm>> -> memref<1x128xi32, #tpu.memory_space<hbm>>
      %dma_start3A_726 = tpu.memref_squeeze %dma_start3A_725 : memref<1x128xi32, #tpu.memory_space<hbm>> -> memref<128xi32, #tpu.memory_space<hbm>>
      tpu.enqueue_dma source(%dma_start3A_726 : memref<128xi32, #tpu.memory_space<hbm>>) target(%dma_start3A_724 : memref<128xi32, #tpu.memory_space<vmem>>) target_semaphore(%arg11 : memref<!tpu.dma_semaphore, #tpu.memory_space<semaphore_mem>>)
      %add3A_727 = arith.constant 3 : i32
      %add3A_728 = arith.addi %add3A_679, %add3A_727 : i32
      %mul3A_729 = arith.constant 128 : i32
      %mul3A_730 = arith.muli %add3A_728, %mul3A_729 : i32
      %add3A_731 = arith.addi %mul3A_4, %mul3A_730 : i32
      %dma_wait3A_732 = arith.constant 0 : i32
      %dma_wait3A_733 = arith.constant 0 : i32
      %dma_wait3A_734 = arith.constant 0 : i32
      %dma_wait3A_735 = arith.constant 0 : i32
      %dma_wait3A_736 = tpu.memref_slice %arg6[%dma_wait3A_733, %dma_wait3A_734, %dma_wait3A_735] : memref<4x2x128xi32, #tpu.memory_space<vmem>> -> memref<1x1x128xi32, #tpu.memory_space<vmem>>
      %dma_wait3A_737 = tpu.memref_squeeze %dma_wait3A_736 : memref<1x1x128xi32, #tpu.memory_space<vmem>> -> memref<128xi32, #tpu.memory_space<vmem>>
      %dma_wait3A_738 = tpu.memref_slice %arg3[%dma_wait3A_732, %add3A_731] : memref<2x320000xi32, #tpu.memory_space<hbm>> -> memref<1x128xi32, #tpu.memory_space<hbm>>
      %dma_wait3A_739 = tpu.memref_squeeze %dma_wait3A_738 : memref<1x128xi32, #tpu.memory_space<hbm>> -> memref<128xi32, #tpu.memory_space<hbm>>
      %dma_wait3A_740 = arith.constant 0 : i32
      %dma_wait3A_741 = tpu.memref_slice %arg6[%dma_wait3A_733, %dma_wait3A_734, %dma_wait3A_740] : memref<4x2x128xi32, #tpu.memory_space<vmem>> -> memref<1x1x128xi32, #tpu.memory_space<vmem>>
      %dma_wait3A_742 = tpu.memref_squeeze %dma_wait3A_741 : memref<1x1x128xi32, #tpu.memory_space<vmem>> -> memref<128xi32, #tpu.memory_space<vmem>>
      %dma_wait3A_743 = tpu.memref_slice %arg3[%dma_wait3A_732, %add3A_731] : memref<2x320000xi32, #tpu.memory_space<hbm>> -> memref<1x128xi32, #tpu.memory_space<hbm>>
      %dma_wait3A_744 = tpu.memref_squeeze %dma_wait3A_743 : memref<1x128xi32, #tpu.memory_space<hbm>> -> memref<128xi32, #tpu.memory_space<hbm>>
      tpu.wait_dma2 semaphore(%arg10 : memref<!tpu.dma_semaphore, #tpu.memory_space<semaphore_mem>>) src(%dma_wait3A_744 : memref<128xi32, #tpu.memory_space<hbm>>) dst(%dma_wait3A_742 : memref<128xi32, #tpu.memory_space<vmem>>)
      %dma_wait3A_745 = arith.constant 1 : i32
      %dma_wait3A_746 = arith.constant 0 : i32
      %dma_wait3A_747 = arith.constant 1 : i32
      %dma_wait3A_748 = arith.constant 0 : i32
      %dma_wait3A_749 = tpu.memref_slice %arg6[%dma_wait3A_746, %dma_wait3A_747, %dma_wait3A_748] : memref<4x2x128xi32, #tpu.memory_space<vmem>> -> memref<1x1x128xi32, #tpu.memory_space<vmem>>
      %dma_wait3A_750 = tpu.memref_squeeze %dma_wait3A_749 : memref<1x1x128xi32, #tpu.memory_space<vmem>> -> memref<128xi32, #tpu.memory_space<vmem>>
      %dma_wait3A_751 = tpu.memref_slice %arg3[%dma_wait3A_745, %add3A_731] : memref<2x320000xi32, #tpu.memory_space<hbm>> -> memref<1x128xi32, #tpu.memory_space<hbm>>
      %dma_wait3A_752 = tpu.memref_squeeze %dma_wait3A_751 : memref<1x128xi32, #tpu.memory_space<hbm>> -> memref<128xi32, #tpu.memory_space<hbm>>
      %dma_wait3A_753 = arith.constant 0 : i32
      %dma_wait3A_754 = tpu.memref_slice %arg6[%dma_wait3A_746, %dma_wait3A_747, %dma_wait3A_753] : memref<4x2x128xi32, #tpu.memory_space<vmem>> -> memref<1x1x128xi32, #tpu.memory_space<vmem>>
      %dma_wait3A_755 = tpu.memref_squeeze %dma_wait3A_754 : memref<1x1x128xi32, #tpu.memory_space<vmem>> -> memref<128xi32, #tpu.memory_space<vmem>>
      %dma_wait3A_756 = tpu.memref_slice %arg3[%dma_wait3A_745, %add3A_731] : memref<2x320000xi32, #tpu.memory_space<hbm>> -> memref<1x128xi32, #tpu.memory_space<hbm>>
      %dma_wait3A_757 = tpu.memref_squeeze %dma_wait3A_756 : memref<1x128xi32, #tpu.memory_space<hbm>> -> memref<128xi32, #tpu.memory_space<hbm>>
      tpu.wait_dma2 semaphore(%arg10 : memref<!tpu.dma_semaphore, #tpu.memory_space<semaphore_mem>>) src(%dma_wait3A_757 : memref<128xi32, #tpu.memory_space<hbm>>) dst(%dma_wait3A_755 : memref<128xi32, #tpu.memory_space<vmem>>)
      %dma_start3A_758 = arith.constant 0 : i32
      %dma_start3A_759 = arith.constant 0 : i32
      %dma_start3A_760 = arith.constant 0 : i32
      %dma_start3A_761 = arith.constant 0 : i32
      %dma_start3A_762 = arith.constant 0 : i32
      %dma_start3A_763 = tpu.memref_slice %arg7[%dma_start3A_760, %dma_start3A_761, %dma_start3A_762] : memref<4x128x128xbf16, #tpu.memory_space<vmem>> -> memref<1x128x128xbf16, #tpu.memory_space<vmem>>
      %dma_start3A_764 = tpu.memref_squeeze %dma_start3A_763 : memref<1x128x128xbf16, #tpu.memory_space<vmem>> -> memref<128x128xbf16, #tpu.memory_space<vmem>>
      %dma_start3A_765 = arith.constant 0 : i32
      %dma_start3A_766 = tpu.memref_slice %arg6[%dma_start3A_758, %dma_start3A_759, %dma_start3A_765] : memref<4x2x128xi32, #tpu.memory_space<vmem>> -> memref<1x1x128xi32, #tpu.memory_space<vmem>>
      %dma_start3A_767 = tpu.memref_squeeze %dma_start3A_766 : memref<1x1x128xi32, #tpu.memory_space<vmem>> -> memref<128xi32, #tpu.memory_space<vmem>>
      %dma_start3A_768 = arith.constant 0 : i32
      %dma_start3A_769 = arith.constant 0 : i32
      %dma_start3A_770 = tpu.memref_slice %arg2[%dma_start3A_768, %dma_start3A_769] : memref<10000x128xbf16, #tpu.memory_space<hbm>> -> memref<10000x128xbf16, #tpu.memory_space<hbm>>
      tpu.enqueue_indirect_dma source(%dma_start3A_770 : memref<10000x128xbf16, #tpu.memory_space<hbm>>) target(%dma_start3A_764 : memref<128x128xbf16, #tpu.memory_space<vmem>>) offsets(%dma_start3A_767 : memref<128xi32, #tpu.memory_space<vmem>>) semaphore(%arg14 : memref<!tpu.dma_semaphore, #tpu.memory_space<semaphore_mem>>)
      %add3A_771 = arith.constant 2 : i32
      %add3A_772 = arith.addi %mul3A_584, %add3A_771 : i32
      %dma_wait3A_773 = arith.constant 2 : i32
      %dma_wait3A_774 = arith.constant 0 : i32
      %dma_wait3A_775 = arith.constant 2 : i32
      %dma_wait3A_776 = arith.constant 0 : i32
      %dma_wait3A_777 = arith.constant 0 : i32
      %dma_wait3A_778 = tpu.memref_slice %arg7[%dma_wait3A_775, %dma_wait3A_776, %dma_wait3A_777] : memref<4x128x128xbf16, #tpu.memory_space<vmem>> -> memref<1x128x128xbf16, #tpu.memory_space<vmem>>
      %dma_wait3A_779 = tpu.memref_squeeze %dma_wait3A_778 : memref<1x128x128xbf16, #tpu.memory_space<vmem>> -> memref<128x128xbf16, #tpu.memory_space<vmem>>
      %dma_wait3A_780 = arith.constant 0 : i32
      %dma_wait3A_781 = tpu.memref_slice %arg6[%dma_wait3A_773, %dma_wait3A_774, %dma_wait3A_780] : memref<4x2x128xi32, #tpu.memory_space<vmem>> -> memref<1x1x128xi32, #tpu.memory_space<vmem>>
      %dma_wait3A_782 = tpu.memref_squeeze %dma_wait3A_781 : memref<1x1x128xi32, #tpu.memory_space<vmem>> -> memref<128xi32, #tpu.memory_space<vmem>>
      %dma_wait3A_783 = arith.constant 0 : i32
      %dma_wait3A_784 = arith.constant 0 : i32
      %dma_wait3A_785 = tpu.memref_slice %arg2[%dma_wait3A_783, %dma_wait3A_784] : memref<10000x128xbf16, #tpu.memory_space<hbm>> -> memref<10000x128xbf16, #tpu.memory_space<hbm>>
      tpu.wait_indirect_dma semaphore(%arg16 : memref<!tpu.dma_semaphore, #tpu.memory_space<semaphore_mem>>) src(%dma_wait3A_785 : memref<10000x128xbf16, #tpu.memory_space<hbm>>) dst(%dma_wait3A_779 : memref<128x128xbf16, #tpu.memory_space<vmem>>)
      %run_scoped3A_786 = arith.constant 2 : i32
      %run_scoped3A_787 = arith.constant 2 : i32
      %run_scoped3A_788 = arith.constant 1 : i32
      "tpu.region"() ({
        %run_scoped3A_957 = tpu.sem_alloc : memref<!tpu.dma_semaphore, #tpu.memory_space<semaphore_mem>>
        %dma_start3A_958 = arith.constant 0 : i32
        %dma_start3A_959 = arith.constant 0 : i32
        %dma_start3A_960 = tpu.memref_slice %arg7[%run_scoped3A_786, %dma_start3A_958, %dma_start3A_959] : memref<4x128x128xbf16, #tpu.memory_space<vmem>> -> memref<1x128x128xbf16, #tpu.memory_space<vmem>>
        %dma_start3A_961 = tpu.memref_squeeze %dma_start3A_960 : memref<1x128x128xbf16, #tpu.memory_space<vmem>> -> memref<128x128xbf16, #tpu.memory_space<vmem>>
        %dma_start3A_962 = arith.constant 0 : i32
        %dma_start3A_963 = tpu.memref_slice %arg6[%run_scoped3A_787, %run_scoped3A_788, %dma_start3A_962] : memref<4x2x128xi32, #tpu.memory_space<vmem>> -> memref<1x1x128xi32, #tpu.memory_space<vmem>>
        %dma_start3A_964 = tpu.memref_squeeze %dma_start3A_963 : memref<1x1x128xi32, #tpu.memory_space<vmem>> -> memref<128xi32, #tpu.memory_space<vmem>>
        %dma_start3A_965 = arith.constant 0 : i32
        %dma_start3A_966 = arith.constant 0 : i32
        %dma_start3A_967 = tpu.memref_slice %arg18[%dma_start3A_965, %dma_start3A_966] : memref<10240x128xbf16, #tpu.memory_space<vmem_shared>> -> memref<10240x128xbf16, #tpu.memory_space<vmem_shared>>
        tpu.enqueue_indirect_dma source(%dma_start3A_961 : memref<128x128xbf16, #tpu.memory_space<vmem>>) target(%dma_start3A_967 : memref<10240x128xbf16, #tpu.memory_space<vmem_shared>>) offsets(%dma_start3A_964 : memref<128xi32, #tpu.memory_space<vmem>>) semaphore(%run_scoped3A_957 : memref<!tpu.dma_semaphore, #tpu.memory_space<semaphore_mem>>) {add = true}
        %dma_wait3A_968 = arith.constant 0 : i32
        %dma_wait3A_969 = arith.constant 0 : i32
        %dma_wait3A_970 = tpu.memref_slice %arg7[%run_scoped3A_786, %dma_wait3A_968, %dma_wait3A_969] : memref<4x128x128xbf16, #tpu.memory_space<vmem>> -> memref<1x128x128xbf16, #tpu.memory_space<vmem>>
        %dma_wait3A_971 = tpu.memref_squeeze %dma_wait3A_970 : memref<1x128x128xbf16, #tpu.memory_space<vmem>> -> memref<128x128xbf16, #tpu.memory_space<vmem>>
        %dma_wait3A_972 = arith.constant 0 : i32
        %dma_wait3A_973 = tpu.memref_slice %arg6[%run_scoped3A_787, %run_scoped3A_788, %dma_wait3A_972] : memref<4x2x128xi32, #tpu.memory_space<vmem>> -> memref<1x1x128xi32, #tpu.memory_space<vmem>>
        %dma_wait3A_974 = tpu.memref_squeeze %dma_wait3A_973 : memref<1x1x128xi32, #tpu.memory_space<vmem>> -> memref<128xi32, #tpu.memory_space<vmem>>
        %dma_wait3A_975 = arith.constant 0 : i32
        %dma_wait3A_976 = arith.constant 0 : i32
        %dma_wait3A_977 = tpu.memref_slice %arg18[%dma_wait3A_975, %dma_wait3A_976] : memref<10240x128xbf16, #tpu.memory_space<vmem_shared>> -> memref<10240x128xbf16, #tpu.memory_space<vmem_shared>>
        tpu.wait_indirect_dma semaphore(%run_scoped3A_957 : memref<!tpu.dma_semaphore, #tpu.memory_space<semaphore_mem>>) src(%dma_wait3A_971 : memref<128x128xbf16, #tpu.memory_space<vmem>>) dst(%dma_wait3A_977 : memref<10240x128xbf16, #tpu.memory_space<vmem_shared>>)
        tpu.yield
      }) : () -> ()
      %add3A_789 = arith.constant 4 : i32
      %add3A_790 = arith.addi %add3A_772, %add3A_789 : i32
      %mul3A_791 = arith.constant 128 : i32
      %mul3A_792 = arith.muli %add3A_790, %mul3A_791 : i32
      %add3A_793 = arith.addi %mul3A_4, %mul3A_792 : i32
      %dma_start3A_794 = arith.constant 0 : i32
      %dma_start3A_795 = arith.constant 2 : i32
      %dma_start3A_796 = arith.constant 0 : i32
      %dma_start3A_797 = arith.constant 0 : i32
      %dma_start3A_798 = tpu.memref_slice %arg6[%dma_start3A_795, %dma_start3A_796, %dma_start3A_797] : memref<4x2x128xi32, #tpu.memory_space<vmem>> -> memref<1x1x128xi32, #tpu.memory_space<vmem>>
      %dma_start3A_799 = tpu.memref_squeeze %dma_start3A_798 : memref<1x1x128xi32, #tpu.memory_space<vmem>> -> memref<128xi32, #tpu.memory_space<vmem>>
      %dma_start3A_800 = tpu.memref_slice %arg3[%dma_start3A_794, %add3A_793] : memref<2x320000xi32, #tpu.memory_space<hbm>> -> memref<1x128xi32, #tpu.memory_space<hbm>>
      %dma_start3A_801 = tpu.memref_squeeze %dma_start3A_800 : memref<1x128xi32, #tpu.memory_space<hbm>> -> memref<128xi32, #tpu.memory_space<hbm>>
      %dma_start3A_802 = arith.constant 0 : i32
      %dma_start3A_803 = tpu.memref_slice %arg6[%dma_start3A_795, %dma_start3A_796, %dma_start3A_802] : memref<4x2x128xi32, #tpu.memory_space<vmem>> -> memref<1x1x128xi32, #tpu.memory_space<vmem>>
      %dma_start3A_804 = tpu.memref_squeeze %dma_start3A_803 : memref<1x1x128xi32, #tpu.memory_space<vmem>> -> memref<128xi32, #tpu.memory_space<vmem>>
      %dma_start3A_805 = tpu.memref_slice %arg3[%dma_start3A_794, %add3A_793] : memref<2x320000xi32, #tpu.memory_space<hbm>> -> memref<1x128xi32, #tpu.memory_space<hbm>>
      %dma_start3A_806 = tpu.memref_squeeze %dma_start3A_805 : memref<1x128xi32, #tpu.memory_space<hbm>> -> memref<128xi32, #tpu.memory_space<hbm>>
      tpu.enqueue_dma source(%dma_start3A_806 : memref<128xi32, #tpu.memory_space<hbm>>) target(%dma_start3A_804 : memref<128xi32, #tpu.memory_space<vmem>>) target_semaphore(%arg12 : memref<!tpu.dma_semaphore, #tpu.memory_space<semaphore_mem>>)
      %dma_start3A_807 = arith.constant 1 : i32
      %dma_start3A_808 = arith.constant 2 : i32
      %dma_start3A_809 = arith.constant 1 : i32
      %dma_start3A_810 = arith.constant 0 : i32
      %dma_start3A_811 = tpu.memref_slice %arg6[%dma_start3A_808, %dma_start3A_809, %dma_start3A_810] : memref<4x2x128xi32, #tpu.memory_space<vmem>> -> memref<1x1x128xi32, #tpu.memory_space<vmem>>
      %dma_start3A_812 = tpu.memref_squeeze %dma_start3A_811 : memref<1x1x128xi32, #tpu.memory_space<vmem>> -> memref<128xi32, #tpu.memory_space<vmem>>
      %dma_start3A_813 = tpu.memref_slice %arg3[%dma_start3A_807, %add3A_793] : memref<2x320000xi32, #tpu.memory_space<hbm>> -> memref<1x128xi32, #tpu.memory_space<hbm>>
      %dma_start3A_814 = tpu.memref_squeeze %dma_start3A_813 : memref<1x128xi32, #tpu.memory_space<hbm>> -> memref<128xi32, #tpu.memory_space<hbm>>
      %dma_start3A_815 = arith.constant 0 : i32
      %dma_start3A_816 = tpu.memref_slice %arg6[%dma_start3A_808, %dma_start3A_809, %dma_start3A_815] : memref<4x2x128xi32, #tpu.memory_space<vmem>> -> memref<1x1x128xi32, #tpu.memory_space<vmem>>
      %dma_start3A_817 = tpu.memref_squeeze %dma_start3A_816 : memref<1x1x128xi32, #tpu.memory_space<vmem>> -> memref<128xi32, #tpu.memory_space<vmem>>
      %dma_start3A_818 = tpu.memref_slice %arg3[%dma_start3A_807, %add3A_793] : memref<2x320000xi32, #tpu.memory_space<hbm>> -> memref<1x128xi32, #tpu.memory_space<hbm>>
      %dma_start3A_819 = tpu.memref_squeeze %dma_start3A_818 : memref<1x128xi32, #tpu.memory_space<hbm>> -> memref<128xi32, #tpu.memory_space<hbm>>
      tpu.enqueue_dma source(%dma_start3A_819 : memref<128xi32, #tpu.memory_space<hbm>>) target(%dma_start3A_817 : memref<128xi32, #tpu.memory_space<vmem>>) target_semaphore(%arg12 : memref<!tpu.dma_semaphore, #tpu.memory_space<semaphore_mem>>)
      %add3A_820 = arith.constant 3 : i32
      %add3A_821 = arith.addi %add3A_772, %add3A_820 : i32
      %mul3A_822 = arith.constant 128 : i32
      %mul3A_823 = arith.muli %add3A_821, %mul3A_822 : i32
      %add3A_824 = arith.addi %mul3A_4, %mul3A_823 : i32
      %dma_wait3A_825 = arith.constant 0 : i32
      %dma_wait3A_826 = arith.constant 1 : i32
      %dma_wait3A_827 = arith.constant 0 : i32
      %dma_wait3A_828 = arith.constant 0 : i32
      %dma_wait3A_829 = tpu.memref_slice %arg6[%dma_wait3A_826, %dma_wait3A_827, %dma_wait3A_828] : memref<4x2x128xi32, #tpu.memory_space<vmem>> -> memref<1x1x128xi32, #tpu.memory_space<vmem>>
      %dma_wait3A_830 = tpu.memref_squeeze %dma_wait3A_829 : memref<1x1x128xi32, #tpu.memory_space<vmem>> -> memref<128xi32, #tpu.memory_space<vmem>>
      %dma_wait3A_831 = tpu.memref_slice %arg3[%dma_wait3A_825, %add3A_824] : memref<2x320000xi32, #tpu.memory_space<hbm>> -> memref<1x128xi32, #tpu.memory_space<hbm>>
      %dma_wait3A_832 = tpu.memref_squeeze %dma_wait3A_831 : memref<1x128xi32, #tpu.memory_space<hbm>> -> memref<128xi32, #tpu.memory_space<hbm>>
      %dma_wait3A_833 = arith.constant 0 : i32
      %dma_wait3A_834 = tpu.memref_slice %arg6[%dma_wait3A_826, %dma_wait3A_827, %dma_wait3A_833] : memref<4x2x128xi32, #tpu.memory_space<vmem>> -> memref<1x1x128xi32, #tpu.memory_space<vmem>>
      %dma_wait3A_835 = tpu.memref_squeeze %dma_wait3A_834 : memref<1x1x128xi32, #tpu.memory_space<vmem>> -> memref<128xi32, #tpu.memory_space<vmem>>
      %dma_wait3A_836 = tpu.memref_slice %arg3[%dma_wait3A_825, %add3A_824] : memref<2x320000xi32, #tpu.memory_space<hbm>> -> memref<1x128xi32, #tpu.memory_space<hbm>>
      %dma_wait3A_837 = tpu.memref_squeeze %dma_wait3A_836 : memref<1x128xi32, #tpu.memory_space<hbm>> -> memref<128xi32, #tpu.memory_space<hbm>>
      tpu.wait_dma2 semaphore(%arg11 : memref<!tpu.dma_semaphore, #tpu.memory_space<semaphore_mem>>) src(%dma_wait3A_837 : memref<128xi32, #tpu.memory_space<hbm>>) dst(%dma_wait3A_835 : memref<128xi32, #tpu.memory_space<vmem>>)
      %dma_wait3A_838 = arith.constant 1 : i32
      %dma_wait3A_839 = arith.constant 1 : i32
      %dma_wait3A_840 = arith.constant 1 : i32
      %dma_wait3A_841 = arith.constant 0 : i32
      %dma_wait3A_842 = tpu.memref_slice %arg6[%dma_wait3A_839, %dma_wait3A_840, %dma_wait3A_841] : memref<4x2x128xi32, #tpu.memory_space<vmem>> -> memref<1x1x128xi32, #tpu.memory_space<vmem>>
      %dma_wait3A_843 = tpu.memref_squeeze %dma_wait3A_842 : memref<1x1x128xi32, #tpu.memory_space<vmem>> -> memref<128xi32, #tpu.memory_space<vmem>>
      %dma_wait3A_844 = tpu.memref_slice %arg3[%dma_wait3A_838, %add3A_824] : memref<2x320000xi32, #tpu.memory_space<hbm>> -> memref<1x128xi32, #tpu.memory_space<hbm>>
      %dma_wait3A_845 = tpu.memref_squeeze %dma_wait3A_844 : memref<1x128xi32, #tpu.memory_space<hbm>> -> memref<128xi32, #tpu.memory_space<hbm>>
      %dma_wait3A_846 = arith.constant 0 : i32
      %dma_wait3A_847 = tpu.memref_slice %arg6[%dma_wait3A_839, %dma_wait3A_840, %dma_wait3A_846] : memref<4x2x128xi32, #tpu.memory_space<vmem>> -> memref<1x1x128xi32, #tpu.memory_space<vmem>>
      %dma_wait3A_848 = tpu.memref_squeeze %dma_wait3A_847 : memref<1x1x128xi32, #tpu.memory_space<vmem>> -> memref<128xi32, #tpu.memory_space<vmem>>
      %dma_wait3A_849 = tpu.memref_slice %arg3[%dma_wait3A_838, %add3A_824] : memref<2x320000xi32, #tpu.memory_space<hbm>> -> memref<1x128xi32, #tpu.memory_space<hbm>>
      %dma_wait3A_850 = tpu.memref_squeeze %dma_wait3A_849 : memref<1x128xi32, #tpu.memory_space<hbm>> -> memref<128xi32, #tpu.memory_space<hbm>>
      tpu.wait_dma2 semaphore(%arg11 : memref<!tpu.dma_semaphore, #tpu.memory_space<semaphore_mem>>) src(%dma_wait3A_850 : memref<128xi32, #tpu.memory_space<hbm>>) dst(%dma_wait3A_848 : memref<128xi32, #tpu.memory_space<vmem>>)
      %dma_start3A_851 = arith.constant 1 : i32
      %dma_start3A_852 = arith.constant 0 : i32
      %dma_start3A_853 = arith.constant 1 : i32
      %dma_start3A_854 = arith.constant 0 : i32
      %dma_start3A_855 = arith.constant 0 : i32
      %dma_start3A_856 = tpu.memref_slice %arg7[%dma_start3A_853, %dma_start3A_854, %dma_start3A_855] : memref<4x128x128xbf16, #tpu.memory_space<vmem>> -> memref<1x128x128xbf16, #tpu.memory_space<vmem>>
      %dma_start3A_857 = tpu.memref_squeeze %dma_start3A_856 : memref<1x128x128xbf16, #tpu.memory_space<vmem>> -> memref<128x128xbf16, #tpu.memory_space<vmem>>
      %dma_start3A_858 = arith.constant 0 : i32
      %dma_start3A_859 = tpu.memref_slice %arg6[%dma_start3A_851, %dma_start3A_852, %dma_start3A_858] : memref<4x2x128xi32, #tpu.memory_space<vmem>> -> memref<1x1x128xi32, #tpu.memory_space<vmem>>
      %dma_start3A_860 = tpu.memref_squeeze %dma_start3A_859 : memref<1x1x128xi32, #tpu.memory_space<vmem>> -> memref<128xi32, #tpu.memory_space<vmem>>
      %dma_start3A_861 = arith.constant 0 : i32
      %dma_start3A_862 = arith.constant 0 : i32
      %dma_start3A_863 = tpu.memref_slice %arg2[%dma_start3A_861, %dma_start3A_862] : memref<10000x128xbf16, #tpu.memory_space<hbm>> -> memref<10000x128xbf16, #tpu.memory_space<hbm>>
      tpu.enqueue_indirect_dma source(%dma_start3A_863 : memref<10000x128xbf16, #tpu.memory_space<hbm>>) target(%dma_start3A_857 : memref<128x128xbf16, #tpu.memory_space<vmem>>) offsets(%dma_start3A_860 : memref<128xi32, #tpu.memory_space<vmem>>) semaphore(%arg15 : memref<!tpu.dma_semaphore, #tpu.memory_space<semaphore_mem>>)
      %add3A_864 = arith.constant 3 : i32
      %add3A_865 = arith.addi %mul3A_584, %add3A_864 : i32
      %dma_wait3A_866 = arith.constant 3 : i32
      %dma_wait3A_867 = arith.constant 0 : i32
      %dma_wait3A_868 = arith.constant 3 : i32
      %dma_wait3A_869 = arith.constant 0 : i32
      %dma_wait3A_870 = arith.constant 0 : i32
      %dma_wait3A_871 = tpu.memref_slice %arg7[%dma_wait3A_868, %dma_wait3A_869, %dma_wait3A_870] : memref<4x128x128xbf16, #tpu.memory_space<vmem>> -> memref<1x128x128xbf16, #tpu.memory_space<vmem>>
      %dma_wait3A_872 = tpu.memref_squeeze %dma_wait3A_871 : memref<1x128x128xbf16, #tpu.memory_space<vmem>> -> memref<128x128xbf16, #tpu.memory_space<vmem>>
      %dma_wait3A_873 = arith.constant 0 : i32
      %dma_wait3A_874 = tpu.memref_slice %arg6[%dma_wait3A_866, %dma_wait3A_867, %dma_wait3A_873] : memref<4x2x128xi32, #tpu.memory_space<vmem>> -> memref<1x1x128xi32, #tpu.memory_space<vmem>>
      %dma_wait3A_875 = tpu.memref_squeeze %dma_wait3A_874 : memref<1x1x128xi32, #tpu.memory_space<vmem>> -> memref<128xi32, #tpu.memory_space<vmem>>
      %dma_wait3A_876 = arith.constant 0 : i32
      %dma_wait3A_877 = arith.constant 0 : i32
      %dma_wait3A_878 = tpu.memref_slice %arg2[%dma_wait3A_876, %dma_wait3A_877] : memref<10000x128xbf16, #tpu.memory_space<hbm>> -> memref<10000x128xbf16, #tpu.memory_space<hbm>>
      tpu.wait_indirect_dma semaphore(%arg17 : memref<!tpu.dma_semaphore, #tpu.memory_space<semaphore_mem>>) src(%dma_wait3A_878 : memref<10000x128xbf16, #tpu.memory_space<hbm>>) dst(%dma_wait3A_872 : memref<128x128xbf16, #tpu.memory_space<vmem>>)
      %run_scoped3A_879 = arith.constant 3 : i32
      %run_scoped3A_880 = arith.constant 3 : i32
      %run_scoped3A_881 = arith.constant 1 : i32
      "tpu.region"() ({
        %run_scoped3A_957 = tpu.sem_alloc : memref<!tpu.dma_semaphore, #tpu.memory_space<semaphore_mem>>
        %dma_start3A_958 = arith.constant 0 : i32
        %dma_start3A_959 = arith.constant 0 : i32
        %dma_start3A_960 = tpu.memref_slice %arg7[%run_scoped3A_879, %dma_start3A_958, %dma_start3A_959] : memref<4x128x128xbf16, #tpu.memory_space<vmem>> -> memref<1x128x128xbf16, #tpu.memory_space<vmem>>
        %dma_start3A_961 = tpu.memref_squeeze %dma_start3A_960 : memref<1x128x128xbf16, #tpu.memory_space<vmem>> -> memref<128x128xbf16, #tpu.memory_space<vmem>>
        %dma_start3A_962 = arith.constant 0 : i32
        %dma_start3A_963 = tpu.memref_slice %arg6[%run_scoped3A_880, %run_scoped3A_881, %dma_start3A_962] : memref<4x2x128xi32, #tpu.memory_space<vmem>> -> memref<1x1x128xi32, #tpu.memory_space<vmem>>
        %dma_start3A_964 = tpu.memref_squeeze %dma_start3A_963 : memref<1x1x128xi32, #tpu.memory_space<vmem>> -> memref<128xi32, #tpu.memory_space<vmem>>
        %dma_start3A_965 = arith.constant 0 : i32
        %dma_start3A_966 = arith.constant 0 : i32
        %dma_start3A_967 = tpu.memref_slice %arg18[%dma_start3A_965, %dma_start3A_966] : memref<10240x128xbf16, #tpu.memory_space<vmem_shared>> -> memref<10240x128xbf16, #tpu.memory_space<vmem_shared>>
        tpu.enqueue_indirect_dma source(%dma_start3A_961 : memref<128x128xbf16, #tpu.memory_space<vmem>>) target(%dma_start3A_967 : memref<10240x128xbf16, #tpu.memory_space<vmem_shared>>) offsets(%dma_start3A_964 : memref<128xi32, #tpu.memory_space<vmem>>) semaphore(%run_scoped3A_957 : memref<!tpu.dma_semaphore, #tpu.memory_space<semaphore_mem>>) {add = true}
        %dma_wait3A_968 = arith.constant 0 : i32
        %dma_wait3A_969 = arith.constant 0 : i32
        %dma_wait3A_970 = tpu.memref_slice %arg7[%run_scoped3A_879, %dma_wait3A_968, %dma_wait3A_969] : memref<4x128x128xbf16, #tpu.memory_space<vmem>> -> memref<1x128x128xbf16, #tpu.memory_space<vmem>>
        %dma_wait3A_971 = tpu.memref_squeeze %dma_wait3A_970 : memref<1x128x128xbf16, #tpu.memory_space<vmem>> -> memref<128x128xbf16, #tpu.memory_space<vmem>>
        %dma_wait3A_972 = arith.constant 0 : i32
        %dma_wait3A_973 = tpu.memref_slice %arg6[%run_scoped3A_880, %run_scoped3A_881, %dma_wait3A_972] : memref<4x2x128xi32, #tpu.memory_space<vmem>> -> memref<1x1x128xi32, #tpu.memory_space<vmem>>
        %dma_wait3A_974 = tpu.memref_squeeze %dma_wait3A_973 : memref<1x1x128xi32, #tpu.memory_space<vmem>> -> memref<128xi32, #tpu.memory_space<vmem>>
        %dma_wait3A_975 = arith.constant 0 : i32
        %dma_wait3A_976 = arith.constant 0 : i32
        %dma_wait3A_977 = tpu.memref_slice %arg18[%dma_wait3A_975, %dma_wait3A_976] : memref<10240x128xbf16, #tpu.memory_space<vmem_shared>> -> memref<10240x128xbf16, #tpu.memory_space<vmem_shared>>
        tpu.wait_indirect_dma semaphore(%run_scoped3A_957 : memref<!tpu.dma_semaphore, #tpu.memory_space<semaphore_mem>>) src(%dma_wait3A_971 : memref<128x128xbf16, #tpu.memory_space<vmem>>) dst(%dma_wait3A_977 : memref<10240x128xbf16, #tpu.memory_space<vmem_shared>>)
        tpu.yield
      }) : () -> ()
      %add3A_882 = arith.constant 4 : i32
      %add3A_883 = arith.addi %add3A_865, %add3A_882 : i32
      %mul3A_884 = arith.constant 128 : i32
      %mul3A_885 = arith.muli %add3A_883, %mul3A_884 : i32
      %add3A_886 = arith.addi %mul3A_4, %mul3A_885 : i32
      %dma_start3A_887 = arith.constant 0 : i32
      %dma_start3A_888 = arith.constant 3 : i32
      %dma_start3A_889 = arith.constant 0 : i32
      %dma_start3A_890 = arith.constant 0 : i32
      %dma_start3A_891 = tpu.memref_slice %arg6[%dma_start3A_888, %dma_start3A_889, %dma_start3A_890] : memref<4x2x128xi32, #tpu.memory_space<vmem>> -> memref<1x1x128xi32, #tpu.memory_space<vmem>>
      %dma_start3A_892 = tpu.memref_squeeze %dma_start3A_891 : memref<1x1x128xi32, #tpu.memory_space<vmem>> -> memref<128xi32, #tpu.memory_space<vmem>>
      %dma_start3A_893 = tpu.memref_slice %arg3[%dma_start3A_887, %add3A_886] : memref<2x320000xi32, #tpu.memory_space<hbm>> -> memref<1x128xi32, #tpu.memory_space<hbm>>
      %dma_start3A_894 = tpu.memref_squeeze %dma_start3A_893 : memref<1x128xi32, #tpu.memory_space<hbm>> -> memref<128xi32, #tpu.memory_space<hbm>>
      %dma_start3A_895 = arith.constant 0 : i32
      %dma_start3A_896 = tpu.memref_slice %arg6[%dma_start3A_888, %dma_start3A_889, %dma_start3A_895] : memref<4x2x128xi32, #tpu.memory_space<vmem>> -> memref<1x1x128xi32, #tpu.memory_space<vmem>>
      %dma_start3A_897 = tpu.memref_squeeze %dma_start3A_896 : memref<1x1x128xi32, #tpu.memory_space<vmem>> -> memref<128xi32, #tpu.memory_space<vmem>>
      %dma_start3A_898 = tpu.memref_slice %arg3[%dma_start3A_887, %add3A_886] : memref<2x320000xi32, #tpu.memory_space<hbm>> -> memref<1x128xi32, #tpu.memory_space<hbm>>
      %dma_start3A_899 = tpu.memref_squeeze %dma_start3A_898 : memref<1x128xi32, #tpu.memory_space<hbm>> -> memref<128xi32, #tpu.memory_space<hbm>>
      tpu.enqueue_dma source(%dma_start3A_899 : memref<128xi32, #tpu.memory_space<hbm>>) target(%dma_start3A_897 : memref<128xi32, #tpu.memory_space<vmem>>) target_semaphore(%arg13 : memref<!tpu.dma_semaphore, #tpu.memory_space<semaphore_mem>>)
      %dma_start3A_900 = arith.constant 1 : i32
      %dma_start3A_901 = arith.constant 3 : i32
      %dma_start3A_902 = arith.constant 1 : i32
      %dma_start3A_903 = arith.constant 0 : i32
      %dma_start3A_904 = tpu.memref_slice %arg6[%dma_start3A_901, %dma_start3A_902, %dma_start3A_903] : memref<4x2x128xi32, #tpu.memory_space<vmem>> -> memref<1x1x128xi32, #tpu.memory_space<vmem>>
      %dma_start3A_905 = tpu.memref_squeeze %dma_start3A_904 : memref<1x1x128xi32, #tpu.memory_space<vmem>> -> memref<128xi32, #tpu.memory_space<vmem>>
      %dma_start3A_906 = tpu.memref_slice %arg3[%dma_start3A_900, %add3A_886] : memref<2x320000xi32, #tpu.memory_space<hbm>> -> memref<1x128xi32, #tpu.memory_space<hbm>>
      %dma_start3A_907 = tpu.memref_squeeze %dma_start3A_906 : memref<1x128xi32, #tpu.memory_space<hbm>> -> memref<128xi32, #tpu.memory_space<hbm>>
      %dma_start3A_908 = arith.constant 0 : i32
      %dma_start3A_909 = tpu.memref_slice %arg6[%dma_start3A_901, %dma_start3A_902, %dma_start3A_908] : memref<4x2x128xi32, #tpu.memory_space<vmem>> -> memref<1x1x128xi32, #tpu.memory_space<vmem>>
      %dma_start3A_910 = tpu.memref_squeeze %dma_start3A_909 : memref<1x1x128xi32, #tpu.memory_space<vmem>> -> memref<128xi32, #tpu.memory_space<vmem>>
      %dma_start3A_911 = tpu.memref_slice %arg3[%dma_start3A_900, %add3A_886] : memref<2x320000xi32, #tpu.memory_space<hbm>> -> memref<1x128xi32, #tpu.memory_space<hbm>>
      %dma_start3A_912 = tpu.memref_squeeze %dma_start3A_911 : memref<1x128xi32, #tpu.memory_space<hbm>> -> memref<128xi32, #tpu.memory_space<hbm>>
      tpu.enqueue_dma source(%dma_start3A_912 : memref<128xi32, #tpu.memory_space<hbm>>) target(%dma_start3A_910 : memref<128xi32, #tpu.memory_space<vmem>>) target_semaphore(%arg13 : memref<!tpu.dma_semaphore, #tpu.memory_space<semaphore_mem>>)
      %add3A_913 = arith.constant 3 : i32
      %add3A_914 = arith.addi %add3A_865, %add3A_913 : i32
      %mul3A_915 = arith.constant 128 : i32
      %mul3A_916 = arith.muli %add3A_914, %mul3A_915 : i32
      %add3A_917 = arith.addi %mul3A_4, %mul3A_916 : i32
      %dma_wait3A_918 = arith.constant 0 : i32
      %dma_wait3A_919 = arith.constant 2 : i32
      %dma_wait3A_920 = arith.constant 0 : i32
      %dma_wait3A_921 = arith.constant 0 : i32
      %dma_wait3A_922 = tpu.memref_slice %arg6[%dma_wait3A_919, %dma_wait3A_920, %dma_wait3A_921] : memref<4x2x128xi32, #tpu.memory_space<vmem>> -> memref<1x1x128xi32, #tpu.memory_space<vmem>>
      %dma_wait3A_923 = tpu.memref_squeeze %dma_wait3A_922 : memref<1x1x128xi32, #tpu.memory_space<vmem>> -> memref<128xi32, #tpu.memory_space<vmem>>
      %dma_wait3A_924 = tpu.memref_slice %arg3[%dma_wait3A_918, %add3A_917] : memref<2x320000xi32, #tpu.memory_space<hbm>> -> memref<1x128xi32, #tpu.memory_space<hbm>>
      %dma_wait3A_925 = tpu.memref_squeeze %dma_wait3A_924 : memref<1x128xi32, #tpu.memory_space<hbm>> -> memref<128xi32, #tpu.memory_space<hbm>>
      %dma_wait3A_926 = arith.constant 0 : i32
      %dma_wait3A_927 = tpu.memref_slice %arg6[%dma_wait3A_919, %dma_wait3A_920, %dma_wait3A_926] : memref<4x2x128xi32, #tpu.memory_space<vmem>> -> memref<1x1x128xi32, #tpu.memory_space<vmem>>
      %dma_wait3A_928 = tpu.memref_squeeze %dma_wait3A_927 : memref<1x1x128xi32, #tpu.memory_space<vmem>> -> memref<128xi32, #tpu.memory_space<vmem>>
      %dma_wait3A_929 = tpu.memref_slice %arg3[%dma_wait3A_918, %add3A_917] : memref<2x320000xi32, #tpu.memory_space<hbm>> -> memref<1x128xi32, #tpu.memory_space<hbm>>
      %dma_wait3A_930 = tpu.memref_squeeze %dma_wait3A_929 : memref<1x128xi32, #tpu.memory_space<hbm>> -> memref<128xi32, #tpu.memory_space<hbm>>
      tpu.wait_dma2 semaphore(%arg12 : memref<!tpu.dma_semaphore, #tpu.memory_space<semaphore_mem>>) src(%dma_wait3A_930 : memref<128xi32, #tpu.memory_space<hbm>>) dst(%dma_wait3A_928 : memref<128xi32, #tpu.memory_space<vmem>>)
      %dma_wait3A_931 = arith.constant 1 : i32
      %dma_wait3A_932 = arith.constant 2 : i32
      %dma_wait3A_933 = arith.constant 1 : i32
      %dma_wait3A_934 = arith.constant 0 : i32
      %dma_wait3A_935 = tpu.memref_slice %arg6[%dma_wait3A_932, %dma_wait3A_933, %dma_wait3A_934] : memref<4x2x128xi32, #tpu.memory_space<vmem>> -> memref<1x1x128xi32, #tpu.memory_space<vmem>>
      %dma_wait3A_936 = tpu.memref_squeeze %dma_wait3A_935 : memref<1x1x128xi32, #tpu.memory_space<vmem>> -> memref<128xi32, #tpu.memory_space<vmem>>
      %dma_wait3A_937 = tpu.memref_slice %arg3[%dma_wait3A_931, %add3A_917] : memref<2x320000xi32, #tpu.memory_space<hbm>> -> memref<1x128xi32, #tpu.memory_space<hbm>>
      %dma_wait3A_938 = tpu.memref_squeeze %dma_wait3A_937 : memref<1x128xi32, #tpu.memory_space<hbm>> -> memref<128xi32, #tpu.memory_space<hbm>>
      %dma_wait3A_939 = arith.constant 0 : i32
      %dma_wait3A_940 = tpu.memref_slice %arg6[%dma_wait3A_932, %dma_wait3A_933, %dma_wait3A_939] : memref<4x2x128xi32, #tpu.memory_space<vmem>> -> memref<1x1x128xi32, #tpu.memory_space<vmem>>
      %dma_wait3A_941 = tpu.memref_squeeze %dma_wait3A_940 : memref<1x1x128xi32, #tpu.memory_space<vmem>> -> memref<128xi32, #tpu.memory_space<vmem>>
      %dma_wait3A_942 = tpu.memref_slice %arg3[%dma_wait3A_931, %add3A_917] : memref<2x320000xi32, #tpu.memory_space<hbm>> -> memref<1x128xi32, #tpu.memory_space<hbm>>
      %dma_wait3A_943 = tpu.memref_squeeze %dma_wait3A_942 : memref<1x128xi32, #tpu.memory_space<hbm>> -> memref<128xi32, #tpu.memory_space<hbm>>
      tpu.wait_dma2 semaphore(%arg12 : memref<!tpu.dma_semaphore, #tpu.memory_space<semaphore_mem>>) src(%dma_wait3A_943 : memref<128xi32, #tpu.memory_space<hbm>>) dst(%dma_wait3A_941 : memref<128xi32, #tpu.memory_space<vmem>>)
      %dma_start3A_944 = arith.constant 2 : i32
      %dma_start3A_945 = arith.constant 0 : i32
      %dma_start3A_946 = arith.constant 2 : i32
      %dma_start3A_947 = arith.constant 0 : i32
      %dma_start3A_948 = arith.constant 0 : i32
      %dma_start3A_949 = tpu.memref_slice %arg7[%dma_start3A_946, %dma_start3A_947, %dma_start3A_948] : memref<4x128x128xbf16, #tpu.memory_space<vmem>> -> memref<1x128x128xbf16, #tpu.memory_space<vmem>>
      %dma_start3A_950 = tpu.memref_squeeze %dma_start3A_949 : memref<1x128x128xbf16, #tpu.memory_space<vmem>> -> memref<128x128xbf16, #tpu.memory_space<vmem>>
      %dma_start3A_951 = arith.constant 0 : i32
      %dma_start3A_952 = tpu.memref_slice %arg6[%dma_start3A_944, %dma_start3A_945, %dma_start3A_951] : memref<4x2x128xi32, #tpu.memory_space<vmem>> -> memref<1x1x128xi32, #tpu.memory_space<vmem>>
      %dma_start3A_953 = tpu.memref_squeeze %dma_start3A_952 : memref<1x1x128xi32, #tpu.memory_space<vmem>> -> memref<128xi32, #tpu.memory_space<vmem>>
      %dma_start3A_954 = arith.constant 0 : i32
      %dma_start3A_955 = arith.constant 0 : i32
      %dma_start3A_956 = tpu.memref_slice %arg2[%dma_start3A_954, %dma_start3A_955] : memref<10000x128xbf16, #tpu.memory_space<hbm>> -> memref<10000x128xbf16, #tpu.memory_space<hbm>>
      tpu.enqueue_indirect_dma source(%dma_start3A_956 : memref<10000x128xbf16, #tpu.memory_space<hbm>>) target(%dma_start3A_950 : memref<128x128xbf16, #tpu.memory_space<vmem>>) offsets(%dma_start3A_953 : memref<128xi32, #tpu.memory_space<vmem>>) semaphore(%arg16 : memref<!tpu.dma_semaphore, #tpu.memory_space<semaphore_mem>>)
    }
    %scan3A_241 = arith.constant 18 : i32
    %dma_wait3A_242 = arith.constant 0 : i32
    %dma_wait3A_243 = arith.constant 0 : i32
    %dma_wait3A_244 = arith.constant 0 : i32
    %dma_wait3A_245 = arith.constant 0 : i32
    %dma_wait3A_246 = arith.constant 0 : i32
    %dma_wait3A_247 = tpu.memref_slice %arg7[%dma_wait3A_244, %dma_wait3A_245, %dma_wait3A_246] : memref<4x128x128xbf16, #tpu.memory_space<vmem>> -> memref<1x128x128xbf16, #tpu.memory_space<vmem>>
    %dma_wait3A_248 = tpu.memref_squeeze %dma_wait3A_247 : memref<1x128x128xbf16, #tpu.memory_space<vmem>> -> memref<128x128xbf16, #tpu.memory_space<vmem>>
    %dma_wait3A_249 = arith.constant 0 : i32
    %dma_wait3A_250 = tpu.memref_slice %arg6[%dma_wait3A_242, %dma_wait3A_243, %dma_wait3A_249] : memref<4x2x128xi32, #tpu.memory_space<vmem>> -> memref<1x1x128xi32, #tpu.memory_space<vmem>>
    %dma_wait3A_251 = tpu.memref_squeeze %dma_wait3A_250 : memref<1x1x128xi32, #tpu.memory_space<vmem>> -> memref<128xi32, #tpu.memory_space<vmem>>
    %dma_wait3A_252 = arith.constant 0 : i32
    %dma_wait3A_253 = arith.constant 0 : i32
    %dma_wait3A_254 = tpu.memref_slice %arg2[%dma_wait3A_252, %dma_wait3A_253] : memref<10000x128xbf16, #tpu.memory_space<hbm>> -> memref<10000x128xbf16, #tpu.memory_space<hbm>>
    tpu.wait_indirect_dma semaphore(%arg14 : memref<!tpu.dma_semaphore, #tpu.memory_space<semaphore_mem>>) src(%dma_wait3A_254 : memref<10000x128xbf16, #tpu.memory_space<hbm>>) dst(%dma_wait3A_248 : memref<128x128xbf16, #tpu.memory_space<vmem>>)
    %run_scoped3A = arith.constant 0 : i32
    %run_scoped3A_255 = arith.constant 0 : i32
    %run_scoped3A_256 = arith.constant 1 : i32
    "tpu.region"() ({
      %run_scoped3A_582 = tpu.sem_alloc : memref<!tpu.dma_semaphore, #tpu.memory_space<semaphore_mem>>
      %dma_start3A_583 = arith.constant 0 : i32
      %dma_start3A_584 = arith.constant 0 : i32
      %dma_start3A_585 = tpu.memref_slice %arg7[%run_scoped3A, %dma_start3A_583, %dma_start3A_584] : memref<4x128x128xbf16, #tpu.memory_space<vmem>> -> memref<1x128x128xbf16, #tpu.memory_space<vmem>>
      %dma_start3A_586 = tpu.memref_squeeze %dma_start3A_585 : memref<1x128x128xbf16, #tpu.memory_space<vmem>> -> memref<128x128xbf16, #tpu.memory_space<vmem>>
      %dma_start3A_587 = arith.constant 0 : i32
      %dma_start3A_588 = tpu.memref_slice %arg6[%run_scoped3A_255, %run_scoped3A_256, %dma_start3A_587] : memref<4x2x128xi32, #tpu.memory_space<vmem>> -> memref<1x1x128xi32, #tpu.memory_space<vmem>>
      %dma_start3A_589 = tpu.memref_squeeze %dma_start3A_588 : memref<1x1x128xi32, #tpu.memory_space<vmem>> -> memref<128xi32, #tpu.memory_space<vmem>>
      %dma_start3A_590 = arith.constant 0 : i32
      %dma_start3A_591 = arith.constant 0 : i32
      %dma_start3A_592 = tpu.memref_slice %arg18[%dma_start3A_590, %dma_start3A_591] : memref<10240x128xbf16, #tpu.memory_space<vmem_shared>> -> memref<10240x128xbf16, #tpu.memory_space<vmem_shared>>
      tpu.enqueue_indirect_dma source(%dma_start3A_586 : memref<128x128xbf16, #tpu.memory_space<vmem>>) target(%dma_start3A_592 : memref<10240x128xbf16, #tpu.memory_space<vmem_shared>>) offsets(%dma_start3A_589 : memref<128xi32, #tpu.memory_space<vmem>>) semaphore(%run_scoped3A_582 : memref<!tpu.dma_semaphore, #tpu.memory_space<semaphore_mem>>) {add = true}
      %dma_wait3A_593 = arith.constant 0 : i32
      %dma_wait3A_594 = arith.constant 0 : i32
      %dma_wait3A_595 = tpu.memref_slice %arg7[%run_scoped3A, %dma_wait3A_593, %dma_wait3A_594] : memref<4x128x128xbf16, #tpu.memory_space<vmem>> -> memref<1x128x128xbf16, #tpu.memory_space<vmem>>
      %dma_wait3A_596 = tpu.memref_squeeze %dma_wait3A_595 : memref<1x128x128xbf16, #tpu.memory_space<vmem>> -> memref<128x128xbf16, #tpu.memory_space<vmem>>
      %dma_wait3A_597 = arith.constant 0 : i32
      %dma_wait3A_598 = tpu.memref_slice %arg6[%run_scoped3A_255, %run_scoped3A_256, %dma_wait3A_597] : memref<4x2x128xi32, #tpu.memory_space<vmem>> -> memref<1x1x128xi32, #tpu.memory_space<vmem>>
      %dma_wait3A_599 = tpu.memref_squeeze %dma_wait3A_598 : memref<1x1x128xi32, #tpu.memory_space<vmem>> -> memref<128xi32, #tpu.memory_space<vmem>>
      %dma_wait3A_600 = arith.constant 0 : i32
      %dma_wait3A_601 = arith.constant 0 : i32
      %dma_wait3A_602 = tpu.memref_slice %arg18[%dma_wait3A_600, %dma_wait3A_601] : memref<10240x128xbf16, #tpu.memory_space<vmem_shared>> -> memref<10240x128xbf16, #tpu.memory_space<vmem_shared>>
      tpu.wait_indirect_dma semaphore(%run_scoped3A_582 : memref<!tpu.dma_semaphore, #tpu.memory_space<semaphore_mem>>) src(%dma_wait3A_596 : memref<128x128xbf16, #tpu.memory_space<vmem>>) dst(%dma_wait3A_602 : memref<10240x128xbf16, #tpu.memory_space<vmem_shared>>)
      tpu.yield
    }) : () -> ()
    %add3A_257 = arith.constant 9728 : i32
    %add3A_258 = arith.addi %mul3A_4, %add3A_257 : i32
    %dma_start3A_259 = arith.constant 0 : i32
    %dma_start3A_260 = arith.constant 0 : i32
    %dma_start3A_261 = arith.constant 0 : i32
    %dma_start3A_262 = arith.constant 0 : i32
    %dma_start3A_263 = tpu.memref_slice %arg6[%dma_start3A_260, %dma_start3A_261, %dma_start3A_262] : memref<4x2x128xi32, #tpu.memory_space<vmem>> -> memref<1x1x128xi32, #tpu.memory_space<vmem>>
    %dma_start3A_264 = tpu.memref_squeeze %dma_start3A_263 : memref<1x1x128xi32, #tpu.memory_space<vmem>> -> memref<128xi32, #tpu.memory_space<vmem>>
    %dma_start3A_265 = tpu.memref_slice %arg3[%dma_start3A_259, %add3A_258] : memref<2x320000xi32, #tpu.memory_space<hbm>> -> memref<1x128xi32, #tpu.memory_space<hbm>>
    %dma_start3A_266 = tpu.memref_squeeze %dma_start3A_265 : memref<1x128xi32, #tpu.memory_space<hbm>> -> memref<128xi32, #tpu.memory_space<hbm>>
    %dma_start3A_267 = arith.constant 0 : i32
    %dma_start3A_268 = tpu.memref_slice %arg6[%dma_start3A_260, %dma_start3A_261, %dma_start3A_267] : memref<4x2x128xi32, #tpu.memory_space<vmem>> -> memref<1x1x128xi32, #tpu.memory_space<vmem>>
    %dma_start3A_269 = tpu.memref_squeeze %dma_start3A_268 : memref<1x1x128xi32, #tpu.memory_space<vmem>> -> memref<128xi32, #tpu.memory_space<vmem>>
    %dma_start3A_270 = tpu.memref_slice %arg3[%dma_start3A_259, %add3A_258] : memref<2x320000xi32, #tpu.memory_space<hbm>> -> memref<1x128xi32, #tpu.memory_space<hbm>>
    %dma_start3A_271 = tpu.memref_squeeze %dma_start3A_270 : memref<1x128xi32, #tpu.memory_space<hbm>> -> memref<128xi32, #tpu.memory_space<hbm>>
    tpu.enqueue_dma source(%dma_start3A_271 : memref<128xi32, #tpu.memory_space<hbm>>) target(%dma_start3A_269 : memref<128xi32, #tpu.memory_space<vmem>>) target_semaphore(%arg10 : memref<!tpu.dma_semaphore, #tpu.memory_space<semaphore_mem>>)
    %dma_start3A_272 = arith.constant 1 : i32
    %dma_start3A_273 = arith.constant 0 : i32
    %dma_start3A_274 = arith.constant 1 : i32
    %dma_start3A_275 = arith.constant 0 : i32
    %dma_start3A_276 = tpu.memref_slice %arg6[%dma_start3A_273, %dma_start3A_274, %dma_start3A_275] : memref<4x2x128xi32, #tpu.memory_space<vmem>> -> memref<1x1x128xi32, #tpu.memory_space<vmem>>
    %dma_start3A_277 = tpu.memref_squeeze %dma_start3A_276 : memref<1x1x128xi32, #tpu.memory_space<vmem>> -> memref<128xi32, #tpu.memory_space<vmem>>
    %dma_start3A_278 = tpu.memref_slice %arg3[%dma_start3A_272, %add3A_258] : memref<2x320000xi32, #tpu.memory_space<hbm>> -> memref<1x128xi32, #tpu.memory_space<hbm>>
    %dma_start3A_279 = tpu.memref_squeeze %dma_start3A_278 : memref<1x128xi32, #tpu.memory_space<hbm>> -> memref<128xi32, #tpu.memory_space<hbm>>
    %dma_start3A_280 = arith.constant 0 : i32
    %dma_start3A_281 = tpu.memref_slice %arg6[%dma_start3A_273, %dma_start3A_274, %dma_start3A_280] : memref<4x2x128xi32, #tpu.memory_space<vmem>> -> memref<1x1x128xi32, #tpu.memory_space<vmem>>
    %dma_start3A_282 = tpu.memref_squeeze %dma_start3A_281 : memref<1x1x128xi32, #tpu.memory_space<vmem>> -> memref<128xi32, #tpu.memory_space<vmem>>
    %dma_start3A_283 = tpu.memref_slice %arg3[%dma_start3A_272, %add3A_258] : memref<2x320000xi32, #tpu.memory_space<hbm>> -> memref<1x128xi32, #tpu.memory_space<hbm>>
    %dma_start3A_284 = tpu.memref_squeeze %dma_start3A_283 : memref<1x128xi32, #tpu.memory_space<hbm>> -> memref<128xi32, #tpu.memory_space<hbm>>
    tpu.enqueue_dma source(%dma_start3A_284 : memref<128xi32, #tpu.memory_space<hbm>>) target(%dma_start3A_282 : memref<128xi32, #tpu.memory_space<vmem>>) target_semaphore(%arg10 : memref<!tpu.dma_semaphore, #tpu.memory_space<semaphore_mem>>)
    %add3A_285 = arith.constant 9600 : i32
    %add3A_286 = arith.addi %mul3A_4, %add3A_285 : i32
    %dma_wait3A_287 = arith.constant 0 : i32
    %dma_wait3A_288 = arith.constant 3 : i32
    %dma_wait3A_289 = arith.constant 0 : i32
    %dma_wait3A_290 = arith.constant 0 : i32
    %dma_wait3A_291 = tpu.memref_slice %arg6[%dma_wait3A_288, %dma_wait3A_289, %dma_wait3A_290] : memref<4x2x128xi32, #tpu.memory_space<vmem>> -> memref<1x1x128xi32, #tpu.memory_space<vmem>>
    %dma_wait3A_292 = tpu.memref_squeeze %dma_wait3A_291 : memref<1x1x128xi32, #tpu.memory_space<vmem>> -> memref<128xi32, #tpu.memory_space<vmem>>
    %dma_wait3A_293 = tpu.memref_slice %arg3[%dma_wait3A_287, %add3A_286] : memref<2x320000xi32, #tpu.memory_space<hbm>> -> memref<1x128xi32, #tpu.memory_space<hbm>>
    %dma_wait3A_294 = tpu.memref_squeeze %dma_wait3A_293 : memref<1x128xi32, #tpu.memory_space<hbm>> -> memref<128xi32, #tpu.memory_space<hbm>>
    %dma_wait3A_295 = arith.constant 0 : i32
    %dma_wait3A_296 = tpu.memref_slice %arg6[%dma_wait3A_288, %dma_wait3A_289, %dma_wait3A_295] : memref<4x2x128xi32, #tpu.memory_space<vmem>> -> memref<1x1x128xi32, #tpu.memory_space<vmem>>
    %dma_wait3A_297 = tpu.memref_squeeze %dma_wait3A_296 : memref<1x1x128xi32, #tpu.memory_space<vmem>> -> memref<128xi32, #tpu.memory_space<vmem>>
    %dma_wait3A_298 = tpu.memref_slice %arg3[%dma_wait3A_287, %add3A_286] : memref<2x320000xi32, #tpu.memory_space<hbm>> -> memref<1x128xi32, #tpu.memory_space<hbm>>
    %dma_wait3A_299 = tpu.memref_squeeze %dma_wait3A_298 : memref<1x128xi32, #tpu.memory_space<hbm>> -> memref<128xi32, #tpu.memory_space<hbm>>
    tpu.wait_dma2 semaphore(%arg13 : memref<!tpu.dma_semaphore, #tpu.memory_space<semaphore_mem>>) src(%dma_wait3A_299 : memref<128xi32, #tpu.memory_space<hbm>>) dst(%dma_wait3A_297 : memref<128xi32, #tpu.memory_space<vmem>>)
    %dma_wait3A_300 = arith.constant 1 : i32
    %dma_wait3A_301 = arith.constant 3 : i32
    %dma_wait3A_302 = arith.constant 1 : i32
    %dma_wait3A_303 = arith.constant 0 : i32
    %dma_wait3A_304 = tpu.memref_slice %arg6[%dma_wait3A_301, %dma_wait3A_302, %dma_wait3A_303] : memref<4x2x128xi32, #tpu.memory_space<vmem>> -> memref<1x1x128xi32, #tpu.memory_space<vmem>>
    %dma_wait3A_305 = tpu.memref_squeeze %dma_wait3A_304 : memref<1x1x128xi32, #tpu.memory_space<vmem>> -> memref<128xi32, #tpu.memory_space<vmem>>
    %dma_wait3A_306 = tpu.memref_slice %arg3[%dma_wait3A_300, %add3A_286] : memref<2x320000xi32, #tpu.memory_space<hbm>> -> memref<1x128xi32, #tpu.memory_space<hbm>>
    %dma_wait3A_307 = tpu.memref_squeeze %dma_wait3A_306 : memref<1x128xi32, #tpu.memory_space<hbm>> -> memref<128xi32, #tpu.memory_space<hbm>>
    %dma_wait3A_308 = arith.constant 0 : i32
    %dma_wait3A_309 = tpu.memref_slice %arg6[%dma_wait3A_301, %dma_wait3A_302, %dma_wait3A_308] : memref<4x2x128xi32, #tpu.memory_space<vmem>> -> memref<1x1x128xi32, #tpu.memory_space<vmem>>
    %dma_wait3A_310 = tpu.memref_squeeze %dma_wait3A_309 : memref<1x1x128xi32, #tpu.memory_space<vmem>> -> memref<128xi32, #tpu.memory_space<vmem>>
    %dma_wait3A_311 = tpu.memref_slice %arg3[%dma_wait3A_300, %add3A_286] : memref<2x320000xi32, #tpu.memory_space<hbm>> -> memref<1x128xi32, #tpu.memory_space<hbm>>
    %dma_wait3A_312 = tpu.memref_squeeze %dma_wait3A_311 : memref<1x128xi32, #tpu.memory_space<hbm>> -> memref<128xi32, #tpu.memory_space<hbm>>
    tpu.wait_dma2 semaphore(%arg13 : memref<!tpu.dma_semaphore, #tpu.memory_space<semaphore_mem>>) src(%dma_wait3A_312 : memref<128xi32, #tpu.memory_space<hbm>>) dst(%dma_wait3A_310 : memref<128xi32, #tpu.memory_space<vmem>>)
    %dma_start3A_313 = arith.constant 3 : i32
    %dma_start3A_314 = arith.constant 0 : i32
    %dma_start3A_315 = arith.constant 3 : i32
    %dma_start3A_316 = arith.constant 0 : i32
    %dma_start3A_317 = arith.constant 0 : i32
    %dma_start3A_318 = tpu.memref_slice %arg7[%dma_start3A_315, %dma_start3A_316, %dma_start3A_317] : memref<4x128x128xbf16, #tpu.memory_space<vmem>> -> memref<1x128x128xbf16, #tpu.memory_space<vmem>>
    %dma_start3A_319 = tpu.memref_squeeze %dma_start3A_318 : memref<1x128x128xbf16, #tpu.memory_space<vmem>> -> memref<128x128xbf16, #tpu.memory_space<vmem>>
    %dma_start3A_320 = arith.constant 0 : i32
    %dma_start3A_321 = tpu.memref_slice %arg6[%dma_start3A_313, %dma_start3A_314, %dma_start3A_320] : memref<4x2x128xi32, #tpu.memory_space<vmem>> -> memref<1x1x128xi32, #tpu.memory_space<vmem>>
    %dma_start3A_322 = tpu.memref_squeeze %dma_start3A_321 : memref<1x1x128xi32, #tpu.memory_space<vmem>> -> memref<128xi32, #tpu.memory_space<vmem>>
    %dma_start3A_323 = arith.constant 0 : i32
    %dma_start3A_324 = arith.constant 0 : i32
    %dma_start3A_325 = tpu.memref_slice %arg2[%dma_start3A_323, %dma_start3A_324] : memref<10000x128xbf16, #tpu.memory_space<hbm>> -> memref<10000x128xbf16, #tpu.memory_space<hbm>>
    tpu.enqueue_indirect_dma source(%dma_start3A_325 : memref<10000x128xbf16, #tpu.memory_space<hbm>>) target(%dma_start3A_319 : memref<128x128xbf16, #tpu.memory_space<vmem>>) offsets(%dma_start3A_322 : memref<128xi32, #tpu.memory_space<vmem>>) semaphore(%arg17 : memref<!tpu.dma_semaphore, #tpu.memory_space<semaphore_mem>>)
    %dma_wait3A_326 = arith.constant 1 : i32
    %dma_wait3A_327 = arith.constant 0 : i32
    %dma_wait3A_328 = arith.constant 1 : i32
    %dma_wait3A_329 = arith.constant 0 : i32
    %dma_wait3A_330 = arith.constant 0 : i32
    %dma_wait3A_331 = tpu.memref_slice %arg7[%dma_wait3A_328, %dma_wait3A_329, %dma_wait3A_330] : memref<4x128x128xbf16, #tpu.memory_space<vmem>> -> memref<1x128x128xbf16, #tpu.memory_space<vmem>>
    %dma_wait3A_332 = tpu.memref_squeeze %dma_wait3A_331 : memref<1x128x128xbf16, #tpu.memory_space<vmem>> -> memref<128x128xbf16, #tpu.memory_space<vmem>>
    %dma_wait3A_333 = arith.constant 0 : i32
    %dma_wait3A_334 = tpu.memref_slice %arg6[%dma_wait3A_326, %dma_wait3A_327, %dma_wait3A_333] : memref<4x2x128xi32, #tpu.memory_space<vmem>> -> memref<1x1x128xi32, #tpu.memory_space<vmem>>
    %dma_wait3A_335 = tpu.memref_squeeze %dma_wait3A_334 : memref<1x1x128xi32, #tpu.memory_space<vmem>> -> memref<128xi32, #tpu.memory_space<vmem>>
    %dma_wait3A_336 = arith.constant 0 : i32
    %dma_wait3A_337 = arith.constant 0 : i32
    %dma_wait3A_338 = tpu.memref_slice %arg2[%dma_wait3A_336, %dma_wait3A_337] : memref<10000x128xbf16, #tpu.memory_space<hbm>> -> memref<10000x128xbf16, #tpu.memory_space<hbm>>
    tpu.wait_indirect_dma semaphore(%arg15 : memref<!tpu.dma_semaphore, #tpu.memory_space<semaphore_mem>>) src(%dma_wait3A_338 : memref<10000x128xbf16, #tpu.memory_space<hbm>>) dst(%dma_wait3A_332 : memref<128x128xbf16, #tpu.memory_space<vmem>>)
    %run_scoped3A_339 = arith.constant 1 : i32
    %run_scoped3A_340 = arith.constant 1 : i32
    %run_scoped3A_341 = arith.constant 1 : i32
    "tpu.region"() ({
      %run_scoped3A_582 = tpu.sem_alloc : memref<!tpu.dma_semaphore, #tpu.memory_space<semaphore_mem>>
      %dma_start3A_583 = arith.constant 0 : i32
      %dma_start3A_584 = arith.constant 0 : i32
      %dma_start3A_585 = tpu.memref_slice %arg7[%run_scoped3A_339, %dma_start3A_583, %dma_start3A_584] : memref<4x128x128xbf16, #tpu.memory_space<vmem>> -> memref<1x128x128xbf16, #tpu.memory_space<vmem>>
      %dma_start3A_586 = tpu.memref_squeeze %dma_start3A_585 : memref<1x128x128xbf16, #tpu.memory_space<vmem>> -> memref<128x128xbf16, #tpu.memory_space<vmem>>
      %dma_start3A_587 = arith.constant 0 : i32
      %dma_start3A_588 = tpu.memref_slice %arg6[%run_scoped3A_340, %run_scoped3A_341, %dma_start3A_587] : memref<4x2x128xi32, #tpu.memory_space<vmem>> -> memref<1x1x128xi32, #tpu.memory_space<vmem>>
      %dma_start3A_589 = tpu.memref_squeeze %dma_start3A_588 : memref<1x1x128xi32, #tpu.memory_space<vmem>> -> memref<128xi32, #tpu.memory_space<vmem>>
      %dma_start3A_590 = arith.constant 0 : i32
      %dma_start3A_591 = arith.constant 0 : i32
      %dma_start3A_592 = tpu.memref_slice %arg18[%dma_start3A_590, %dma_start3A_591] : memref<10240x128xbf16, #tpu.memory_space<vmem_shared>> -> memref<10240x128xbf16, #tpu.memory_space<vmem_shared>>
      tpu.enqueue_indirect_dma source(%dma_start3A_586 : memref<128x128xbf16, #tpu.memory_space<vmem>>) target(%dma_start3A_592 : memref<10240x128xbf16, #tpu.memory_space<vmem_shared>>) offsets(%dma_start3A_589 : memref<128xi32, #tpu.memory_space<vmem>>) semaphore(%run_scoped3A_582 : memref<!tpu.dma_semaphore, #tpu.memory_space<semaphore_mem>>) {add = true}
      %dma_wait3A_593 = arith.constant 0 : i32
      %dma_wait3A_594 = arith.constant 0 : i32
      %dma_wait3A_595 = tpu.memref_slice %arg7[%run_scoped3A_339, %dma_wait3A_593, %dma_wait3A_594] : memref<4x128x128xbf16, #tpu.memory_space<vmem>> -> memref<1x128x128xbf16, #tpu.memory_space<vmem>>
      %dma_wait3A_596 = tpu.memref_squeeze %dma_wait3A_595 : memref<1x128x128xbf16, #tpu.memory_space<vmem>> -> memref<128x128xbf16, #tpu.memory_space<vmem>>
      %dma_wait3A_597 = arith.constant 0 : i32
      %dma_wait3A_598 = tpu.memref_slice %arg6[%run_scoped3A_340, %run_scoped3A_341, %dma_wait3A_597] : memref<4x2x128xi32, #tpu.memory_space<vmem>> -> memref<1x1x128xi32, #tpu.memory_space<vmem>>
      %dma_wait3A_599 = tpu.memref_squeeze %dma_wait3A_598 : memref<1x1x128xi32, #tpu.memory_space<vmem>> -> memref<128xi32, #tpu.memory_space<vmem>>
      %dma_wait3A_600 = arith.constant 0 : i32
      %dma_wait3A_601 = arith.constant 0 : i32
      %dma_wait3A_602 = tpu.memref_slice %arg18[%dma_wait3A_600, %dma_wait3A_601] : memref<10240x128xbf16, #tpu.memory_space<vmem_shared>> -> memref<10240x128xbf16, #tpu.memory_space<vmem_shared>>
      tpu.wait_indirect_dma semaphore(%run_scoped3A_582 : memref<!tpu.dma_semaphore, #tpu.memory_space<semaphore_mem>>) src(%dma_wait3A_596 : memref<128x128xbf16, #tpu.memory_space<vmem>>) dst(%dma_wait3A_602 : memref<10240x128xbf16, #tpu.memory_space<vmem_shared>>)
      tpu.yield
    }) : () -> ()
    %add3A_342 = arith.constant 9856 : i32
    %add3A_343 = arith.addi %mul3A_4, %add3A_342 : i32
    %dma_start3A_344 = arith.constant 0 : i32
    %dma_start3A_345 = arith.constant 1 : i32
    %dma_start3A_346 = arith.constant 0 : i32
    %dma_start3A_347 = arith.constant 0 : i32
    %dma_start3A_348 = tpu.memref_slice %arg6[%dma_start3A_345, %dma_start3A_346, %dma_start3A_347] : memref<4x2x128xi32, #tpu.memory_space<vmem>> -> memref<1x1x128xi32, #tpu.memory_space<vmem>>
    %dma_start3A_349 = tpu.memref_squeeze %dma_start3A_348 : memref<1x1x128xi32, #tpu.memory_space<vmem>> -> memref<128xi32, #tpu.memory_space<vmem>>
    %dma_start3A_350 = tpu.memref_slice %arg3[%dma_start3A_344, %add3A_343] : memref<2x320000xi32, #tpu.memory_space<hbm>> -> memref<1x128xi32, #tpu.memory_space<hbm>>
    %dma_start3A_351 = tpu.memref_squeeze %dma_start3A_350 : memref<1x128xi32, #tpu.memory_space<hbm>> -> memref<128xi32, #tpu.memory_space<hbm>>
    %dma_start3A_352 = arith.constant 0 : i32
    %dma_start3A_353 = tpu.memref_slice %arg6[%dma_start3A_345, %dma_start3A_346, %dma_start3A_352] : memref<4x2x128xi32, #tpu.memory_space<vmem>> -> memref<1x1x128xi32, #tpu.memory_space<vmem>>
    %dma_start3A_354 = tpu.memref_squeeze %dma_start3A_353 : memref<1x1x128xi32, #tpu.memory_space<vmem>> -> memref<128xi32, #tpu.memory_space<vmem>>
    %dma_start3A_355 = tpu.memref_slice %arg3[%dma_start3A_344, %add3A_343] : memref<2x320000xi32, #tpu.memory_space<hbm>> -> memref<1x128xi32, #tpu.memory_space<hbm>>
    %dma_start3A_356 = tpu.memref_squeeze %dma_start3A_355 : memref<1x128xi32, #tpu.memory_space<hbm>> -> memref<128xi32, #tpu.memory_space<hbm>>
    tpu.enqueue_dma source(%dma_start3A_356 : memref<128xi32, #tpu.memory_space<hbm>>) target(%dma_start3A_354 : memref<128xi32, #tpu.memory_space<vmem>>) target_semaphore(%arg11 : memref<!tpu.dma_semaphore, #tpu.memory_space<semaphore_mem>>)
    %dma_start3A_357 = arith.constant 1 : i32
    %dma_start3A_358 = arith.constant 1 : i32
    %dma_start3A_359 = arith.constant 1 : i32
    %dma_start3A_360 = arith.constant 0 : i32
    %dma_start3A_361 = tpu.memref_slice %arg6[%dma_start3A_358, %dma_start3A_359, %dma_start3A_360] : memref<4x2x128xi32, #tpu.memory_space<vmem>> -> memref<1x1x128xi32, #tpu.memory_space<vmem>>
    %dma_start3A_362 = tpu.memref_squeeze %dma_start3A_361 : memref<1x1x128xi32, #tpu.memory_space<vmem>> -> memref<128xi32, #tpu.memory_space<vmem>>
    %dma_start3A_363 = tpu.memref_slice %arg3[%dma_start3A_357, %add3A_343] : memref<2x320000xi32, #tpu.memory_space<hbm>> -> memref<1x128xi32, #tpu.memory_space<hbm>>
    %dma_start3A_364 = tpu.memref_squeeze %dma_start3A_363 : memref<1x128xi32, #tpu.memory_space<hbm>> -> memref<128xi32, #tpu.memory_space<hbm>>
    %dma_start3A_365 = arith.constant 0 : i32
    %dma_start3A_366 = tpu.memref_slice %arg6[%dma_start3A_358, %dma_start3A_359, %dma_start3A_365] : memref<4x2x128xi32, #tpu.memory_space<vmem>> -> memref<1x1x128xi32, #tpu.memory_space<vmem>>
    %dma_start3A_367 = tpu.memref_squeeze %dma_start3A_366 : memref<1x1x128xi32, #tpu.memory_space<vmem>> -> memref<128xi32, #tpu.memory_space<vmem>>
    %dma_start3A_368 = tpu.memref_slice %arg3[%dma_start3A_357, %add3A_343] : memref<2x320000xi32, #tpu.memory_space<hbm>> -> memref<1x128xi32, #tpu.memory_space<hbm>>
    %dma_start3A_369 = tpu.memref_squeeze %dma_start3A_368 : memref<1x128xi32, #tpu.memory_space<hbm>> -> memref<128xi32, #tpu.memory_space<hbm>>
    tpu.enqueue_dma source(%dma_start3A_369 : memref<128xi32, #tpu.memory_space<hbm>>) target(%dma_start3A_367 : memref<128xi32, #tpu.memory_space<vmem>>) target_semaphore(%arg11 : memref<!tpu.dma_semaphore, #tpu.memory_space<semaphore_mem>>)
    %add3A_370 = arith.constant 9728 : i32
    %add3A_371 = arith.addi %mul3A_4, %add3A_370 : i32
    %dma_wait3A_372 = arith.constant 0 : i32
    %dma_wait3A_373 = arith.constant 0 : i32
    %dma_wait3A_374 = arith.constant 0 : i32
    %dma_wait3A_375 = arith.constant 0 : i32
    %dma_wait3A_376 = tpu.memref_slice %arg6[%dma_wait3A_373, %dma_wait3A_374, %dma_wait3A_375] : memref<4x2x128xi32, #tpu.memory_space<vmem>> -> memref<1x1x128xi32, #tpu.memory_space<vmem>>
    %dma_wait3A_377 = tpu.memref_squeeze %dma_wait3A_376 : memref<1x1x128xi32, #tpu.memory_space<vmem>> -> memref<128xi32, #tpu.memory_space<vmem>>
    %dma_wait3A_378 = tpu.memref_slice %arg3[%dma_wait3A_372, %add3A_371] : memref<2x320000xi32, #tpu.memory_space<hbm>> -> memref<1x128xi32, #tpu.memory_space<hbm>>
    %dma_wait3A_379 = tpu.memref_squeeze %dma_wait3A_378 : memref<1x128xi32, #tpu.memory_space<hbm>> -> memref<128xi32, #tpu.memory_space<hbm>>
    %dma_wait3A_380 = arith.constant 0 : i32
    %dma_wait3A_381 = tpu.memref_slice %arg6[%dma_wait3A_373, %dma_wait3A_374, %dma_wait3A_380] : memref<4x2x128xi32, #tpu.memory_space<vmem>> -> memref<1x1x128xi32, #tpu.memory_space<vmem>>
    %dma_wait3A_382 = tpu.memref_squeeze %dma_wait3A_381 : memref<1x1x128xi32, #tpu.memory_space<vmem>> -> memref<128xi32, #tpu.memory_space<vmem>>
    %dma_wait3A_383 = tpu.memref_slice %arg3[%dma_wait3A_372, %add3A_371] : memref<2x320000xi32, #tpu.memory_space<hbm>> -> memref<1x128xi32, #tpu.memory_space<hbm>>
    %dma_wait3A_384 = tpu.memref_squeeze %dma_wait3A_383 : memref<1x128xi32, #tpu.memory_space<hbm>> -> memref<128xi32, #tpu.memory_space<hbm>>
    tpu.wait_dma2 semaphore(%arg10 : memref<!tpu.dma_semaphore, #tpu.memory_space<semaphore_mem>>) src(%dma_wait3A_384 : memref<128xi32, #tpu.memory_space<hbm>>) dst(%dma_wait3A_382 : memref<128xi32, #tpu.memory_space<vmem>>)
    %dma_wait3A_385 = arith.constant 1 : i32
    %dma_wait3A_386 = arith.constant 0 : i32
    %dma_wait3A_387 = arith.constant 1 : i32
    %dma_wait3A_388 = arith.constant 0 : i32
    %dma_wait3A_389 = tpu.memref_slice %arg6[%dma_wait3A_386, %dma_wait3A_387, %dma_wait3A_388] : memref<4x2x128xi32, #tpu.memory_space<vmem>> -> memref<1x1x128xi32, #tpu.memory_space<vmem>>
    %dma_wait3A_390 = tpu.memref_squeeze %dma_wait3A_389 : memref<1x1x128xi32, #tpu.memory_space<vmem>> -> memref<128xi32, #tpu.memory_space<vmem>>
    %dma_wait3A_391 = tpu.memref_slice %arg3[%dma_wait3A_385, %add3A_371] : memref<2x320000xi32, #tpu.memory_space<hbm>> -> memref<1x128xi32, #tpu.memory_space<hbm>>
    %dma_wait3A_392 = tpu.memref_squeeze %dma_wait3A_391 : memref<1x128xi32, #tpu.memory_space<hbm>> -> memref<128xi32, #tpu.memory_space<hbm>>
    %dma_wait3A_393 = arith.constant 0 : i32
    %dma_wait3A_394 = tpu.memref_slice %arg6[%dma_wait3A_386, %dma_wait3A_387, %dma_wait3A_393] : memref<4x2x128xi32, #tpu.memory_space<vmem>> -> memref<1x1x128xi32, #tpu.memory_space<vmem>>
    %dma_wait3A_395 = tpu.memref_squeeze %dma_wait3A_394 : memref<1x1x128xi32, #tpu.memory_space<vmem>> -> memref<128xi32, #tpu.memory_space<vmem>>
    %dma_wait3A_396 = tpu.memref_slice %arg3[%dma_wait3A_385, %add3A_371] : memref<2x320000xi32, #tpu.memory_space<hbm>> -> memref<1x128xi32, #tpu.memory_space<hbm>>
    %dma_wait3A_397 = tpu.memref_squeeze %dma_wait3A_396 : memref<1x128xi32, #tpu.memory_space<hbm>> -> memref<128xi32, #tpu.memory_space<hbm>>
    tpu.wait_dma2 semaphore(%arg10 : memref<!tpu.dma_semaphore, #tpu.memory_space<semaphore_mem>>) src(%dma_wait3A_397 : memref<128xi32, #tpu.memory_space<hbm>>) dst(%dma_wait3A_395 : memref<128xi32, #tpu.memory_space<vmem>>)
    %dma_start3A_398 = arith.constant 0 : i32
    %dma_start3A_399 = arith.constant 0 : i32
    %dma_start3A_400 = arith.constant 0 : i32
    %dma_start3A_401 = arith.constant 0 : i32
    %dma_start3A_402 = arith.constant 0 : i32
    %dma_start3A_403 = tpu.memref_slice %arg7[%dma_start3A_400, %dma_start3A_401, %dma_start3A_402] : memref<4x128x128xbf16, #tpu.memory_space<vmem>> -> memref<1x128x128xbf16, #tpu.memory_space<vmem>>
    %dma_start3A_404 = tpu.memref_squeeze %dma_start3A_403 : memref<1x128x128xbf16, #tpu.memory_space<vmem>> -> memref<128x128xbf16, #tpu.memory_space<vmem>>
    %dma_start3A_405 = arith.constant 0 : i32
    %dma_start3A_406 = tpu.memref_slice %arg6[%dma_start3A_398, %dma_start3A_399, %dma_start3A_405] : memref<4x2x128xi32, #tpu.memory_space<vmem>> -> memref<1x1x128xi32, #tpu.memory_space<vmem>>
    %dma_start3A_407 = tpu.memref_squeeze %dma_start3A_406 : memref<1x1x128xi32, #tpu.memory_space<vmem>> -> memref<128xi32, #tpu.memory_space<vmem>>
    %dma_start3A_408 = arith.constant 0 : i32
    %dma_start3A_409 = arith.constant 0 : i32
    %dma_start3A_410 = tpu.memref_slice %arg2[%dma_start3A_408, %dma_start3A_409] : memref<10000x128xbf16, #tpu.memory_space<hbm>> -> memref<10000x128xbf16, #tpu.memory_space<hbm>>
    tpu.enqueue_indirect_dma source(%dma_start3A_410 : memref<10000x128xbf16, #tpu.memory_space<hbm>>) target(%dma_start3A_404 : memref<128x128xbf16, #tpu.memory_space<vmem>>) offsets(%dma_start3A_407 : memref<128xi32, #tpu.memory_space<vmem>>) semaphore(%arg14 : memref<!tpu.dma_semaphore, #tpu.memory_space<semaphore_mem>>)
    %dma_wait3A_411 = arith.constant 2 : i32
    %dma_wait3A_412 = arith.constant 0 : i32
    %dma_wait3A_413 = arith.constant 2 : i32
    %dma_wait3A_414 = arith.constant 0 : i32
    %dma_wait3A_415 = arith.constant 0 : i32
    %dma_wait3A_416 = tpu.memref_slice %arg7[%dma_wait3A_413, %dma_wait3A_414, %dma_wait3A_415] : memref<4x128x128xbf16, #tpu.memory_space<vmem>> -> memref<1x128x128xbf16, #tpu.memory_space<vmem>>
    %dma_wait3A_417 = tpu.memref_squeeze %dma_wait3A_416 : memref<1x128x128xbf16, #tpu.memory_space<vmem>> -> memref<128x128xbf16, #tpu.memory_space<vmem>>
    %dma_wait3A_418 = arith.constant 0 : i32
    %dma_wait3A_419 = tpu.memref_slice %arg6[%dma_wait3A_411, %dma_wait3A_412, %dma_wait3A_418] : memref<4x2x128xi32, #tpu.memory_space<vmem>> -> memref<1x1x128xi32, #tpu.memory_space<vmem>>
    %dma_wait3A_420 = tpu.memref_squeeze %dma_wait3A_419 : memref<1x1x128xi32, #tpu.memory_space<vmem>> -> memref<128xi32, #tpu.memory_space<vmem>>
    %dma_wait3A_421 = arith.constant 0 : i32
    %dma_wait3A_422 = arith.constant 0 : i32
    %dma_wait3A_423 = tpu.memref_slice %arg2[%dma_wait3A_421, %dma_wait3A_422] : memref<10000x128xbf16, #tpu.memory_space<hbm>> -> memref<10000x128xbf16, #tpu.memory_space<hbm>>
    tpu.wait_indirect_dma semaphore(%arg16 : memref<!tpu.dma_semaphore, #tpu.memory_space<semaphore_mem>>) src(%dma_wait3A_423 : memref<10000x128xbf16, #tpu.memory_space<hbm>>) dst(%dma_wait3A_417 : memref<128x128xbf16, #tpu.memory_space<vmem>>)
    %run_scoped3A_424 = arith.constant 2 : i32
    %run_scoped3A_425 = arith.constant 2 : i32
    %run_scoped3A_426 = arith.constant 1 : i32
    "tpu.region"() ({
      %run_scoped3A_582 = tpu.sem_alloc : memref<!tpu.dma_semaphore, #tpu.memory_space<semaphore_mem>>
      %dma_start3A_583 = arith.constant 0 : i32
      %dma_start3A_584 = arith.constant 0 : i32
      %dma_start3A_585 = tpu.memref_slice %arg7[%run_scoped3A_424, %dma_start3A_583, %dma_start3A_584] : memref<4x128x128xbf16, #tpu.memory_space<vmem>> -> memref<1x128x128xbf16, #tpu.memory_space<vmem>>
      %dma_start3A_586 = tpu.memref_squeeze %dma_start3A_585 : memref<1x128x128xbf16, #tpu.memory_space<vmem>> -> memref<128x128xbf16, #tpu.memory_space<vmem>>
      %dma_start3A_587 = arith.constant 0 : i32
      %dma_start3A_588 = tpu.memref_slice %arg6[%run_scoped3A_425, %run_scoped3A_426, %dma_start3A_587] : memref<4x2x128xi32, #tpu.memory_space<vmem>> -> memref<1x1x128xi32, #tpu.memory_space<vmem>>
      %dma_start3A_589 = tpu.memref_squeeze %dma_start3A_588 : memref<1x1x128xi32, #tpu.memory_space<vmem>> -> memref<128xi32, #tpu.memory_space<vmem>>
      %dma_start3A_590 = arith.constant 0 : i32
      %dma_start3A_591 = arith.constant 0 : i32
      %dma_start3A_592 = tpu.memref_slice %arg18[%dma_start3A_590, %dma_start3A_591] : memref<10240x128xbf16, #tpu.memory_space<vmem_shared>> -> memref<10240x128xbf16, #tpu.memory_space<vmem_shared>>
      tpu.enqueue_indirect_dma source(%dma_start3A_586 : memref<128x128xbf16, #tpu.memory_space<vmem>>) target(%dma_start3A_592 : memref<10240x128xbf16, #tpu.memory_space<vmem_shared>>) offsets(%dma_start3A_589 : memref<128xi32, #tpu.memory_space<vmem>>) semaphore(%run_scoped3A_582 : memref<!tpu.dma_semaphore, #tpu.memory_space<semaphore_mem>>) {add = true}
      %dma_wait3A_593 = arith.constant 0 : i32
      %dma_wait3A_594 = arith.constant 0 : i32
      %dma_wait3A_595 = tpu.memref_slice %arg7[%run_scoped3A_424, %dma_wait3A_593, %dma_wait3A_594] : memref<4x128x128xbf16, #tpu.memory_space<vmem>> -> memref<1x128x128xbf16, #tpu.memory_space<vmem>>
      %dma_wait3A_596 = tpu.memref_squeeze %dma_wait3A_595 : memref<1x128x128xbf16, #tpu.memory_space<vmem>> -> memref<128x128xbf16, #tpu.memory_space<vmem>>
      %dma_wait3A_597 = arith.constant 0 : i32
      %dma_wait3A_598 = tpu.memref_slice %arg6[%run_scoped3A_425, %run_scoped3A_426, %dma_wait3A_597] : memref<4x2x128xi32, #tpu.memory_space<vmem>> -> memref<1x1x128xi32, #tpu.memory_space<vmem>>
      %dma_wait3A_599 = tpu.memref_squeeze %dma_wait3A_598 : memref<1x1x128xi32, #tpu.memory_space<vmem>> -> memref<128xi32, #tpu.memory_space<vmem>>
      %dma_wait3A_600 = arith.constant 0 : i32
      %dma_wait3A_601 = arith.constant 0 : i32
      %dma_wait3A_602 = tpu.memref_slice %arg18[%dma_wait3A_600, %dma_wait3A_601] : memref<10240x128xbf16, #tpu.memory_space<vmem_shared>> -> memref<10240x128xbf16, #tpu.memory_space<vmem_shared>>
      tpu.wait_indirect_dma semaphore(%run_scoped3A_582 : memref<!tpu.dma_semaphore, #tpu.memory_space<semaphore_mem>>) src(%dma_wait3A_596 : memref<128x128xbf16, #tpu.memory_space<vmem>>) dst(%dma_wait3A_602 : memref<10240x128xbf16, #tpu.memory_space<vmem_shared>>)
      tpu.yield
    }) : () -> ()
    %add3A_427 = arith.constant 9856 : i32
    %add3A_428 = arith.addi %mul3A_4, %add3A_427 : i32
    %dma_wait3A_429 = arith.constant 0 : i32
    %dma_wait3A_430 = arith.constant 1 : i32
    %dma_wait3A_431 = arith.constant 0 : i32
    %dma_wait3A_432 = arith.constant 0 : i32
    %dma_wait3A_433 = tpu.memref_slice %arg6[%dma_wait3A_430, %dma_wait3A_431, %dma_wait3A_432] : memref<4x2x128xi32, #tpu.memory_space<vmem>> -> memref<1x1x128xi32, #tpu.memory_space<vmem>>
    %dma_wait3A_434 = tpu.memref_squeeze %dma_wait3A_433 : memref<1x1x128xi32, #tpu.memory_space<vmem>> -> memref<128xi32, #tpu.memory_space<vmem>>
    %dma_wait3A_435 = tpu.memref_slice %arg3[%dma_wait3A_429, %add3A_428] : memref<2x320000xi32, #tpu.memory_space<hbm>> -> memref<1x128xi32, #tpu.memory_space<hbm>>
    %dma_wait3A_436 = tpu.memref_squeeze %dma_wait3A_435 : memref<1x128xi32, #tpu.memory_space<hbm>> -> memref<128xi32, #tpu.memory_space<hbm>>
    %dma_wait3A_437 = arith.constant 0 : i32
    %dma_wait3A_438 = tpu.memref_slice %arg6[%dma_wait3A_430, %dma_wait3A_431, %dma_wait3A_437] : memref<4x2x128xi32, #tpu.memory_space<vmem>> -> memref<1x1x128xi32, #tpu.memory_space<vmem>>
    %dma_wait3A_439 = tpu.memref_squeeze %dma_wait3A_438 : memref<1x1x128xi32, #tpu.memory_space<vmem>> -> memref<128xi32, #tpu.memory_space<vmem>>
    %dma_wait3A_440 = tpu.memref_slice %arg3[%dma_wait3A_429, %add3A_428] : memref<2x320000xi32, #tpu.memory_space<hbm>> -> memref<1x128xi32, #tpu.memory_space<hbm>>
    %dma_wait3A_441 = tpu.memref_squeeze %dma_wait3A_440 : memref<1x128xi32, #tpu.memory_space<hbm>> -> memref<128xi32, #tpu.memory_space<hbm>>
    tpu.wait_dma2 semaphore(%arg11 : memref<!tpu.dma_semaphore, #tpu.memory_space<semaphore_mem>>) src(%dma_wait3A_441 : memref<128xi32, #tpu.memory_space<hbm>>) dst(%dma_wait3A_439 : memref<128xi32, #tpu.memory_space<vmem>>)
    %dma_wait3A_442 = arith.constant 1 : i32
    %dma_wait3A_443 = arith.constant 1 : i32
    %dma_wait3A_444 = arith.constant 1 : i32
    %dma_wait3A_445 = arith.constant 0 : i32
    %dma_wait3A_446 = tpu.memref_slice %arg6[%dma_wait3A_443, %dma_wait3A_444, %dma_wait3A_445] : memref<4x2x128xi32, #tpu.memory_space<vmem>> -> memref<1x1x128xi32, #tpu.memory_space<vmem>>
    %dma_wait3A_447 = tpu.memref_squeeze %dma_wait3A_446 : memref<1x1x128xi32, #tpu.memory_space<vmem>> -> memref<128xi32, #tpu.memory_space<vmem>>
    %dma_wait3A_448 = tpu.memref_slice %arg3[%dma_wait3A_442, %add3A_428] : memref<2x320000xi32, #tpu.memory_space<hbm>> -> memref<1x128xi32, #tpu.memory_space<hbm>>
    %dma_wait3A_449 = tpu.memref_squeeze %dma_wait3A_448 : memref<1x128xi32, #tpu.memory_space<hbm>> -> memref<128xi32, #tpu.memory_space<hbm>>
    %dma_wait3A_450 = arith.constant 0 : i32
    %dma_wait3A_451 = tpu.memref_slice %arg6[%dma_wait3A_443, %dma_wait3A_444, %dma_wait3A_450] : memref<4x2x128xi32, #tpu.memory_space<vmem>> -> memref<1x1x128xi32, #tpu.memory_space<vmem>>
    %dma_wait3A_452 = tpu.memref_squeeze %dma_wait3A_451 : memref<1x1x128xi32, #tpu.memory_space<vmem>> -> memref<128xi32, #tpu.memory_space<vmem>>
    %dma_wait3A_453 = tpu.memref_slice %arg3[%dma_wait3A_442, %add3A_428] : memref<2x320000xi32, #tpu.memory_space<hbm>> -> memref<1x128xi32, #tpu.memory_space<hbm>>
    %dma_wait3A_454 = tpu.memref_squeeze %dma_wait3A_453 : memref<1x128xi32, #tpu.memory_space<hbm>> -> memref<128xi32, #tpu.memory_space<hbm>>
    tpu.wait_dma2 semaphore(%arg11 : memref<!tpu.dma_semaphore, #tpu.memory_space<semaphore_mem>>) src(%dma_wait3A_454 : memref<128xi32, #tpu.memory_space<hbm>>) dst(%dma_wait3A_452 : memref<128xi32, #tpu.memory_space<vmem>>)
    %dma_start3A_455 = arith.constant 1 : i32
    %dma_start3A_456 = arith.constant 0 : i32
    %dma_start3A_457 = arith.constant 1 : i32
    %dma_start3A_458 = arith.constant 0 : i32
    %dma_start3A_459 = arith.constant 0 : i32
    %dma_start3A_460 = tpu.memref_slice %arg7[%dma_start3A_457, %dma_start3A_458, %dma_start3A_459] : memref<4x128x128xbf16, #tpu.memory_space<vmem>> -> memref<1x128x128xbf16, #tpu.memory_space<vmem>>
    %dma_start3A_461 = tpu.memref_squeeze %dma_start3A_460 : memref<1x128x128xbf16, #tpu.memory_space<vmem>> -> memref<128x128xbf16, #tpu.memory_space<vmem>>
    %dma_start3A_462 = arith.constant 0 : i32
    %dma_start3A_463 = tpu.memref_slice %arg6[%dma_start3A_455, %dma_start3A_456, %dma_start3A_462] : memref<4x2x128xi32, #tpu.memory_space<vmem>> -> memref<1x1x128xi32, #tpu.memory_space<vmem>>
    %dma_start3A_464 = tpu.memref_squeeze %dma_start3A_463 : memref<1x1x128xi32, #tpu.memory_space<vmem>> -> memref<128xi32, #tpu.memory_space<vmem>>
    %dma_start3A_465 = arith.constant 0 : i32
    %dma_start3A_466 = arith.constant 0 : i32
    %dma_start3A_467 = tpu.memref_slice %arg2[%dma_start3A_465, %dma_start3A_466] : memref<10000x128xbf16, #tpu.memory_space<hbm>> -> memref<10000x128xbf16, #tpu.memory_space<hbm>>
    tpu.enqueue_indirect_dma source(%dma_start3A_467 : memref<10000x128xbf16, #tpu.memory_space<hbm>>) target(%dma_start3A_461 : memref<128x128xbf16, #tpu.memory_space<vmem>>) offsets(%dma_start3A_464 : memref<128xi32, #tpu.memory_space<vmem>>) semaphore(%arg15 : memref<!tpu.dma_semaphore, #tpu.memory_space<semaphore_mem>>)
    %dma_wait3A_468 = arith.constant 3 : i32
    %dma_wait3A_469 = arith.constant 0 : i32
    %dma_wait3A_470 = arith.constant 3 : i32
    %dma_wait3A_471 = arith.constant 0 : i32
    %dma_wait3A_472 = arith.constant 0 : i32
    %dma_wait3A_473 = tpu.memref_slice %arg7[%dma_wait3A_470, %dma_wait3A_471, %dma_wait3A_472] : memref<4x128x128xbf16, #tpu.memory_space<vmem>> -> memref<1x128x128xbf16, #tpu.memory_space<vmem>>
    %dma_wait3A_474 = tpu.memref_squeeze %dma_wait3A_473 : memref<1x128x128xbf16, #tpu.memory_space<vmem>> -> memref<128x128xbf16, #tpu.memory_space<vmem>>
    %dma_wait3A_475 = arith.constant 0 : i32
    %dma_wait3A_476 = tpu.memref_slice %arg6[%dma_wait3A_468, %dma_wait3A_469, %dma_wait3A_475] : memref<4x2x128xi32, #tpu.memory_space<vmem>> -> memref<1x1x128xi32, #tpu.memory_space<vmem>>
    %dma_wait3A_477 = tpu.memref_squeeze %dma_wait3A_476 : memref<1x1x128xi32, #tpu.memory_space<vmem>> -> memref<128xi32, #tpu.memory_space<vmem>>
    %dma_wait3A_478 = arith.constant 0 : i32
    %dma_wait3A_479 = arith.constant 0 : i32
    %dma_wait3A_480 = tpu.memref_slice %arg2[%dma_wait3A_478, %dma_wait3A_479] : memref<10000x128xbf16, #tpu.memory_space<hbm>> -> memref<10000x128xbf16, #tpu.memory_space<hbm>>
    tpu.wait_indirect_dma semaphore(%arg17 : memref<!tpu.dma_semaphore, #tpu.memory_space<semaphore_mem>>) src(%dma_wait3A_480 : memref<10000x128xbf16, #tpu.memory_space<hbm>>) dst(%dma_wait3A_474 : memref<128x128xbf16, #tpu.memory_space<vmem>>)
    %run_scoped3A_481 = arith.constant 3 : i32
    %run_scoped3A_482 = arith.constant 3 : i32
    %run_scoped3A_483 = arith.constant 1 : i32
    "tpu.region"() ({
      %run_scoped3A_582 = tpu.sem_alloc : memref<!tpu.dma_semaphore, #tpu.memory_space<semaphore_mem>>
      %dma_start3A_583 = arith.constant 0 : i32
      %dma_start3A_584 = arith.constant 0 : i32
      %dma_start3A_585 = tpu.memref_slice %arg7[%run_scoped3A_481, %dma_start3A_583, %dma_start3A_584] : memref<4x128x128xbf16, #tpu.memory_space<vmem>> -> memref<1x128x128xbf16, #tpu.memory_space<vmem>>
      %dma_start3A_586 = tpu.memref_squeeze %dma_start3A_585 : memref<1x128x128xbf16, #tpu.memory_space<vmem>> -> memref<128x128xbf16, #tpu.memory_space<vmem>>
      %dma_start3A_587 = arith.constant 0 : i32
      %dma_start3A_588 = tpu.memref_slice %arg6[%run_scoped3A_482, %run_scoped3A_483, %dma_start3A_587] : memref<4x2x128xi32, #tpu.memory_space<vmem>> -> memref<1x1x128xi32, #tpu.memory_space<vmem>>
      %dma_start3A_589 = tpu.memref_squeeze %dma_start3A_588 : memref<1x1x128xi32, #tpu.memory_space<vmem>> -> memref<128xi32, #tpu.memory_space<vmem>>
      %dma_start3A_590 = arith.constant 0 : i32
      %dma_start3A_591 = arith.constant 0 : i32
      %dma_start3A_592 = tpu.memref_slice %arg18[%dma_start3A_590, %dma_start3A_591] : memref<10240x128xbf16, #tpu.memory_space<vmem_shared>> -> memref<10240x128xbf16, #tpu.memory_space<vmem_shared>>
      tpu.enqueue_indirect_dma source(%dma_start3A_586 : memref<128x128xbf16, #tpu.memory_space<vmem>>) target(%dma_start3A_592 : memref<10240x128xbf16, #tpu.memory_space<vmem_shared>>) offsets(%dma_start3A_589 : memref<128xi32, #tpu.memory_space<vmem>>) semaphore(%run_scoped3A_582 : memref<!tpu.dma_semaphore, #tpu.memory_space<semaphore_mem>>) {add = true}
      %dma_wait3A_593 = arith.constant 0 : i32
      %dma_wait3A_594 = arith.constant 0 : i32
      %dma_wait3A_595 = tpu.memref_slice %arg7[%run_scoped3A_481, %dma_wait3A_593, %dma_wait3A_594] : memref<4x128x128xbf16, #tpu.memory_space<vmem>> -> memref<1x128x128xbf16, #tpu.memory_space<vmem>>
      %dma_wait3A_596 = tpu.memref_squeeze %dma_wait3A_595 : memref<1x128x128xbf16, #tpu.memory_space<vmem>> -> memref<128x128xbf16, #tpu.memory_space<vmem>>
      %dma_wait3A_597 = arith.constant 0 : i32
      %dma_wait3A_598 = tpu.memref_slice %arg6[%run_scoped3A_482, %run_scoped3A_483, %dma_wait3A_597] : memref<4x2x128xi32, #tpu.memory_space<vmem>> -> memref<1x1x128xi32, #tpu.memory_space<vmem>>
      %dma_wait3A_599 = tpu.memref_squeeze %dma_wait3A_598 : memref<1x1x128xi32, #tpu.memory_space<vmem>> -> memref<128xi32, #tpu.memory_space<vmem>>
      %dma_wait3A_600 = arith.constant 0 : i32
      %dma_wait3A_601 = arith.constant 0 : i32
      %dma_wait3A_602 = tpu.memref_slice %arg18[%dma_wait3A_600, %dma_wait3A_601] : memref<10240x128xbf16, #tpu.memory_space<vmem_shared>> -> memref<10240x128xbf16, #tpu.memory_space<vmem_shared>>
      tpu.wait_indirect_dma semaphore(%run_scoped3A_582 : memref<!tpu.dma_semaphore, #tpu.memory_space<semaphore_mem>>) src(%dma_wait3A_596 : memref<128x128xbf16, #tpu.memory_space<vmem>>) dst(%dma_wait3A_602 : memref<10240x128xbf16, #tpu.memory_space<vmem_shared>>)
      tpu.yield
    }) : () -> ()
    %dma_wait3A_484 = arith.constant 0 : i32
    %dma_wait3A_485 = arith.constant 0 : i32
    %dma_wait3A_486 = arith.constant 0 : i32
    %dma_wait3A_487 = arith.constant 0 : i32
    %dma_wait3A_488 = arith.constant 0 : i32
    %dma_wait3A_489 = tpu.memref_slice %arg7[%dma_wait3A_486, %dma_wait3A_487, %dma_wait3A_488] : memref<4x128x128xbf16, #tpu.memory_space<vmem>> -> memref<1x128x128xbf16, #tpu.memory_space<vmem>>
    %dma_wait3A_490 = tpu.memref_squeeze %dma_wait3A_489 : memref<1x128x128xbf16, #tpu.memory_space<vmem>> -> memref<128x128xbf16, #tpu.memory_space<vmem>>
    %dma_wait3A_491 = arith.constant 0 : i32
    %dma_wait3A_492 = tpu.memref_slice %arg6[%dma_wait3A_484, %dma_wait3A_485, %dma_wait3A_491] : memref<4x2x128xi32, #tpu.memory_space<vmem>> -> memref<1x1x128xi32, #tpu.memory_space<vmem>>
    %dma_wait3A_493 = tpu.memref_squeeze %dma_wait3A_492 : memref<1x1x128xi32, #tpu.memory_space<vmem>> -> memref<128xi32, #tpu.memory_space<vmem>>
    %dma_wait3A_494 = arith.constant 0 : i32
    %dma_wait3A_495 = arith.constant 0 : i32
    %dma_wait3A_496 = tpu.memref_slice %arg2[%dma_wait3A_494, %dma_wait3A_495] : memref<10000x128xbf16, #tpu.memory_space<hbm>> -> memref<10000x128xbf16, #tpu.memory_space<hbm>>
    tpu.wait_indirect_dma semaphore(%arg14 : memref<!tpu.dma_semaphore, #tpu.memory_space<semaphore_mem>>) src(%dma_wait3A_496 : memref<10000x128xbf16, #tpu.memory_space<hbm>>) dst(%dma_wait3A_490 : memref<128x128xbf16, #tpu.memory_space<vmem>>)
    %run_scoped3A_497 = arith.constant 0 : i32
    %run_scoped3A_498 = arith.constant 0 : i32
    %run_scoped3A_499 = arith.constant 1 : i32
    "tpu.region"() ({
      %run_scoped3A_582 = tpu.sem_alloc : memref<!tpu.dma_semaphore, #tpu.memory_space<semaphore_mem>>
      %dma_start3A_583 = arith.constant 0 : i32
      %dma_start3A_584 = arith.constant 0 : i32
      %dma_start3A_585 = tpu.memref_slice %arg7[%run_scoped3A_497, %dma_start3A_583, %dma_start3A_584] : memref<4x128x128xbf16, #tpu.memory_space<vmem>> -> memref<1x128x128xbf16, #tpu.memory_space<vmem>>
      %dma_start3A_586 = tpu.memref_squeeze %dma_start3A_585 : memref<1x128x128xbf16, #tpu.memory_space<vmem>> -> memref<128x128xbf16, #tpu.memory_space<vmem>>
      %dma_start3A_587 = arith.constant 0 : i32
      %dma_start3A_588 = tpu.memref_slice %arg6[%run_scoped3A_498, %run_scoped3A_499, %dma_start3A_587] : memref<4x2x128xi32, #tpu.memory_space<vmem>> -> memref<1x1x128xi32, #tpu.memory_space<vmem>>
      %dma_start3A_589 = tpu.memref_squeeze %dma_start3A_588 : memref<1x1x128xi32, #tpu.memory_space<vmem>> -> memref<128xi32, #tpu.memory_space<vmem>>
      %dma_start3A_590 = arith.constant 0 : i32
      %dma_start3A_591 = arith.constant 0 : i32
      %dma_start3A_592 = tpu.memref_slice %arg18[%dma_start3A_590, %dma_start3A_591] : memref<10240x128xbf16, #tpu.memory_space<vmem_shared>> -> memref<10240x128xbf16, #tpu.memory_space<vmem_shared>>
      tpu.enqueue_indirect_dma source(%dma_start3A_586 : memref<128x128xbf16, #tpu.memory_space<vmem>>) target(%dma_start3A_592 : memref<10240x128xbf16, #tpu.memory_space<vmem_shared>>) offsets(%dma_start3A_589 : memref<128xi32, #tpu.memory_space<vmem>>) semaphore(%run_scoped3A_582 : memref<!tpu.dma_semaphore, #tpu.memory_space<semaphore_mem>>) {add = true}
      %dma_wait3A_593 = arith.constant 0 : i32
      %dma_wait3A_594 = arith.constant 0 : i32
      %dma_wait3A_595 = tpu.memref_slice %arg7[%run_scoped3A_497, %dma_wait3A_593, %dma_wait3A_594] : memref<4x128x128xbf16, #tpu.memory_space<vmem>> -> memref<1x128x128xbf16, #tpu.memory_space<vmem>>
      %dma_wait3A_596 = tpu.memref_squeeze %dma_wait3A_595 : memref<1x128x128xbf16, #tpu.memory_space<vmem>> -> memref<128x128xbf16, #tpu.memory_space<vmem>>
      %dma_wait3A_597 = arith.constant 0 : i32
      %dma_wait3A_598 = tpu.memref_slice %arg6[%run_scoped3A_498, %run_scoped3A_499, %dma_wait3A_597] : memref<4x2x128xi32, #tpu.memory_space<vmem>> -> memref<1x1x128xi32, #tpu.memory_space<vmem>>
      %dma_wait3A_599 = tpu.memref_squeeze %dma_wait3A_598 : memref<1x1x128xi32, #tpu.memory_space<vmem>> -> memref<128xi32, #tpu.memory_space<vmem>>
      %dma_wait3A_600 = arith.constant 0 : i32
      %dma_wait3A_601 = arith.constant 0 : i32
      %dma_wait3A_602 = tpu.memref_slice %arg18[%dma_wait3A_600, %dma_wait3A_601] : memref<10240x128xbf16, #tpu.memory_space<vmem_shared>> -> memref<10240x128xbf16, #tpu.memory_space<vmem_shared>>
      tpu.wait_indirect_dma semaphore(%run_scoped3A_582 : memref<!tpu.dma_semaphore, #tpu.memory_space<semaphore_mem>>) src(%dma_wait3A_596 : memref<128x128xbf16, #tpu.memory_space<vmem>>) dst(%dma_wait3A_602 : memref<10240x128xbf16, #tpu.memory_space<vmem_shared>>)
      tpu.yield
    }) : () -> ()
    %dma_wait3A_500 = arith.constant 1 : i32
    %dma_wait3A_501 = arith.constant 0 : i32
    %dma_wait3A_502 = arith.constant 1 : i32
    %dma_wait3A_503 = arith.constant 0 : i32
    %dma_wait3A_504 = arith.constant 0 : i32
    %dma_wait3A_505 = tpu.memref_slice %arg7[%dma_wait3A_502, %dma_wait3A_503, %dma_wait3A_504] : memref<4x128x128xbf16, #tpu.memory_space<vmem>> -> memref<1x128x128xbf16, #tpu.memory_space<vmem>>
    %dma_wait3A_506 = tpu.memref_squeeze %dma_wait3A_505 : memref<1x128x128xbf16, #tpu.memory_space<vmem>> -> memref<128x128xbf16, #tpu.memory_space<vmem>>
    %dma_wait3A_507 = arith.constant 0 : i32
    %dma_wait3A_508 = tpu.memref_slice %arg6[%dma_wait3A_500, %dma_wait3A_501, %dma_wait3A_507] : memref<4x2x128xi32, #tpu.memory_space<vmem>> -> memref<1x1x128xi32, #tpu.memory_space<vmem>>
    %dma_wait3A_509 = tpu.memref_squeeze %dma_wait3A_508 : memref<1x1x128xi32, #tpu.memory_space<vmem>> -> memref<128xi32, #tpu.memory_space<vmem>>
    %dma_wait3A_510 = arith.constant 0 : i32
    %dma_wait3A_511 = arith.constant 0 : i32
    %dma_wait3A_512 = tpu.memref_slice %arg2[%dma_wait3A_510, %dma_wait3A_511] : memref<10000x128xbf16, #tpu.memory_space<hbm>> -> memref<10000x128xbf16, #tpu.memory_space<hbm>>
    tpu.wait_indirect_dma semaphore(%arg15 : memref<!tpu.dma_semaphore, #tpu.memory_space<semaphore_mem>>) src(%dma_wait3A_512 : memref<10000x128xbf16, #tpu.memory_space<hbm>>) dst(%dma_wait3A_506 : memref<128x128xbf16, #tpu.memory_space<vmem>>)
    %run_scoped3A_513 = arith.constant 1 : i32
    %run_scoped3A_514 = arith.constant 1 : i32
    %run_scoped3A_515 = arith.constant 1 : i32
    "tpu.region"() ({
      %run_scoped3A_582 = tpu.sem_alloc : memref<!tpu.dma_semaphore, #tpu.memory_space<semaphore_mem>>
      %dma_start3A_583 = arith.constant 0 : i32
      %dma_start3A_584 = arith.constant 0 : i32
      %dma_start3A_585 = tpu.memref_slice %arg7[%run_scoped3A_513, %dma_start3A_583, %dma_start3A_584] : memref<4x128x128xbf16, #tpu.memory_space<vmem>> -> memref<1x128x128xbf16, #tpu.memory_space<vmem>>
      %dma_start3A_586 = tpu.memref_squeeze %dma_start3A_585 : memref<1x128x128xbf16, #tpu.memory_space<vmem>> -> memref<128x128xbf16, #tpu.memory_space<vmem>>
      %dma_start3A_587 = arith.constant 0 : i32
      %dma_start3A_588 = tpu.memref_slice %arg6[%run_scoped3A_514, %run_scoped3A_515, %dma_start3A_587] : memref<4x2x128xi32, #tpu.memory_space<vmem>> -> memref<1x1x128xi32, #tpu.memory_space<vmem>>
      %dma_start3A_589 = tpu.memref_squeeze %dma_start3A_588 : memref<1x1x128xi32, #tpu.memory_space<vmem>> -> memref<128xi32, #tpu.memory_space<vmem>>
      %dma_start3A_590 = arith.constant 0 : i32
      %dma_start3A_591 = arith.constant 0 : i32
      %dma_start3A_592 = tpu.memref_slice %arg18[%dma_start3A_590, %dma_start3A_591] : memref<10240x128xbf16, #tpu.memory_space<vmem_shared>> -> memref<10240x128xbf16, #tpu.memory_space<vmem_shared>>
      tpu.enqueue_indirect_dma source(%dma_start3A_586 : memref<128x128xbf16, #tpu.memory_space<vmem>>) target(%dma_start3A_592 : memref<10240x128xbf16, #tpu.memory_space<vmem_shared>>) offsets(%dma_start3A_589 : memref<128xi32, #tpu.memory_space<vmem>>) semaphore(%run_scoped3A_582 : memref<!tpu.dma_semaphore, #tpu.memory_space<semaphore_mem>>) {add = true}
      %dma_wait3A_593 = arith.constant 0 : i32
      %dma_wait3A_594 = arith.constant 0 : i32
      %dma_wait3A_595 = tpu.memref_slice %arg7[%run_scoped3A_513, %dma_wait3A_593, %dma_wait3A_594] : memref<4x128x128xbf16, #tpu.memory_space<vmem>> -> memref<1x128x128xbf16, #tpu.memory_space<vmem>>
      %dma_wait3A_596 = tpu.memref_squeeze %dma_wait3A_595 : memref<1x128x128xbf16, #tpu.memory_space<vmem>> -> memref<128x128xbf16, #tpu.memory_space<vmem>>
      %dma_wait3A_597 = arith.constant 0 : i32
      %dma_wait3A_598 = tpu.memref_slice %arg6[%run_scoped3A_514, %run_scoped3A_515, %dma_wait3A_597] : memref<4x2x128xi32, #tpu.memory_space<vmem>> -> memref<1x1x128xi32, #tpu.memory_space<vmem>>
      %dma_wait3A_599 = tpu.memref_squeeze %dma_wait3A_598 : memref<1x1x128xi32, #tpu.memory_space<vmem>> -> memref<128xi32, #tpu.memory_space<vmem>>
      %dma_wait3A_600 = arith.constant 0 : i32
      %dma_wait3A_601 = arith.constant 0 : i32
      %dma_wait3A_602 = tpu.memref_slice %arg18[%dma_wait3A_600, %dma_wait3A_601] : memref<10240x128xbf16, #tpu.memory_space<vmem_shared>> -> memref<10240x128xbf16, #tpu.memory_space<vmem_shared>>
      tpu.wait_indirect_dma semaphore(%run_scoped3A_582 : memref<!tpu.dma_semaphore, #tpu.memory_space<semaphore_mem>>) src(%dma_wait3A_596 : memref<128x128xbf16, #tpu.memory_space<vmem>>) dst(%dma_wait3A_602 : memref<10240x128xbf16, #tpu.memory_space<vmem_shared>>)
      tpu.yield
    }) : () -> ()
    %add3A_516 = arith.constant 9984 : i32
    %add3A_517 = arith.addi %mul3A_4, %add3A_516 : i32
    %dma_start3A_518 = arith.constant 0 : i32
    %dma_start3A_519 = arith.constant 0 : i32
    %dma_start3A_520 = arith.constant 0 : i32
    %dma_start3A_521 = tpu.memref_slice %arg8[%dma_start3A_519, %dma_start3A_520] : memref<2x16xi32, #tpu.memory_space<vmem>> -> memref<1x16xi32, #tpu.memory_space<vmem>>
    %dma_start3A_522 = tpu.memref_squeeze %dma_start3A_521 : memref<1x16xi32, #tpu.memory_space<vmem>> -> memref<16xi32, #tpu.memory_space<vmem>>
    %dma_start3A_523 = tpu.memref_slice %arg3[%dma_start3A_518, %add3A_517] : memref<2x320000xi32, #tpu.memory_space<hbm>> -> memref<1x16xi32, #tpu.memory_space<hbm>>
    %dma_start3A_524 = tpu.memref_squeeze %dma_start3A_523 : memref<1x16xi32, #tpu.memory_space<hbm>> -> memref<16xi32, #tpu.memory_space<hbm>>
    %dma_start3A_525 = arith.constant 0 : i32
    %dma_start3A_526 = tpu.memref_slice %arg8[%dma_start3A_519, %dma_start3A_525] : memref<2x16xi32, #tpu.memory_space<vmem>> -> memref<1x16xi32, #tpu.memory_space<vmem>>
    %dma_start3A_527 = tpu.memref_squeeze %dma_start3A_526 : memref<1x16xi32, #tpu.memory_space<vmem>> -> memref<16xi32, #tpu.memory_space<vmem>>
    %dma_start3A_528 = tpu.memref_slice %arg3[%dma_start3A_518, %add3A_517] : memref<2x320000xi32, #tpu.memory_space<hbm>> -> memref<1x16xi32, #tpu.memory_space<hbm>>
    %dma_start3A_529 = tpu.memref_squeeze %dma_start3A_528 : memref<1x16xi32, #tpu.memory_space<hbm>> -> memref<16xi32, #tpu.memory_space<hbm>>
    tpu.enqueue_dma source(%dma_start3A_529 : memref<16xi32, #tpu.memory_space<hbm>>) target(%dma_start3A_527 : memref<16xi32, #tpu.memory_space<vmem>>) target_semaphore(%arg10 : memref<!tpu.dma_semaphore, #tpu.memory_space<semaphore_mem>>)
    %dma_start3A_530 = arith.constant 1 : i32
    %dma_start3A_531 = arith.constant 1 : i32
    %dma_start3A_532 = arith.constant 0 : i32
    %dma_start3A_533 = tpu.memref_slice %arg8[%dma_start3A_531, %dma_start3A_532] : memref<2x16xi32, #tpu.memory_space<vmem>> -> memref<1x16xi32, #tpu.memory_space<vmem>>
    %dma_start3A_534 = tpu.memref_squeeze %dma_start3A_533 : memref<1x16xi32, #tpu.memory_space<vmem>> -> memref<16xi32, #tpu.memory_space<vmem>>
    %dma_start3A_535 = tpu.memref_slice %arg3[%dma_start3A_530, %add3A_517] : memref<2x320000xi32, #tpu.memory_space<hbm>> -> memref<1x16xi32, #tpu.memory_space<hbm>>
    %dma_start3A_536 = tpu.memref_squeeze %dma_start3A_535 : memref<1x16xi32, #tpu.memory_space<hbm>> -> memref<16xi32, #tpu.memory_space<hbm>>
    %dma_start3A_537 = arith.constant 0 : i32
    %dma_start3A_538 = tpu.memref_slice %arg8[%dma_start3A_531, %dma_start3A_537] : memref<2x16xi32, #tpu.memory_space<vmem>> -> memref<1x16xi32, #tpu.memory_space<vmem>>
    %dma_start3A_539 = tpu.memref_squeeze %dma_start3A_538 : memref<1x16xi32, #tpu.memory_space<vmem>> -> memref<16xi32, #tpu.memory_space<vmem>>
    %dma_start3A_540 = tpu.memref_slice %arg3[%dma_start3A_530, %add3A_517] : memref<2x320000xi32, #tpu.memory_space<hbm>> -> memref<1x16xi32, #tpu.memory_space<hbm>>
    %dma_start3A_541 = tpu.memref_squeeze %dma_start3A_540 : memref<1x16xi32, #tpu.memory_space<hbm>> -> memref<16xi32, #tpu.memory_space<hbm>>
    tpu.enqueue_dma source(%dma_start3A_541 : memref<16xi32, #tpu.memory_space<hbm>>) target(%dma_start3A_539 : memref<16xi32, #tpu.memory_space<vmem>>) target_semaphore(%arg10 : memref<!tpu.dma_semaphore, #tpu.memory_space<semaphore_mem>>)
    %dma_wait3A_542 = arith.constant 0 : i32
    %dma_wait3A_543 = arith.constant 0 : i32
    %dma_wait3A_544 = arith.constant 0 : i32
    %dma_wait3A_545 = tpu.memref_slice %arg8[%dma_wait3A_543, %dma_wait3A_544] : memref<2x16xi32, #tpu.memory_space<vmem>> -> memref<1x16xi32, #tpu.memory_space<vmem>>
    %dma_wait3A_546 = tpu.memref_squeeze %dma_wait3A_545 : memref<1x16xi32, #tpu.memory_space<vmem>> -> memref<16xi32, #tpu.memory_space<vmem>>
    %dma_wait3A_547 = tpu.memref_slice %arg3[%dma_wait3A_542, %add3A_517] : memref<2x320000xi32, #tpu.memory_space<hbm>> -> memref<1x16xi32, #tpu.memory_space<hbm>>
    %dma_wait3A_548 = tpu.memref_squeeze %dma_wait3A_547 : memref<1x16xi32, #tpu.memory_space<hbm>> -> memref<16xi32, #tpu.memory_space<hbm>>
    %dma_wait3A_549 = arith.constant 0 : i32
    %dma_wait3A_550 = tpu.memref_slice %arg8[%dma_wait3A_543, %dma_wait3A_549] : memref<2x16xi32, #tpu.memory_space<vmem>> -> memref<1x16xi32, #tpu.memory_space<vmem>>
    %dma_wait3A_551 = tpu.memref_squeeze %dma_wait3A_550 : memref<1x16xi32, #tpu.memory_space<vmem>> -> memref<16xi32, #tpu.memory_space<vmem>>
    %dma_wait3A_552 = tpu.memref_slice %arg3[%dma_wait3A_542, %add3A_517] : memref<2x320000xi32, #tpu.memory_space<hbm>> -> memref<1x16xi32, #tpu.memory_space<hbm>>
    %dma_wait3A_553 = tpu.memref_squeeze %dma_wait3A_552 : memref<1x16xi32, #tpu.memory_space<hbm>> -> memref<16xi32, #tpu.memory_space<hbm>>
    tpu.wait_dma2 semaphore(%arg10 : memref<!tpu.dma_semaphore, #tpu.memory_space<semaphore_mem>>) src(%dma_wait3A_553 : memref<16xi32, #tpu.memory_space<hbm>>) dst(%dma_wait3A_551 : memref<16xi32, #tpu.memory_space<vmem>>)
    %dma_wait3A_554 = arith.constant 1 : i32
    %dma_wait3A_555 = arith.constant 1 : i32
    %dma_wait3A_556 = arith.constant 0 : i32
    %dma_wait3A_557 = tpu.memref_slice %arg8[%dma_wait3A_555, %dma_wait3A_556] : memref<2x16xi32, #tpu.memory_space<vmem>> -> memref<1x16xi32, #tpu.memory_space<vmem>>
    %dma_wait3A_558 = tpu.memref_squeeze %dma_wait3A_557 : memref<1x16xi32, #tpu.memory_space<vmem>> -> memref<16xi32, #tpu.memory_space<vmem>>
    %dma_wait3A_559 = tpu.memref_slice %arg3[%dma_wait3A_554, %add3A_517] : memref<2x320000xi32, #tpu.memory_space<hbm>> -> memref<1x16xi32, #tpu.memory_space<hbm>>
    %dma_wait3A_560 = tpu.memref_squeeze %dma_wait3A_559 : memref<1x16xi32, #tpu.memory_space<hbm>> -> memref<16xi32, #tpu.memory_space<hbm>>
    %dma_wait3A_561 = arith.constant 0 : i32
    %dma_wait3A_562 = tpu.memref_slice %arg8[%dma_wait3A_555, %dma_wait3A_561] : memref<2x16xi32, #tpu.memory_space<vmem>> -> memref<1x16xi32, #tpu.memory_space<vmem>>
    %dma_wait3A_563 = tpu.memref_squeeze %dma_wait3A_562 : memref<1x16xi32, #tpu.memory_space<vmem>> -> memref<16xi32, #tpu.memory_space<vmem>>
    %dma_wait3A_564 = tpu.memref_slice %arg3[%dma_wait3A_554, %add3A_517] : memref<2x320000xi32, #tpu.memory_space<hbm>> -> memref<1x16xi32, #tpu.memory_space<hbm>>
    %dma_wait3A_565 = tpu.memref_squeeze %dma_wait3A_564 : memref<1x16xi32, #tpu.memory_space<hbm>> -> memref<16xi32, #tpu.memory_space<hbm>>
    tpu.wait_dma2 semaphore(%arg10 : memref<!tpu.dma_semaphore, #tpu.memory_space<semaphore_mem>>) src(%dma_wait3A_565 : memref<16xi32, #tpu.memory_space<hbm>>) dst(%dma_wait3A_563 : memref<16xi32, #tpu.memory_space<vmem>>)
    %dma_start3A_566 = arith.constant 0 : i32
    %dma_start3A_567 = arith.constant 0 : i32
    %dma_start3A_568 = tpu.memref_slice %arg8[%dma_start3A_566, %dma_start3A_567] : memref<2x16xi32, #tpu.memory_space<vmem>> -> memref<1x16xi32, #tpu.memory_space<vmem>>
    %dma_start3A_569 = tpu.memref_squeeze %dma_start3A_568 : memref<1x16xi32, #tpu.memory_space<vmem>> -> memref<16xi32, #tpu.memory_space<vmem>>
    %dma_start3A_570 = arith.constant 0 : i32
    %dma_start3A_571 = arith.constant 0 : i32
    %dma_start3A_572 = tpu.memref_slice %arg2[%dma_start3A_570, %dma_start3A_571] : memref<10000x128xbf16, #tpu.memory_space<hbm>> -> memref<10000x128xbf16, #tpu.memory_space<hbm>>
    tpu.enqueue_indirect_dma source(%dma_start3A_572 : memref<10000x128xbf16, #tpu.memory_space<hbm>>) target(%arg9 : memref<16x128xbf16, #tpu.memory_space<vmem>>) offsets(%dma_start3A_569 : memref<16xi32, #tpu.memory_space<vmem>>) semaphore(%arg14 : memref<!tpu.dma_semaphore, #tpu.memory_space<semaphore_mem>>)
    %dma_wait3A_573 = arith.constant 0 : i32
    %dma_wait3A_574 = arith.constant 0 : i32
    %dma_wait3A_575 = tpu.memref_slice %arg8[%dma_wait3A_573, %dma_wait3A_574] : memref<2x16xi32, #tpu.memory_space<vmem>> -> memref<1x16xi32, #tpu.memory_space<vmem>>
    %dma_wait3A_576 = tpu.memref_squeeze %dma_wait3A_575 : memref<1x16xi32, #tpu.memory_space<vmem>> -> memref<16xi32, #tpu.memory_space<vmem>>
    %dma_wait3A_577 = arith.constant 0 : i32
    %dma_wait3A_578 = arith.constant 0 : i32
    %dma_wait3A_579 = tpu.memref_slice %arg2[%dma_wait3A_577, %dma_wait3A_578] : memref<10000x128xbf16, #tpu.memory_space<hbm>> -> memref<10000x128xbf16, #tpu.memory_space<hbm>>
    tpu.wait_indirect_dma semaphore(%arg14 : memref<!tpu.dma_semaphore, #tpu.memory_space<semaphore_mem>>) src(%dma_wait3A_579 : memref<10000x128xbf16, #tpu.memory_space<hbm>>) dst(%arg9 : memref<16x128xbf16, #tpu.memory_space<vmem>>)
    %run_scoped3A_580 = arith.constant 1 : i32
    "tpu.region"() ({
      %run_scoped3A_582 = tpu.sem_alloc : memref<!tpu.dma_semaphore, #tpu.memory_space<semaphore_mem>>
      %dma_start3A_583 = arith.constant 0 : i32
      %dma_start3A_584 = tpu.memref_slice %arg8[%run_scoped3A_580, %dma_start3A_583] : memref<2x16xi32, #tpu.memory_space<vmem>> -> memref<1x16xi32, #tpu.memory_space<vmem>>
      %dma_start3A_585 = tpu.memref_squeeze %dma_start3A_584 : memref<1x16xi32, #tpu.memory_space<vmem>> -> memref<16xi32, #tpu.memory_space<vmem>>
      %dma_start3A_586 = arith.constant 0 : i32
      %dma_start3A_587 = arith.constant 0 : i32
      %dma_start3A_588 = tpu.memref_slice %arg18[%dma_start3A_586, %dma_start3A_587] : memref<10240x128xbf16, #tpu.memory_space<vmem_shared>> -> memref<10240x128xbf16, #tpu.memory_space<vmem_shared>>
      tpu.enqueue_indirect_dma source(%arg9 : memref<16x128xbf16, #tpu.memory_space<vmem>>) target(%dma_start3A_588 : memref<10240x128xbf16, #tpu.memory_space<vmem_shared>>) offsets(%dma_start3A_585 : memref<16xi32, #tpu.memory_space<vmem>>) semaphore(%run_scoped3A_582 : memref<!tpu.dma_semaphore, #tpu.memory_space<semaphore_mem>>) {add = true}
      %dma_wait3A_589 = arith.constant 0 : i32
      %dma_wait3A_590 = tpu.memref_slice %arg8[%run_scoped3A_580, %dma_wait3A_589] : memref<2x16xi32, #tpu.memory_space<vmem>> -> memref<1x16xi32, #tpu.memory_space<vmem>>
      %dma_wait3A_591 = tpu.memref_squeeze %dma_wait3A_590 : memref<1x16xi32, #tpu.memory_space<vmem>> -> memref<16xi32, #tpu.memory_space<vmem>>
      %dma_wait3A_592 = arith.constant 0 : i32
      %dma_wait3A_593 = arith.constant 0 : i32
      %dma_wait3A_594 = tpu.memref_slice %arg18[%dma_wait3A_592, %dma_wait3A_593] : memref<10240x128xbf16, #tpu.memory_space<vmem_shared>> -> memref<10240x128xbf16, #tpu.memory_space<vmem_shared>>
      tpu.wait_indirect_dma semaphore(%run_scoped3A_582 : memref<!tpu.dma_semaphore, #tpu.memory_space<semaphore_mem>>) src(%arg9 : memref<16x128xbf16, #tpu.memory_space<vmem>>) dst(%dma_wait3A_594 : memref<10240x128xbf16, #tpu.memory_space<vmem_shared>>)
      tpu.yield
    }) : () -> ()
    %barrier3A_581 = arith.constant 0 : index
    tpu.barrier barrier_id(%barrier3A_581)
    "tpu.region"() ({
      %run_scoped3A_582 = tpu.sem_alloc : memref<!tpu.dma_semaphore, #tpu.memory_space<semaphore_mem>>
      %dma_start3A_583 = arith.constant 0 : i32
      %dma_start3A_584 = tpu.memref_slice %arg5[%arg0, %mul3A_2, %dma_start3A_583] : memref<2x10240x128xbf16, #tpu.memory_space<hbm>> -> memref<1x640x128xbf16, #tpu.memory_space<hbm>>
      %dma_start3A_585 = tpu.memref_squeeze %dma_start3A_584 : memref<1x640x128xbf16, #tpu.memory_space<hbm>> -> memref<640x128xbf16, #tpu.memory_space<hbm>>
      %dma_start3A_586 = arith.constant 0 : i32
      %dma_start3A_587 = tpu.memref_slice %arg18[%mul3A_2, %dma_start3A_586] : memref<10240x128xbf16, #tpu.memory_space<vmem_shared>> -> memref<640x128xbf16, #tpu.memory_space<vmem_shared>>
      tpu.enqueue_dma source(%dma_start3A_587 : memref<640x128xbf16, #tpu.memory_space<vmem_shared>>) target(%dma_start3A_585 : memref<640x128xbf16, #tpu.memory_space<hbm>>) target_semaphore(%run_scoped3A_582 : memref<!tpu.dma_semaphore, #tpu.memory_space<semaphore_mem>>)
      %dma_wait3A_588 = arith.constant 0 : i32
      %dma_wait3A_589 = tpu.memref_slice %arg5[%arg0, %mul3A_2, %dma_wait3A_588] : memref<2x10240x128xbf16, #tpu.memory_space<hbm>> -> memref<1x640x128xbf16, #tpu.memory_space<hbm>>
      %dma_wait3A_590 = tpu.memref_squeeze %dma_wait3A_589 : memref<1x640x128xbf16, #tpu.memory_space<hbm>> -> memref<640x128xbf16, #tpu.memory_space<hbm>>
      %dma_wait3A_591 = arith.constant 0 : i32
      %dma_wait3A_592 = tpu.memref_slice %arg18[%mul3A_2, %dma_wait3A_591] : memref<10240x128xbf16, #tpu.memory_space<vmem_shared>> -> memref<640x128xbf16, #tpu.memory_space<vmem_shared>>
      tpu.wait_dma2 semaphore(%run_scoped3A_582 : memref<!tpu.dma_semaphore, #tpu.memory_space<semaphore_mem>>) src(%dma_wait3A_592 : memref<640x128xbf16, #tpu.memory_space<vmem_shared>>) dst(%dma_wait3A_590 : memref<640x128xbf16, #tpu.memory_space<hbm>>)
      tpu.yield
    }) : () -> ()
    return
  }
}

#map = affine_map<(d0, d1) -> (0, 0)>
#map1 = affine_map<(d0, d1) -> (0, 0, 0)>
module attributes {stable_mosaic.version = 14 : i64} {
  func.func @agg_kernel(%arg0: i32, %arg1: i32, %arg2: memref<10000x128xbf16, #tpu.memory_space<hbm>>, %arg3: memref<2x320000xi32, #tpu.memory_space<hbm>>, %arg4: memref<640x128xbf16, #tpu.memory_space<hbm>>, %arg5: memref<640x16xf32, #tpu.memory_space<hbm>>, %arg6: memref<2x10240x128xbf16, #tpu.memory_space<hbm>>, %arg7: memref<2x10240x16xf32, #tpu.memory_space<hbm>>, %arg8: memref<4x2x128xi32, #tpu.memory_space<vmem>>, %arg9: memref<4x128x128xbf16, #tpu.memory_space<vmem>>, %arg10: memref<2x16xi32, #tpu.memory_space<vmem>>, %arg11: memref<16x128xbf16, #tpu.memory_space<vmem>>, %arg12: memref<!tpu.dma_semaphore, #tpu.memory_space<semaphore_mem>>, %arg13: memref<!tpu.dma_semaphore, #tpu.memory_space<semaphore_mem>>, %arg14: memref<!tpu.dma_semaphore, #tpu.memory_space<semaphore_mem>>, %arg15: memref<!tpu.dma_semaphore, #tpu.memory_space<semaphore_mem>>, %arg16: memref<!tpu.dma_semaphore, #tpu.memory_space<semaphore_mem>>, %arg17: memref<!tpu.dma_semaphore, #tpu.memory_space<semaphore_mem>>, %arg18: memref<!tpu.dma_semaphore, #tpu.memory_space<semaphore_mem>>, %arg19: memref<!tpu.dma_semaphore, #tpu.memory_space<semaphore_mem>>, %arg20: memref<10240x128xbf16, #tpu.memory_space<vmem_shared>>, %arg21: memref<128x16xf32, #tpu.memory_space<vmem>>, %arg22: memref<10240x16xf32, #tpu.memory_space<vmem_shared>>) attributes {dimension_semantics = [#tpu.dimension_semantics<core_parallel>, #tpu.dimension_semantics<subcore_parallel>], iteration_bounds = array<i64: 2, 16>, scalar_prefetch = 0 : i64, scratch_operands = 15 : i64, tpu.core_type = #tpu.core_type<sc_vector_subcore>, window_params = [{transform_indices = #map}, {transform_indices = #map}, {transform_indices = #map}, {transform_indices = #map}, {transform_indices = #map1}, {transform_indices = #map1}]} {
    %mul3A = arith.constant 2 : i32
    %mul3A_0 = arith.muli %arg1, %mul3A : i32
    %add3A = arith.addi %mul3A_0, %arg0 : i32
    %mul3A_1 = arith.constant 640 : i32
    %mul3A_2 = arith.muli %arg1, %mul3A_1 : i32
    "tpu.region"() ({
      %run_scoped3A_600 = tpu.sem_alloc : memref<!tpu.dma_semaphore, #tpu.memory_space<semaphore_mem>>
      %dma_start3A_601 = arith.constant 0 : i32
      %dma_start3A_602 = tpu.memref_slice %arg20[%mul3A_2, %dma_start3A_601] : memref<10240x128xbf16, #tpu.memory_space<vmem_shared>> -> memref<640x128xbf16, #tpu.memory_space<vmem_shared>>
      tpu.enqueue_dma source(%arg4 : memref<640x128xbf16, #tpu.memory_space<hbm>>) target(%dma_start3A_602 : memref<640x128xbf16, #tpu.memory_space<vmem_shared>>) target_semaphore(%run_scoped3A_600 : memref<!tpu.dma_semaphore, #tpu.memory_space<semaphore_mem>>)
      %dma_wait3A_603 = arith.constant 0 : i32
      %dma_wait3A_604 = tpu.memref_slice %arg20[%mul3A_2, %dma_wait3A_603] : memref<10240x128xbf16, #tpu.memory_space<vmem_shared>> -> memref<640x128xbf16, #tpu.memory_space<vmem_shared>>
      tpu.wait_dma2 semaphore(%run_scoped3A_600 : memref<!tpu.dma_semaphore, #tpu.memory_space<semaphore_mem>>) src(%arg4 : memref<640x128xbf16, #tpu.memory_space<hbm>>) dst(%dma_wait3A_604 : memref<640x128xbf16, #tpu.memory_space<vmem_shared>>)
      tpu.yield
    }) : () -> ()
    "tpu.region"() ({
      %run_scoped3A_600 = tpu.sem_alloc : memref<!tpu.dma_semaphore, #tpu.memory_space<semaphore_mem>>
      %dma_start3A_601 = arith.constant 0 : i32
      %dma_start3A_602 = tpu.memref_slice %arg22[%mul3A_2, %dma_start3A_601] : memref<10240x16xf32, #tpu.memory_space<vmem_shared>> -> memref<640x16xf32, #tpu.memory_space<vmem_shared>>
      tpu.enqueue_dma source(%arg5 : memref<640x16xf32, #tpu.memory_space<hbm>>) target(%dma_start3A_602 : memref<640x16xf32, #tpu.memory_space<vmem_shared>>) target_semaphore(%run_scoped3A_600 : memref<!tpu.dma_semaphore, #tpu.memory_space<semaphore_mem>>)
      %dma_wait3A_603 = arith.constant 0 : i32
      %dma_wait3A_604 = tpu.memref_slice %arg22[%mul3A_2, %dma_wait3A_603] : memref<10240x16xf32, #tpu.memory_space<vmem_shared>> -> memref<640x16xf32, #tpu.memory_space<vmem_shared>>
      tpu.wait_dma2 semaphore(%run_scoped3A_600 : memref<!tpu.dma_semaphore, #tpu.memory_space<semaphore_mem>>) src(%arg5 : memref<640x16xf32, #tpu.memory_space<hbm>>) dst(%dma_wait3A_604 : memref<640x16xf32, #tpu.memory_space<vmem_shared>>)
      tpu.yield
    }) : () -> ()
    %scan3A = arith.constant 0 : i32
    %scan3A_3 = arith.constant 128 : i32
    %scan3A_4 = arith.addi %scan3A, %scan3A_3 : i32
    %scan3A_5 = arith.constant 1 : i32
    scf.for %scan3A_600 = %scan3A to %scan3A_4 step %scan3A_5  : i32 {
      %broadcast_in_dim3A = arith.constant 1.000000e+00 : f32
      %broadcast_in_dim3A_601 = vector.broadcast %broadcast_in_dim3A : f32 to vector<16xf32>
      %swap3A = arith.index_cast %scan3A_600 : i32 to index
      %swap3A_602 = arith.constant 0 : index
      %swap3A_603 = tpu.vector_load %arg21[%swap3A, %swap3A_602] {strides = array<i32>} : memref<128x16xf32, #tpu.memory_space<vmem>>, vector<1x16xf32>,
      %swap3A_604 = vector.shape_cast %swap3A_603 : vector<1x16xf32> to vector<16xf32>
      %swap3A_605 = vector.shape_cast %broadcast_in_dim3A_601 : vector<16xf32> to vector<1x16xf32>
      tpu.vector_store %arg21[%swap3A, %swap3A_602], %swap3A_605 {strides = array<i32>} : memref<128x16xf32, #tpu.memory_space<vmem>>, vector<1x16xf32>,
    }
    %scan3A_6 = arith.constant 128 : i32
    %barrier3A = arith.constant 0 : index
    tpu.barrier barrier_id(%barrier3A)
    %mul3A_7 = arith.constant 10000 : i32
    %mul3A_8 = arith.muli %add3A, %mul3A_7 : i32
    %add3A_9 = arith.constant 0 : i32
    %add3A_10 = arith.addi %mul3A_8, %add3A_9 : i32
    %dma_start3A = arith.constant 0 : i32
    %dma_start3A_11 = arith.constant 0 : i32
    %dma_start3A_12 = arith.constant 0 : i32
    %dma_start3A_13 = arith.constant 0 : i32
    %dma_start3A_14 = tpu.memref_slice %arg8[%dma_start3A_11, %dma_start3A_12, %dma_start3A_13] : memref<4x2x128xi32, #tpu.memory_space<vmem>> -> memref<1x1x128xi32, #tpu.memory_space<vmem>>
    %dma_start3A_15 = tpu.memref_squeeze %dma_start3A_14 : memref<1x1x128xi32, #tpu.memory_space<vmem>> -> memref<128xi32, #tpu.memory_space<vmem>>
    %dma_start3A_16 = tpu.memref_slice %arg3[%dma_start3A, %add3A_10] : memref<2x320000xi32, #tpu.memory_space<hbm>> -> memref<1x128xi32, #tpu.memory_space<hbm>>
    %dma_start3A_17 = tpu.memref_squeeze %dma_start3A_16 : memref<1x128xi32, #tpu.memory_space<hbm>> -> memref<128xi32, #tpu.memory_space<hbm>>
    %dma_start3A_18 = arith.constant 0 : i32
    %dma_start3A_19 = tpu.memref_slice %arg8[%dma_start3A_11, %dma_start3A_12, %dma_start3A_18] : memref<4x2x128xi32, #tpu.memory_space<vmem>> -> memref<1x1x128xi32, #tpu.memory_space<vmem>>
    %dma_start3A_20 = tpu.memref_squeeze %dma_start3A_19 : memref<1x1x128xi32, #tpu.memory_space<vmem>> -> memref<128xi32, #tpu.memory_space<vmem>>
    %dma_start3A_21 = tpu.memref_slice %arg3[%dma_start3A, %add3A_10] : memref<2x320000xi32, #tpu.memory_space<hbm>> -> memref<1x128xi32, #tpu.memory_space<hbm>>
    %dma_start3A_22 = tpu.memref_squeeze %dma_start3A_21 : memref<1x128xi32, #tpu.memory_space<hbm>> -> memref<128xi32, #tpu.memory_space<hbm>>
    tpu.enqueue_dma source(%dma_start3A_22 : memref<128xi32, #tpu.memory_space<hbm>>) target(%dma_start3A_20 : memref<128xi32, #tpu.memory_space<vmem>>) target_semaphore(%arg12 : memref<!tpu.dma_semaphore, #tpu.memory_space<semaphore_mem>>)
    %dma_start3A_23 = arith.constant 1 : i32
    %dma_start3A_24 = arith.constant 0 : i32
    %dma_start3A_25 = arith.constant 1 : i32
    %dma_start3A_26 = arith.constant 0 : i32
    %dma_start3A_27 = tpu.memref_slice %arg8[%dma_start3A_24, %dma_start3A_25, %dma_start3A_26] : memref<4x2x128xi32, #tpu.memory_space<vmem>> -> memref<1x1x128xi32, #tpu.memory_space<vmem>>
    %dma_start3A_28 = tpu.memref_squeeze %dma_start3A_27 : memref<1x1x128xi32, #tpu.memory_space<vmem>> -> memref<128xi32, #tpu.memory_space<vmem>>
    %dma_start3A_29 = tpu.memref_slice %arg3[%dma_start3A_23, %add3A_10] : memref<2x320000xi32, #tpu.memory_space<hbm>> -> memref<1x128xi32, #tpu.memory_space<hbm>>
    %dma_start3A_30 = tpu.memref_squeeze %dma_start3A_29 : memref<1x128xi32, #tpu.memory_space<hbm>> -> memref<128xi32, #tpu.memory_space<hbm>>
    %dma_start3A_31 = arith.constant 0 : i32
    %dma_start3A_32 = tpu.memref_slice %arg8[%dma_start3A_24, %dma_start3A_25, %dma_start3A_31] : memref<4x2x128xi32, #tpu.memory_space<vmem>> -> memref<1x1x128xi32, #tpu.memory_space<vmem>>
    %dma_start3A_33 = tpu.memref_squeeze %dma_start3A_32 : memref<1x1x128xi32, #tpu.memory_space<vmem>> -> memref<128xi32, #tpu.memory_space<vmem>>
    %dma_start3A_34 = tpu.memref_slice %arg3[%dma_start3A_23, %add3A_10] : memref<2x320000xi32, #tpu.memory_space<hbm>> -> memref<1x128xi32, #tpu.memory_space<hbm>>
    %dma_start3A_35 = tpu.memref_squeeze %dma_start3A_34 : memref<1x128xi32, #tpu.memory_space<hbm>> -> memref<128xi32, #tpu.memory_space<hbm>>
    tpu.enqueue_dma source(%dma_start3A_35 : memref<128xi32, #tpu.memory_space<hbm>>) target(%dma_start3A_33 : memref<128xi32, #tpu.memory_space<vmem>>) target_semaphore(%arg12 : memref<!tpu.dma_semaphore, #tpu.memory_space<semaphore_mem>>)
    %add3A_36 = arith.constant 128 : i32
    %add3A_37 = arith.addi %mul3A_8, %add3A_36 : i32
    %dma_start3A_38 = arith.constant 0 : i32
    %dma_start3A_39 = arith.constant 1 : i32
    %dma_start3A_40 = arith.constant 0 : i32
    %dma_start3A_41 = arith.constant 0 : i32
    %dma_start3A_42 = tpu.memref_slice %arg8[%dma_start3A_39, %dma_start3A_40, %dma_start3A_41] : memref<4x2x128xi32, #tpu.memory_space<vmem>> -> memref<1x1x128xi32, #tpu.memory_space<vmem>>
    %dma_start3A_43 = tpu.memref_squeeze %dma_start3A_42 : memref<1x1x128xi32, #tpu.memory_space<vmem>> -> memref<128xi32, #tpu.memory_space<vmem>>
    %dma_start3A_44 = tpu.memref_slice %arg3[%dma_start3A_38, %add3A_37] : memref<2x320000xi32, #tpu.memory_space<hbm>> -> memref<1x128xi32, #tpu.memory_space<hbm>>
    %dma_start3A_45 = tpu.memref_squeeze %dma_start3A_44 : memref<1x128xi32, #tpu.memory_space<hbm>> -> memref<128xi32, #tpu.memory_space<hbm>>
    %dma_start3A_46 = arith.constant 0 : i32
    %dma_start3A_47 = tpu.memref_slice %arg8[%dma_start3A_39, %dma_start3A_40, %dma_start3A_46] : memref<4x2x128xi32, #tpu.memory_space<vmem>> -> memref<1x1x128xi32, #tpu.memory_space<vmem>>
    %dma_start3A_48 = tpu.memref_squeeze %dma_start3A_47 : memref<1x1x128xi32, #tpu.memory_space<vmem>> -> memref<128xi32, #tpu.memory_space<vmem>>
    %dma_start3A_49 = tpu.memref_slice %arg3[%dma_start3A_38, %add3A_37] : memref<2x320000xi32, #tpu.memory_space<hbm>> -> memref<1x128xi32, #tpu.memory_space<hbm>>
    %dma_start3A_50 = tpu.memref_squeeze %dma_start3A_49 : memref<1x128xi32, #tpu.memory_space<hbm>> -> memref<128xi32, #tpu.memory_space<hbm>>
    tpu.enqueue_dma source(%dma_start3A_50 : memref<128xi32, #tpu.memory_space<hbm>>) target(%dma_start3A_48 : memref<128xi32, #tpu.memory_space<vmem>>) target_semaphore(%arg13 : memref<!tpu.dma_semaphore, #tpu.memory_space<semaphore_mem>>)
    %dma_start3A_51 = arith.constant 1 : i32
    %dma_start3A_52 = arith.constant 1 : i32
    %dma_start3A_53 = arith.constant 1 : i32
    %dma_start3A_54 = arith.constant 0 : i32
    %dma_start3A_55 = tpu.memref_slice %arg8[%dma_start3A_52, %dma_start3A_53, %dma_start3A_54] : memref<4x2x128xi32, #tpu.memory_space<vmem>> -> memref<1x1x128xi32, #tpu.memory_space<vmem>>
    %dma_start3A_56 = tpu.memref_squeeze %dma_start3A_55 : memref<1x1x128xi32, #tpu.memory_space<vmem>> -> memref<128xi32, #tpu.memory_space<vmem>>
    %dma_start3A_57 = tpu.memref_slice %arg3[%dma_start3A_51, %add3A_37] : memref<2x320000xi32, #tpu.memory_space<hbm>> -> memref<1x128xi32, #tpu.memory_space<hbm>>
    %dma_start3A_58 = tpu.memref_squeeze %dma_start3A_57 : memref<1x128xi32, #tpu.memory_space<hbm>> -> memref<128xi32, #tpu.memory_space<hbm>>
    %dma_start3A_59 = arith.constant 0 : i32
    %dma_start3A_60 = tpu.memref_slice %arg8[%dma_start3A_52, %dma_start3A_53, %dma_start3A_59] : memref<4x2x128xi32, #tpu.memory_space<vmem>> -> memref<1x1x128xi32, #tpu.memory_space<vmem>>
    %dma_start3A_61 = tpu.memref_squeeze %dma_start3A_60 : memref<1x1x128xi32, #tpu.memory_space<vmem>> -> memref<128xi32, #tpu.memory_space<vmem>>
    %dma_start3A_62 = tpu.memref_slice %arg3[%dma_start3A_51, %add3A_37] : memref<2x320000xi32, #tpu.memory_space<hbm>> -> memref<1x128xi32, #tpu.memory_space<hbm>>
    %dma_start3A_63 = tpu.memref_squeeze %dma_start3A_62 : memref<1x128xi32, #tpu.memory_space<hbm>> -> memref<128xi32, #tpu.memory_space<hbm>>
    tpu.enqueue_dma source(%dma_start3A_63 : memref<128xi32, #tpu.memory_space<hbm>>) target(%dma_start3A_61 : memref<128xi32, #tpu.memory_space<vmem>>) target_semaphore(%arg13 : memref<!tpu.dma_semaphore, #tpu.memory_space<semaphore_mem>>)
    %add3A_64 = arith.constant 256 : i32
    %add3A_65 = arith.addi %mul3A_8, %add3A_64 : i32
    %dma_start3A_66 = arith.constant 0 : i32
    %dma_start3A_67 = arith.constant 2 : i32
    %dma_start3A_68 = arith.constant 0 : i32
    %dma_start3A_69 = arith.constant 0 : i32
    %dma_start3A_70 = tpu.memref_slice %arg8[%dma_start3A_67, %dma_start3A_68, %dma_start3A_69] : memref<4x2x128xi32, #tpu.memory_space<vmem>> -> memref<1x1x128xi32, #tpu.memory_space<vmem>>
    %dma_start3A_71 = tpu.memref_squeeze %dma_start3A_70 : memref<1x1x128xi32, #tpu.memory_space<vmem>> -> memref<128xi32, #tpu.memory_space<vmem>>
    %dma_start3A_72 = tpu.memref_slice %arg3[%dma_start3A_66, %add3A_65] : memref<2x320000xi32, #tpu.memory_space<hbm>> -> memref<1x128xi32, #tpu.memory_space<hbm>>
    %dma_start3A_73 = tpu.memref_squeeze %dma_start3A_72 : memref<1x128xi32, #tpu.memory_space<hbm>> -> memref<128xi32, #tpu.memory_space<hbm>>
    %dma_start3A_74 = arith.constant 0 : i32
    %dma_start3A_75 = tpu.memref_slice %arg8[%dma_start3A_67, %dma_start3A_68, %dma_start3A_74] : memref<4x2x128xi32, #tpu.memory_space<vmem>> -> memref<1x1x128xi32, #tpu.memory_space<vmem>>
    %dma_start3A_76 = tpu.memref_squeeze %dma_start3A_75 : memref<1x1x128xi32, #tpu.memory_space<vmem>> -> memref<128xi32, #tpu.memory_space<vmem>>
    %dma_start3A_77 = tpu.memref_slice %arg3[%dma_start3A_66, %add3A_65] : memref<2x320000xi32, #tpu.memory_space<hbm>> -> memref<1x128xi32, #tpu.memory_space<hbm>>
    %dma_start3A_78 = tpu.memref_squeeze %dma_start3A_77 : memref<1x128xi32, #tpu.memory_space<hbm>> -> memref<128xi32, #tpu.memory_space<hbm>>
    tpu.enqueue_dma source(%dma_start3A_78 : memref<128xi32, #tpu.memory_space<hbm>>) target(%dma_start3A_76 : memref<128xi32, #tpu.memory_space<vmem>>) target_semaphore(%arg14 : memref<!tpu.dma_semaphore, #tpu.memory_space<semaphore_mem>>)
    %dma_start3A_79 = arith.constant 1 : i32
    %dma_start3A_80 = arith.constant 2 : i32
    %dma_start3A_81 = arith.constant 1 : i32
    %dma_start3A_82 = arith.constant 0 : i32
    %dma_start3A_83 = tpu.memref_slice %arg8[%dma_start3A_80, %dma_start3A_81, %dma_start3A_82] : memref<4x2x128xi32, #tpu.memory_space<vmem>> -> memref<1x1x128xi32, #tpu.memory_space<vmem>>
    %dma_start3A_84 = tpu.memref_squeeze %dma_start3A_83 : memref<1x1x128xi32, #tpu.memory_space<vmem>> -> memref<128xi32, #tpu.memory_space<vmem>>
    %dma_start3A_85 = tpu.memref_slice %arg3[%dma_start3A_79, %add3A_65] : memref<2x320000xi32, #tpu.memory_space<hbm>> -> memref<1x128xi32, #tpu.memory_space<hbm>>
    %dma_start3A_86 = tpu.memref_squeeze %dma_start3A_85 : memref<1x128xi32, #tpu.memory_space<hbm>> -> memref<128xi32, #tpu.memory_space<hbm>>
    %dma_start3A_87 = arith.constant 0 : i32
    %dma_start3A_88 = tpu.memref_slice %arg8[%dma_start3A_80, %dma_start3A_81, %dma_start3A_87] : memref<4x2x128xi32, #tpu.memory_space<vmem>> -> memref<1x1x128xi32, #tpu.memory_space<vmem>>
    %dma_start3A_89 = tpu.memref_squeeze %dma_start3A_88 : memref<1x1x128xi32, #tpu.memory_space<vmem>> -> memref<128xi32, #tpu.memory_space<vmem>>
    %dma_start3A_90 = tpu.memref_slice %arg3[%dma_start3A_79, %add3A_65] : memref<2x320000xi32, #tpu.memory_space<hbm>> -> memref<1x128xi32, #tpu.memory_space<hbm>>
    %dma_start3A_91 = tpu.memref_squeeze %dma_start3A_90 : memref<1x128xi32, #tpu.memory_space<hbm>> -> memref<128xi32, #tpu.memory_space<hbm>>
    tpu.enqueue_dma source(%dma_start3A_91 : memref<128xi32, #tpu.memory_space<hbm>>) target(%dma_start3A_89 : memref<128xi32, #tpu.memory_space<vmem>>) target_semaphore(%arg14 : memref<!tpu.dma_semaphore, #tpu.memory_space<semaphore_mem>>)
    %add3A_92 = arith.constant 384 : i32
    %add3A_93 = arith.addi %mul3A_8, %add3A_92 : i32
    %dma_start3A_94 = arith.constant 0 : i32
    %dma_start3A_95 = arith.constant 3 : i32
    %dma_start3A_96 = arith.constant 0 : i32
    %dma_start3A_97 = arith.constant 0 : i32
    %dma_start3A_98 = tpu.memref_slice %arg8[%dma_start3A_95, %dma_start3A_96, %dma_start3A_97] : memref<4x2x128xi32, #tpu.memory_space<vmem>> -> memref<1x1x128xi32, #tpu.memory_space<vmem>>
    %dma_start3A_99 = tpu.memref_squeeze %dma_start3A_98 : memref<1x1x128xi32, #tpu.memory_space<vmem>> -> memref<128xi32, #tpu.memory_space<vmem>>
    %dma_start3A_100 = tpu.memref_slice %arg3[%dma_start3A_94, %add3A_93] : memref<2x320000xi32, #tpu.memory_space<hbm>> -> memref<1x128xi32, #tpu.memory_space<hbm>>
    %dma_start3A_101 = tpu.memref_squeeze %dma_start3A_100 : memref<1x128xi32, #tpu.memory_space<hbm>> -> memref<128xi32, #tpu.memory_space<hbm>>
    %dma_start3A_102 = arith.constant 0 : i32
    %dma_start3A_103 = tpu.memref_slice %arg8[%dma_start3A_95, %dma_start3A_96, %dma_start3A_102] : memref<4x2x128xi32, #tpu.memory_space<vmem>> -> memref<1x1x128xi32, #tpu.memory_space<vmem>>
    %dma_start3A_104 = tpu.memref_squeeze %dma_start3A_103 : memref<1x1x128xi32, #tpu.memory_space<vmem>> -> memref<128xi32, #tpu.memory_space<vmem>>
    %dma_start3A_105 = tpu.memref_slice %arg3[%dma_start3A_94, %add3A_93] : memref<2x320000xi32, #tpu.memory_space<hbm>> -> memref<1x128xi32, #tpu.memory_space<hbm>>
    %dma_start3A_106 = tpu.memref_squeeze %dma_start3A_105 : memref<1x128xi32, #tpu.memory_space<hbm>> -> memref<128xi32, #tpu.memory_space<hbm>>
    tpu.enqueue_dma source(%dma_start3A_106 : memref<128xi32, #tpu.memory_space<hbm>>) target(%dma_start3A_104 : memref<128xi32, #tpu.memory_space<vmem>>) target_semaphore(%arg15 : memref<!tpu.dma_semaphore, #tpu.memory_space<semaphore_mem>>)
    %dma_start3A_107 = arith.constant 1 : i32
    %dma_start3A_108 = arith.constant 3 : i32
    %dma_start3A_109 = arith.constant 1 : i32
    %dma_start3A_110 = arith.constant 0 : i32
    %dma_start3A_111 = tpu.memref_slice %arg8[%dma_start3A_108, %dma_start3A_109, %dma_start3A_110] : memref<4x2x128xi32, #tpu.memory_space<vmem>> -> memref<1x1x128xi32, #tpu.memory_space<vmem>>
    %dma_start3A_112 = tpu.memref_squeeze %dma_start3A_111 : memref<1x1x128xi32, #tpu.memory_space<vmem>> -> memref<128xi32, #tpu.memory_space<vmem>>
    %dma_start3A_113 = tpu.memref_slice %arg3[%dma_start3A_107, %add3A_93] : memref<2x320000xi32, #tpu.memory_space<hbm>> -> memref<1x128xi32, #tpu.memory_space<hbm>>
    %dma_start3A_114 = tpu.memref_squeeze %dma_start3A_113 : memref<1x128xi32, #tpu.memory_space<hbm>> -> memref<128xi32, #tpu.memory_space<hbm>>
    %dma_start3A_115 = arith.constant 0 : i32
    %dma_start3A_116 = tpu.memref_slice %arg8[%dma_start3A_108, %dma_start3A_109, %dma_start3A_115] : memref<4x2x128xi32, #tpu.memory_space<vmem>> -> memref<1x1x128xi32, #tpu.memory_space<vmem>>
    %dma_start3A_117 = tpu.memref_squeeze %dma_start3A_116 : memref<1x1x128xi32, #tpu.memory_space<vmem>> -> memref<128xi32, #tpu.memory_space<vmem>>
    %dma_start3A_118 = tpu.memref_slice %arg3[%dma_start3A_107, %add3A_93] : memref<2x320000xi32, #tpu.memory_space<hbm>> -> memref<1x128xi32, #tpu.memory_space<hbm>>
    %dma_start3A_119 = tpu.memref_squeeze %dma_start3A_118 : memref<1x128xi32, #tpu.memory_space<hbm>> -> memref<128xi32, #tpu.memory_space<hbm>>
    tpu.enqueue_dma source(%dma_start3A_119 : memref<128xi32, #tpu.memory_space<hbm>>) target(%dma_start3A_117 : memref<128xi32, #tpu.memory_space<vmem>>) target_semaphore(%arg15 : memref<!tpu.dma_semaphore, #tpu.memory_space<semaphore_mem>>)
    %add3A_120 = arith.constant 0 : i32
    %add3A_121 = arith.addi %mul3A_8, %add3A_120 : i32
    %dma_wait3A = arith.constant 0 : i32
    %dma_wait3A_122 = arith.constant 0 : i32
    %dma_wait3A_123 = arith.constant 0 : i32
    %dma_wait3A_124 = arith.constant 0 : i32
    %dma_wait3A_125 = tpu.memref_slice %arg8[%dma_wait3A_122, %dma_wait3A_123, %dma_wait3A_124] : memref<4x2x128xi32, #tpu.memory_space<vmem>> -> memref<1x1x128xi32, #tpu.memory_space<vmem>>
    %dma_wait3A_126 = tpu.memref_squeeze %dma_wait3A_125 : memref<1x1x128xi32, #tpu.memory_space<vmem>> -> memref<128xi32, #tpu.memory_space<vmem>>
    %dma_wait3A_127 = tpu.memref_slice %arg3[%dma_wait3A, %add3A_121] : memref<2x320000xi32, #tpu.memory_space<hbm>> -> memref<1x128xi32, #tpu.memory_space<hbm>>
    %dma_wait3A_128 = tpu.memref_squeeze %dma_wait3A_127 : memref<1x128xi32, #tpu.memory_space<hbm>> -> memref<128xi32, #tpu.memory_space<hbm>>
    %dma_wait3A_129 = arith.constant 0 : i32
    %dma_wait3A_130 = tpu.memref_slice %arg8[%dma_wait3A_122, %dma_wait3A_123, %dma_wait3A_129] : memref<4x2x128xi32, #tpu.memory_space<vmem>> -> memref<1x1x128xi32, #tpu.memory_space<vmem>>
    %dma_wait3A_131 = tpu.memref_squeeze %dma_wait3A_130 : memref<1x1x128xi32, #tpu.memory_space<vmem>> -> memref<128xi32, #tpu.memory_space<vmem>>
    %dma_wait3A_132 = tpu.memref_slice %arg3[%dma_wait3A, %add3A_121] : memref<2x320000xi32, #tpu.memory_space<hbm>> -> memref<1x128xi32, #tpu.memory_space<hbm>>
    %dma_wait3A_133 = tpu.memref_squeeze %dma_wait3A_132 : memref<1x128xi32, #tpu.memory_space<hbm>> -> memref<128xi32, #tpu.memory_space<hbm>>
    tpu.wait_dma2 semaphore(%arg12 : memref<!tpu.dma_semaphore, #tpu.memory_space<semaphore_mem>>) src(%dma_wait3A_133 : memref<128xi32, #tpu.memory_space<hbm>>) dst(%dma_wait3A_131 : memref<128xi32, #tpu.memory_space<vmem>>)
    %dma_wait3A_134 = arith.constant 1 : i32
    %dma_wait3A_135 = arith.constant 0 : i32
    %dma_wait3A_136 = arith.constant 1 : i32
    %dma_wait3A_137 = arith.constant 0 : i32
    %dma_wait3A_138 = tpu.memref_slice %arg8[%dma_wait3A_135, %dma_wait3A_136, %dma_wait3A_137] : memref<4x2x128xi32, #tpu.memory_space<vmem>> -> memref<1x1x128xi32, #tpu.memory_space<vmem>>
    %dma_wait3A_139 = tpu.memref_squeeze %dma_wait3A_138 : memref<1x1x128xi32, #tpu.memory_space<vmem>> -> memref<128xi32, #tpu.memory_space<vmem>>
    %dma_wait3A_140 = tpu.memref_slice %arg3[%dma_wait3A_134, %add3A_121] : memref<2x320000xi32, #tpu.memory_space<hbm>> -> memref<1x128xi32, #tpu.memory_space<hbm>>
    %dma_wait3A_141 = tpu.memref_squeeze %dma_wait3A_140 : memref<1x128xi32, #tpu.memory_space<hbm>> -> memref<128xi32, #tpu.memory_space<hbm>>
    %dma_wait3A_142 = arith.constant 0 : i32
    %dma_wait3A_143 = tpu.memref_slice %arg8[%dma_wait3A_135, %dma_wait3A_136, %dma_wait3A_142] : memref<4x2x128xi32, #tpu.memory_space<vmem>> -> memref<1x1x128xi32, #tpu.memory_space<vmem>>
    %dma_wait3A_144 = tpu.memref_squeeze %dma_wait3A_143 : memref<1x1x128xi32, #tpu.memory_space<vmem>> -> memref<128xi32, #tpu.memory_space<vmem>>
    %dma_wait3A_145 = tpu.memref_slice %arg3[%dma_wait3A_134, %add3A_121] : memref<2x320000xi32, #tpu.memory_space<hbm>> -> memref<1x128xi32, #tpu.memory_space<hbm>>
    %dma_wait3A_146 = tpu.memref_squeeze %dma_wait3A_145 : memref<1x128xi32, #tpu.memory_space<hbm>> -> memref<128xi32, #tpu.memory_space<hbm>>
    tpu.wait_dma2 semaphore(%arg12 : memref<!tpu.dma_semaphore, #tpu.memory_space<semaphore_mem>>) src(%dma_wait3A_146 : memref<128xi32, #tpu.memory_space<hbm>>) dst(%dma_wait3A_144 : memref<128xi32, #tpu.memory_space<vmem>>)
    %dma_start3A_147 = arith.constant 0 : i32
    %dma_start3A_148 = arith.constant 0 : i32
    %dma_start3A_149 = arith.constant 0 : i32
    %dma_start3A_150 = arith.constant 0 : i32
    %dma_start3A_151 = arith.constant 0 : i32
    %dma_start3A_152 = tpu.memref_slice %arg9[%dma_start3A_149, %dma_start3A_150, %dma_start3A_151] : memref<4x128x128xbf16, #tpu.memory_space<vmem>> -> memref<1x128x128xbf16, #tpu.memory_space<vmem>>
    %dma_start3A_153 = tpu.memref_squeeze %dma_start3A_152 : memref<1x128x128xbf16, #tpu.memory_space<vmem>> -> memref<128x128xbf16, #tpu.memory_space<vmem>>
    %dma_start3A_154 = arith.constant 0 : i32
    %dma_start3A_155 = tpu.memref_slice %arg8[%dma_start3A_147, %dma_start3A_148, %dma_start3A_154] : memref<4x2x128xi32, #tpu.memory_space<vmem>> -> memref<1x1x128xi32, #tpu.memory_space<vmem>>
    %dma_start3A_156 = tpu.memref_squeeze %dma_start3A_155 : memref<1x1x128xi32, #tpu.memory_space<vmem>> -> memref<128xi32, #tpu.memory_space<vmem>>
    %dma_start3A_157 = arith.constant 0 : i32
    %dma_start3A_158 = arith.constant 0 : i32
    %dma_start3A_159 = tpu.memref_slice %arg2[%dma_start3A_157, %dma_start3A_158] : memref<10000x128xbf16, #tpu.memory_space<hbm>> -> memref<10000x128xbf16, #tpu.memory_space<hbm>>
    tpu.enqueue_indirect_dma source(%dma_start3A_159 : memref<10000x128xbf16, #tpu.memory_space<hbm>>) target(%dma_start3A_153 : memref<128x128xbf16, #tpu.memory_space<vmem>>) offsets(%dma_start3A_156 : memref<128xi32, #tpu.memory_space<vmem>>) semaphore(%arg16 : memref<!tpu.dma_semaphore, #tpu.memory_space<semaphore_mem>>)
    %add3A_160 = arith.constant 128 : i32
    %add3A_161 = arith.addi %mul3A_8, %add3A_160 : i32
    %dma_wait3A_162 = arith.constant 0 : i32
    %dma_wait3A_163 = arith.constant 1 : i32
    %dma_wait3A_164 = arith.constant 0 : i32
    %dma_wait3A_165 = arith.constant 0 : i32
    %dma_wait3A_166 = tpu.memref_slice %arg8[%dma_wait3A_163, %dma_wait3A_164, %dma_wait3A_165] : memref<4x2x128xi32, #tpu.memory_space<vmem>> -> memref<1x1x128xi32, #tpu.memory_space<vmem>>
    %dma_wait3A_167 = tpu.memref_squeeze %dma_wait3A_166 : memref<1x1x128xi32, #tpu.memory_space<vmem>> -> memref<128xi32, #tpu.memory_space<vmem>>
    %dma_wait3A_168 = tpu.memref_slice %arg3[%dma_wait3A_162, %add3A_161] : memref<2x320000xi32, #tpu.memory_space<hbm>> -> memref<1x128xi32, #tpu.memory_space<hbm>>
    %dma_wait3A_169 = tpu.memref_squeeze %dma_wait3A_168 : memref<1x128xi32, #tpu.memory_space<hbm>> -> memref<128xi32, #tpu.memory_space<hbm>>
    %dma_wait3A_170 = arith.constant 0 : i32
    %dma_wait3A_171 = tpu.memref_slice %arg8[%dma_wait3A_163, %dma_wait3A_164, %dma_wait3A_170] : memref<4x2x128xi32, #tpu.memory_space<vmem>> -> memref<1x1x128xi32, #tpu.memory_space<vmem>>
    %dma_wait3A_172 = tpu.memref_squeeze %dma_wait3A_171 : memref<1x1x128xi32, #tpu.memory_space<vmem>> -> memref<128xi32, #tpu.memory_space<vmem>>
    %dma_wait3A_173 = tpu.memref_slice %arg3[%dma_wait3A_162, %add3A_161] : memref<2x320000xi32, #tpu.memory_space<hbm>> -> memref<1x128xi32, #tpu.memory_space<hbm>>
    %dma_wait3A_174 = tpu.memref_squeeze %dma_wait3A_173 : memref<1x128xi32, #tpu.memory_space<hbm>> -> memref<128xi32, #tpu.memory_space<hbm>>
    tpu.wait_dma2 semaphore(%arg13 : memref<!tpu.dma_semaphore, #tpu.memory_space<semaphore_mem>>) src(%dma_wait3A_174 : memref<128xi32, #tpu.memory_space<hbm>>) dst(%dma_wait3A_172 : memref<128xi32, #tpu.memory_space<vmem>>)
    %dma_wait3A_175 = arith.constant 1 : i32
    %dma_wait3A_176 = arith.constant 1 : i32
    %dma_wait3A_177 = arith.constant 1 : i32
    %dma_wait3A_178 = arith.constant 0 : i32
    %dma_wait3A_179 = tpu.memref_slice %arg8[%dma_wait3A_176, %dma_wait3A_177, %dma_wait3A_178] : memref<4x2x128xi32, #tpu.memory_space<vmem>> -> memref<1x1x128xi32, #tpu.memory_space<vmem>>
    %dma_wait3A_180 = tpu.memref_squeeze %dma_wait3A_179 : memref<1x1x128xi32, #tpu.memory_space<vmem>> -> memref<128xi32, #tpu.memory_space<vmem>>
    %dma_wait3A_181 = tpu.memref_slice %arg3[%dma_wait3A_175, %add3A_161] : memref<2x320000xi32, #tpu.memory_space<hbm>> -> memref<1x128xi32, #tpu.memory_space<hbm>>
    %dma_wait3A_182 = tpu.memref_squeeze %dma_wait3A_181 : memref<1x128xi32, #tpu.memory_space<hbm>> -> memref<128xi32, #tpu.memory_space<hbm>>
    %dma_wait3A_183 = arith.constant 0 : i32
    %dma_wait3A_184 = tpu.memref_slice %arg8[%dma_wait3A_176, %dma_wait3A_177, %dma_wait3A_183] : memref<4x2x128xi32, #tpu.memory_space<vmem>> -> memref<1x1x128xi32, #tpu.memory_space<vmem>>
    %dma_wait3A_185 = tpu.memref_squeeze %dma_wait3A_184 : memref<1x1x128xi32, #tpu.memory_space<vmem>> -> memref<128xi32, #tpu.memory_space<vmem>>
    %dma_wait3A_186 = tpu.memref_slice %arg3[%dma_wait3A_175, %add3A_161] : memref<2x320000xi32, #tpu.memory_space<hbm>> -> memref<1x128xi32, #tpu.memory_space<hbm>>
    %dma_wait3A_187 = tpu.memref_squeeze %dma_wait3A_186 : memref<1x128xi32, #tpu.memory_space<hbm>> -> memref<128xi32, #tpu.memory_space<hbm>>
    tpu.wait_dma2 semaphore(%arg13 : memref<!tpu.dma_semaphore, #tpu.memory_space<semaphore_mem>>) src(%dma_wait3A_187 : memref<128xi32, #tpu.memory_space<hbm>>) dst(%dma_wait3A_185 : memref<128xi32, #tpu.memory_space<vmem>>)
    %dma_start3A_188 = arith.constant 1 : i32
    %dma_start3A_189 = arith.constant 0 : i32
    %dma_start3A_190 = arith.constant 1 : i32
    %dma_start3A_191 = arith.constant 0 : i32
    %dma_start3A_192 = arith.constant 0 : i32
    %dma_start3A_193 = tpu.memref_slice %arg9[%dma_start3A_190, %dma_start3A_191, %dma_start3A_192] : memref<4x128x128xbf16, #tpu.memory_space<vmem>> -> memref<1x128x128xbf16, #tpu.memory_space<vmem>>
    %dma_start3A_194 = tpu.memref_squeeze %dma_start3A_193 : memref<1x128x128xbf16, #tpu.memory_space<vmem>> -> memref<128x128xbf16, #tpu.memory_space<vmem>>
    %dma_start3A_195 = arith.constant 0 : i32
    %dma_start3A_196 = tpu.memref_slice %arg8[%dma_start3A_188, %dma_start3A_189, %dma_start3A_195] : memref<4x2x128xi32, #tpu.memory_space<vmem>> -> memref<1x1x128xi32, #tpu.memory_space<vmem>>
    %dma_start3A_197 = tpu.memref_squeeze %dma_start3A_196 : memref<1x1x128xi32, #tpu.memory_space<vmem>> -> memref<128xi32, #tpu.memory_space<vmem>>
    %dma_start3A_198 = arith.constant 0 : i32
    %dma_start3A_199 = arith.constant 0 : i32
    %dma_start3A_200 = tpu.memref_slice %arg2[%dma_start3A_198, %dma_start3A_199] : memref<10000x128xbf16, #tpu.memory_space<hbm>> -> memref<10000x128xbf16, #tpu.memory_space<hbm>>
    tpu.enqueue_indirect_dma source(%dma_start3A_200 : memref<10000x128xbf16, #tpu.memory_space<hbm>>) target(%dma_start3A_194 : memref<128x128xbf16, #tpu.memory_space<vmem>>) offsets(%dma_start3A_197 : memref<128xi32, #tpu.memory_space<vmem>>) semaphore(%arg17 : memref<!tpu.dma_semaphore, #tpu.memory_space<semaphore_mem>>)
    %add3A_201 = arith.constant 256 : i32
    %add3A_202 = arith.addi %mul3A_8, %add3A_201 : i32
    %dma_wait3A_203 = arith.constant 0 : i32
    %dma_wait3A_204 = arith.constant 2 : i32
    %dma_wait3A_205 = arith.constant 0 : i32
    %dma_wait3A_206 = arith.constant 0 : i32
    %dma_wait3A_207 = tpu.memref_slice %arg8[%dma_wait3A_204, %dma_wait3A_205, %dma_wait3A_206] : memref<4x2x128xi32, #tpu.memory_space<vmem>> -> memref<1x1x128xi32, #tpu.memory_space<vmem>>
    %dma_wait3A_208 = tpu.memref_squeeze %dma_wait3A_207 : memref<1x1x128xi32, #tpu.memory_space<vmem>> -> memref<128xi32, #tpu.memory_space<vmem>>
    %dma_wait3A_209 = tpu.memref_slice %arg3[%dma_wait3A_203, %add3A_202] : memref<2x320000xi32, #tpu.memory_space<hbm>> -> memref<1x128xi32, #tpu.memory_space<hbm>>
    %dma_wait3A_210 = tpu.memref_squeeze %dma_wait3A_209 : memref<1x128xi32, #tpu.memory_space<hbm>> -> memref<128xi32, #tpu.memory_space<hbm>>
    %dma_wait3A_211 = arith.constant 0 : i32
    %dma_wait3A_212 = tpu.memref_slice %arg8[%dma_wait3A_204, %dma_wait3A_205, %dma_wait3A_211] : memref<4x2x128xi32, #tpu.memory_space<vmem>> -> memref<1x1x128xi32, #tpu.memory_space<vmem>>
    %dma_wait3A_213 = tpu.memref_squeeze %dma_wait3A_212 : memref<1x1x128xi32, #tpu.memory_space<vmem>> -> memref<128xi32, #tpu.memory_space<vmem>>
    %dma_wait3A_214 = tpu.memref_slice %arg3[%dma_wait3A_203, %add3A_202] : memref<2x320000xi32, #tpu.memory_space<hbm>> -> memref<1x128xi32, #tpu.memory_space<hbm>>
    %dma_wait3A_215 = tpu.memref_squeeze %dma_wait3A_214 : memref<1x128xi32, #tpu.memory_space<hbm>> -> memref<128xi32, #tpu.memory_space<hbm>>
    tpu.wait_dma2 semaphore(%arg14 : memref<!tpu.dma_semaphore, #tpu.memory_space<semaphore_mem>>) src(%dma_wait3A_215 : memref<128xi32, #tpu.memory_space<hbm>>) dst(%dma_wait3A_213 : memref<128xi32, #tpu.memory_space<vmem>>)
    %dma_wait3A_216 = arith.constant 1 : i32
    %dma_wait3A_217 = arith.constant 2 : i32
    %dma_wait3A_218 = arith.constant 1 : i32
    %dma_wait3A_219 = arith.constant 0 : i32
    %dma_wait3A_220 = tpu.memref_slice %arg8[%dma_wait3A_217, %dma_wait3A_218, %dma_wait3A_219] : memref<4x2x128xi32, #tpu.memory_space<vmem>> -> memref<1x1x128xi32, #tpu.memory_space<vmem>>
    %dma_wait3A_221 = tpu.memref_squeeze %dma_wait3A_220 : memref<1x1x128xi32, #tpu.memory_space<vmem>> -> memref<128xi32, #tpu.memory_space<vmem>>
    %dma_wait3A_222 = tpu.memref_slice %arg3[%dma_wait3A_216, %add3A_202] : memref<2x320000xi32, #tpu.memory_space<hbm>> -> memref<1x128xi32, #tpu.memory_space<hbm>>
    %dma_wait3A_223 = tpu.memref_squeeze %dma_wait3A_222 : memref<1x128xi32, #tpu.memory_space<hbm>> -> memref<128xi32, #tpu.memory_space<hbm>>
    %dma_wait3A_224 = arith.constant 0 : i32
    %dma_wait3A_225 = tpu.memref_slice %arg8[%dma_wait3A_217, %dma_wait3A_218, %dma_wait3A_224] : memref<4x2x128xi32, #tpu.memory_space<vmem>> -> memref<1x1x128xi32, #tpu.memory_space<vmem>>
    %dma_wait3A_226 = tpu.memref_squeeze %dma_wait3A_225 : memref<1x1x128xi32, #tpu.memory_space<vmem>> -> memref<128xi32, #tpu.memory_space<vmem>>
    %dma_wait3A_227 = tpu.memref_slice %arg3[%dma_wait3A_216, %add3A_202] : memref<2x320000xi32, #tpu.memory_space<hbm>> -> memref<1x128xi32, #tpu.memory_space<hbm>>
    %dma_wait3A_228 = tpu.memref_squeeze %dma_wait3A_227 : memref<1x128xi32, #tpu.memory_space<hbm>> -> memref<128xi32, #tpu.memory_space<hbm>>
    tpu.wait_dma2 semaphore(%arg14 : memref<!tpu.dma_semaphore, #tpu.memory_space<semaphore_mem>>) src(%dma_wait3A_228 : memref<128xi32, #tpu.memory_space<hbm>>) dst(%dma_wait3A_226 : memref<128xi32, #tpu.memory_space<vmem>>)
    %dma_start3A_229 = arith.constant 2 : i32
    %dma_start3A_230 = arith.constant 0 : i32
    %dma_start3A_231 = arith.constant 2 : i32
    %dma_start3A_232 = arith.constant 0 : i32
    %dma_start3A_233 = arith.constant 0 : i32
    %dma_start3A_234 = tpu.memref_slice %arg9[%dma_start3A_231, %dma_start3A_232, %dma_start3A_233] : memref<4x128x128xbf16, #tpu.memory_space<vmem>> -> memref<1x128x128xbf16, #tpu.memory_space<vmem>>
    %dma_start3A_235 = tpu.memref_squeeze %dma_start3A_234 : memref<1x128x128xbf16, #tpu.memory_space<vmem>> -> memref<128x128xbf16, #tpu.memory_space<vmem>>
    %dma_start3A_236 = arith.constant 0 : i32
    %dma_start3A_237 = tpu.memref_slice %arg8[%dma_start3A_229, %dma_start3A_230, %dma_start3A_236] : memref<4x2x128xi32, #tpu.memory_space<vmem>> -> memref<1x1x128xi32, #tpu.memory_space<vmem>>
    %dma_start3A_238 = tpu.memref_squeeze %dma_start3A_237 : memref<1x1x128xi32, #tpu.memory_space<vmem>> -> memref<128xi32, #tpu.memory_space<vmem>>
    %dma_start3A_239 = arith.constant 0 : i32
    %dma_start3A_240 = arith.constant 0 : i32
    %dma_start3A_241 = tpu.memref_slice %arg2[%dma_start3A_239, %dma_start3A_240] : memref<10000x128xbf16, #tpu.memory_space<hbm>> -> memref<10000x128xbf16, #tpu.memory_space<hbm>>
    tpu.enqueue_indirect_dma source(%dma_start3A_241 : memref<10000x128xbf16, #tpu.memory_space<hbm>>) target(%dma_start3A_235 : memref<128x128xbf16, #tpu.memory_space<vmem>>) offsets(%dma_start3A_238 : memref<128xi32, #tpu.memory_space<vmem>>) semaphore(%arg18 : memref<!tpu.dma_semaphore, #tpu.memory_space<semaphore_mem>>)
    %scan3A_242 = arith.constant 0 : i32
    %scan3A_243 = arith.constant 18 : i32
    %scan3A_244 = arith.addi %scan3A_242, %scan3A_243 : i32
    %scan3A_245 = arith.constant 1 : i32
    scf.for %scan3A_600 = %scan3A_242 to %scan3A_244 step %scan3A_245  : i32 {
      %mul3A_601 = arith.constant 4 : i32
      %mul3A_602 = arith.muli %mul3A_601, %scan3A_600 : i32
      %add3A_603 = arith.constant 0 : i32
      %add3A_604 = arith.addi %mul3A_602, %add3A_603 : i32
      %dma_wait3A_605 = arith.constant 0 : i32
      %dma_wait3A_606 = arith.constant 0 : i32
      %dma_wait3A_607 = arith.constant 0 : i32
      %dma_wait3A_608 = arith.constant 0 : i32
      %dma_wait3A_609 = arith.constant 0 : i32
      %dma_wait3A_610 = tpu.memref_slice %arg9[%dma_wait3A_607, %dma_wait3A_608, %dma_wait3A_609] : memref<4x128x128xbf16, #tpu.memory_space<vmem>> -> memref<1x128x128xbf16, #tpu.memory_space<vmem>>
      %dma_wait3A_611 = tpu.memref_squeeze %dma_wait3A_610 : memref<1x128x128xbf16, #tpu.memory_space<vmem>> -> memref<128x128xbf16, #tpu.memory_space<vmem>>
      %dma_wait3A_612 = arith.constant 0 : i32
      %dma_wait3A_613 = tpu.memref_slice %arg8[%dma_wait3A_605, %dma_wait3A_606, %dma_wait3A_612] : memref<4x2x128xi32, #tpu.memory_space<vmem>> -> memref<1x1x128xi32, #tpu.memory_space<vmem>>
      %dma_wait3A_614 = tpu.memref_squeeze %dma_wait3A_613 : memref<1x1x128xi32, #tpu.memory_space<vmem>> -> memref<128xi32, #tpu.memory_space<vmem>>
      %dma_wait3A_615 = arith.constant 0 : i32
      %dma_wait3A_616 = arith.constant 0 : i32
      %dma_wait3A_617 = tpu.memref_slice %arg2[%dma_wait3A_615, %dma_wait3A_616] : memref<10000x128xbf16, #tpu.memory_space<hbm>> -> memref<10000x128xbf16, #tpu.memory_space<hbm>>
      tpu.wait_indirect_dma semaphore(%arg16 : memref<!tpu.dma_semaphore, #tpu.memory_space<semaphore_mem>>) src(%dma_wait3A_617 : memref<10000x128xbf16, #tpu.memory_space<hbm>>) dst(%dma_wait3A_611 : memref<128x128xbf16, #tpu.memory_space<vmem>>)
      %run_scoped3A_618 = arith.constant 0 : i32
      %run_scoped3A_619 = arith.constant 0 : i32
      %run_scoped3A_620 = arith.constant 1 : i32
      "tpu.region"() ({
        %run_scoped3A_983 = tpu.sem_alloc : memref<!tpu.dma_semaphore, #tpu.memory_space<semaphore_mem>>
        %dma_start3A_984 = arith.constant 0 : i32
        %dma_start3A_985 = arith.constant 0 : i32
        %dma_start3A_986 = tpu.memref_slice %arg9[%run_scoped3A_618, %dma_start3A_984, %dma_start3A_985] : memref<4x128x128xbf16, #tpu.memory_space<vmem>> -> memref<1x128x128xbf16, #tpu.memory_space<vmem>>
        %dma_start3A_987 = tpu.memref_squeeze %dma_start3A_986 : memref<1x128x128xbf16, #tpu.memory_space<vmem>> -> memref<128x128xbf16, #tpu.memory_space<vmem>>
        %dma_start3A_988 = arith.constant 0 : i32
        %dma_start3A_989 = tpu.memref_slice %arg8[%run_scoped3A_619, %run_scoped3A_620, %dma_start3A_988] : memref<4x2x128xi32, #tpu.memory_space<vmem>> -> memref<1x1x128xi32, #tpu.memory_space<vmem>>
        %dma_start3A_990 = tpu.memref_squeeze %dma_start3A_989 : memref<1x1x128xi32, #tpu.memory_space<vmem>> -> memref<128xi32, #tpu.memory_space<vmem>>
        %dma_start3A_991 = arith.constant 0 : i32
        %dma_start3A_992 = arith.constant 0 : i32
        %dma_start3A_993 = tpu.memref_slice %arg20[%dma_start3A_991, %dma_start3A_992] : memref<10240x128xbf16, #tpu.memory_space<vmem_shared>> -> memref<10240x128xbf16, #tpu.memory_space<vmem_shared>>
        tpu.enqueue_indirect_dma source(%dma_start3A_987 : memref<128x128xbf16, #tpu.memory_space<vmem>>) target(%dma_start3A_993 : memref<10240x128xbf16, #tpu.memory_space<vmem_shared>>) offsets(%dma_start3A_990 : memref<128xi32, #tpu.memory_space<vmem>>) semaphore(%run_scoped3A_983 : memref<!tpu.dma_semaphore, #tpu.memory_space<semaphore_mem>>) {add = true}
        %dma_wait3A_994 = arith.constant 0 : i32
        %dma_wait3A_995 = arith.constant 0 : i32
        %dma_wait3A_996 = tpu.memref_slice %arg9[%run_scoped3A_618, %dma_wait3A_994, %dma_wait3A_995] : memref<4x128x128xbf16, #tpu.memory_space<vmem>> -> memref<1x128x128xbf16, #tpu.memory_space<vmem>>
        %dma_wait3A_997 = tpu.memref_squeeze %dma_wait3A_996 : memref<1x128x128xbf16, #tpu.memory_space<vmem>> -> memref<128x128xbf16, #tpu.memory_space<vmem>>
        %dma_wait3A_998 = arith.constant 0 : i32
        %dma_wait3A_999 = tpu.memref_slice %arg8[%run_scoped3A_619, %run_scoped3A_620, %dma_wait3A_998] : memref<4x2x128xi32, #tpu.memory_space<vmem>> -> memref<1x1x128xi32, #tpu.memory_space<vmem>>
        %dma_wait3A_1000 = tpu.memref_squeeze %dma_wait3A_999 : memref<1x1x128xi32, #tpu.memory_space<vmem>> -> memref<128xi32, #tpu.memory_space<vmem>>
        %dma_wait3A_1001 = arith.constant 0 : i32
        %dma_wait3A_1002 = arith.constant 0 : i32
        %dma_wait3A_1003 = tpu.memref_slice %arg20[%dma_wait3A_1001, %dma_wait3A_1002] : memref<10240x128xbf16, #tpu.memory_space<vmem_shared>> -> memref<10240x128xbf16, #tpu.memory_space<vmem_shared>>
        tpu.wait_indirect_dma semaphore(%run_scoped3A_983 : memref<!tpu.dma_semaphore, #tpu.memory_space<semaphore_mem>>) src(%dma_wait3A_997 : memref<128x128xbf16, #tpu.memory_space<vmem>>) dst(%dma_wait3A_1003 : memref<10240x128xbf16, #tpu.memory_space<vmem_shared>>)
        tpu.yield
      }) : () -> ()
      %run_scoped3A_621 = arith.constant 0 : i32
      %run_scoped3A_622 = arith.constant 1 : i32
      "tpu.region"() ({
        %run_scoped3A_983 = tpu.sem_alloc : memref<!tpu.dma_semaphore, #tpu.memory_space<semaphore_mem>>
        %dma_start3A_984 = arith.constant 0 : i32
        %dma_start3A_985 = tpu.memref_slice %arg8[%run_scoped3A_621, %run_scoped3A_622, %dma_start3A_984] : memref<4x2x128xi32, #tpu.memory_space<vmem>> -> memref<1x1x128xi32, #tpu.memory_space<vmem>>
        %dma_start3A_986 = tpu.memref_squeeze %dma_start3A_985 : memref<1x1x128xi32, #tpu.memory_space<vmem>> -> memref<128xi32, #tpu.memory_space<vmem>>
        %dma_start3A_987 = arith.constant 0 : i32
        %dma_start3A_988 = arith.constant 0 : i32
        %dma_start3A_989 = tpu.memref_slice %arg22[%dma_start3A_987, %dma_start3A_988] : memref<10240x16xf32, #tpu.memory_space<vmem_shared>> -> memref<10240x16xf32, #tpu.memory_space<vmem_shared>>
        tpu.enqueue_indirect_dma source(%arg21 : memref<128x16xf32, #tpu.memory_space<vmem>>) target(%dma_start3A_989 : memref<10240x16xf32, #tpu.memory_space<vmem_shared>>) offsets(%dma_start3A_986 : memref<128xi32, #tpu.memory_space<vmem>>) semaphore(%run_scoped3A_983 : memref<!tpu.dma_semaphore, #tpu.memory_space<semaphore_mem>>) {add = true}
        %dma_wait3A_990 = arith.constant 0 : i32
        %dma_wait3A_991 = tpu.memref_slice %arg8[%run_scoped3A_621, %run_scoped3A_622, %dma_wait3A_990] : memref<4x2x128xi32, #tpu.memory_space<vmem>> -> memref<1x1x128xi32, #tpu.memory_space<vmem>>
        %dma_wait3A_992 = tpu.memref_squeeze %dma_wait3A_991 : memref<1x1x128xi32, #tpu.memory_space<vmem>> -> memref<128xi32, #tpu.memory_space<vmem>>
        %dma_wait3A_993 = arith.constant 0 : i32
        %dma_wait3A_994 = arith.constant 0 : i32
        %dma_wait3A_995 = tpu.memref_slice %arg22[%dma_wait3A_993, %dma_wait3A_994] : memref<10240x16xf32, #tpu.memory_space<vmem_shared>> -> memref<10240x16xf32, #tpu.memory_space<vmem_shared>>
        tpu.wait_indirect_dma semaphore(%run_scoped3A_983 : memref<!tpu.dma_semaphore, #tpu.memory_space<semaphore_mem>>) src(%arg21 : memref<128x16xf32, #tpu.memory_space<vmem>>) dst(%dma_wait3A_995 : memref<10240x16xf32, #tpu.memory_space<vmem_shared>>)
        tpu.yield
      }) : () -> ()
      %add3A_623 = arith.constant 4 : i32
      %add3A_624 = arith.addi %add3A_604, %add3A_623 : i32
      %mul3A_625 = arith.constant 128 : i32
      %mul3A_626 = arith.muli %add3A_624, %mul3A_625 : i32
      %add3A_627 = arith.addi %mul3A_8, %mul3A_626 : i32
      %dma_start3A_628 = arith.constant 0 : i32
      %dma_start3A_629 = arith.constant 0 : i32
      %dma_start3A_630 = arith.constant 0 : i32
      %dma_start3A_631 = arith.constant 0 : i32
      %dma_start3A_632 = tpu.memref_slice %arg8[%dma_start3A_629, %dma_start3A_630, %dma_start3A_631] : memref<4x2x128xi32, #tpu.memory_space<vmem>> -> memref<1x1x128xi32, #tpu.memory_space<vmem>>
      %dma_start3A_633 = tpu.memref_squeeze %dma_start3A_632 : memref<1x1x128xi32, #tpu.memory_space<vmem>> -> memref<128xi32, #tpu.memory_space<vmem>>
      %dma_start3A_634 = tpu.memref_slice %arg3[%dma_start3A_628, %add3A_627] : memref<2x320000xi32, #tpu.memory_space<hbm>> -> memref<1x128xi32, #tpu.memory_space<hbm>>
      %dma_start3A_635 = tpu.memref_squeeze %dma_start3A_634 : memref<1x128xi32, #tpu.memory_space<hbm>> -> memref<128xi32, #tpu.memory_space<hbm>>
      %dma_start3A_636 = arith.constant 0 : i32
      %dma_start3A_637 = tpu.memref_slice %arg8[%dma_start3A_629, %dma_start3A_630, %dma_start3A_636] : memref<4x2x128xi32, #tpu.memory_space<vmem>> -> memref<1x1x128xi32, #tpu.memory_space<vmem>>
      %dma_start3A_638 = tpu.memref_squeeze %dma_start3A_637 : memref<1x1x128xi32, #tpu.memory_space<vmem>> -> memref<128xi32, #tpu.memory_space<vmem>>
      %dma_start3A_639 = tpu.memref_slice %arg3[%dma_start3A_628, %add3A_627] : memref<2x320000xi32, #tpu.memory_space<hbm>> -> memref<1x128xi32, #tpu.memory_space<hbm>>
      %dma_start3A_640 = tpu.memref_squeeze %dma_start3A_639 : memref<1x128xi32, #tpu.memory_space<hbm>> -> memref<128xi32, #tpu.memory_space<hbm>>
      tpu.enqueue_dma source(%dma_start3A_640 : memref<128xi32, #tpu.memory_space<hbm>>) target(%dma_start3A_638 : memref<128xi32, #tpu.memory_space<vmem>>) target_semaphore(%arg12 : memref<!tpu.dma_semaphore, #tpu.memory_space<semaphore_mem>>)
      %dma_start3A_641 = arith.constant 1 : i32
      %dma_start3A_642 = arith.constant 0 : i32
      %dma_start3A_643 = arith.constant 1 : i32
      %dma_start3A_644 = arith.constant 0 : i32
      %dma_start3A_645 = tpu.memref_slice %arg8[%dma_start3A_642, %dma_start3A_643, %dma_start3A_644] : memref<4x2x128xi32, #tpu.memory_space<vmem>> -> memref<1x1x128xi32, #tpu.memory_space<vmem>>
      %dma_start3A_646 = tpu.memref_squeeze %dma_start3A_645 : memref<1x1x128xi32, #tpu.memory_space<vmem>> -> memref<128xi32, #tpu.memory_space<vmem>>
      %dma_start3A_647 = tpu.memref_slice %arg3[%dma_start3A_641, %add3A_627] : memref<2x320000xi32, #tpu.memory_space<hbm>> -> memref<1x128xi32, #tpu.memory_space<hbm>>
      %dma_start3A_648 = tpu.memref_squeeze %dma_start3A_647 : memref<1x128xi32, #tpu.memory_space<hbm>> -> memref<128xi32, #tpu.memory_space<hbm>>
      %dma_start3A_649 = arith.constant 0 : i32
      %dma_start3A_650 = tpu.memref_slice %arg8[%dma_start3A_642, %dma_start3A_643, %dma_start3A_649] : memref<4x2x128xi32, #tpu.memory_space<vmem>> -> memref<1x1x128xi32, #tpu.memory_space<vmem>>
      %dma_start3A_651 = tpu.memref_squeeze %dma_start3A_650 : memref<1x1x128xi32, #tpu.memory_space<vmem>> -> memref<128xi32, #tpu.memory_space<vmem>>
      %dma_start3A_652 = tpu.memref_slice %arg3[%dma_start3A_641, %add3A_627] : memref<2x320000xi32, #tpu.memory_space<hbm>> -> memref<1x128xi32, #tpu.memory_space<hbm>>
      %dma_start3A_653 = tpu.memref_squeeze %dma_start3A_652 : memref<1x128xi32, #tpu.memory_space<hbm>> -> memref<128xi32, #tpu.memory_space<hbm>>
      tpu.enqueue_dma source(%dma_start3A_653 : memref<128xi32, #tpu.memory_space<hbm>>) target(%dma_start3A_651 : memref<128xi32, #tpu.memory_space<vmem>>) target_semaphore(%arg12 : memref<!tpu.dma_semaphore, #tpu.memory_space<semaphore_mem>>)
      %add3A_654 = arith.constant 3 : i32
      %add3A_655 = arith.addi %add3A_604, %add3A_654 : i32
      %mul3A_656 = arith.constant 128 : i32
      %mul3A_657 = arith.muli %add3A_655, %mul3A_656 : i32
      %add3A_658 = arith.addi %mul3A_8, %mul3A_657 : i32
      %dma_wait3A_659 = arith.constant 0 : i32
      %dma_wait3A_660 = arith.constant 3 : i32
      %dma_wait3A_661 = arith.constant 0 : i32
      %dma_wait3A_662 = arith.constant 0 : i32
      %dma_wait3A_663 = tpu.memref_slice %arg8[%dma_wait3A_660, %dma_wait3A_661, %dma_wait3A_662] : memref<4x2x128xi32, #tpu.memory_space<vmem>> -> memref<1x1x128xi32, #tpu.memory_space<vmem>>
      %dma_wait3A_664 = tpu.memref_squeeze %dma_wait3A_663 : memref<1x1x128xi32, #tpu.memory_space<vmem>> -> memref<128xi32, #tpu.memory_space<vmem>>
      %dma_wait3A_665 = tpu.memref_slice %arg3[%dma_wait3A_659, %add3A_658] : memref<2x320000xi32, #tpu.memory_space<hbm>> -> memref<1x128xi32, #tpu.memory_space<hbm>>
      %dma_wait3A_666 = tpu.memref_squeeze %dma_wait3A_665 : memref<1x128xi32, #tpu.memory_space<hbm>> -> memref<128xi32, #tpu.memory_space<hbm>>
      %dma_wait3A_667 = arith.constant 0 : i32
      %dma_wait3A_668 = tpu.memref_slice %arg8[%dma_wait3A_660, %dma_wait3A_661, %dma_wait3A_667] : memref<4x2x128xi32, #tpu.memory_space<vmem>> -> memref<1x1x128xi32, #tpu.memory_space<vmem>>
      %dma_wait3A_669 = tpu.memref_squeeze %dma_wait3A_668 : memref<1x1x128xi32, #tpu.memory_space<vmem>> -> memref<128xi32, #tpu.memory_space<vmem>>
      %dma_wait3A_670 = tpu.memref_slice %arg3[%dma_wait3A_659, %add3A_658] : memref<2x320000xi32, #tpu.memory_space<hbm>> -> memref<1x128xi32, #tpu.memory_space<hbm>>
      %dma_wait3A_671 = tpu.memref_squeeze %dma_wait3A_670 : memref<1x128xi32, #tpu.memory_space<hbm>> -> memref<128xi32, #tpu.memory_space<hbm>>
      tpu.wait_dma2 semaphore(%arg15 : memref<!tpu.dma_semaphore, #tpu.memory_space<semaphore_mem>>) src(%dma_wait3A_671 : memref<128xi32, #tpu.memory_space<hbm>>) dst(%dma_wait3A_669 : memref<128xi32, #tpu.memory_space<vmem>>)
      %dma_wait3A_672 = arith.constant 1 : i32
      %dma_wait3A_673 = arith.constant 3 : i32
      %dma_wait3A_674 = arith.constant 1 : i32
      %dma_wait3A_675 = arith.constant 0 : i32
      %dma_wait3A_676 = tpu.memref_slice %arg8[%dma_wait3A_673, %dma_wait3A_674, %dma_wait3A_675] : memref<4x2x128xi32, #tpu.memory_space<vmem>> -> memref<1x1x128xi32, #tpu.memory_space<vmem>>
      %dma_wait3A_677 = tpu.memref_squeeze %dma_wait3A_676 : memref<1x1x128xi32, #tpu.memory_space<vmem>> -> memref<128xi32, #tpu.memory_space<vmem>>
      %dma_wait3A_678 = tpu.memref_slice %arg3[%dma_wait3A_672, %add3A_658] : memref<2x320000xi32, #tpu.memory_space<hbm>> -> memref<1x128xi32, #tpu.memory_space<hbm>>
      %dma_wait3A_679 = tpu.memref_squeeze %dma_wait3A_678 : memref<1x128xi32, #tpu.memory_space<hbm>> -> memref<128xi32, #tpu.memory_space<hbm>>
      %dma_wait3A_680 = arith.constant 0 : i32
      %dma_wait3A_681 = tpu.memref_slice %arg8[%dma_wait3A_673, %dma_wait3A_674, %dma_wait3A_680] : memref<4x2x128xi32, #tpu.memory_space<vmem>> -> memref<1x1x128xi32, #tpu.memory_space<vmem>>
      %dma_wait3A_682 = tpu.memref_squeeze %dma_wait3A_681 : memref<1x1x128xi32, #tpu.memory_space<vmem>> -> memref<128xi32, #tpu.memory_space<vmem>>
      %dma_wait3A_683 = tpu.memref_slice %arg3[%dma_wait3A_672, %add3A_658] : memref<2x320000xi32, #tpu.memory_space<hbm>> -> memref<1x128xi32, #tpu.memory_space<hbm>>
      %dma_wait3A_684 = tpu.memref_squeeze %dma_wait3A_683 : memref<1x128xi32, #tpu.memory_space<hbm>> -> memref<128xi32, #tpu.memory_space<hbm>>
      tpu.wait_dma2 semaphore(%arg15 : memref<!tpu.dma_semaphore, #tpu.memory_space<semaphore_mem>>) src(%dma_wait3A_684 : memref<128xi32, #tpu.memory_space<hbm>>) dst(%dma_wait3A_682 : memref<128xi32, #tpu.memory_space<vmem>>)
      %dma_start3A_685 = arith.constant 3 : i32
      %dma_start3A_686 = arith.constant 0 : i32
      %dma_start3A_687 = arith.constant 3 : i32
      %dma_start3A_688 = arith.constant 0 : i32
      %dma_start3A_689 = arith.constant 0 : i32
      %dma_start3A_690 = tpu.memref_slice %arg9[%dma_start3A_687, %dma_start3A_688, %dma_start3A_689] : memref<4x128x128xbf16, #tpu.memory_space<vmem>> -> memref<1x128x128xbf16, #tpu.memory_space<vmem>>
      %dma_start3A_691 = tpu.memref_squeeze %dma_start3A_690 : memref<1x128x128xbf16, #tpu.memory_space<vmem>> -> memref<128x128xbf16, #tpu.memory_space<vmem>>
      %dma_start3A_692 = arith.constant 0 : i32
      %dma_start3A_693 = tpu.memref_slice %arg8[%dma_start3A_685, %dma_start3A_686, %dma_start3A_692] : memref<4x2x128xi32, #tpu.memory_space<vmem>> -> memref<1x1x128xi32, #tpu.memory_space<vmem>>
      %dma_start3A_694 = tpu.memref_squeeze %dma_start3A_693 : memref<1x1x128xi32, #tpu.memory_space<vmem>> -> memref<128xi32, #tpu.memory_space<vmem>>
      %dma_start3A_695 = arith.constant 0 : i32
      %dma_start3A_696 = arith.constant 0 : i32
      %dma_start3A_697 = tpu.memref_slice %arg2[%dma_start3A_695, %dma_start3A_696] : memref<10000x128xbf16, #tpu.memory_space<hbm>> -> memref<10000x128xbf16, #tpu.memory_space<hbm>>
      tpu.enqueue_indirect_dma source(%dma_start3A_697 : memref<10000x128xbf16, #tpu.memory_space<hbm>>) target(%dma_start3A_691 : memref<128x128xbf16, #tpu.memory_space<vmem>>) offsets(%dma_start3A_694 : memref<128xi32, #tpu.memory_space<vmem>>) semaphore(%arg19 : memref<!tpu.dma_semaphore, #tpu.memory_space<semaphore_mem>>)
      %add3A_698 = arith.constant 1 : i32
      %add3A_699 = arith.addi %mul3A_602, %add3A_698 : i32
      %dma_wait3A_700 = arith.constant 1 : i32
      %dma_wait3A_701 = arith.constant 0 : i32
      %dma_wait3A_702 = arith.constant 1 : i32
      %dma_wait3A_703 = arith.constant 0 : i32
      %dma_wait3A_704 = arith.constant 0 : i32
      %dma_wait3A_705 = tpu.memref_slice %arg9[%dma_wait3A_702, %dma_wait3A_703, %dma_wait3A_704] : memref<4x128x128xbf16, #tpu.memory_space<vmem>> -> memref<1x128x128xbf16, #tpu.memory_space<vmem>>
      %dma_wait3A_706 = tpu.memref_squeeze %dma_wait3A_705 : memref<1x128x128xbf16, #tpu.memory_space<vmem>> -> memref<128x128xbf16, #tpu.memory_space<vmem>>
      %dma_wait3A_707 = arith.constant 0 : i32
      %dma_wait3A_708 = tpu.memref_slice %arg8[%dma_wait3A_700, %dma_wait3A_701, %dma_wait3A_707] : memref<4x2x128xi32, #tpu.memory_space<vmem>> -> memref<1x1x128xi32, #tpu.memory_space<vmem>>
      %dma_wait3A_709 = tpu.memref_squeeze %dma_wait3A_708 : memref<1x1x128xi32, #tpu.memory_space<vmem>> -> memref<128xi32, #tpu.memory_space<vmem>>
      %dma_wait3A_710 = arith.constant 0 : i32
      %dma_wait3A_711 = arith.constant 0 : i32
      %dma_wait3A_712 = tpu.memref_slice %arg2[%dma_wait3A_710, %dma_wait3A_711] : memref<10000x128xbf16, #tpu.memory_space<hbm>> -> memref<10000x128xbf16, #tpu.memory_space<hbm>>
      tpu.wait_indirect_dma semaphore(%arg17 : memref<!tpu.dma_semaphore, #tpu.memory_space<semaphore_mem>>) src(%dma_wait3A_712 : memref<10000x128xbf16, #tpu.memory_space<hbm>>) dst(%dma_wait3A_706 : memref<128x128xbf16, #tpu.memory_space<vmem>>)
      %run_scoped3A_713 = arith.constant 1 : i32
      %run_scoped3A_714 = arith.constant 1 : i32
      %run_scoped3A_715 = arith.constant 1 : i32
      "tpu.region"() ({
        %run_scoped3A_983 = tpu.sem_alloc : memref<!tpu.dma_semaphore, #tpu.memory_space<semaphore_mem>>
        %dma_start3A_984 = arith.constant 0 : i32
        %dma_start3A_985 = arith.constant 0 : i32
        %dma_start3A_986 = tpu.memref_slice %arg9[%run_scoped3A_713, %dma_start3A_984, %dma_start3A_985] : memref<4x128x128xbf16, #tpu.memory_space<vmem>> -> memref<1x128x128xbf16, #tpu.memory_space<vmem>>
        %dma_start3A_987 = tpu.memref_squeeze %dma_start3A_986 : memref<1x128x128xbf16, #tpu.memory_space<vmem>> -> memref<128x128xbf16, #tpu.memory_space<vmem>>
        %dma_start3A_988 = arith.constant 0 : i32
        %dma_start3A_989 = tpu.memref_slice %arg8[%run_scoped3A_714, %run_scoped3A_715, %dma_start3A_988] : memref<4x2x128xi32, #tpu.memory_space<vmem>> -> memref<1x1x128xi32, #tpu.memory_space<vmem>>
        %dma_start3A_990 = tpu.memref_squeeze %dma_start3A_989 : memref<1x1x128xi32, #tpu.memory_space<vmem>> -> memref<128xi32, #tpu.memory_space<vmem>>
        %dma_start3A_991 = arith.constant 0 : i32
        %dma_start3A_992 = arith.constant 0 : i32
        %dma_start3A_993 = tpu.memref_slice %arg20[%dma_start3A_991, %dma_start3A_992] : memref<10240x128xbf16, #tpu.memory_space<vmem_shared>> -> memref<10240x128xbf16, #tpu.memory_space<vmem_shared>>
        tpu.enqueue_indirect_dma source(%dma_start3A_987 : memref<128x128xbf16, #tpu.memory_space<vmem>>) target(%dma_start3A_993 : memref<10240x128xbf16, #tpu.memory_space<vmem_shared>>) offsets(%dma_start3A_990 : memref<128xi32, #tpu.memory_space<vmem>>) semaphore(%run_scoped3A_983 : memref<!tpu.dma_semaphore, #tpu.memory_space<semaphore_mem>>) {add = true}
        %dma_wait3A_994 = arith.constant 0 : i32
        %dma_wait3A_995 = arith.constant 0 : i32
        %dma_wait3A_996 = tpu.memref_slice %arg9[%run_scoped3A_713, %dma_wait3A_994, %dma_wait3A_995] : memref<4x128x128xbf16, #tpu.memory_space<vmem>> -> memref<1x128x128xbf16, #tpu.memory_space<vmem>>
        %dma_wait3A_997 = tpu.memref_squeeze %dma_wait3A_996 : memref<1x128x128xbf16, #tpu.memory_space<vmem>> -> memref<128x128xbf16, #tpu.memory_space<vmem>>
        %dma_wait3A_998 = arith.constant 0 : i32
        %dma_wait3A_999 = tpu.memref_slice %arg8[%run_scoped3A_714, %run_scoped3A_715, %dma_wait3A_998] : memref<4x2x128xi32, #tpu.memory_space<vmem>> -> memref<1x1x128xi32, #tpu.memory_space<vmem>>
        %dma_wait3A_1000 = tpu.memref_squeeze %dma_wait3A_999 : memref<1x1x128xi32, #tpu.memory_space<vmem>> -> memref<128xi32, #tpu.memory_space<vmem>>
        %dma_wait3A_1001 = arith.constant 0 : i32
        %dma_wait3A_1002 = arith.constant 0 : i32
        %dma_wait3A_1003 = tpu.memref_slice %arg20[%dma_wait3A_1001, %dma_wait3A_1002] : memref<10240x128xbf16, #tpu.memory_space<vmem_shared>> -> memref<10240x128xbf16, #tpu.memory_space<vmem_shared>>
        tpu.wait_indirect_dma semaphore(%run_scoped3A_983 : memref<!tpu.dma_semaphore, #tpu.memory_space<semaphore_mem>>) src(%dma_wait3A_997 : memref<128x128xbf16, #tpu.memory_space<vmem>>) dst(%dma_wait3A_1003 : memref<10240x128xbf16, #tpu.memory_space<vmem_shared>>)
        tpu.yield
      }) : () -> ()
      %run_scoped3A_716 = arith.constant 1 : i32
      %run_scoped3A_717 = arith.constant 1 : i32
      "tpu.region"() ({
        %run_scoped3A_983 = tpu.sem_alloc : memref<!tpu.dma_semaphore, #tpu.memory_space<semaphore_mem>>
        %dma_start3A_984 = arith.constant 0 : i32
        %dma_start3A_985 = tpu.memref_slice %arg8[%run_scoped3A_716, %run_scoped3A_717, %dma_start3A_984] : memref<4x2x128xi32, #tpu.memory_space<vmem>> -> memref<1x1x128xi32, #tpu.memory_space<vmem>>
        %dma_start3A_986 = tpu.memref_squeeze %dma_start3A_985 : memref<1x1x128xi32, #tpu.memory_space<vmem>> -> memref<128xi32, #tpu.memory_space<vmem>>
        %dma_start3A_987 = arith.constant 0 : i32
        %dma_start3A_988 = arith.constant 0 : i32
        %dma_start3A_989 = tpu.memref_slice %arg22[%dma_start3A_987, %dma_start3A_988] : memref<10240x16xf32, #tpu.memory_space<vmem_shared>> -> memref<10240x16xf32, #tpu.memory_space<vmem_shared>>
        tpu.enqueue_indirect_dma source(%arg21 : memref<128x16xf32, #tpu.memory_space<vmem>>) target(%dma_start3A_989 : memref<10240x16xf32, #tpu.memory_space<vmem_shared>>) offsets(%dma_start3A_986 : memref<128xi32, #tpu.memory_space<vmem>>) semaphore(%run_scoped3A_983 : memref<!tpu.dma_semaphore, #tpu.memory_space<semaphore_mem>>) {add = true}
        %dma_wait3A_990 = arith.constant 0 : i32
        %dma_wait3A_991 = tpu.memref_slice %arg8[%run_scoped3A_716, %run_scoped3A_717, %dma_wait3A_990] : memref<4x2x128xi32, #tpu.memory_space<vmem>> -> memref<1x1x128xi32, #tpu.memory_space<vmem>>
        %dma_wait3A_992 = tpu.memref_squeeze %dma_wait3A_991 : memref<1x1x128xi32, #tpu.memory_space<vmem>> -> memref<128xi32, #tpu.memory_space<vmem>>
        %dma_wait3A_993 = arith.constant 0 : i32
        %dma_wait3A_994 = arith.constant 0 : i32
        %dma_wait3A_995 = tpu.memref_slice %arg22[%dma_wait3A_993, %dma_wait3A_994] : memref<10240x16xf32, #tpu.memory_space<vmem_shared>> -> memref<10240x16xf32, #tpu.memory_space<vmem_shared>>
        tpu.wait_indirect_dma semaphore(%run_scoped3A_983 : memref<!tpu.dma_semaphore, #tpu.memory_space<semaphore_mem>>) src(%arg21 : memref<128x16xf32, #tpu.memory_space<vmem>>) dst(%dma_wait3A_995 : memref<10240x16xf32, #tpu.memory_space<vmem_shared>>)
        tpu.yield
      }) : () -> ()
      %add3A_718 = arith.constant 4 : i32
      %add3A_719 = arith.addi %add3A_699, %add3A_718 : i32
      %mul3A_720 = arith.constant 128 : i32
      %mul3A_721 = arith.muli %add3A_719, %mul3A_720 : i32
      %add3A_722 = arith.addi %mul3A_8, %mul3A_721 : i32
      %dma_start3A_723 = arith.constant 0 : i32
      %dma_start3A_724 = arith.constant 1 : i32
      %dma_start3A_725 = arith.constant 0 : i32
      %dma_start3A_726 = arith.constant 0 : i32
      %dma_start3A_727 = tpu.memref_slice %arg8[%dma_start3A_724, %dma_start3A_725, %dma_start3A_726] : memref<4x2x128xi32, #tpu.memory_space<vmem>> -> memref<1x1x128xi32, #tpu.memory_space<vmem>>
      %dma_start3A_728 = tpu.memref_squeeze %dma_start3A_727 : memref<1x1x128xi32, #tpu.memory_space<vmem>> -> memref<128xi32, #tpu.memory_space<vmem>>
      %dma_start3A_729 = tpu.memref_slice %arg3[%dma_start3A_723, %add3A_722] : memref<2x320000xi32, #tpu.memory_space<hbm>> -> memref<1x128xi32, #tpu.memory_space<hbm>>
      %dma_start3A_730 = tpu.memref_squeeze %dma_start3A_729 : memref<1x128xi32, #tpu.memory_space<hbm>> -> memref<128xi32, #tpu.memory_space<hbm>>
      %dma_start3A_731 = arith.constant 0 : i32
      %dma_start3A_732 = tpu.memref_slice %arg8[%dma_start3A_724, %dma_start3A_725, %dma_start3A_731] : memref<4x2x128xi32, #tpu.memory_space<vmem>> -> memref<1x1x128xi32, #tpu.memory_space<vmem>>
      %dma_start3A_733 = tpu.memref_squeeze %dma_start3A_732 : memref<1x1x128xi32, #tpu.memory_space<vmem>> -> memref<128xi32, #tpu.memory_space<vmem>>
      %dma_start3A_734 = tpu.memref_slice %arg3[%dma_start3A_723, %add3A_722] : memref<2x320000xi32, #tpu.memory_space<hbm>> -> memref<1x128xi32, #tpu.memory_space<hbm>>
      %dma_start3A_735 = tpu.memref_squeeze %dma_start3A_734 : memref<1x128xi32, #tpu.memory_space<hbm>> -> memref<128xi32, #tpu.memory_space<hbm>>
      tpu.enqueue_dma source(%dma_start3A_735 : memref<128xi32, #tpu.memory_space<hbm>>) target(%dma_start3A_733 : memref<128xi32, #tpu.memory_space<vmem>>) target_semaphore(%arg13 : memref<!tpu.dma_semaphore, #tpu.memory_space<semaphore_mem>>)
      %dma_start3A_736 = arith.constant 1 : i32
      %dma_start3A_737 = arith.constant 1 : i32
      %dma_start3A_738 = arith.constant 1 : i32
      %dma_start3A_739 = arith.constant 0 : i32
      %dma_start3A_740 = tpu.memref_slice %arg8[%dma_start3A_737, %dma_start3A_738, %dma_start3A_739] : memref<4x2x128xi32, #tpu.memory_space<vmem>> -> memref<1x1x128xi32, #tpu.memory_space<vmem>>
      %dma_start3A_741 = tpu.memref_squeeze %dma_start3A_740 : memref<1x1x128xi32, #tpu.memory_space<vmem>> -> memref<128xi32, #tpu.memory_space<vmem>>
      %dma_start3A_742 = tpu.memref_slice %arg3[%dma_start3A_736, %add3A_722] : memref<2x320000xi32, #tpu.memory_space<hbm>> -> memref<1x128xi32, #tpu.memory_space<hbm>>
      %dma_start3A_743 = tpu.memref_squeeze %dma_start3A_742 : memref<1x128xi32, #tpu.memory_space<hbm>> -> memref<128xi32, #tpu.memory_space<hbm>>
      %dma_start3A_744 = arith.constant 0 : i32
      %dma_start3A_745 = tpu.memref_slice %arg8[%dma_start3A_737, %dma_start3A_738, %dma_start3A_744] : memref<4x2x128xi32, #tpu.memory_space<vmem>> -> memref<1x1x128xi32, #tpu.memory_space<vmem>>
      %dma_start3A_746 = tpu.memref_squeeze %dma_start3A_745 : memref<1x1x128xi32, #tpu.memory_space<vmem>> -> memref<128xi32, #tpu.memory_space<vmem>>
      %dma_start3A_747 = tpu.memref_slice %arg3[%dma_start3A_736, %add3A_722] : memref<2x320000xi32, #tpu.memory_space<hbm>> -> memref<1x128xi32, #tpu.memory_space<hbm>>
      %dma_start3A_748 = tpu.memref_squeeze %dma_start3A_747 : memref<1x128xi32, #tpu.memory_space<hbm>> -> memref<128xi32, #tpu.memory_space<hbm>>
      tpu.enqueue_dma source(%dma_start3A_748 : memref<128xi32, #tpu.memory_space<hbm>>) target(%dma_start3A_746 : memref<128xi32, #tpu.memory_space<vmem>>) target_semaphore(%arg13 : memref<!tpu.dma_semaphore, #tpu.memory_space<semaphore_mem>>)
      %add3A_749 = arith.constant 3 : i32
      %add3A_750 = arith.addi %add3A_699, %add3A_749 : i32
      %mul3A_751 = arith.constant 128 : i32
      %mul3A_752 = arith.muli %add3A_750, %mul3A_751 : i32
      %add3A_753 = arith.addi %mul3A_8, %mul3A_752 : i32
      %dma_wait3A_754 = arith.constant 0 : i32
      %dma_wait3A_755 = arith.constant 0 : i32
      %dma_wait3A_756 = arith.constant 0 : i32
      %dma_wait3A_757 = arith.constant 0 : i32
      %dma_wait3A_758 = tpu.memref_slice %arg8[%dma_wait3A_755, %dma_wait3A_756, %dma_wait3A_757] : memref<4x2x128xi32, #tpu.memory_space<vmem>> -> memref<1x1x128xi32, #tpu.memory_space<vmem>>
      %dma_wait3A_759 = tpu.memref_squeeze %dma_wait3A_758 : memref<1x1x128xi32, #tpu.memory_space<vmem>> -> memref<128xi32, #tpu.memory_space<vmem>>
      %dma_wait3A_760 = tpu.memref_slice %arg3[%dma_wait3A_754, %add3A_753] : memref<2x320000xi32, #tpu.memory_space<hbm>> -> memref<1x128xi32, #tpu.memory_space<hbm>>
      %dma_wait3A_761 = tpu.memref_squeeze %dma_wait3A_760 : memref<1x128xi32, #tpu.memory_space<hbm>> -> memref<128xi32, #tpu.memory_space<hbm>>
      %dma_wait3A_762 = arith.constant 0 : i32
      %dma_wait3A_763 = tpu.memref_slice %arg8[%dma_wait3A_755, %dma_wait3A_756, %dma_wait3A_762] : memref<4x2x128xi32, #tpu.memory_space<vmem>> -> memref<1x1x128xi32, #tpu.memory_space<vmem>>
      %dma_wait3A_764 = tpu.memref_squeeze %dma_wait3A_763 : memref<1x1x128xi32, #tpu.memory_space<vmem>> -> memref<128xi32, #tpu.memory_space<vmem>>
      %dma_wait3A_765 = tpu.memref_slice %arg3[%dma_wait3A_754, %add3A_753] : memref<2x320000xi32, #tpu.memory_space<hbm>> -> memref<1x128xi32, #tpu.memory_space<hbm>>
      %dma_wait3A_766 = tpu.memref_squeeze %dma_wait3A_765 : memref<1x128xi32, #tpu.memory_space<hbm>> -> memref<128xi32, #tpu.memory_space<hbm>>
      tpu.wait_dma2 semaphore(%arg12 : memref<!tpu.dma_semaphore, #tpu.memory_space<semaphore_mem>>) src(%dma_wait3A_766 : memref<128xi32, #tpu.memory_space<hbm>>) dst(%dma_wait3A_764 : memref<128xi32, #tpu.memory_space<vmem>>)
      %dma_wait3A_767 = arith.constant 1 : i32
      %dma_wait3A_768 = arith.constant 0 : i32
      %dma_wait3A_769 = arith.constant 1 : i32
      %dma_wait3A_770 = arith.constant 0 : i32
      %dma_wait3A_771 = tpu.memref_slice %arg8[%dma_wait3A_768, %dma_wait3A_769, %dma_wait3A_770] : memref<4x2x128xi32, #tpu.memory_space<vmem>> -> memref<1x1x128xi32, #tpu.memory_space<vmem>>
      %dma_wait3A_772 = tpu.memref_squeeze %dma_wait3A_771 : memref<1x1x128xi32, #tpu.memory_space<vmem>> -> memref<128xi32, #tpu.memory_space<vmem>>
      %dma_wait3A_773 = tpu.memref_slice %arg3[%dma_wait3A_767, %add3A_753] : memref<2x320000xi32, #tpu.memory_space<hbm>> -> memref<1x128xi32, #tpu.memory_space<hbm>>
      %dma_wait3A_774 = tpu.memref_squeeze %dma_wait3A_773 : memref<1x128xi32, #tpu.memory_space<hbm>> -> memref<128xi32, #tpu.memory_space<hbm>>
      %dma_wait3A_775 = arith.constant 0 : i32
      %dma_wait3A_776 = tpu.memref_slice %arg8[%dma_wait3A_768, %dma_wait3A_769, %dma_wait3A_775] : memref<4x2x128xi32, #tpu.memory_space<vmem>> -> memref<1x1x128xi32, #tpu.memory_space<vmem>>
      %dma_wait3A_777 = tpu.memref_squeeze %dma_wait3A_776 : memref<1x1x128xi32, #tpu.memory_space<vmem>> -> memref<128xi32, #tpu.memory_space<vmem>>
      %dma_wait3A_778 = tpu.memref_slice %arg3[%dma_wait3A_767, %add3A_753] : memref<2x320000xi32, #tpu.memory_space<hbm>> -> memref<1x128xi32, #tpu.memory_space<hbm>>
      %dma_wait3A_779 = tpu.memref_squeeze %dma_wait3A_778 : memref<1x128xi32, #tpu.memory_space<hbm>> -> memref<128xi32, #tpu.memory_space<hbm>>
      tpu.wait_dma2 semaphore(%arg12 : memref<!tpu.dma_semaphore, #tpu.memory_space<semaphore_mem>>) src(%dma_wait3A_779 : memref<128xi32, #tpu.memory_space<hbm>>) dst(%dma_wait3A_777 : memref<128xi32, #tpu.memory_space<vmem>>)
      %dma_start3A_780 = arith.constant 0 : i32
      %dma_start3A_781 = arith.constant 0 : i32
      %dma_start3A_782 = arith.constant 0 : i32
      %dma_start3A_783 = arith.constant 0 : i32
      %dma_start3A_784 = arith.constant 0 : i32
      %dma_start3A_785 = tpu.memref_slice %arg9[%dma_start3A_782, %dma_start3A_783, %dma_start3A_784] : memref<4x128x128xbf16, #tpu.memory_space<vmem>> -> memref<1x128x128xbf16, #tpu.memory_space<vmem>>
      %dma_start3A_786 = tpu.memref_squeeze %dma_start3A_785 : memref<1x128x128xbf16, #tpu.memory_space<vmem>> -> memref<128x128xbf16, #tpu.memory_space<vmem>>
      %dma_start3A_787 = arith.constant 0 : i32
      %dma_start3A_788 = tpu.memref_slice %arg8[%dma_start3A_780, %dma_start3A_781, %dma_start3A_787] : memref<4x2x128xi32, #tpu.memory_space<vmem>> -> memref<1x1x128xi32, #tpu.memory_space<vmem>>
      %dma_start3A_789 = tpu.memref_squeeze %dma_start3A_788 : memref<1x1x128xi32, #tpu.memory_space<vmem>> -> memref<128xi32, #tpu.memory_space<vmem>>
      %dma_start3A_790 = arith.constant 0 : i32
      %dma_start3A_791 = arith.constant 0 : i32
      %dma_start3A_792 = tpu.memref_slice %arg2[%dma_start3A_790, %dma_start3A_791] : memref<10000x128xbf16, #tpu.memory_space<hbm>> -> memref<10000x128xbf16, #tpu.memory_space<hbm>>
      tpu.enqueue_indirect_dma source(%dma_start3A_792 : memref<10000x128xbf16, #tpu.memory_space<hbm>>) target(%dma_start3A_786 : memref<128x128xbf16, #tpu.memory_space<vmem>>) offsets(%dma_start3A_789 : memref<128xi32, #tpu.memory_space<vmem>>) semaphore(%arg16 : memref<!tpu.dma_semaphore, #tpu.memory_space<semaphore_mem>>)
      %add3A_793 = arith.constant 2 : i32
      %add3A_794 = arith.addi %mul3A_602, %add3A_793 : i32
      %dma_wait3A_795 = arith.constant 2 : i32
      %dma_wait3A_796 = arith.constant 0 : i32
      %dma_wait3A_797 = arith.constant 2 : i32
      %dma_wait3A_798 = arith.constant 0 : i32
      %dma_wait3A_799 = arith.constant 0 : i32
      %dma_wait3A_800 = tpu.memref_slice %arg9[%dma_wait3A_797, %dma_wait3A_798, %dma_wait3A_799] : memref<4x128x128xbf16, #tpu.memory_space<vmem>> -> memref<1x128x128xbf16, #tpu.memory_space<vmem>>
      %dma_wait3A_801 = tpu.memref_squeeze %dma_wait3A_800 : memref<1x128x128xbf16, #tpu.memory_space<vmem>> -> memref<128x128xbf16, #tpu.memory_space<vmem>>
      %dma_wait3A_802 = arith.constant 0 : i32
      %dma_wait3A_803 = tpu.memref_slice %arg8[%dma_wait3A_795, %dma_wait3A_796, %dma_wait3A_802] : memref<4x2x128xi32, #tpu.memory_space<vmem>> -> memref<1x1x128xi32, #tpu.memory_space<vmem>>
      %dma_wait3A_804 = tpu.memref_squeeze %dma_wait3A_803 : memref<1x1x128xi32, #tpu.memory_space<vmem>> -> memref<128xi32, #tpu.memory_space<vmem>>
      %dma_wait3A_805 = arith.constant 0 : i32
      %dma_wait3A_806 = arith.constant 0 : i32
      %dma_wait3A_807 = tpu.memref_slice %arg2[%dma_wait3A_805, %dma_wait3A_806] : memref<10000x128xbf16, #tpu.memory_space<hbm>> -> memref<10000x128xbf16, #tpu.memory_space<hbm>>
      tpu.wait_indirect_dma semaphore(%arg18 : memref<!tpu.dma_semaphore, #tpu.memory_space<semaphore_mem>>) src(%dma_wait3A_807 : memref<10000x128xbf16, #tpu.memory_space<hbm>>) dst(%dma_wait3A_801 : memref<128x128xbf16, #tpu.memory_space<vmem>>)
      %run_scoped3A_808 = arith.constant 2 : i32
      %run_scoped3A_809 = arith.constant 2 : i32
      %run_scoped3A_810 = arith.constant 1 : i32
      "tpu.region"() ({
        %run_scoped3A_983 = tpu.sem_alloc : memref<!tpu.dma_semaphore, #tpu.memory_space<semaphore_mem>>
        %dma_start3A_984 = arith.constant 0 : i32
        %dma_start3A_985 = arith.constant 0 : i32
        %dma_start3A_986 = tpu.memref_slice %arg9[%run_scoped3A_808, %dma_start3A_984, %dma_start3A_985] : memref<4x128x128xbf16, #tpu.memory_space<vmem>> -> memref<1x128x128xbf16, #tpu.memory_space<vmem>>
        %dma_start3A_987 = tpu.memref_squeeze %dma_start3A_986 : memref<1x128x128xbf16, #tpu.memory_space<vmem>> -> memref<128x128xbf16, #tpu.memory_space<vmem>>
        %dma_start3A_988 = arith.constant 0 : i32
        %dma_start3A_989 = tpu.memref_slice %arg8[%run_scoped3A_809, %run_scoped3A_810, %dma_start3A_988] : memref<4x2x128xi32, #tpu.memory_space<vmem>> -> memref<1x1x128xi32, #tpu.memory_space<vmem>>
        %dma_start3A_990 = tpu.memref_squeeze %dma_start3A_989 : memref<1x1x128xi32, #tpu.memory_space<vmem>> -> memref<128xi32, #tpu.memory_space<vmem>>
        %dma_start3A_991 = arith.constant 0 : i32
        %dma_start3A_992 = arith.constant 0 : i32
        %dma_start3A_993 = tpu.memref_slice %arg20[%dma_start3A_991, %dma_start3A_992] : memref<10240x128xbf16, #tpu.memory_space<vmem_shared>> -> memref<10240x128xbf16, #tpu.memory_space<vmem_shared>>
        tpu.enqueue_indirect_dma source(%dma_start3A_987 : memref<128x128xbf16, #tpu.memory_space<vmem>>) target(%dma_start3A_993 : memref<10240x128xbf16, #tpu.memory_space<vmem_shared>>) offsets(%dma_start3A_990 : memref<128xi32, #tpu.memory_space<vmem>>) semaphore(%run_scoped3A_983 : memref<!tpu.dma_semaphore, #tpu.memory_space<semaphore_mem>>) {add = true}
        %dma_wait3A_994 = arith.constant 0 : i32
        %dma_wait3A_995 = arith.constant 0 : i32
        %dma_wait3A_996 = tpu.memref_slice %arg9[%run_scoped3A_808, %dma_wait3A_994, %dma_wait3A_995] : memref<4x128x128xbf16, #tpu.memory_space<vmem>> -> memref<1x128x128xbf16, #tpu.memory_space<vmem>>
        %dma_wait3A_997 = tpu.memref_squeeze %dma_wait3A_996 : memref<1x128x128xbf16, #tpu.memory_space<vmem>> -> memref<128x128xbf16, #tpu.memory_space<vmem>>
        %dma_wait3A_998 = arith.constant 0 : i32
        %dma_wait3A_999 = tpu.memref_slice %arg8[%run_scoped3A_809, %run_scoped3A_810, %dma_wait3A_998] : memref<4x2x128xi32, #tpu.memory_space<vmem>> -> memref<1x1x128xi32, #tpu.memory_space<vmem>>
        %dma_wait3A_1000 = tpu.memref_squeeze %dma_wait3A_999 : memref<1x1x128xi32, #tpu.memory_space<vmem>> -> memref<128xi32, #tpu.memory_space<vmem>>
        %dma_wait3A_1001 = arith.constant 0 : i32
        %dma_wait3A_1002 = arith.constant 0 : i32
        %dma_wait3A_1003 = tpu.memref_slice %arg20[%dma_wait3A_1001, %dma_wait3A_1002] : memref<10240x128xbf16, #tpu.memory_space<vmem_shared>> -> memref<10240x128xbf16, #tpu.memory_space<vmem_shared>>
        tpu.wait_indirect_dma semaphore(%run_scoped3A_983 : memref<!tpu.dma_semaphore, #tpu.memory_space<semaphore_mem>>) src(%dma_wait3A_997 : memref<128x128xbf16, #tpu.memory_space<vmem>>) dst(%dma_wait3A_1003 : memref<10240x128xbf16, #tpu.memory_space<vmem_shared>>)
        tpu.yield
      }) : () -> ()
      %run_scoped3A_811 = arith.constant 2 : i32
      %run_scoped3A_812 = arith.constant 1 : i32
      "tpu.region"() ({
        %run_scoped3A_983 = tpu.sem_alloc : memref<!tpu.dma_semaphore, #tpu.memory_space<semaphore_mem>>
        %dma_start3A_984 = arith.constant 0 : i32
        %dma_start3A_985 = tpu.memref_slice %arg8[%run_scoped3A_811, %run_scoped3A_812, %dma_start3A_984] : memref<4x2x128xi32, #tpu.memory_space<vmem>> -> memref<1x1x128xi32, #tpu.memory_space<vmem>>
        %dma_start3A_986 = tpu.memref_squeeze %dma_start3A_985 : memref<1x1x128xi32, #tpu.memory_space<vmem>> -> memref<128xi32, #tpu.memory_space<vmem>>
        %dma_start3A_987 = arith.constant 0 : i32
        %dma_start3A_988 = arith.constant 0 : i32
        %dma_start3A_989 = tpu.memref_slice %arg22[%dma_start3A_987, %dma_start3A_988] : memref<10240x16xf32, #tpu.memory_space<vmem_shared>> -> memref<10240x16xf32, #tpu.memory_space<vmem_shared>>
        tpu.enqueue_indirect_dma source(%arg21 : memref<128x16xf32, #tpu.memory_space<vmem>>) target(%dma_start3A_989 : memref<10240x16xf32, #tpu.memory_space<vmem_shared>>) offsets(%dma_start3A_986 : memref<128xi32, #tpu.memory_space<vmem>>) semaphore(%run_scoped3A_983 : memref<!tpu.dma_semaphore, #tpu.memory_space<semaphore_mem>>) {add = true}
        %dma_wait3A_990 = arith.constant 0 : i32
        %dma_wait3A_991 = tpu.memref_slice %arg8[%run_scoped3A_811, %run_scoped3A_812, %dma_wait3A_990] : memref<4x2x128xi32, #tpu.memory_space<vmem>> -> memref<1x1x128xi32, #tpu.memory_space<vmem>>
        %dma_wait3A_992 = tpu.memref_squeeze %dma_wait3A_991 : memref<1x1x128xi32, #tpu.memory_space<vmem>> -> memref<128xi32, #tpu.memory_space<vmem>>
        %dma_wait3A_993 = arith.constant 0 : i32
        %dma_wait3A_994 = arith.constant 0 : i32
        %dma_wait3A_995 = tpu.memref_slice %arg22[%dma_wait3A_993, %dma_wait3A_994] : memref<10240x16xf32, #tpu.memory_space<vmem_shared>> -> memref<10240x16xf32, #tpu.memory_space<vmem_shared>>
        tpu.wait_indirect_dma semaphore(%run_scoped3A_983 : memref<!tpu.dma_semaphore, #tpu.memory_space<semaphore_mem>>) src(%arg21 : memref<128x16xf32, #tpu.memory_space<vmem>>) dst(%dma_wait3A_995 : memref<10240x16xf32, #tpu.memory_space<vmem_shared>>)
        tpu.yield
      }) : () -> ()
      %add3A_813 = arith.constant 4 : i32
      %add3A_814 = arith.addi %add3A_794, %add3A_813 : i32
      %mul3A_815 = arith.constant 128 : i32
      %mul3A_816 = arith.muli %add3A_814, %mul3A_815 : i32
      %add3A_817 = arith.addi %mul3A_8, %mul3A_816 : i32
      %dma_start3A_818 = arith.constant 0 : i32
      %dma_start3A_819 = arith.constant 2 : i32
      %dma_start3A_820 = arith.constant 0 : i32
      %dma_start3A_821 = arith.constant 0 : i32
      %dma_start3A_822 = tpu.memref_slice %arg8[%dma_start3A_819, %dma_start3A_820, %dma_start3A_821] : memref<4x2x128xi32, #tpu.memory_space<vmem>> -> memref<1x1x128xi32, #tpu.memory_space<vmem>>
      %dma_start3A_823 = tpu.memref_squeeze %dma_start3A_822 : memref<1x1x128xi32, #tpu.memory_space<vmem>> -> memref<128xi32, #tpu.memory_space<vmem>>
      %dma_start3A_824 = tpu.memref_slice %arg3[%dma_start3A_818, %add3A_817] : memref<2x320000xi32, #tpu.memory_space<hbm>> -> memref<1x128xi32, #tpu.memory_space<hbm>>
      %dma_start3A_825 = tpu.memref_squeeze %dma_start3A_824 : memref<1x128xi32, #tpu.memory_space<hbm>> -> memref<128xi32, #tpu.memory_space<hbm>>
      %dma_start3A_826 = arith.constant 0 : i32
      %dma_start3A_827 = tpu.memref_slice %arg8[%dma_start3A_819, %dma_start3A_820, %dma_start3A_826] : memref<4x2x128xi32, #tpu.memory_space<vmem>> -> memref<1x1x128xi32, #tpu.memory_space<vmem>>
      %dma_start3A_828 = tpu.memref_squeeze %dma_start3A_827 : memref<1x1x128xi32, #tpu.memory_space<vmem>> -> memref<128xi32, #tpu.memory_space<vmem>>
      %dma_start3A_829 = tpu.memref_slice %arg3[%dma_start3A_818, %add3A_817] : memref<2x320000xi32, #tpu.memory_space<hbm>> -> memref<1x128xi32, #tpu.memory_space<hbm>>
      %dma_start3A_830 = tpu.memref_squeeze %dma_start3A_829 : memref<1x128xi32, #tpu.memory_space<hbm>> -> memref<128xi32, #tpu.memory_space<hbm>>
      tpu.enqueue_dma source(%dma_start3A_830 : memref<128xi32, #tpu.memory_space<hbm>>) target(%dma_start3A_828 : memref<128xi32, #tpu.memory_space<vmem>>) target_semaphore(%arg14 : memref<!tpu.dma_semaphore, #tpu.memory_space<semaphore_mem>>)
      %dma_start3A_831 = arith.constant 1 : i32
      %dma_start3A_832 = arith.constant 2 : i32
      %dma_start3A_833 = arith.constant 1 : i32
      %dma_start3A_834 = arith.constant 0 : i32
      %dma_start3A_835 = tpu.memref_slice %arg8[%dma_start3A_832, %dma_start3A_833, %dma_start3A_834] : memref<4x2x128xi32, #tpu.memory_space<vmem>> -> memref<1x1x128xi32, #tpu.memory_space<vmem>>
      %dma_start3A_836 = tpu.memref_squeeze %dma_start3A_835 : memref<1x1x128xi32, #tpu.memory_space<vmem>> -> memref<128xi32, #tpu.memory_space<vmem>>
      %dma_start3A_837 = tpu.memref_slice %arg3[%dma_start3A_831, %add3A_817] : memref<2x320000xi32, #tpu.memory_space<hbm>> -> memref<1x128xi32, #tpu.memory_space<hbm>>
      %dma_start3A_838 = tpu.memref_squeeze %dma_start3A_837 : memref<1x128xi32, #tpu.memory_space<hbm>> -> memref<128xi32, #tpu.memory_space<hbm>>
      %dma_start3A_839 = arith.constant 0 : i32
      %dma_start3A_840 = tpu.memref_slice %arg8[%dma_start3A_832, %dma_start3A_833, %dma_start3A_839] : memref<4x2x128xi32, #tpu.memory_space<vmem>> -> memref<1x1x128xi32, #tpu.memory_space<vmem>>
      %dma_start3A_841 = tpu.memref_squeeze %dma_start3A_840 : memref<1x1x128xi32, #tpu.memory_space<vmem>> -> memref<128xi32, #tpu.memory_space<vmem>>
      %dma_start3A_842 = tpu.memref_slice %arg3[%dma_start3A_831, %add3A_817] : memref<2x320000xi32, #tpu.memory_space<hbm>> -> memref<1x128xi32, #tpu.memory_space<hbm>>
      %dma_start3A_843 = tpu.memref_squeeze %dma_start3A_842 : memref<1x128xi32, #tpu.memory_space<hbm>> -> memref<128xi32, #tpu.memory_space<hbm>>
      tpu.enqueue_dma source(%dma_start3A_843 : memref<128xi32, #tpu.memory_space<hbm>>) target(%dma_start3A_841 : memref<128xi32, #tpu.memory_space<vmem>>) target_semaphore(%arg14 : memref<!tpu.dma_semaphore, #tpu.memory_space<semaphore_mem>>)
      %add3A_844 = arith.constant 3 : i32
      %add3A_845 = arith.addi %add3A_794, %add3A_844 : i32
      %mul3A_846 = arith.constant 128 : i32
      %mul3A_847 = arith.muli %add3A_845, %mul3A_846 : i32
      %add3A_848 = arith.addi %mul3A_8, %mul3A_847 : i32
      %dma_wait3A_849 = arith.constant 0 : i32
      %dma_wait3A_850 = arith.constant 1 : i32
      %dma_wait3A_851 = arith.constant 0 : i32
      %dma_wait3A_852 = arith.constant 0 : i32
      %dma_wait3A_853 = tpu.memref_slice %arg8[%dma_wait3A_850, %dma_wait3A_851, %dma_wait3A_852] : memref<4x2x128xi32, #tpu.memory_space<vmem>> -> memref<1x1x128xi32, #tpu.memory_space<vmem>>
      %dma_wait3A_854 = tpu.memref_squeeze %dma_wait3A_853 : memref<1x1x128xi32, #tpu.memory_space<vmem>> -> memref<128xi32, #tpu.memory_space<vmem>>
      %dma_wait3A_855 = tpu.memref_slice %arg3[%dma_wait3A_849, %add3A_848] : memref<2x320000xi32, #tpu.memory_space<hbm>> -> memref<1x128xi32, #tpu.memory_space<hbm>>
      %dma_wait3A_856 = tpu.memref_squeeze %dma_wait3A_855 : memref<1x128xi32, #tpu.memory_space<hbm>> -> memref<128xi32, #tpu.memory_space<hbm>>
      %dma_wait3A_857 = arith.constant 0 : i32
      %dma_wait3A_858 = tpu.memref_slice %arg8[%dma_wait3A_850, %dma_wait3A_851, %dma_wait3A_857] : memref<4x2x128xi32, #tpu.memory_space<vmem>> -> memref<1x1x128xi32, #tpu.memory_space<vmem>>
      %dma_wait3A_859 = tpu.memref_squeeze %dma_wait3A_858 : memref<1x1x128xi32, #tpu.memory_space<vmem>> -> memref<128xi32, #tpu.memory_space<vmem>>
      %dma_wait3A_860 = tpu.memref_slice %arg3[%dma_wait3A_849, %add3A_848] : memref<2x320000xi32, #tpu.memory_space<hbm>> -> memref<1x128xi32, #tpu.memory_space<hbm>>
      %dma_wait3A_861 = tpu.memref_squeeze %dma_wait3A_860 : memref<1x128xi32, #tpu.memory_space<hbm>> -> memref<128xi32, #tpu.memory_space<hbm>>
      tpu.wait_dma2 semaphore(%arg13 : memref<!tpu.dma_semaphore, #tpu.memory_space<semaphore_mem>>) src(%dma_wait3A_861 : memref<128xi32, #tpu.memory_space<hbm>>) dst(%dma_wait3A_859 : memref<128xi32, #tpu.memory_space<vmem>>)
      %dma_wait3A_862 = arith.constant 1 : i32
      %dma_wait3A_863 = arith.constant 1 : i32
      %dma_wait3A_864 = arith.constant 1 : i32
      %dma_wait3A_865 = arith.constant 0 : i32
      %dma_wait3A_866 = tpu.memref_slice %arg8[%dma_wait3A_863, %dma_wait3A_864, %dma_wait3A_865] : memref<4x2x128xi32, #tpu.memory_space<vmem>> -> memref<1x1x128xi32, #tpu.memory_space<vmem>>
      %dma_wait3A_867 = tpu.memref_squeeze %dma_wait3A_866 : memref<1x1x128xi32, #tpu.memory_space<vmem>> -> memref<128xi32, #tpu.memory_space<vmem>>
      %dma_wait3A_868 = tpu.memref_slice %arg3[%dma_wait3A_862, %add3A_848] : memref<2x320000xi32, #tpu.memory_space<hbm>> -> memref<1x128xi32, #tpu.memory_space<hbm>>
      %dma_wait3A_869 = tpu.memref_squeeze %dma_wait3A_868 : memref<1x128xi32, #tpu.memory_space<hbm>> -> memref<128xi32, #tpu.memory_space<hbm>>
      %dma_wait3A_870 = arith.constant 0 : i32
      %dma_wait3A_871 = tpu.memref_slice %arg8[%dma_wait3A_863, %dma_wait3A_864, %dma_wait3A_870] : memref<4x2x128xi32, #tpu.memory_space<vmem>> -> memref<1x1x128xi32, #tpu.memory_space<vmem>>
      %dma_wait3A_872 = tpu.memref_squeeze %dma_wait3A_871 : memref<1x1x128xi32, #tpu.memory_space<vmem>> -> memref<128xi32, #tpu.memory_space<vmem>>
      %dma_wait3A_873 = tpu.memref_slice %arg3[%dma_wait3A_862, %add3A_848] : memref<2x320000xi32, #tpu.memory_space<hbm>> -> memref<1x128xi32, #tpu.memory_space<hbm>>
      %dma_wait3A_874 = tpu.memref_squeeze %dma_wait3A_873 : memref<1x128xi32, #tpu.memory_space<hbm>> -> memref<128xi32, #tpu.memory_space<hbm>>
      tpu.wait_dma2 semaphore(%arg13 : memref<!tpu.dma_semaphore, #tpu.memory_space<semaphore_mem>>) src(%dma_wait3A_874 : memref<128xi32, #tpu.memory_space<hbm>>) dst(%dma_wait3A_872 : memref<128xi32, #tpu.memory_space<vmem>>)
      %dma_start3A_875 = arith.constant 1 : i32
      %dma_start3A_876 = arith.constant 0 : i32
      %dma_start3A_877 = arith.constant 1 : i32
      %dma_start3A_878 = arith.constant 0 : i32
      %dma_start3A_879 = arith.constant 0 : i32
      %dma_start3A_880 = tpu.memref_slice %arg9[%dma_start3A_877, %dma_start3A_878, %dma_start3A_879] : memref<4x128x128xbf16, #tpu.memory_space<vmem>> -> memref<1x128x128xbf16, #tpu.memory_space<vmem>>
      %dma_start3A_881 = tpu.memref_squeeze %dma_start3A_880 : memref<1x128x128xbf16, #tpu.memory_space<vmem>> -> memref<128x128xbf16, #tpu.memory_space<vmem>>
      %dma_start3A_882 = arith.constant 0 : i32
      %dma_start3A_883 = tpu.memref_slice %arg8[%dma_start3A_875, %dma_start3A_876, %dma_start3A_882] : memref<4x2x128xi32, #tpu.memory_space<vmem>> -> memref<1x1x128xi32, #tpu.memory_space<vmem>>
      %dma_start3A_884 = tpu.memref_squeeze %dma_start3A_883 : memref<1x1x128xi32, #tpu.memory_space<vmem>> -> memref<128xi32, #tpu.memory_space<vmem>>
      %dma_start3A_885 = arith.constant 0 : i32
      %dma_start3A_886 = arith.constant 0 : i32
      %dma_start3A_887 = tpu.memref_slice %arg2[%dma_start3A_885, %dma_start3A_886] : memref<10000x128xbf16, #tpu.memory_space<hbm>> -> memref<10000x128xbf16, #tpu.memory_space<hbm>>
      tpu.enqueue_indirect_dma source(%dma_start3A_887 : memref<10000x128xbf16, #tpu.memory_space<hbm>>) target(%dma_start3A_881 : memref<128x128xbf16, #tpu.memory_space<vmem>>) offsets(%dma_start3A_884 : memref<128xi32, #tpu.memory_space<vmem>>) semaphore(%arg17 : memref<!tpu.dma_semaphore, #tpu.memory_space<semaphore_mem>>)
      %add3A_888 = arith.constant 3 : i32
      %add3A_889 = arith.addi %mul3A_602, %add3A_888 : i32
      %dma_wait3A_890 = arith.constant 3 : i32
      %dma_wait3A_891 = arith.constant 0 : i32
      %dma_wait3A_892 = arith.constant 3 : i32
      %dma_wait3A_893 = arith.constant 0 : i32
      %dma_wait3A_894 = arith.constant 0 : i32
      %dma_wait3A_895 = tpu.memref_slice %arg9[%dma_wait3A_892, %dma_wait3A_893, %dma_wait3A_894] : memref<4x128x128xbf16, #tpu.memory_space<vmem>> -> memref<1x128x128xbf16, #tpu.memory_space<vmem>>
      %dma_wait3A_896 = tpu.memref_squeeze %dma_wait3A_895 : memref<1x128x128xbf16, #tpu.memory_space<vmem>> -> memref<128x128xbf16, #tpu.memory_space<vmem>>
      %dma_wait3A_897 = arith.constant 0 : i32
      %dma_wait3A_898 = tpu.memref_slice %arg8[%dma_wait3A_890, %dma_wait3A_891, %dma_wait3A_897] : memref<4x2x128xi32, #tpu.memory_space<vmem>> -> memref<1x1x128xi32, #tpu.memory_space<vmem>>
      %dma_wait3A_899 = tpu.memref_squeeze %dma_wait3A_898 : memref<1x1x128xi32, #tpu.memory_space<vmem>> -> memref<128xi32, #tpu.memory_space<vmem>>
      %dma_wait3A_900 = arith.constant 0 : i32
      %dma_wait3A_901 = arith.constant 0 : i32
      %dma_wait3A_902 = tpu.memref_slice %arg2[%dma_wait3A_900, %dma_wait3A_901] : memref<10000x128xbf16, #tpu.memory_space<hbm>> -> memref<10000x128xbf16, #tpu.memory_space<hbm>>
      tpu.wait_indirect_dma semaphore(%arg19 : memref<!tpu.dma_semaphore, #tpu.memory_space<semaphore_mem>>) src(%dma_wait3A_902 : memref<10000x128xbf16, #tpu.memory_space<hbm>>) dst(%dma_wait3A_896 : memref<128x128xbf16, #tpu.memory_space<vmem>>)
      %run_scoped3A_903 = arith.constant 3 : i32
      %run_scoped3A_904 = arith.constant 3 : i32
      %run_scoped3A_905 = arith.constant 1 : i32
      "tpu.region"() ({
        %run_scoped3A_983 = tpu.sem_alloc : memref<!tpu.dma_semaphore, #tpu.memory_space<semaphore_mem>>
        %dma_start3A_984 = arith.constant 0 : i32
        %dma_start3A_985 = arith.constant 0 : i32
        %dma_start3A_986 = tpu.memref_slice %arg9[%run_scoped3A_903, %dma_start3A_984, %dma_start3A_985] : memref<4x128x128xbf16, #tpu.memory_space<vmem>> -> memref<1x128x128xbf16, #tpu.memory_space<vmem>>
        %dma_start3A_987 = tpu.memref_squeeze %dma_start3A_986 : memref<1x128x128xbf16, #tpu.memory_space<vmem>> -> memref<128x128xbf16, #tpu.memory_space<vmem>>
        %dma_start3A_988 = arith.constant 0 : i32
        %dma_start3A_989 = tpu.memref_slice %arg8[%run_scoped3A_904, %run_scoped3A_905, %dma_start3A_988] : memref<4x2x128xi32, #tpu.memory_space<vmem>> -> memref<1x1x128xi32, #tpu.memory_space<vmem>>
        %dma_start3A_990 = tpu.memref_squeeze %dma_start3A_989 : memref<1x1x128xi32, #tpu.memory_space<vmem>> -> memref<128xi32, #tpu.memory_space<vmem>>
        %dma_start3A_991 = arith.constant 0 : i32
        %dma_start3A_992 = arith.constant 0 : i32
        %dma_start3A_993 = tpu.memref_slice %arg20[%dma_start3A_991, %dma_start3A_992] : memref<10240x128xbf16, #tpu.memory_space<vmem_shared>> -> memref<10240x128xbf16, #tpu.memory_space<vmem_shared>>
        tpu.enqueue_indirect_dma source(%dma_start3A_987 : memref<128x128xbf16, #tpu.memory_space<vmem>>) target(%dma_start3A_993 : memref<10240x128xbf16, #tpu.memory_space<vmem_shared>>) offsets(%dma_start3A_990 : memref<128xi32, #tpu.memory_space<vmem>>) semaphore(%run_scoped3A_983 : memref<!tpu.dma_semaphore, #tpu.memory_space<semaphore_mem>>) {add = true}
        %dma_wait3A_994 = arith.constant 0 : i32
        %dma_wait3A_995 = arith.constant 0 : i32
        %dma_wait3A_996 = tpu.memref_slice %arg9[%run_scoped3A_903, %dma_wait3A_994, %dma_wait3A_995] : memref<4x128x128xbf16, #tpu.memory_space<vmem>> -> memref<1x128x128xbf16, #tpu.memory_space<vmem>>
        %dma_wait3A_997 = tpu.memref_squeeze %dma_wait3A_996 : memref<1x128x128xbf16, #tpu.memory_space<vmem>> -> memref<128x128xbf16, #tpu.memory_space<vmem>>
        %dma_wait3A_998 = arith.constant 0 : i32
        %dma_wait3A_999 = tpu.memref_slice %arg8[%run_scoped3A_904, %run_scoped3A_905, %dma_wait3A_998] : memref<4x2x128xi32, #tpu.memory_space<vmem>> -> memref<1x1x128xi32, #tpu.memory_space<vmem>>
        %dma_wait3A_1000 = tpu.memref_squeeze %dma_wait3A_999 : memref<1x1x128xi32, #tpu.memory_space<vmem>> -> memref<128xi32, #tpu.memory_space<vmem>>
        %dma_wait3A_1001 = arith.constant 0 : i32
        %dma_wait3A_1002 = arith.constant 0 : i32
        %dma_wait3A_1003 = tpu.memref_slice %arg20[%dma_wait3A_1001, %dma_wait3A_1002] : memref<10240x128xbf16, #tpu.memory_space<vmem_shared>> -> memref<10240x128xbf16, #tpu.memory_space<vmem_shared>>
        tpu.wait_indirect_dma semaphore(%run_scoped3A_983 : memref<!tpu.dma_semaphore, #tpu.memory_space<semaphore_mem>>) src(%dma_wait3A_997 : memref<128x128xbf16, #tpu.memory_space<vmem>>) dst(%dma_wait3A_1003 : memref<10240x128xbf16, #tpu.memory_space<vmem_shared>>)
        tpu.yield
      }) : () -> ()
      %run_scoped3A_906 = arith.constant 3 : i32
      %run_scoped3A_907 = arith.constant 1 : i32
      "tpu.region"() ({
        %run_scoped3A_983 = tpu.sem_alloc : memref<!tpu.dma_semaphore, #tpu.memory_space<semaphore_mem>>
        %dma_start3A_984 = arith.constant 0 : i32
        %dma_start3A_985 = tpu.memref_slice %arg8[%run_scoped3A_906, %run_scoped3A_907, %dma_start3A_984] : memref<4x2x128xi32, #tpu.memory_space<vmem>> -> memref<1x1x128xi32, #tpu.memory_space<vmem>>
        %dma_start3A_986 = tpu.memref_squeeze %dma_start3A_985 : memref<1x1x128xi32, #tpu.memory_space<vmem>> -> memref<128xi32, #tpu.memory_space<vmem>>
        %dma_start3A_987 = arith.constant 0 : i32
        %dma_start3A_988 = arith.constant 0 : i32
        %dma_start3A_989 = tpu.memref_slice %arg22[%dma_start3A_987, %dma_start3A_988] : memref<10240x16xf32, #tpu.memory_space<vmem_shared>> -> memref<10240x16xf32, #tpu.memory_space<vmem_shared>>
        tpu.enqueue_indirect_dma source(%arg21 : memref<128x16xf32, #tpu.memory_space<vmem>>) target(%dma_start3A_989 : memref<10240x16xf32, #tpu.memory_space<vmem_shared>>) offsets(%dma_start3A_986 : memref<128xi32, #tpu.memory_space<vmem>>) semaphore(%run_scoped3A_983 : memref<!tpu.dma_semaphore, #tpu.memory_space<semaphore_mem>>) {add = true}
        %dma_wait3A_990 = arith.constant 0 : i32
        %dma_wait3A_991 = tpu.memref_slice %arg8[%run_scoped3A_906, %run_scoped3A_907, %dma_wait3A_990] : memref<4x2x128xi32, #tpu.memory_space<vmem>> -> memref<1x1x128xi32, #tpu.memory_space<vmem>>
        %dma_wait3A_992 = tpu.memref_squeeze %dma_wait3A_991 : memref<1x1x128xi32, #tpu.memory_space<vmem>> -> memref<128xi32, #tpu.memory_space<vmem>>
        %dma_wait3A_993 = arith.constant 0 : i32
        %dma_wait3A_994 = arith.constant 0 : i32
        %dma_wait3A_995 = tpu.memref_slice %arg22[%dma_wait3A_993, %dma_wait3A_994] : memref<10240x16xf32, #tpu.memory_space<vmem_shared>> -> memref<10240x16xf32, #tpu.memory_space<vmem_shared>>
        tpu.wait_indirect_dma semaphore(%run_scoped3A_983 : memref<!tpu.dma_semaphore, #tpu.memory_space<semaphore_mem>>) src(%arg21 : memref<128x16xf32, #tpu.memory_space<vmem>>) dst(%dma_wait3A_995 : memref<10240x16xf32, #tpu.memory_space<vmem_shared>>)
        tpu.yield
      }) : () -> ()
      %add3A_908 = arith.constant 4 : i32
      %add3A_909 = arith.addi %add3A_889, %add3A_908 : i32
      %mul3A_910 = arith.constant 128 : i32
      %mul3A_911 = arith.muli %add3A_909, %mul3A_910 : i32
      %add3A_912 = arith.addi %mul3A_8, %mul3A_911 : i32
      %dma_start3A_913 = arith.constant 0 : i32
      %dma_start3A_914 = arith.constant 3 : i32
      %dma_start3A_915 = arith.constant 0 : i32
      %dma_start3A_916 = arith.constant 0 : i32
      %dma_start3A_917 = tpu.memref_slice %arg8[%dma_start3A_914, %dma_start3A_915, %dma_start3A_916] : memref<4x2x128xi32, #tpu.memory_space<vmem>> -> memref<1x1x128xi32, #tpu.memory_space<vmem>>
      %dma_start3A_918 = tpu.memref_squeeze %dma_start3A_917 : memref<1x1x128xi32, #tpu.memory_space<vmem>> -> memref<128xi32, #tpu.memory_space<vmem>>
      %dma_start3A_919 = tpu.memref_slice %arg3[%dma_start3A_913, %add3A_912] : memref<2x320000xi32, #tpu.memory_space<hbm>> -> memref<1x128xi32, #tpu.memory_space<hbm>>
      %dma_start3A_920 = tpu.memref_squeeze %dma_start3A_919 : memref<1x128xi32, #tpu.memory_space<hbm>> -> memref<128xi32, #tpu.memory_space<hbm>>
      %dma_start3A_921 = arith.constant 0 : i32
      %dma_start3A_922 = tpu.memref_slice %arg8[%dma_start3A_914, %dma_start3A_915, %dma_start3A_921] : memref<4x2x128xi32, #tpu.memory_space<vmem>> -> memref<1x1x128xi32, #tpu.memory_space<vmem>>
      %dma_start3A_923 = tpu.memref_squeeze %dma_start3A_922 : memref<1x1x128xi32, #tpu.memory_space<vmem>> -> memref<128xi32, #tpu.memory_space<vmem>>
      %dma_start3A_924 = tpu.memref_slice %arg3[%dma_start3A_913, %add3A_912] : memref<2x320000xi32, #tpu.memory_space<hbm>> -> memref<1x128xi32, #tpu.memory_space<hbm>>
      %dma_start3A_925 = tpu.memref_squeeze %dma_start3A_924 : memref<1x128xi32, #tpu.memory_space<hbm>> -> memref<128xi32, #tpu.memory_space<hbm>>
      tpu.enqueue_dma source(%dma_start3A_925 : memref<128xi32, #tpu.memory_space<hbm>>) target(%dma_start3A_923 : memref<128xi32, #tpu.memory_space<vmem>>) target_semaphore(%arg15 : memref<!tpu.dma_semaphore, #tpu.memory_space<semaphore_mem>>)
      %dma_start3A_926 = arith.constant 1 : i32
      %dma_start3A_927 = arith.constant 3 : i32
      %dma_start3A_928 = arith.constant 1 : i32
      %dma_start3A_929 = arith.constant 0 : i32
      %dma_start3A_930 = tpu.memref_slice %arg8[%dma_start3A_927, %dma_start3A_928, %dma_start3A_929] : memref<4x2x128xi32, #tpu.memory_space<vmem>> -> memref<1x1x128xi32, #tpu.memory_space<vmem>>
      %dma_start3A_931 = tpu.memref_squeeze %dma_start3A_930 : memref<1x1x128xi32, #tpu.memory_space<vmem>> -> memref<128xi32, #tpu.memory_space<vmem>>
      %dma_start3A_932 = tpu.memref_slice %arg3[%dma_start3A_926, %add3A_912] : memref<2x320000xi32, #tpu.memory_space<hbm>> -> memref<1x128xi32, #tpu.memory_space<hbm>>
      %dma_start3A_933 = tpu.memref_squeeze %dma_start3A_932 : memref<1x128xi32, #tpu.memory_space<hbm>> -> memref<128xi32, #tpu.memory_space<hbm>>
      %dma_start3A_934 = arith.constant 0 : i32
      %dma_start3A_935 = tpu.memref_slice %arg8[%dma_start3A_927, %dma_start3A_928, %dma_start3A_934] : memref<4x2x128xi32, #tpu.memory_space<vmem>> -> memref<1x1x128xi32, #tpu.memory_space<vmem>>
      %dma_start3A_936 = tpu.memref_squeeze %dma_start3A_935 : memref<1x1x128xi32, #tpu.memory_space<vmem>> -> memref<128xi32, #tpu.memory_space<vmem>>
      %dma_start3A_937 = tpu.memref_slice %arg3[%dma_start3A_926, %add3A_912] : memref<2x320000xi32, #tpu.memory_space<hbm>> -> memref<1x128xi32, #tpu.memory_space<hbm>>
      %dma_start3A_938 = tpu.memref_squeeze %dma_start3A_937 : memref<1x128xi32, #tpu.memory_space<hbm>> -> memref<128xi32, #tpu.memory_space<hbm>>
      tpu.enqueue_dma source(%dma_start3A_938 : memref<128xi32, #tpu.memory_space<hbm>>) target(%dma_start3A_936 : memref<128xi32, #tpu.memory_space<vmem>>) target_semaphore(%arg15 : memref<!tpu.dma_semaphore, #tpu.memory_space<semaphore_mem>>)
      %add3A_939 = arith.constant 3 : i32
      %add3A_940 = arith.addi %add3A_889, %add3A_939 : i32
      %mul3A_941 = arith.constant 128 : i32
      %mul3A_942 = arith.muli %add3A_940, %mul3A_941 : i32
      %add3A_943 = arith.addi %mul3A_8, %mul3A_942 : i32
      %dma_wait3A_944 = arith.constant 0 : i32
      %dma_wait3A_945 = arith.constant 2 : i32
      %dma_wait3A_946 = arith.constant 0 : i32
      %dma_wait3A_947 = arith.constant 0 : i32
      %dma_wait3A_948 = tpu.memref_slice %arg8[%dma_wait3A_945, %dma_wait3A_946, %dma_wait3A_947] : memref<4x2x128xi32, #tpu.memory_space<vmem>> -> memref<1x1x128xi32, #tpu.memory_space<vmem>>
      %dma_wait3A_949 = tpu.memref_squeeze %dma_wait3A_948 : memref<1x1x128xi32, #tpu.memory_space<vmem>> -> memref<128xi32, #tpu.memory_space<vmem>>
      %dma_wait3A_950 = tpu.memref_slice %arg3[%dma_wait3A_944, %add3A_943] : memref<2x320000xi32, #tpu.memory_space<hbm>> -> memref<1x128xi32, #tpu.memory_space<hbm>>
      %dma_wait3A_951 = tpu.memref_squeeze %dma_wait3A_950 : memref<1x128xi32, #tpu.memory_space<hbm>> -> memref<128xi32, #tpu.memory_space<hbm>>
      %dma_wait3A_952 = arith.constant 0 : i32
      %dma_wait3A_953 = tpu.memref_slice %arg8[%dma_wait3A_945, %dma_wait3A_946, %dma_wait3A_952] : memref<4x2x128xi32, #tpu.memory_space<vmem>> -> memref<1x1x128xi32, #tpu.memory_space<vmem>>
      %dma_wait3A_954 = tpu.memref_squeeze %dma_wait3A_953 : memref<1x1x128xi32, #tpu.memory_space<vmem>> -> memref<128xi32, #tpu.memory_space<vmem>>
      %dma_wait3A_955 = tpu.memref_slice %arg3[%dma_wait3A_944, %add3A_943] : memref<2x320000xi32, #tpu.memory_space<hbm>> -> memref<1x128xi32, #tpu.memory_space<hbm>>
      %dma_wait3A_956 = tpu.memref_squeeze %dma_wait3A_955 : memref<1x128xi32, #tpu.memory_space<hbm>> -> memref<128xi32, #tpu.memory_space<hbm>>
      tpu.wait_dma2 semaphore(%arg14 : memref<!tpu.dma_semaphore, #tpu.memory_space<semaphore_mem>>) src(%dma_wait3A_956 : memref<128xi32, #tpu.memory_space<hbm>>) dst(%dma_wait3A_954 : memref<128xi32, #tpu.memory_space<vmem>>)
      %dma_wait3A_957 = arith.constant 1 : i32
      %dma_wait3A_958 = arith.constant 2 : i32
      %dma_wait3A_959 = arith.constant 1 : i32
      %dma_wait3A_960 = arith.constant 0 : i32
      %dma_wait3A_961 = tpu.memref_slice %arg8[%dma_wait3A_958, %dma_wait3A_959, %dma_wait3A_960] : memref<4x2x128xi32, #tpu.memory_space<vmem>> -> memref<1x1x128xi32, #tpu.memory_space<vmem>>
      %dma_wait3A_962 = tpu.memref_squeeze %dma_wait3A_961 : memref<1x1x128xi32, #tpu.memory_space<vmem>> -> memref<128xi32, #tpu.memory_space<vmem>>
      %dma_wait3A_963 = tpu.memref_slice %arg3[%dma_wait3A_957, %add3A_943] : memref<2x320000xi32, #tpu.memory_space<hbm>> -> memref<1x128xi32, #tpu.memory_space<hbm>>
      %dma_wait3A_964 = tpu.memref_squeeze %dma_wait3A_963 : memref<1x128xi32, #tpu.memory_space<hbm>> -> memref<128xi32, #tpu.memory_space<hbm>>
      %dma_wait3A_965 = arith.constant 0 : i32
      %dma_wait3A_966 = tpu.memref_slice %arg8[%dma_wait3A_958, %dma_wait3A_959, %dma_wait3A_965] : memref<4x2x128xi32, #tpu.memory_space<vmem>> -> memref<1x1x128xi32, #tpu.memory_space<vmem>>
      %dma_wait3A_967 = tpu.memref_squeeze %dma_wait3A_966 : memref<1x1x128xi32, #tpu.memory_space<vmem>> -> memref<128xi32, #tpu.memory_space<vmem>>
      %dma_wait3A_968 = tpu.memref_slice %arg3[%dma_wait3A_957, %add3A_943] : memref<2x320000xi32, #tpu.memory_space<hbm>> -> memref<1x128xi32, #tpu.memory_space<hbm>>
      %dma_wait3A_969 = tpu.memref_squeeze %dma_wait3A_968 : memref<1x128xi32, #tpu.memory_space<hbm>> -> memref<128xi32, #tpu.memory_space<hbm>>
      tpu.wait_dma2 semaphore(%arg14 : memref<!tpu.dma_semaphore, #tpu.memory_space<semaphore_mem>>) src(%dma_wait3A_969 : memref<128xi32, #tpu.memory_space<hbm>>) dst(%dma_wait3A_967 : memref<128xi32, #tpu.memory_space<vmem>>)
      %dma_start3A_970 = arith.constant 2 : i32
      %dma_start3A_971 = arith.constant 0 : i32
      %dma_start3A_972 = arith.constant 2 : i32
      %dma_start3A_973 = arith.constant 0 : i32
      %dma_start3A_974 = arith.constant 0 : i32
      %dma_start3A_975 = tpu.memref_slice %arg9[%dma_start3A_972, %dma_start3A_973, %dma_start3A_974] : memref<4x128x128xbf16, #tpu.memory_space<vmem>> -> memref<1x128x128xbf16, #tpu.memory_space<vmem>>
      %dma_start3A_976 = tpu.memref_squeeze %dma_start3A_975 : memref<1x128x128xbf16, #tpu.memory_space<vmem>> -> memref<128x128xbf16, #tpu.memory_space<vmem>>
      %dma_start3A_977 = arith.constant 0 : i32
      %dma_start3A_978 = tpu.memref_slice %arg8[%dma_start3A_970, %dma_start3A_971, %dma_start3A_977] : memref<4x2x128xi32, #tpu.memory_space<vmem>> -> memref<1x1x128xi32, #tpu.memory_space<vmem>>
      %dma_start3A_979 = tpu.memref_squeeze %dma_start3A_978 : memref<1x1x128xi32, #tpu.memory_space<vmem>> -> memref<128xi32, #tpu.memory_space<vmem>>
      %dma_start3A_980 = arith.constant 0 : i32
      %dma_start3A_981 = arith.constant 0 : i32
      %dma_start3A_982 = tpu.memref_slice %arg2[%dma_start3A_980, %dma_start3A_981] : memref<10000x128xbf16, #tpu.memory_space<hbm>> -> memref<10000x128xbf16, #tpu.memory_space<hbm>>
      tpu.enqueue_indirect_dma source(%dma_start3A_982 : memref<10000x128xbf16, #tpu.memory_space<hbm>>) target(%dma_start3A_976 : memref<128x128xbf16, #tpu.memory_space<vmem>>) offsets(%dma_start3A_979 : memref<128xi32, #tpu.memory_space<vmem>>) semaphore(%arg18 : memref<!tpu.dma_semaphore, #tpu.memory_space<semaphore_mem>>)
    }
    %scan3A_246 = arith.constant 18 : i32
    %dma_wait3A_247 = arith.constant 0 : i32
    %dma_wait3A_248 = arith.constant 0 : i32
    %dma_wait3A_249 = arith.constant 0 : i32
    %dma_wait3A_250 = arith.constant 0 : i32
    %dma_wait3A_251 = arith.constant 0 : i32
    %dma_wait3A_252 = tpu.memref_slice %arg9[%dma_wait3A_249, %dma_wait3A_250, %dma_wait3A_251] : memref<4x128x128xbf16, #tpu.memory_space<vmem>> -> memref<1x128x128xbf16, #tpu.memory_space<vmem>>
    %dma_wait3A_253 = tpu.memref_squeeze %dma_wait3A_252 : memref<1x128x128xbf16, #tpu.memory_space<vmem>> -> memref<128x128xbf16, #tpu.memory_space<vmem>>
    %dma_wait3A_254 = arith.constant 0 : i32
    %dma_wait3A_255 = tpu.memref_slice %arg8[%dma_wait3A_247, %dma_wait3A_248, %dma_wait3A_254] : memref<4x2x128xi32, #tpu.memory_space<vmem>> -> memref<1x1x128xi32, #tpu.memory_space<vmem>>
    %dma_wait3A_256 = tpu.memref_squeeze %dma_wait3A_255 : memref<1x1x128xi32, #tpu.memory_space<vmem>> -> memref<128xi32, #tpu.memory_space<vmem>>
    %dma_wait3A_257 = arith.constant 0 : i32
    %dma_wait3A_258 = arith.constant 0 : i32
    %dma_wait3A_259 = tpu.memref_slice %arg2[%dma_wait3A_257, %dma_wait3A_258] : memref<10000x128xbf16, #tpu.memory_space<hbm>> -> memref<10000x128xbf16, #tpu.memory_space<hbm>>
    tpu.wait_indirect_dma semaphore(%arg16 : memref<!tpu.dma_semaphore, #tpu.memory_space<semaphore_mem>>) src(%dma_wait3A_259 : memref<10000x128xbf16, #tpu.memory_space<hbm>>) dst(%dma_wait3A_253 : memref<128x128xbf16, #tpu.memory_space<vmem>>)
    %run_scoped3A = arith.constant 0 : i32
    %run_scoped3A_260 = arith.constant 0 : i32
    %run_scoped3A_261 = arith.constant 1 : i32
    "tpu.region"() ({
      %run_scoped3A_600 = tpu.sem_alloc : memref<!tpu.dma_semaphore, #tpu.memory_space<semaphore_mem>>
      %dma_start3A_601 = arith.constant 0 : i32
      %dma_start3A_602 = arith.constant 0 : i32
      %dma_start3A_603 = tpu.memref_slice %arg9[%run_scoped3A, %dma_start3A_601, %dma_start3A_602] : memref<4x128x128xbf16, #tpu.memory_space<vmem>> -> memref<1x128x128xbf16, #tpu.memory_space<vmem>>
      %dma_start3A_604 = tpu.memref_squeeze %dma_start3A_603 : memref<1x128x128xbf16, #tpu.memory_space<vmem>> -> memref<128x128xbf16, #tpu.memory_space<vmem>>
      %dma_start3A_605 = arith.constant 0 : i32
      %dma_start3A_606 = tpu.memref_slice %arg8[%run_scoped3A_260, %run_scoped3A_261, %dma_start3A_605] : memref<4x2x128xi32, #tpu.memory_space<vmem>> -> memref<1x1x128xi32, #tpu.memory_space<vmem>>
      %dma_start3A_607 = tpu.memref_squeeze %dma_start3A_606 : memref<1x1x128xi32, #tpu.memory_space<vmem>> -> memref<128xi32, #tpu.memory_space<vmem>>
      %dma_start3A_608 = arith.constant 0 : i32
      %dma_start3A_609 = arith.constant 0 : i32
      %dma_start3A_610 = tpu.memref_slice %arg20[%dma_start3A_608, %dma_start3A_609] : memref<10240x128xbf16, #tpu.memory_space<vmem_shared>> -> memref<10240x128xbf16, #tpu.memory_space<vmem_shared>>
      tpu.enqueue_indirect_dma source(%dma_start3A_604 : memref<128x128xbf16, #tpu.memory_space<vmem>>) target(%dma_start3A_610 : memref<10240x128xbf16, #tpu.memory_space<vmem_shared>>) offsets(%dma_start3A_607 : memref<128xi32, #tpu.memory_space<vmem>>) semaphore(%run_scoped3A_600 : memref<!tpu.dma_semaphore, #tpu.memory_space<semaphore_mem>>) {add = true}
      %dma_wait3A_611 = arith.constant 0 : i32
      %dma_wait3A_612 = arith.constant 0 : i32
      %dma_wait3A_613 = tpu.memref_slice %arg9[%run_scoped3A, %dma_wait3A_611, %dma_wait3A_612] : memref<4x128x128xbf16, #tpu.memory_space<vmem>> -> memref<1x128x128xbf16, #tpu.memory_space<vmem>>
      %dma_wait3A_614 = tpu.memref_squeeze %dma_wait3A_613 : memref<1x128x128xbf16, #tpu.memory_space<vmem>> -> memref<128x128xbf16, #tpu.memory_space<vmem>>
      %dma_wait3A_615 = arith.constant 0 : i32
      %dma_wait3A_616 = tpu.memref_slice %arg8[%run_scoped3A_260, %run_scoped3A_261, %dma_wait3A_615] : memref<4x2x128xi32, #tpu.memory_space<vmem>> -> memref<1x1x128xi32, #tpu.memory_space<vmem>>
      %dma_wait3A_617 = tpu.memref_squeeze %dma_wait3A_616 : memref<1x1x128xi32, #tpu.memory_space<vmem>> -> memref<128xi32, #tpu.memory_space<vmem>>
      %dma_wait3A_618 = arith.constant 0 : i32
      %dma_wait3A_619 = arith.constant 0 : i32
      %dma_wait3A_620 = tpu.memref_slice %arg20[%dma_wait3A_618, %dma_wait3A_619] : memref<10240x128xbf16, #tpu.memory_space<vmem_shared>> -> memref<10240x128xbf16, #tpu.memory_space<vmem_shared>>
      tpu.wait_indirect_dma semaphore(%run_scoped3A_600 : memref<!tpu.dma_semaphore, #tpu.memory_space<semaphore_mem>>) src(%dma_wait3A_614 : memref<128x128xbf16, #tpu.memory_space<vmem>>) dst(%dma_wait3A_620 : memref<10240x128xbf16, #tpu.memory_space<vmem_shared>>)
      tpu.yield
    }) : () -> ()
    %run_scoped3A_262 = arith.constant 0 : i32
    %run_scoped3A_263 = arith.constant 1 : i32
    "tpu.region"() ({
      %run_scoped3A_600 = tpu.sem_alloc : memref<!tpu.dma_semaphore, #tpu.memory_space<semaphore_mem>>
      %dma_start3A_601 = arith.constant 0 : i32
      %dma_start3A_602 = tpu.memref_slice %arg8[%run_scoped3A_262, %run_scoped3A_263, %dma_start3A_601] : memref<4x2x128xi32, #tpu.memory_space<vmem>> -> memref<1x1x128xi32, #tpu.memory_space<vmem>>
      %dma_start3A_603 = tpu.memref_squeeze %dma_start3A_602 : memref<1x1x128xi32, #tpu.memory_space<vmem>> -> memref<128xi32, #tpu.memory_space<vmem>>
      %dma_start3A_604 = arith.constant 0 : i32
      %dma_start3A_605 = arith.constant 0 : i32
      %dma_start3A_606 = tpu.memref_slice %arg22[%dma_start3A_604, %dma_start3A_605] : memref<10240x16xf32, #tpu.memory_space<vmem_shared>> -> memref<10240x16xf32, #tpu.memory_space<vmem_shared>>
      tpu.enqueue_indirect_dma source(%arg21 : memref<128x16xf32, #tpu.memory_space<vmem>>) target(%dma_start3A_606 : memref<10240x16xf32, #tpu.memory_space<vmem_shared>>) offsets(%dma_start3A_603 : memref<128xi32, #tpu.memory_space<vmem>>) semaphore(%run_scoped3A_600 : memref<!tpu.dma_semaphore, #tpu.memory_space<semaphore_mem>>) {add = true}
      %dma_wait3A_607 = arith.constant 0 : i32
      %dma_wait3A_608 = tpu.memref_slice %arg8[%run_scoped3A_262, %run_scoped3A_263, %dma_wait3A_607] : memref<4x2x128xi32, #tpu.memory_space<vmem>> -> memref<1x1x128xi32, #tpu.memory_space<vmem>>
      %dma_wait3A_609 = tpu.memref_squeeze %dma_wait3A_608 : memref<1x1x128xi32, #tpu.memory_space<vmem>> -> memref<128xi32, #tpu.memory_space<vmem>>
      %dma_wait3A_610 = arith.constant 0 : i32
      %dma_wait3A_611 = arith.constant 0 : i32
      %dma_wait3A_612 = tpu.memref_slice %arg22[%dma_wait3A_610, %dma_wait3A_611] : memref<10240x16xf32, #tpu.memory_space<vmem_shared>> -> memref<10240x16xf32, #tpu.memory_space<vmem_shared>>
      tpu.wait_indirect_dma semaphore(%run_scoped3A_600 : memref<!tpu.dma_semaphore, #tpu.memory_space<semaphore_mem>>) src(%arg21 : memref<128x16xf32, #tpu.memory_space<vmem>>) dst(%dma_wait3A_612 : memref<10240x16xf32, #tpu.memory_space<vmem_shared>>)
      tpu.yield
    }) : () -> ()
    %add3A_264 = arith.constant 9728 : i32
    %add3A_265 = arith.addi %mul3A_8, %add3A_264 : i32
    %dma_start3A_266 = arith.constant 0 : i32
    %dma_start3A_267 = arith.constant 0 : i32
    %dma_start3A_268 = arith.constant 0 : i32
    %dma_start3A_269 = arith.constant 0 : i32
    %dma_start3A_270 = tpu.memref_slice %arg8[%dma_start3A_267, %dma_start3A_268, %dma_start3A_269] : memref<4x2x128xi32, #tpu.memory_space<vmem>> -> memref<1x1x128xi32, #tpu.memory_space<vmem>>
    %dma_start3A_271 = tpu.memref_squeeze %dma_start3A_270 : memref<1x1x128xi32, #tpu.memory_space<vmem>> -> memref<128xi32, #tpu.memory_space<vmem>>
    %dma_start3A_272 = tpu.memref_slice %arg3[%dma_start3A_266, %add3A_265] : memref<2x320000xi32, #tpu.memory_space<hbm>> -> memref<1x128xi32, #tpu.memory_space<hbm>>
    %dma_start3A_273 = tpu.memref_squeeze %dma_start3A_272 : memref<1x128xi32, #tpu.memory_space<hbm>> -> memref<128xi32, #tpu.memory_space<hbm>>
    %dma_start3A_274 = arith.constant 0 : i32
    %dma_start3A_275 = tpu.memref_slice %arg8[%dma_start3A_267, %dma_start3A_268, %dma_start3A_274] : memref<4x2x128xi32, #tpu.memory_space<vmem>> -> memref<1x1x128xi32, #tpu.memory_space<vmem>>
    %dma_start3A_276 = tpu.memref_squeeze %dma_start3A_275 : memref<1x1x128xi32, #tpu.memory_space<vmem>> -> memref<128xi32, #tpu.memory_space<vmem>>
    %dma_start3A_277 = tpu.memref_slice %arg3[%dma_start3A_266, %add3A_265] : memref<2x320000xi32, #tpu.memory_space<hbm>> -> memref<1x128xi32, #tpu.memory_space<hbm>>
    %dma_start3A_278 = tpu.memref_squeeze %dma_start3A_277 : memref<1x128xi32, #tpu.memory_space<hbm>> -> memref<128xi32, #tpu.memory_space<hbm>>
    tpu.enqueue_dma source(%dma_start3A_278 : memref<128xi32, #tpu.memory_space<hbm>>) target(%dma_start3A_276 : memref<128xi32, #tpu.memory_space<vmem>>) target_semaphore(%arg12 : memref<!tpu.dma_semaphore, #tpu.memory_space<semaphore_mem>>)
    %dma_start3A_279 = arith.constant 1 : i32
    %dma_start3A_280 = arith.constant 0 : i32
    %dma_start3A_281 = arith.constant 1 : i32
    %dma_start3A_282 = arith.constant 0 : i32
    %dma_start3A_283 = tpu.memref_slice %arg8[%dma_start3A_280, %dma_start3A_281, %dma_start3A_282] : memref<4x2x128xi32, #tpu.memory_space<vmem>> -> memref<1x1x128xi32, #tpu.memory_space<vmem>>
    %dma_start3A_284 = tpu.memref_squeeze %dma_start3A_283 : memref<1x1x128xi32, #tpu.memory_space<vmem>> -> memref<128xi32, #tpu.memory_space<vmem>>
    %dma_start3A_285 = tpu.memref_slice %arg3[%dma_start3A_279, %add3A_265] : memref<2x320000xi32, #tpu.memory_space<hbm>> -> memref<1x128xi32, #tpu.memory_space<hbm>>
    %dma_start3A_286 = tpu.memref_squeeze %dma_start3A_285 : memref<1x128xi32, #tpu.memory_space<hbm>> -> memref<128xi32, #tpu.memory_space<hbm>>
    %dma_start3A_287 = arith.constant 0 : i32
    %dma_start3A_288 = tpu.memref_slice %arg8[%dma_start3A_280, %dma_start3A_281, %dma_start3A_287] : memref<4x2x128xi32, #tpu.memory_space<vmem>> -> memref<1x1x128xi32, #tpu.memory_space<vmem>>
    %dma_start3A_289 = tpu.memref_squeeze %dma_start3A_288 : memref<1x1x128xi32, #tpu.memory_space<vmem>> -> memref<128xi32, #tpu.memory_space<vmem>>
    %dma_start3A_290 = tpu.memref_slice %arg3[%dma_start3A_279, %add3A_265] : memref<2x320000xi32, #tpu.memory_space<hbm>> -> memref<1x128xi32, #tpu.memory_space<hbm>>
    %dma_start3A_291 = tpu.memref_squeeze %dma_start3A_290 : memref<1x128xi32, #tpu.memory_space<hbm>> -> memref<128xi32, #tpu.memory_space<hbm>>
    tpu.enqueue_dma source(%dma_start3A_291 : memref<128xi32, #tpu.memory_space<hbm>>) target(%dma_start3A_289 : memref<128xi32, #tpu.memory_space<vmem>>) target_semaphore(%arg12 : memref<!tpu.dma_semaphore, #tpu.memory_space<semaphore_mem>>)
    %add3A_292 = arith.constant 9600 : i32
    %add3A_293 = arith.addi %mul3A_8, %add3A_292 : i32
    %dma_wait3A_294 = arith.constant 0 : i32
    %dma_wait3A_295 = arith.constant 3 : i32
    %dma_wait3A_296 = arith.constant 0 : i32
    %dma_wait3A_297 = arith.constant 0 : i32
    %dma_wait3A_298 = tpu.memref_slice %arg8[%dma_wait3A_295, %dma_wait3A_296, %dma_wait3A_297] : memref<4x2x128xi32, #tpu.memory_space<vmem>> -> memref<1x1x128xi32, #tpu.memory_space<vmem>>
    %dma_wait3A_299 = tpu.memref_squeeze %dma_wait3A_298 : memref<1x1x128xi32, #tpu.memory_space<vmem>> -> memref<128xi32, #tpu.memory_space<vmem>>
    %dma_wait3A_300 = tpu.memref_slice %arg3[%dma_wait3A_294, %add3A_293] : memref<2x320000xi32, #tpu.memory_space<hbm>> -> memref<1x128xi32, #tpu.memory_space<hbm>>
    %dma_wait3A_301 = tpu.memref_squeeze %dma_wait3A_300 : memref<1x128xi32, #tpu.memory_space<hbm>> -> memref<128xi32, #tpu.memory_space<hbm>>
    %dma_wait3A_302 = arith.constant 0 : i32
    %dma_wait3A_303 = tpu.memref_slice %arg8[%dma_wait3A_295, %dma_wait3A_296, %dma_wait3A_302] : memref<4x2x128xi32, #tpu.memory_space<vmem>> -> memref<1x1x128xi32, #tpu.memory_space<vmem>>
    %dma_wait3A_304 = tpu.memref_squeeze %dma_wait3A_303 : memref<1x1x128xi32, #tpu.memory_space<vmem>> -> memref<128xi32, #tpu.memory_space<vmem>>
    %dma_wait3A_305 = tpu.memref_slice %arg3[%dma_wait3A_294, %add3A_293] : memref<2x320000xi32, #tpu.memory_space<hbm>> -> memref<1x128xi32, #tpu.memory_space<hbm>>
    %dma_wait3A_306 = tpu.memref_squeeze %dma_wait3A_305 : memref<1x128xi32, #tpu.memory_space<hbm>> -> memref<128xi32, #tpu.memory_space<hbm>>
    tpu.wait_dma2 semaphore(%arg15 : memref<!tpu.dma_semaphore, #tpu.memory_space<semaphore_mem>>) src(%dma_wait3A_306 : memref<128xi32, #tpu.memory_space<hbm>>) dst(%dma_wait3A_304 : memref<128xi32, #tpu.memory_space<vmem>>)
    %dma_wait3A_307 = arith.constant 1 : i32
    %dma_wait3A_308 = arith.constant 3 : i32
    %dma_wait3A_309 = arith.constant 1 : i32
    %dma_wait3A_310 = arith.constant 0 : i32
    %dma_wait3A_311 = tpu.memref_slice %arg8[%dma_wait3A_308, %dma_wait3A_309, %dma_wait3A_310] : memref<4x2x128xi32, #tpu.memory_space<vmem>> -> memref<1x1x128xi32, #tpu.memory_space<vmem>>
    %dma_wait3A_312 = tpu.memref_squeeze %dma_wait3A_311 : memref<1x1x128xi32, #tpu.memory_space<vmem>> -> memref<128xi32, #tpu.memory_space<vmem>>
    %dma_wait3A_313 = tpu.memref_slice %arg3[%dma_wait3A_307, %add3A_293] : memref<2x320000xi32, #tpu.memory_space<hbm>> -> memref<1x128xi32, #tpu.memory_space<hbm>>
    %dma_wait3A_314 = tpu.memref_squeeze %dma_wait3A_313 : memref<1x128xi32, #tpu.memory_space<hbm>> -> memref<128xi32, #tpu.memory_space<hbm>>
    %dma_wait3A_315 = arith.constant 0 : i32
    %dma_wait3A_316 = tpu.memref_slice %arg8[%dma_wait3A_308, %dma_wait3A_309, %dma_wait3A_315] : memref<4x2x128xi32, #tpu.memory_space<vmem>> -> memref<1x1x128xi32, #tpu.memory_space<vmem>>
    %dma_wait3A_317 = tpu.memref_squeeze %dma_wait3A_316 : memref<1x1x128xi32, #tpu.memory_space<vmem>> -> memref<128xi32, #tpu.memory_space<vmem>>
    %dma_wait3A_318 = tpu.memref_slice %arg3[%dma_wait3A_307, %add3A_293] : memref<2x320000xi32, #tpu.memory_space<hbm>> -> memref<1x128xi32, #tpu.memory_space<hbm>>
    %dma_wait3A_319 = tpu.memref_squeeze %dma_wait3A_318 : memref<1x128xi32, #tpu.memory_space<hbm>> -> memref<128xi32, #tpu.memory_space<hbm>>
    tpu.wait_dma2 semaphore(%arg15 : memref<!tpu.dma_semaphore, #tpu.memory_space<semaphore_mem>>) src(%dma_wait3A_319 : memref<128xi32, #tpu.memory_space<hbm>>) dst(%dma_wait3A_317 : memref<128xi32, #tpu.memory_space<vmem>>)
    %dma_start3A_320 = arith.constant 3 : i32
    %dma_start3A_321 = arith.constant 0 : i32
    %dma_start3A_322 = arith.constant 3 : i32
    %dma_start3A_323 = arith.constant 0 : i32
    %dma_start3A_324 = arith.constant 0 : i32
    %dma_start3A_325 = tpu.memref_slice %arg9[%dma_start3A_322, %dma_start3A_323, %dma_start3A_324] : memref<4x128x128xbf16, #tpu.memory_space<vmem>> -> memref<1x128x128xbf16, #tpu.memory_space<vmem>>
    %dma_start3A_326 = tpu.memref_squeeze %dma_start3A_325 : memref<1x128x128xbf16, #tpu.memory_space<vmem>> -> memref<128x128xbf16, #tpu.memory_space<vmem>>
    %dma_start3A_327 = arith.constant 0 : i32
    %dma_start3A_328 = tpu.memref_slice %arg8[%dma_start3A_320, %dma_start3A_321, %dma_start3A_327] : memref<4x2x128xi32, #tpu.memory_space<vmem>> -> memref<1x1x128xi32, #tpu.memory_space<vmem>>
    %dma_start3A_329 = tpu.memref_squeeze %dma_start3A_328 : memref<1x1x128xi32, #tpu.memory_space<vmem>> -> memref<128xi32, #tpu.memory_space<vmem>>
    %dma_start3A_330 = arith.constant 0 : i32
    %dma_start3A_331 = arith.constant 0 : i32
    %dma_start3A_332 = tpu.memref_slice %arg2[%dma_start3A_330, %dma_start3A_331] : memref<10000x128xbf16, #tpu.memory_space<hbm>> -> memref<10000x128xbf16, #tpu.memory_space<hbm>>
    tpu.enqueue_indirect_dma source(%dma_start3A_332 : memref<10000x128xbf16, #tpu.memory_space<hbm>>) target(%dma_start3A_326 : memref<128x128xbf16, #tpu.memory_space<vmem>>) offsets(%dma_start3A_329 : memref<128xi32, #tpu.memory_space<vmem>>) semaphore(%arg19 : memref<!tpu.dma_semaphore, #tpu.memory_space<semaphore_mem>>)
    %dma_wait3A_333 = arith.constant 1 : i32
    %dma_wait3A_334 = arith.constant 0 : i32
    %dma_wait3A_335 = arith.constant 1 : i32
    %dma_wait3A_336 = arith.constant 0 : i32
    %dma_wait3A_337 = arith.constant 0 : i32
    %dma_wait3A_338 = tpu.memref_slice %arg9[%dma_wait3A_335, %dma_wait3A_336, %dma_wait3A_337] : memref<4x128x128xbf16, #tpu.memory_space<vmem>> -> memref<1x128x128xbf16, #tpu.memory_space<vmem>>
    %dma_wait3A_339 = tpu.memref_squeeze %dma_wait3A_338 : memref<1x128x128xbf16, #tpu.memory_space<vmem>> -> memref<128x128xbf16, #tpu.memory_space<vmem>>
    %dma_wait3A_340 = arith.constant 0 : i32
    %dma_wait3A_341 = tpu.memref_slice %arg8[%dma_wait3A_333, %dma_wait3A_334, %dma_wait3A_340] : memref<4x2x128xi32, #tpu.memory_space<vmem>> -> memref<1x1x128xi32, #tpu.memory_space<vmem>>
    %dma_wait3A_342 = tpu.memref_squeeze %dma_wait3A_341 : memref<1x1x128xi32, #tpu.memory_space<vmem>> -> memref<128xi32, #tpu.memory_space<vmem>>
    %dma_wait3A_343 = arith.constant 0 : i32
    %dma_wait3A_344 = arith.constant 0 : i32
    %dma_wait3A_345 = tpu.memref_slice %arg2[%dma_wait3A_343, %dma_wait3A_344] : memref<10000x128xbf16, #tpu.memory_space<hbm>> -> memref<10000x128xbf16, #tpu.memory_space<hbm>>
    tpu.wait_indirect_dma semaphore(%arg17 : memref<!tpu.dma_semaphore, #tpu.memory_space<semaphore_mem>>) src(%dma_wait3A_345 : memref<10000x128xbf16, #tpu.memory_space<hbm>>) dst(%dma_wait3A_339 : memref<128x128xbf16, #tpu.memory_space<vmem>>)
    %run_scoped3A_346 = arith.constant 1 : i32
    %run_scoped3A_347 = arith.constant 1 : i32
    %run_scoped3A_348 = arith.constant 1 : i32
    "tpu.region"() ({
      %run_scoped3A_600 = tpu.sem_alloc : memref<!tpu.dma_semaphore, #tpu.memory_space<semaphore_mem>>
      %dma_start3A_601 = arith.constant 0 : i32
      %dma_start3A_602 = arith.constant 0 : i32
      %dma_start3A_603 = tpu.memref_slice %arg9[%run_scoped3A_346, %dma_start3A_601, %dma_start3A_602] : memref<4x128x128xbf16, #tpu.memory_space<vmem>> -> memref<1x128x128xbf16, #tpu.memory_space<vmem>>
      %dma_start3A_604 = tpu.memref_squeeze %dma_start3A_603 : memref<1x128x128xbf16, #tpu.memory_space<vmem>> -> memref<128x128xbf16, #tpu.memory_space<vmem>>
      %dma_start3A_605 = arith.constant 0 : i32
      %dma_start3A_606 = tpu.memref_slice %arg8[%run_scoped3A_347, %run_scoped3A_348, %dma_start3A_605] : memref<4x2x128xi32, #tpu.memory_space<vmem>> -> memref<1x1x128xi32, #tpu.memory_space<vmem>>
      %dma_start3A_607 = tpu.memref_squeeze %dma_start3A_606 : memref<1x1x128xi32, #tpu.memory_space<vmem>> -> memref<128xi32, #tpu.memory_space<vmem>>
      %dma_start3A_608 = arith.constant 0 : i32
      %dma_start3A_609 = arith.constant 0 : i32
      %dma_start3A_610 = tpu.memref_slice %arg20[%dma_start3A_608, %dma_start3A_609] : memref<10240x128xbf16, #tpu.memory_space<vmem_shared>> -> memref<10240x128xbf16, #tpu.memory_space<vmem_shared>>
      tpu.enqueue_indirect_dma source(%dma_start3A_604 : memref<128x128xbf16, #tpu.memory_space<vmem>>) target(%dma_start3A_610 : memref<10240x128xbf16, #tpu.memory_space<vmem_shared>>) offsets(%dma_start3A_607 : memref<128xi32, #tpu.memory_space<vmem>>) semaphore(%run_scoped3A_600 : memref<!tpu.dma_semaphore, #tpu.memory_space<semaphore_mem>>) {add = true}
      %dma_wait3A_611 = arith.constant 0 : i32
      %dma_wait3A_612 = arith.constant 0 : i32
      %dma_wait3A_613 = tpu.memref_slice %arg9[%run_scoped3A_346, %dma_wait3A_611, %dma_wait3A_612] : memref<4x128x128xbf16, #tpu.memory_space<vmem>> -> memref<1x128x128xbf16, #tpu.memory_space<vmem>>
      %dma_wait3A_614 = tpu.memref_squeeze %dma_wait3A_613 : memref<1x128x128xbf16, #tpu.memory_space<vmem>> -> memref<128x128xbf16, #tpu.memory_space<vmem>>
      %dma_wait3A_615 = arith.constant 0 : i32
      %dma_wait3A_616 = tpu.memref_slice %arg8[%run_scoped3A_347, %run_scoped3A_348, %dma_wait3A_615] : memref<4x2x128xi32, #tpu.memory_space<vmem>> -> memref<1x1x128xi32, #tpu.memory_space<vmem>>
      %dma_wait3A_617 = tpu.memref_squeeze %dma_wait3A_616 : memref<1x1x128xi32, #tpu.memory_space<vmem>> -> memref<128xi32, #tpu.memory_space<vmem>>
      %dma_wait3A_618 = arith.constant 0 : i32
      %dma_wait3A_619 = arith.constant 0 : i32
      %dma_wait3A_620 = tpu.memref_slice %arg20[%dma_wait3A_618, %dma_wait3A_619] : memref<10240x128xbf16, #tpu.memory_space<vmem_shared>> -> memref<10240x128xbf16, #tpu.memory_space<vmem_shared>>
      tpu.wait_indirect_dma semaphore(%run_scoped3A_600 : memref<!tpu.dma_semaphore, #tpu.memory_space<semaphore_mem>>) src(%dma_wait3A_614 : memref<128x128xbf16, #tpu.memory_space<vmem>>) dst(%dma_wait3A_620 : memref<10240x128xbf16, #tpu.memory_space<vmem_shared>>)
      tpu.yield
    }) : () -> ()
    %run_scoped3A_349 = arith.constant 1 : i32
    %run_scoped3A_350 = arith.constant 1 : i32
    "tpu.region"() ({
      %run_scoped3A_600 = tpu.sem_alloc : memref<!tpu.dma_semaphore, #tpu.memory_space<semaphore_mem>>
      %dma_start3A_601 = arith.constant 0 : i32
      %dma_start3A_602 = tpu.memref_slice %arg8[%run_scoped3A_349, %run_scoped3A_350, %dma_start3A_601] : memref<4x2x128xi32, #tpu.memory_space<vmem>> -> memref<1x1x128xi32, #tpu.memory_space<vmem>>
      %dma_start3A_603 = tpu.memref_squeeze %dma_start3A_602 : memref<1x1x128xi32, #tpu.memory_space<vmem>> -> memref<128xi32, #tpu.memory_space<vmem>>
      %dma_start3A_604 = arith.constant 0 : i32
      %dma_start3A_605 = arith.constant 0 : i32
      %dma_start3A_606 = tpu.memref_slice %arg22[%dma_start3A_604, %dma_start3A_605] : memref<10240x16xf32, #tpu.memory_space<vmem_shared>> -> memref<10240x16xf32, #tpu.memory_space<vmem_shared>>
      tpu.enqueue_indirect_dma source(%arg21 : memref<128x16xf32, #tpu.memory_space<vmem>>) target(%dma_start3A_606 : memref<10240x16xf32, #tpu.memory_space<vmem_shared>>) offsets(%dma_start3A_603 : memref<128xi32, #tpu.memory_space<vmem>>) semaphore(%run_scoped3A_600 : memref<!tpu.dma_semaphore, #tpu.memory_space<semaphore_mem>>) {add = true}
      %dma_wait3A_607 = arith.constant 0 : i32
      %dma_wait3A_608 = tpu.memref_slice %arg8[%run_scoped3A_349, %run_scoped3A_350, %dma_wait3A_607] : memref<4x2x128xi32, #tpu.memory_space<vmem>> -> memref<1x1x128xi32, #tpu.memory_space<vmem>>
      %dma_wait3A_609 = tpu.memref_squeeze %dma_wait3A_608 : memref<1x1x128xi32, #tpu.memory_space<vmem>> -> memref<128xi32, #tpu.memory_space<vmem>>
      %dma_wait3A_610 = arith.constant 0 : i32
      %dma_wait3A_611 = arith.constant 0 : i32
      %dma_wait3A_612 = tpu.memref_slice %arg22[%dma_wait3A_610, %dma_wait3A_611] : memref<10240x16xf32, #tpu.memory_space<vmem_shared>> -> memref<10240x16xf32, #tpu.memory_space<vmem_shared>>
      tpu.wait_indirect_dma semaphore(%run_scoped3A_600 : memref<!tpu.dma_semaphore, #tpu.memory_space<semaphore_mem>>) src(%arg21 : memref<128x16xf32, #tpu.memory_space<vmem>>) dst(%dma_wait3A_612 : memref<10240x16xf32, #tpu.memory_space<vmem_shared>>)
      tpu.yield
    }) : () -> ()
    %add3A_351 = arith.constant 9856 : i32
    %add3A_352 = arith.addi %mul3A_8, %add3A_351 : i32
    %dma_start3A_353 = arith.constant 0 : i32
    %dma_start3A_354 = arith.constant 1 : i32
    %dma_start3A_355 = arith.constant 0 : i32
    %dma_start3A_356 = arith.constant 0 : i32
    %dma_start3A_357 = tpu.memref_slice %arg8[%dma_start3A_354, %dma_start3A_355, %dma_start3A_356] : memref<4x2x128xi32, #tpu.memory_space<vmem>> -> memref<1x1x128xi32, #tpu.memory_space<vmem>>
    %dma_start3A_358 = tpu.memref_squeeze %dma_start3A_357 : memref<1x1x128xi32, #tpu.memory_space<vmem>> -> memref<128xi32, #tpu.memory_space<vmem>>
    %dma_start3A_359 = tpu.memref_slice %arg3[%dma_start3A_353, %add3A_352] : memref<2x320000xi32, #tpu.memory_space<hbm>> -> memref<1x128xi32, #tpu.memory_space<hbm>>
    %dma_start3A_360 = tpu.memref_squeeze %dma_start3A_359 : memref<1x128xi32, #tpu.memory_space<hbm>> -> memref<128xi32, #tpu.memory_space<hbm>>
    %dma_start3A_361 = arith.constant 0 : i32
    %dma_start3A_362 = tpu.memref_slice %arg8[%dma_start3A_354, %dma_start3A_355, %dma_start3A_361] : memref<4x2x128xi32, #tpu.memory_space<vmem>> -> memref<1x1x128xi32, #tpu.memory_space<vmem>>
    %dma_start3A_363 = tpu.memref_squeeze %dma_start3A_362 : memref<1x1x128xi32, #tpu.memory_space<vmem>> -> memref<128xi32, #tpu.memory_space<vmem>>
    %dma_start3A_364 = tpu.memref_slice %arg3[%dma_start3A_353, %add3A_352] : memref<2x320000xi32, #tpu.memory_space<hbm>> -> memref<1x128xi32, #tpu.memory_space<hbm>>
    %dma_start3A_365 = tpu.memref_squeeze %dma_start3A_364 : memref<1x128xi32, #tpu.memory_space<hbm>> -> memref<128xi32, #tpu.memory_space<hbm>>
    tpu.enqueue_dma source(%dma_start3A_365 : memref<128xi32, #tpu.memory_space<hbm>>) target(%dma_start3A_363 : memref<128xi32, #tpu.memory_space<vmem>>) target_semaphore(%arg13 : memref<!tpu.dma_semaphore, #tpu.memory_space<semaphore_mem>>)
    %dma_start3A_366 = arith.constant 1 : i32
    %dma_start3A_367 = arith.constant 1 : i32
    %dma_start3A_368 = arith.constant 1 : i32
    %dma_start3A_369 = arith.constant 0 : i32
    %dma_start3A_370 = tpu.memref_slice %arg8[%dma_start3A_367, %dma_start3A_368, %dma_start3A_369] : memref<4x2x128xi32, #tpu.memory_space<vmem>> -> memref<1x1x128xi32, #tpu.memory_space<vmem>>
    %dma_start3A_371 = tpu.memref_squeeze %dma_start3A_370 : memref<1x1x128xi32, #tpu.memory_space<vmem>> -> memref<128xi32, #tpu.memory_space<vmem>>
    %dma_start3A_372 = tpu.memref_slice %arg3[%dma_start3A_366, %add3A_352] : memref<2x320000xi32, #tpu.memory_space<hbm>> -> memref<1x128xi32, #tpu.memory_space<hbm>>
    %dma_start3A_373 = tpu.memref_squeeze %dma_start3A_372 : memref<1x128xi32, #tpu.memory_space<hbm>> -> memref<128xi32, #tpu.memory_space<hbm>>
    %dma_start3A_374 = arith.constant 0 : i32
    %dma_start3A_375 = tpu.memref_slice %arg8[%dma_start3A_367, %dma_start3A_368, %dma_start3A_374] : memref<4x2x128xi32, #tpu.memory_space<vmem>> -> memref<1x1x128xi32, #tpu.memory_space<vmem>>
    %dma_start3A_376 = tpu.memref_squeeze %dma_start3A_375 : memref<1x1x128xi32, #tpu.memory_space<vmem>> -> memref<128xi32, #tpu.memory_space<vmem>>
    %dma_start3A_377 = tpu.memref_slice %arg3[%dma_start3A_366, %add3A_352] : memref<2x320000xi32, #tpu.memory_space<hbm>> -> memref<1x128xi32, #tpu.memory_space<hbm>>
    %dma_start3A_378 = tpu.memref_squeeze %dma_start3A_377 : memref<1x128xi32, #tpu.memory_space<hbm>> -> memref<128xi32, #tpu.memory_space<hbm>>
    tpu.enqueue_dma source(%dma_start3A_378 : memref<128xi32, #tpu.memory_space<hbm>>) target(%dma_start3A_376 : memref<128xi32, #tpu.memory_space<vmem>>) target_semaphore(%arg13 : memref<!tpu.dma_semaphore, #tpu.memory_space<semaphore_mem>>)
    %add3A_379 = arith.constant 9728 : i32
    %add3A_380 = arith.addi %mul3A_8, %add3A_379 : i32
    %dma_wait3A_381 = arith.constant 0 : i32
    %dma_wait3A_382 = arith.constant 0 : i32
    %dma_wait3A_383 = arith.constant 0 : i32
    %dma_wait3A_384 = arith.constant 0 : i32
    %dma_wait3A_385 = tpu.memref_slice %arg8[%dma_wait3A_382, %dma_wait3A_383, %dma_wait3A_384] : memref<4x2x128xi32, #tpu.memory_space<vmem>> -> memref<1x1x128xi32, #tpu.memory_space<vmem>>
    %dma_wait3A_386 = tpu.memref_squeeze %dma_wait3A_385 : memref<1x1x128xi32, #tpu.memory_space<vmem>> -> memref<128xi32, #tpu.memory_space<vmem>>
    %dma_wait3A_387 = tpu.memref_slice %arg3[%dma_wait3A_381, %add3A_380] : memref<2x320000xi32, #tpu.memory_space<hbm>> -> memref<1x128xi32, #tpu.memory_space<hbm>>
    %dma_wait3A_388 = tpu.memref_squeeze %dma_wait3A_387 : memref<1x128xi32, #tpu.memory_space<hbm>> -> memref<128xi32, #tpu.memory_space<hbm>>
    %dma_wait3A_389 = arith.constant 0 : i32
    %dma_wait3A_390 = tpu.memref_slice %arg8[%dma_wait3A_382, %dma_wait3A_383, %dma_wait3A_389] : memref<4x2x128xi32, #tpu.memory_space<vmem>> -> memref<1x1x128xi32, #tpu.memory_space<vmem>>
    %dma_wait3A_391 = tpu.memref_squeeze %dma_wait3A_390 : memref<1x1x128xi32, #tpu.memory_space<vmem>> -> memref<128xi32, #tpu.memory_space<vmem>>
    %dma_wait3A_392 = tpu.memref_slice %arg3[%dma_wait3A_381, %add3A_380] : memref<2x320000xi32, #tpu.memory_space<hbm>> -> memref<1x128xi32, #tpu.memory_space<hbm>>
    %dma_wait3A_393 = tpu.memref_squeeze %dma_wait3A_392 : memref<1x128xi32, #tpu.memory_space<hbm>> -> memref<128xi32, #tpu.memory_space<hbm>>
    tpu.wait_dma2 semaphore(%arg12 : memref<!tpu.dma_semaphore, #tpu.memory_space<semaphore_mem>>) src(%dma_wait3A_393 : memref<128xi32, #tpu.memory_space<hbm>>) dst(%dma_wait3A_391 : memref<128xi32, #tpu.memory_space<vmem>>)
    %dma_wait3A_394 = arith.constant 1 : i32
    %dma_wait3A_395 = arith.constant 0 : i32
    %dma_wait3A_396 = arith.constant 1 : i32
    %dma_wait3A_397 = arith.constant 0 : i32
    %dma_wait3A_398 = tpu.memref_slice %arg8[%dma_wait3A_395, %dma_wait3A_396, %dma_wait3A_397] : memref<4x2x128xi32, #tpu.memory_space<vmem>> -> memref<1x1x128xi32, #tpu.memory_space<vmem>>
    %dma_wait3A_399 = tpu.memref_squeeze %dma_wait3A_398 : memref<1x1x128xi32, #tpu.memory_space<vmem>> -> memref<128xi32, #tpu.memory_space<vmem>>
    %dma_wait3A_400 = tpu.memref_slice %arg3[%dma_wait3A_394, %add3A_380] : memref<2x320000xi32, #tpu.memory_space<hbm>> -> memref<1x128xi32, #tpu.memory_space<hbm>>
    %dma_wait3A_401 = tpu.memref_squeeze %dma_wait3A_400 : memref<1x128xi32, #tpu.memory_space<hbm>> -> memref<128xi32, #tpu.memory_space<hbm>>
    %dma_wait3A_402 = arith.constant 0 : i32
    %dma_wait3A_403 = tpu.memref_slice %arg8[%dma_wait3A_395, %dma_wait3A_396, %dma_wait3A_402] : memref<4x2x128xi32, #tpu.memory_space<vmem>> -> memref<1x1x128xi32, #tpu.memory_space<vmem>>
    %dma_wait3A_404 = tpu.memref_squeeze %dma_wait3A_403 : memref<1x1x128xi32, #tpu.memory_space<vmem>> -> memref<128xi32, #tpu.memory_space<vmem>>
    %dma_wait3A_405 = tpu.memref_slice %arg3[%dma_wait3A_394, %add3A_380] : memref<2x320000xi32, #tpu.memory_space<hbm>> -> memref<1x128xi32, #tpu.memory_space<hbm>>
    %dma_wait3A_406 = tpu.memref_squeeze %dma_wait3A_405 : memref<1x128xi32, #tpu.memory_space<hbm>> -> memref<128xi32, #tpu.memory_space<hbm>>
    tpu.wait_dma2 semaphore(%arg12 : memref<!tpu.dma_semaphore, #tpu.memory_space<semaphore_mem>>) src(%dma_wait3A_406 : memref<128xi32, #tpu.memory_space<hbm>>) dst(%dma_wait3A_404 : memref<128xi32, #tpu.memory_space<vmem>>)
    %dma_start3A_407 = arith.constant 0 : i32
    %dma_start3A_408 = arith.constant 0 : i32
    %dma_start3A_409 = arith.constant 0 : i32
    %dma_start3A_410 = arith.constant 0 : i32
    %dma_start3A_411 = arith.constant 0 : i32
    %dma_start3A_412 = tpu.memref_slice %arg9[%dma_start3A_409, %dma_start3A_410, %dma_start3A_411] : memref<4x128x128xbf16, #tpu.memory_space<vmem>> -> memref<1x128x128xbf16, #tpu.memory_space<vmem>>
    %dma_start3A_413 = tpu.memref_squeeze %dma_start3A_412 : memref<1x128x128xbf16, #tpu.memory_space<vmem>> -> memref<128x128xbf16, #tpu.memory_space<vmem>>
    %dma_start3A_414 = arith.constant 0 : i32
    %dma_start3A_415 = tpu.memref_slice %arg8[%dma_start3A_407, %dma_start3A_408, %dma_start3A_414] : memref<4x2x128xi32, #tpu.memory_space<vmem>> -> memref<1x1x128xi32, #tpu.memory_space<vmem>>
    %dma_start3A_416 = tpu.memref_squeeze %dma_start3A_415 : memref<1x1x128xi32, #tpu.memory_space<vmem>> -> memref<128xi32, #tpu.memory_space<vmem>>
    %dma_start3A_417 = arith.constant 0 : i32
    %dma_start3A_418 = arith.constant 0 : i32
    %dma_start3A_419 = tpu.memref_slice %arg2[%dma_start3A_417, %dma_start3A_418] : memref<10000x128xbf16, #tpu.memory_space<hbm>> -> memref<10000x128xbf16, #tpu.memory_space<hbm>>
    tpu.enqueue_indirect_dma source(%dma_start3A_419 : memref<10000x128xbf16, #tpu.memory_space<hbm>>) target(%dma_start3A_413 : memref<128x128xbf16, #tpu.memory_space<vmem>>) offsets(%dma_start3A_416 : memref<128xi32, #tpu.memory_space<vmem>>) semaphore(%arg16 : memref<!tpu.dma_semaphore, #tpu.memory_space<semaphore_mem>>)
    %dma_wait3A_420 = arith.constant 2 : i32
    %dma_wait3A_421 = arith.constant 0 : i32
    %dma_wait3A_422 = arith.constant 2 : i32
    %dma_wait3A_423 = arith.constant 0 : i32
    %dma_wait3A_424 = arith.constant 0 : i32
    %dma_wait3A_425 = tpu.memref_slice %arg9[%dma_wait3A_422, %dma_wait3A_423, %dma_wait3A_424] : memref<4x128x128xbf16, #tpu.memory_space<vmem>> -> memref<1x128x128xbf16, #tpu.memory_space<vmem>>
    %dma_wait3A_426 = tpu.memref_squeeze %dma_wait3A_425 : memref<1x128x128xbf16, #tpu.memory_space<vmem>> -> memref<128x128xbf16, #tpu.memory_space<vmem>>
    %dma_wait3A_427 = arith.constant 0 : i32
    %dma_wait3A_428 = tpu.memref_slice %arg8[%dma_wait3A_420, %dma_wait3A_421, %dma_wait3A_427] : memref<4x2x128xi32, #tpu.memory_space<vmem>> -> memref<1x1x128xi32, #tpu.memory_space<vmem>>
    %dma_wait3A_429 = tpu.memref_squeeze %dma_wait3A_428 : memref<1x1x128xi32, #tpu.memory_space<vmem>> -> memref<128xi32, #tpu.memory_space<vmem>>
    %dma_wait3A_430 = arith.constant 0 : i32
    %dma_wait3A_431 = arith.constant 0 : i32
    %dma_wait3A_432 = tpu.memref_slice %arg2[%dma_wait3A_430, %dma_wait3A_431] : memref<10000x128xbf16, #tpu.memory_space<hbm>> -> memref<10000x128xbf16, #tpu.memory_space<hbm>>
    tpu.wait_indirect_dma semaphore(%arg18 : memref<!tpu.dma_semaphore, #tpu.memory_space<semaphore_mem>>) src(%dma_wait3A_432 : memref<10000x128xbf16, #tpu.memory_space<hbm>>) dst(%dma_wait3A_426 : memref<128x128xbf16, #tpu.memory_space<vmem>>)
    %run_scoped3A_433 = arith.constant 2 : i32
    %run_scoped3A_434 = arith.constant 2 : i32
    %run_scoped3A_435 = arith.constant 1 : i32
    "tpu.region"() ({
      %run_scoped3A_600 = tpu.sem_alloc : memref<!tpu.dma_semaphore, #tpu.memory_space<semaphore_mem>>
      %dma_start3A_601 = arith.constant 0 : i32
      %dma_start3A_602 = arith.constant 0 : i32
      %dma_start3A_603 = tpu.memref_slice %arg9[%run_scoped3A_433, %dma_start3A_601, %dma_start3A_602] : memref<4x128x128xbf16, #tpu.memory_space<vmem>> -> memref<1x128x128xbf16, #tpu.memory_space<vmem>>
      %dma_start3A_604 = tpu.memref_squeeze %dma_start3A_603 : memref<1x128x128xbf16, #tpu.memory_space<vmem>> -> memref<128x128xbf16, #tpu.memory_space<vmem>>
      %dma_start3A_605 = arith.constant 0 : i32
      %dma_start3A_606 = tpu.memref_slice %arg8[%run_scoped3A_434, %run_scoped3A_435, %dma_start3A_605] : memref<4x2x128xi32, #tpu.memory_space<vmem>> -> memref<1x1x128xi32, #tpu.memory_space<vmem>>
      %dma_start3A_607 = tpu.memref_squeeze %dma_start3A_606 : memref<1x1x128xi32, #tpu.memory_space<vmem>> -> memref<128xi32, #tpu.memory_space<vmem>>
      %dma_start3A_608 = arith.constant 0 : i32
      %dma_start3A_609 = arith.constant 0 : i32
      %dma_start3A_610 = tpu.memref_slice %arg20[%dma_start3A_608, %dma_start3A_609] : memref<10240x128xbf16, #tpu.memory_space<vmem_shared>> -> memref<10240x128xbf16, #tpu.memory_space<vmem_shared>>
      tpu.enqueue_indirect_dma source(%dma_start3A_604 : memref<128x128xbf16, #tpu.memory_space<vmem>>) target(%dma_start3A_610 : memref<10240x128xbf16, #tpu.memory_space<vmem_shared>>) offsets(%dma_start3A_607 : memref<128xi32, #tpu.memory_space<vmem>>) semaphore(%run_scoped3A_600 : memref<!tpu.dma_semaphore, #tpu.memory_space<semaphore_mem>>) {add = true}
      %dma_wait3A_611 = arith.constant 0 : i32
      %dma_wait3A_612 = arith.constant 0 : i32
      %dma_wait3A_613 = tpu.memref_slice %arg9[%run_scoped3A_433, %dma_wait3A_611, %dma_wait3A_612] : memref<4x128x128xbf16, #tpu.memory_space<vmem>> -> memref<1x128x128xbf16, #tpu.memory_space<vmem>>
      %dma_wait3A_614 = tpu.memref_squeeze %dma_wait3A_613 : memref<1x128x128xbf16, #tpu.memory_space<vmem>> -> memref<128x128xbf16, #tpu.memory_space<vmem>>
      %dma_wait3A_615 = arith.constant 0 : i32
      %dma_wait3A_616 = tpu.memref_slice %arg8[%run_scoped3A_434, %run_scoped3A_435, %dma_wait3A_615] : memref<4x2x128xi32, #tpu.memory_space<vmem>> -> memref<1x1x128xi32, #tpu.memory_space<vmem>>
      %dma_wait3A_617 = tpu.memref_squeeze %dma_wait3A_616 : memref<1x1x128xi32, #tpu.memory_space<vmem>> -> memref<128xi32, #tpu.memory_space<vmem>>
      %dma_wait3A_618 = arith.constant 0 : i32
      %dma_wait3A_619 = arith.constant 0 : i32
      %dma_wait3A_620 = tpu.memref_slice %arg20[%dma_wait3A_618, %dma_wait3A_619] : memref<10240x128xbf16, #tpu.memory_space<vmem_shared>> -> memref<10240x128xbf16, #tpu.memory_space<vmem_shared>>
      tpu.wait_indirect_dma semaphore(%run_scoped3A_600 : memref<!tpu.dma_semaphore, #tpu.memory_space<semaphore_mem>>) src(%dma_wait3A_614 : memref<128x128xbf16, #tpu.memory_space<vmem>>) dst(%dma_wait3A_620 : memref<10240x128xbf16, #tpu.memory_space<vmem_shared>>)
      tpu.yield
    }) : () -> ()
    %run_scoped3A_436 = arith.constant 2 : i32
    %run_scoped3A_437 = arith.constant 1 : i32
    "tpu.region"() ({
      %run_scoped3A_600 = tpu.sem_alloc : memref<!tpu.dma_semaphore, #tpu.memory_space<semaphore_mem>>
      %dma_start3A_601 = arith.constant 0 : i32
      %dma_start3A_602 = tpu.memref_slice %arg8[%run_scoped3A_436, %run_scoped3A_437, %dma_start3A_601] : memref<4x2x128xi32, #tpu.memory_space<vmem>> -> memref<1x1x128xi32, #tpu.memory_space<vmem>>
      %dma_start3A_603 = tpu.memref_squeeze %dma_start3A_602 : memref<1x1x128xi32, #tpu.memory_space<vmem>> -> memref<128xi32, #tpu.memory_space<vmem>>
      %dma_start3A_604 = arith.constant 0 : i32
      %dma_start3A_605 = arith.constant 0 : i32
      %dma_start3A_606 = tpu.memref_slice %arg22[%dma_start3A_604, %dma_start3A_605] : memref<10240x16xf32, #tpu.memory_space<vmem_shared>> -> memref<10240x16xf32, #tpu.memory_space<vmem_shared>>
      tpu.enqueue_indirect_dma source(%arg21 : memref<128x16xf32, #tpu.memory_space<vmem>>) target(%dma_start3A_606 : memref<10240x16xf32, #tpu.memory_space<vmem_shared>>) offsets(%dma_start3A_603 : memref<128xi32, #tpu.memory_space<vmem>>) semaphore(%run_scoped3A_600 : memref<!tpu.dma_semaphore, #tpu.memory_space<semaphore_mem>>) {add = true}
      %dma_wait3A_607 = arith.constant 0 : i32
      %dma_wait3A_608 = tpu.memref_slice %arg8[%run_scoped3A_436, %run_scoped3A_437, %dma_wait3A_607] : memref<4x2x128xi32, #tpu.memory_space<vmem>> -> memref<1x1x128xi32, #tpu.memory_space<vmem>>
      %dma_wait3A_609 = tpu.memref_squeeze %dma_wait3A_608 : memref<1x1x128xi32, #tpu.memory_space<vmem>> -> memref<128xi32, #tpu.memory_space<vmem>>
      %dma_wait3A_610 = arith.constant 0 : i32
      %dma_wait3A_611 = arith.constant 0 : i32
      %dma_wait3A_612 = tpu.memref_slice %arg22[%dma_wait3A_610, %dma_wait3A_611] : memref<10240x16xf32, #tpu.memory_space<vmem_shared>> -> memref<10240x16xf32, #tpu.memory_space<vmem_shared>>
      tpu.wait_indirect_dma semaphore(%run_scoped3A_600 : memref<!tpu.dma_semaphore, #tpu.memory_space<semaphore_mem>>) src(%arg21 : memref<128x16xf32, #tpu.memory_space<vmem>>) dst(%dma_wait3A_612 : memref<10240x16xf32, #tpu.memory_space<vmem_shared>>)
      tpu.yield
    }) : () -> ()
    %add3A_438 = arith.constant 9856 : i32
    %add3A_439 = arith.addi %mul3A_8, %add3A_438 : i32
    %dma_wait3A_440 = arith.constant 0 : i32
    %dma_wait3A_441 = arith.constant 1 : i32
    %dma_wait3A_442 = arith.constant 0 : i32
    %dma_wait3A_443 = arith.constant 0 : i32
    %dma_wait3A_444 = tpu.memref_slice %arg8[%dma_wait3A_441, %dma_wait3A_442, %dma_wait3A_443] : memref<4x2x128xi32, #tpu.memory_space<vmem>> -> memref<1x1x128xi32, #tpu.memory_space<vmem>>
    %dma_wait3A_445 = tpu.memref_squeeze %dma_wait3A_444 : memref<1x1x128xi32, #tpu.memory_space<vmem>> -> memref<128xi32, #tpu.memory_space<vmem>>
    %dma_wait3A_446 = tpu.memref_slice %arg3[%dma_wait3A_440, %add3A_439] : memref<2x320000xi32, #tpu.memory_space<hbm>> -> memref<1x128xi32, #tpu.memory_space<hbm>>
    %dma_wait3A_447 = tpu.memref_squeeze %dma_wait3A_446 : memref<1x128xi32, #tpu.memory_space<hbm>> -> memref<128xi32, #tpu.memory_space<hbm>>
    %dma_wait3A_448 = arith.constant 0 : i32
    %dma_wait3A_449 = tpu.memref_slice %arg8[%dma_wait3A_441, %dma_wait3A_442, %dma_wait3A_448] : memref<4x2x128xi32, #tpu.memory_space<vmem>> -> memref<1x1x128xi32, #tpu.memory_space<vmem>>
    %dma_wait3A_450 = tpu.memref_squeeze %dma_wait3A_449 : memref<1x1x128xi32, #tpu.memory_space<vmem>> -> memref<128xi32, #tpu.memory_space<vmem>>
    %dma_wait3A_451 = tpu.memref_slice %arg3[%dma_wait3A_440, %add3A_439] : memref<2x320000xi32, #tpu.memory_space<hbm>> -> memref<1x128xi32, #tpu.memory_space<hbm>>
    %dma_wait3A_452 = tpu.memref_squeeze %dma_wait3A_451 : memref<1x128xi32, #tpu.memory_space<hbm>> -> memref<128xi32, #tpu.memory_space<hbm>>
    tpu.wait_dma2 semaphore(%arg13 : memref<!tpu.dma_semaphore, #tpu.memory_space<semaphore_mem>>) src(%dma_wait3A_452 : memref<128xi32, #tpu.memory_space<hbm>>) dst(%dma_wait3A_450 : memref<128xi32, #tpu.memory_space<vmem>>)
    %dma_wait3A_453 = arith.constant 1 : i32
    %dma_wait3A_454 = arith.constant 1 : i32
    %dma_wait3A_455 = arith.constant 1 : i32
    %dma_wait3A_456 = arith.constant 0 : i32
    %dma_wait3A_457 = tpu.memref_slice %arg8[%dma_wait3A_454, %dma_wait3A_455, %dma_wait3A_456] : memref<4x2x128xi32, #tpu.memory_space<vmem>> -> memref<1x1x128xi32, #tpu.memory_space<vmem>>
    %dma_wait3A_458 = tpu.memref_squeeze %dma_wait3A_457 : memref<1x1x128xi32, #tpu.memory_space<vmem>> -> memref<128xi32, #tpu.memory_space<vmem>>
    %dma_wait3A_459 = tpu.memref_slice %arg3[%dma_wait3A_453, %add3A_439] : memref<2x320000xi32, #tpu.memory_space<hbm>> -> memref<1x128xi32, #tpu.memory_space<hbm>>
    %dma_wait3A_460 = tpu.memref_squeeze %dma_wait3A_459 : memref<1x128xi32, #tpu.memory_space<hbm>> -> memref<128xi32, #tpu.memory_space<hbm>>
    %dma_wait3A_461 = arith.constant 0 : i32
    %dma_wait3A_462 = tpu.memref_slice %arg8[%dma_wait3A_454, %dma_wait3A_455, %dma_wait3A_461] : memref<4x2x128xi32, #tpu.memory_space<vmem>> -> memref<1x1x128xi32, #tpu.memory_space<vmem>>
    %dma_wait3A_463 = tpu.memref_squeeze %dma_wait3A_462 : memref<1x1x128xi32, #tpu.memory_space<vmem>> -> memref<128xi32, #tpu.memory_space<vmem>>
    %dma_wait3A_464 = tpu.memref_slice %arg3[%dma_wait3A_453, %add3A_439] : memref<2x320000xi32, #tpu.memory_space<hbm>> -> memref<1x128xi32, #tpu.memory_space<hbm>>
    %dma_wait3A_465 = tpu.memref_squeeze %dma_wait3A_464 : memref<1x128xi32, #tpu.memory_space<hbm>> -> memref<128xi32, #tpu.memory_space<hbm>>
    tpu.wait_dma2 semaphore(%arg13 : memref<!tpu.dma_semaphore, #tpu.memory_space<semaphore_mem>>) src(%dma_wait3A_465 : memref<128xi32, #tpu.memory_space<hbm>>) dst(%dma_wait3A_463 : memref<128xi32, #tpu.memory_space<vmem>>)
    %dma_start3A_466 = arith.constant 1 : i32
    %dma_start3A_467 = arith.constant 0 : i32
    %dma_start3A_468 = arith.constant 1 : i32
    %dma_start3A_469 = arith.constant 0 : i32
    %dma_start3A_470 = arith.constant 0 : i32
    %dma_start3A_471 = tpu.memref_slice %arg9[%dma_start3A_468, %dma_start3A_469, %dma_start3A_470] : memref<4x128x128xbf16, #tpu.memory_space<vmem>> -> memref<1x128x128xbf16, #tpu.memory_space<vmem>>
    %dma_start3A_472 = tpu.memref_squeeze %dma_start3A_471 : memref<1x128x128xbf16, #tpu.memory_space<vmem>> -> memref<128x128xbf16, #tpu.memory_space<vmem>>
    %dma_start3A_473 = arith.constant 0 : i32
    %dma_start3A_474 = tpu.memref_slice %arg8[%dma_start3A_466, %dma_start3A_467, %dma_start3A_473] : memref<4x2x128xi32, #tpu.memory_space<vmem>> -> memref<1x1x128xi32, #tpu.memory_space<vmem>>
    %dma_start3A_475 = tpu.memref_squeeze %dma_start3A_474 : memref<1x1x128xi32, #tpu.memory_space<vmem>> -> memref<128xi32, #tpu.memory_space<vmem>>
    %dma_start3A_476 = arith.constant 0 : i32
    %dma_start3A_477 = arith.constant 0 : i32
    %dma_start3A_478 = tpu.memref_slice %arg2[%dma_start3A_476, %dma_start3A_477] : memref<10000x128xbf16, #tpu.memory_space<hbm>> -> memref<10000x128xbf16, #tpu.memory_space<hbm>>
    tpu.enqueue_indirect_dma source(%dma_start3A_478 : memref<10000x128xbf16, #tpu.memory_space<hbm>>) target(%dma_start3A_472 : memref<128x128xbf16, #tpu.memory_space<vmem>>) offsets(%dma_start3A_475 : memref<128xi32, #tpu.memory_space<vmem>>) semaphore(%arg17 : memref<!tpu.dma_semaphore, #tpu.memory_space<semaphore_mem>>)
    %dma_wait3A_479 = arith.constant 3 : i32
    %dma_wait3A_480 = arith.constant 0 : i32
    %dma_wait3A_481 = arith.constant 3 : i32
    %dma_wait3A_482 = arith.constant 0 : i32
    %dma_wait3A_483 = arith.constant 0 : i32
    %dma_wait3A_484 = tpu.memref_slice %arg9[%dma_wait3A_481, %dma_wait3A_482, %dma_wait3A_483] : memref<4x128x128xbf16, #tpu.memory_space<vmem>> -> memref<1x128x128xbf16, #tpu.memory_space<vmem>>
    %dma_wait3A_485 = tpu.memref_squeeze %dma_wait3A_484 : memref<1x128x128xbf16, #tpu.memory_space<vmem>> -> memref<128x128xbf16, #tpu.memory_space<vmem>>
    %dma_wait3A_486 = arith.constant 0 : i32
    %dma_wait3A_487 = tpu.memref_slice %arg8[%dma_wait3A_479, %dma_wait3A_480, %dma_wait3A_486] : memref<4x2x128xi32, #tpu.memory_space<vmem>> -> memref<1x1x128xi32, #tpu.memory_space<vmem>>
    %dma_wait3A_488 = tpu.memref_squeeze %dma_wait3A_487 : memref<1x1x128xi32, #tpu.memory_space<vmem>> -> memref<128xi32, #tpu.memory_space<vmem>>
    %dma_wait3A_489 = arith.constant 0 : i32
    %dma_wait3A_490 = arith.constant 0 : i32
    %dma_wait3A_491 = tpu.memref_slice %arg2[%dma_wait3A_489, %dma_wait3A_490] : memref<10000x128xbf16, #tpu.memory_space<hbm>> -> memref<10000x128xbf16, #tpu.memory_space<hbm>>
    tpu.wait_indirect_dma semaphore(%arg19 : memref<!tpu.dma_semaphore, #tpu.memory_space<semaphore_mem>>) src(%dma_wait3A_491 : memref<10000x128xbf16, #tpu.memory_space<hbm>>) dst(%dma_wait3A_485 : memref<128x128xbf16, #tpu.memory_space<vmem>>)
    %run_scoped3A_492 = arith.constant 3 : i32
    %run_scoped3A_493 = arith.constant 3 : i32
    %run_scoped3A_494 = arith.constant 1 : i32
    "tpu.region"() ({
      %run_scoped3A_600 = tpu.sem_alloc : memref<!tpu.dma_semaphore, #tpu.memory_space<semaphore_mem>>
      %dma_start3A_601 = arith.constant 0 : i32
      %dma_start3A_602 = arith.constant 0 : i32
      %dma_start3A_603 = tpu.memref_slice %arg9[%run_scoped3A_492, %dma_start3A_601, %dma_start3A_602] : memref<4x128x128xbf16, #tpu.memory_space<vmem>> -> memref<1x128x128xbf16, #tpu.memory_space<vmem>>
      %dma_start3A_604 = tpu.memref_squeeze %dma_start3A_603 : memref<1x128x128xbf16, #tpu.memory_space<vmem>> -> memref<128x128xbf16, #tpu.memory_space<vmem>>
      %dma_start3A_605 = arith.constant 0 : i32
      %dma_start3A_606 = tpu.memref_slice %arg8[%run_scoped3A_493, %run_scoped3A_494, %dma_start3A_605] : memref<4x2x128xi32, #tpu.memory_space<vmem>> -> memref<1x1x128xi32, #tpu.memory_space<vmem>>
      %dma_start3A_607 = tpu.memref_squeeze %dma_start3A_606 : memref<1x1x128xi32, #tpu.memory_space<vmem>> -> memref<128xi32, #tpu.memory_space<vmem>>
      %dma_start3A_608 = arith.constant 0 : i32
      %dma_start3A_609 = arith.constant 0 : i32
      %dma_start3A_610 = tpu.memref_slice %arg20[%dma_start3A_608, %dma_start3A_609] : memref<10240x128xbf16, #tpu.memory_space<vmem_shared>> -> memref<10240x128xbf16, #tpu.memory_space<vmem_shared>>
      tpu.enqueue_indirect_dma source(%dma_start3A_604 : memref<128x128xbf16, #tpu.memory_space<vmem>>) target(%dma_start3A_610 : memref<10240x128xbf16, #tpu.memory_space<vmem_shared>>) offsets(%dma_start3A_607 : memref<128xi32, #tpu.memory_space<vmem>>) semaphore(%run_scoped3A_600 : memref<!tpu.dma_semaphore, #tpu.memory_space<semaphore_mem>>) {add = true}
      %dma_wait3A_611 = arith.constant 0 : i32
      %dma_wait3A_612 = arith.constant 0 : i32
      %dma_wait3A_613 = tpu.memref_slice %arg9[%run_scoped3A_492, %dma_wait3A_611, %dma_wait3A_612] : memref<4x128x128xbf16, #tpu.memory_space<vmem>> -> memref<1x128x128xbf16, #tpu.memory_space<vmem>>
      %dma_wait3A_614 = tpu.memref_squeeze %dma_wait3A_613 : memref<1x128x128xbf16, #tpu.memory_space<vmem>> -> memref<128x128xbf16, #tpu.memory_space<vmem>>
      %dma_wait3A_615 = arith.constant 0 : i32
      %dma_wait3A_616 = tpu.memref_slice %arg8[%run_scoped3A_493, %run_scoped3A_494, %dma_wait3A_615] : memref<4x2x128xi32, #tpu.memory_space<vmem>> -> memref<1x1x128xi32, #tpu.memory_space<vmem>>
      %dma_wait3A_617 = tpu.memref_squeeze %dma_wait3A_616 : memref<1x1x128xi32, #tpu.memory_space<vmem>> -> memref<128xi32, #tpu.memory_space<vmem>>
      %dma_wait3A_618 = arith.constant 0 : i32
      %dma_wait3A_619 = arith.constant 0 : i32
      %dma_wait3A_620 = tpu.memref_slice %arg20[%dma_wait3A_618, %dma_wait3A_619] : memref<10240x128xbf16, #tpu.memory_space<vmem_shared>> -> memref<10240x128xbf16, #tpu.memory_space<vmem_shared>>
      tpu.wait_indirect_dma semaphore(%run_scoped3A_600 : memref<!tpu.dma_semaphore, #tpu.memory_space<semaphore_mem>>) src(%dma_wait3A_614 : memref<128x128xbf16, #tpu.memory_space<vmem>>) dst(%dma_wait3A_620 : memref<10240x128xbf16, #tpu.memory_space<vmem_shared>>)
      tpu.yield
    }) : () -> ()
    %run_scoped3A_495 = arith.constant 3 : i32
    %run_scoped3A_496 = arith.constant 1 : i32
    "tpu.region"() ({
      %run_scoped3A_600 = tpu.sem_alloc : memref<!tpu.dma_semaphore, #tpu.memory_space<semaphore_mem>>
      %dma_start3A_601 = arith.constant 0 : i32
      %dma_start3A_602 = tpu.memref_slice %arg8[%run_scoped3A_495, %run_scoped3A_496, %dma_start3A_601] : memref<4x2x128xi32, #tpu.memory_space<vmem>> -> memref<1x1x128xi32, #tpu.memory_space<vmem>>
      %dma_start3A_603 = tpu.memref_squeeze %dma_start3A_602 : memref<1x1x128xi32, #tpu.memory_space<vmem>> -> memref<128xi32, #tpu.memory_space<vmem>>
      %dma_start3A_604 = arith.constant 0 : i32
      %dma_start3A_605 = arith.constant 0 : i32
      %dma_start3A_606 = tpu.memref_slice %arg22[%dma_start3A_604, %dma_start3A_605] : memref<10240x16xf32, #tpu.memory_space<vmem_shared>> -> memref<10240x16xf32, #tpu.memory_space<vmem_shared>>
      tpu.enqueue_indirect_dma source(%arg21 : memref<128x16xf32, #tpu.memory_space<vmem>>) target(%dma_start3A_606 : memref<10240x16xf32, #tpu.memory_space<vmem_shared>>) offsets(%dma_start3A_603 : memref<128xi32, #tpu.memory_space<vmem>>) semaphore(%run_scoped3A_600 : memref<!tpu.dma_semaphore, #tpu.memory_space<semaphore_mem>>) {add = true}
      %dma_wait3A_607 = arith.constant 0 : i32
      %dma_wait3A_608 = tpu.memref_slice %arg8[%run_scoped3A_495, %run_scoped3A_496, %dma_wait3A_607] : memref<4x2x128xi32, #tpu.memory_space<vmem>> -> memref<1x1x128xi32, #tpu.memory_space<vmem>>
      %dma_wait3A_609 = tpu.memref_squeeze %dma_wait3A_608 : memref<1x1x128xi32, #tpu.memory_space<vmem>> -> memref<128xi32, #tpu.memory_space<vmem>>
      %dma_wait3A_610 = arith.constant 0 : i32
      %dma_wait3A_611 = arith.constant 0 : i32
      %dma_wait3A_612 = tpu.memref_slice %arg22[%dma_wait3A_610, %dma_wait3A_611] : memref<10240x16xf32, #tpu.memory_space<vmem_shared>> -> memref<10240x16xf32, #tpu.memory_space<vmem_shared>>
      tpu.wait_indirect_dma semaphore(%run_scoped3A_600 : memref<!tpu.dma_semaphore, #tpu.memory_space<semaphore_mem>>) src(%arg21 : memref<128x16xf32, #tpu.memory_space<vmem>>) dst(%dma_wait3A_612 : memref<10240x16xf32, #tpu.memory_space<vmem_shared>>)
      tpu.yield
    }) : () -> ()
    %dma_wait3A_497 = arith.constant 0 : i32
    %dma_wait3A_498 = arith.constant 0 : i32
    %dma_wait3A_499 = arith.constant 0 : i32
    %dma_wait3A_500 = arith.constant 0 : i32
    %dma_wait3A_501 = arith.constant 0 : i32
    %dma_wait3A_502 = tpu.memref_slice %arg9[%dma_wait3A_499, %dma_wait3A_500, %dma_wait3A_501] : memref<4x128x128xbf16, #tpu.memory_space<vmem>> -> memref<1x128x128xbf16, #tpu.memory_space<vmem>>
    %dma_wait3A_503 = tpu.memref_squeeze %dma_wait3A_502 : memref<1x128x128xbf16, #tpu.memory_space<vmem>> -> memref<128x128xbf16, #tpu.memory_space<vmem>>
    %dma_wait3A_504 = arith.constant 0 : i32
    %dma_wait3A_505 = tpu.memref_slice %arg8[%dma_wait3A_497, %dma_wait3A_498, %dma_wait3A_504] : memref<4x2x128xi32, #tpu.memory_space<vmem>> -> memref<1x1x128xi32, #tpu.memory_space<vmem>>
    %dma_wait3A_506 = tpu.memref_squeeze %dma_wait3A_505 : memref<1x1x128xi32, #tpu.memory_space<vmem>> -> memref<128xi32, #tpu.memory_space<vmem>>
    %dma_wait3A_507 = arith.constant 0 : i32
    %dma_wait3A_508 = arith.constant 0 : i32
    %dma_wait3A_509 = tpu.memref_slice %arg2[%dma_wait3A_507, %dma_wait3A_508] : memref<10000x128xbf16, #tpu.memory_space<hbm>> -> memref<10000x128xbf16, #tpu.memory_space<hbm>>
    tpu.wait_indirect_dma semaphore(%arg16 : memref<!tpu.dma_semaphore, #tpu.memory_space<semaphore_mem>>) src(%dma_wait3A_509 : memref<10000x128xbf16, #tpu.memory_space<hbm>>) dst(%dma_wait3A_503 : memref<128x128xbf16, #tpu.memory_space<vmem>>)
    %run_scoped3A_510 = arith.constant 0 : i32
    %run_scoped3A_511 = arith.constant 0 : i32
    %run_scoped3A_512 = arith.constant 1 : i32
    "tpu.region"() ({
      %run_scoped3A_600 = tpu.sem_alloc : memref<!tpu.dma_semaphore, #tpu.memory_space<semaphore_mem>>
      %dma_start3A_601 = arith.constant 0 : i32
      %dma_start3A_602 = arith.constant 0 : i32
      %dma_start3A_603 = tpu.memref_slice %arg9[%run_scoped3A_510, %dma_start3A_601, %dma_start3A_602] : memref<4x128x128xbf16, #tpu.memory_space<vmem>> -> memref<1x128x128xbf16, #tpu.memory_space<vmem>>
      %dma_start3A_604 = tpu.memref_squeeze %dma_start3A_603 : memref<1x128x128xbf16, #tpu.memory_space<vmem>> -> memref<128x128xbf16, #tpu.memory_space<vmem>>
      %dma_start3A_605 = arith.constant 0 : i32
      %dma_start3A_606 = tpu.memref_slice %arg8[%run_scoped3A_511, %run_scoped3A_512, %dma_start3A_605] : memref<4x2x128xi32, #tpu.memory_space<vmem>> -> memref<1x1x128xi32, #tpu.memory_space<vmem>>
      %dma_start3A_607 = tpu.memref_squeeze %dma_start3A_606 : memref<1x1x128xi32, #tpu.memory_space<vmem>> -> memref<128xi32, #tpu.memory_space<vmem>>
      %dma_start3A_608 = arith.constant 0 : i32
      %dma_start3A_609 = arith.constant 0 : i32
      %dma_start3A_610 = tpu.memref_slice %arg20[%dma_start3A_608, %dma_start3A_609] : memref<10240x128xbf16, #tpu.memory_space<vmem_shared>> -> memref<10240x128xbf16, #tpu.memory_space<vmem_shared>>
      tpu.enqueue_indirect_dma source(%dma_start3A_604 : memref<128x128xbf16, #tpu.memory_space<vmem>>) target(%dma_start3A_610 : memref<10240x128xbf16, #tpu.memory_space<vmem_shared>>) offsets(%dma_start3A_607 : memref<128xi32, #tpu.memory_space<vmem>>) semaphore(%run_scoped3A_600 : memref<!tpu.dma_semaphore, #tpu.memory_space<semaphore_mem>>) {add = true}
      %dma_wait3A_611 = arith.constant 0 : i32
      %dma_wait3A_612 = arith.constant 0 : i32
      %dma_wait3A_613 = tpu.memref_slice %arg9[%run_scoped3A_510, %dma_wait3A_611, %dma_wait3A_612] : memref<4x128x128xbf16, #tpu.memory_space<vmem>> -> memref<1x128x128xbf16, #tpu.memory_space<vmem>>
      %dma_wait3A_614 = tpu.memref_squeeze %dma_wait3A_613 : memref<1x128x128xbf16, #tpu.memory_space<vmem>> -> memref<128x128xbf16, #tpu.memory_space<vmem>>
      %dma_wait3A_615 = arith.constant 0 : i32
      %dma_wait3A_616 = tpu.memref_slice %arg8[%run_scoped3A_511, %run_scoped3A_512, %dma_wait3A_615] : memref<4x2x128xi32, #tpu.memory_space<vmem>> -> memref<1x1x128xi32, #tpu.memory_space<vmem>>
      %dma_wait3A_617 = tpu.memref_squeeze %dma_wait3A_616 : memref<1x1x128xi32, #tpu.memory_space<vmem>> -> memref<128xi32, #tpu.memory_space<vmem>>
      %dma_wait3A_618 = arith.constant 0 : i32
      %dma_wait3A_619 = arith.constant 0 : i32
      %dma_wait3A_620 = tpu.memref_slice %arg20[%dma_wait3A_618, %dma_wait3A_619] : memref<10240x128xbf16, #tpu.memory_space<vmem_shared>> -> memref<10240x128xbf16, #tpu.memory_space<vmem_shared>>
      tpu.wait_indirect_dma semaphore(%run_scoped3A_600 : memref<!tpu.dma_semaphore, #tpu.memory_space<semaphore_mem>>) src(%dma_wait3A_614 : memref<128x128xbf16, #tpu.memory_space<vmem>>) dst(%dma_wait3A_620 : memref<10240x128xbf16, #tpu.memory_space<vmem_shared>>)
      tpu.yield
    }) : () -> ()
    %run_scoped3A_513 = arith.constant 0 : i32
    %run_scoped3A_514 = arith.constant 1 : i32
    "tpu.region"() ({
      %run_scoped3A_600 = tpu.sem_alloc : memref<!tpu.dma_semaphore, #tpu.memory_space<semaphore_mem>>
      %dma_start3A_601 = arith.constant 0 : i32
      %dma_start3A_602 = tpu.memref_slice %arg8[%run_scoped3A_513, %run_scoped3A_514, %dma_start3A_601] : memref<4x2x128xi32, #tpu.memory_space<vmem>> -> memref<1x1x128xi32, #tpu.memory_space<vmem>>
      %dma_start3A_603 = tpu.memref_squeeze %dma_start3A_602 : memref<1x1x128xi32, #tpu.memory_space<vmem>> -> memref<128xi32, #tpu.memory_space<vmem>>
      %dma_start3A_604 = arith.constant 0 : i32
      %dma_start3A_605 = arith.constant 0 : i32
      %dma_start3A_606 = tpu.memref_slice %arg22[%dma_start3A_604, %dma_start3A_605] : memref<10240x16xf32, #tpu.memory_space<vmem_shared>> -> memref<10240x16xf32, #tpu.memory_space<vmem_shared>>
      tpu.enqueue_indirect_dma source(%arg21 : memref<128x16xf32, #tpu.memory_space<vmem>>) target(%dma_start3A_606 : memref<10240x16xf32, #tpu.memory_space<vmem_shared>>) offsets(%dma_start3A_603 : memref<128xi32, #tpu.memory_space<vmem>>) semaphore(%run_scoped3A_600 : memref<!tpu.dma_semaphore, #tpu.memory_space<semaphore_mem>>) {add = true}
      %dma_wait3A_607 = arith.constant 0 : i32
      %dma_wait3A_608 = tpu.memref_slice %arg8[%run_scoped3A_513, %run_scoped3A_514, %dma_wait3A_607] : memref<4x2x128xi32, #tpu.memory_space<vmem>> -> memref<1x1x128xi32, #tpu.memory_space<vmem>>
      %dma_wait3A_609 = tpu.memref_squeeze %dma_wait3A_608 : memref<1x1x128xi32, #tpu.memory_space<vmem>> -> memref<128xi32, #tpu.memory_space<vmem>>
      %dma_wait3A_610 = arith.constant 0 : i32
      %dma_wait3A_611 = arith.constant 0 : i32
      %dma_wait3A_612 = tpu.memref_slice %arg22[%dma_wait3A_610, %dma_wait3A_611] : memref<10240x16xf32, #tpu.memory_space<vmem_shared>> -> memref<10240x16xf32, #tpu.memory_space<vmem_shared>>
      tpu.wait_indirect_dma semaphore(%run_scoped3A_600 : memref<!tpu.dma_semaphore, #tpu.memory_space<semaphore_mem>>) src(%arg21 : memref<128x16xf32, #tpu.memory_space<vmem>>) dst(%dma_wait3A_612 : memref<10240x16xf32, #tpu.memory_space<vmem_shared>>)
      tpu.yield
    }) : () -> ()
    %dma_wait3A_515 = arith.constant 1 : i32
    %dma_wait3A_516 = arith.constant 0 : i32
    %dma_wait3A_517 = arith.constant 1 : i32
    %dma_wait3A_518 = arith.constant 0 : i32
    %dma_wait3A_519 = arith.constant 0 : i32
    %dma_wait3A_520 = tpu.memref_slice %arg9[%dma_wait3A_517, %dma_wait3A_518, %dma_wait3A_519] : memref<4x128x128xbf16, #tpu.memory_space<vmem>> -> memref<1x128x128xbf16, #tpu.memory_space<vmem>>
    %dma_wait3A_521 = tpu.memref_squeeze %dma_wait3A_520 : memref<1x128x128xbf16, #tpu.memory_space<vmem>> -> memref<128x128xbf16, #tpu.memory_space<vmem>>
    %dma_wait3A_522 = arith.constant 0 : i32
    %dma_wait3A_523 = tpu.memref_slice %arg8[%dma_wait3A_515, %dma_wait3A_516, %dma_wait3A_522] : memref<4x2x128xi32, #tpu.memory_space<vmem>> -> memref<1x1x128xi32, #tpu.memory_space<vmem>>
    %dma_wait3A_524 = tpu.memref_squeeze %dma_wait3A_523 : memref<1x1x128xi32, #tpu.memory_space<vmem>> -> memref<128xi32, #tpu.memory_space<vmem>>
    %dma_wait3A_525 = arith.constant 0 : i32
    %dma_wait3A_526 = arith.constant 0 : i32
    %dma_wait3A_527 = tpu.memref_slice %arg2[%dma_wait3A_525, %dma_wait3A_526] : memref<10000x128xbf16, #tpu.memory_space<hbm>> -> memref<10000x128xbf16, #tpu.memory_space<hbm>>
    tpu.wait_indirect_dma semaphore(%arg17 : memref<!tpu.dma_semaphore, #tpu.memory_space<semaphore_mem>>) src(%dma_wait3A_527 : memref<10000x128xbf16, #tpu.memory_space<hbm>>) dst(%dma_wait3A_521 : memref<128x128xbf16, #tpu.memory_space<vmem>>)
    %run_scoped3A_528 = arith.constant 1 : i32
    %run_scoped3A_529 = arith.constant 1 : i32
    %run_scoped3A_530 = arith.constant 1 : i32
    "tpu.region"() ({
      %run_scoped3A_600 = tpu.sem_alloc : memref<!tpu.dma_semaphore, #tpu.memory_space<semaphore_mem>>
      %dma_start3A_601 = arith.constant 0 : i32
      %dma_start3A_602 = arith.constant 0 : i32
      %dma_start3A_603 = tpu.memref_slice %arg9[%run_scoped3A_528, %dma_start3A_601, %dma_start3A_602] : memref<4x128x128xbf16, #tpu.memory_space<vmem>> -> memref<1x128x128xbf16, #tpu.memory_space<vmem>>
      %dma_start3A_604 = tpu.memref_squeeze %dma_start3A_603 : memref<1x128x128xbf16, #tpu.memory_space<vmem>> -> memref<128x128xbf16, #tpu.memory_space<vmem>>
      %dma_start3A_605 = arith.constant 0 : i32
      %dma_start3A_606 = tpu.memref_slice %arg8[%run_scoped3A_529, %run_scoped3A_530, %dma_start3A_605] : memref<4x2x128xi32, #tpu.memory_space<vmem>> -> memref<1x1x128xi32, #tpu.memory_space<vmem>>
      %dma_start3A_607 = tpu.memref_squeeze %dma_start3A_606 : memref<1x1x128xi32, #tpu.memory_space<vmem>> -> memref<128xi32, #tpu.memory_space<vmem>>
      %dma_start3A_608 = arith.constant 0 : i32
      %dma_start3A_609 = arith.constant 0 : i32
      %dma_start3A_610 = tpu.memref_slice %arg20[%dma_start3A_608, %dma_start3A_609] : memref<10240x128xbf16, #tpu.memory_space<vmem_shared>> -> memref<10240x128xbf16, #tpu.memory_space<vmem_shared>>
      tpu.enqueue_indirect_dma source(%dma_start3A_604 : memref<128x128xbf16, #tpu.memory_space<vmem>>) target(%dma_start3A_610 : memref<10240x128xbf16, #tpu.memory_space<vmem_shared>>) offsets(%dma_start3A_607 : memref<128xi32, #tpu.memory_space<vmem>>) semaphore(%run_scoped3A_600 : memref<!tpu.dma_semaphore, #tpu.memory_space<semaphore_mem>>) {add = true}
      %dma_wait3A_611 = arith.constant 0 : i32
      %dma_wait3A_612 = arith.constant 0 : i32
      %dma_wait3A_613 = tpu.memref_slice %arg9[%run_scoped3A_528, %dma_wait3A_611, %dma_wait3A_612] : memref<4x128x128xbf16, #tpu.memory_space<vmem>> -> memref<1x128x128xbf16, #tpu.memory_space<vmem>>
      %dma_wait3A_614 = tpu.memref_squeeze %dma_wait3A_613 : memref<1x128x128xbf16, #tpu.memory_space<vmem>> -> memref<128x128xbf16, #tpu.memory_space<vmem>>
      %dma_wait3A_615 = arith.constant 0 : i32
      %dma_wait3A_616 = tpu.memref_slice %arg8[%run_scoped3A_529, %run_scoped3A_530, %dma_wait3A_615] : memref<4x2x128xi32, #tpu.memory_space<vmem>> -> memref<1x1x128xi32, #tpu.memory_space<vmem>>
      %dma_wait3A_617 = tpu.memref_squeeze %dma_wait3A_616 : memref<1x1x128xi32, #tpu.memory_space<vmem>> -> memref<128xi32, #tpu.memory_space<vmem>>
      %dma_wait3A_618 = arith.constant 0 : i32
      %dma_wait3A_619 = arith.constant 0 : i32
      %dma_wait3A_620 = tpu.memref_slice %arg20[%dma_wait3A_618, %dma_wait3A_619] : memref<10240x128xbf16, #tpu.memory_space<vmem_shared>> -> memref<10240x128xbf16, #tpu.memory_space<vmem_shared>>
      tpu.wait_indirect_dma semaphore(%run_scoped3A_600 : memref<!tpu.dma_semaphore, #tpu.memory_space<semaphore_mem>>) src(%dma_wait3A_614 : memref<128x128xbf16, #tpu.memory_space<vmem>>) dst(%dma_wait3A_620 : memref<10240x128xbf16, #tpu.memory_space<vmem_shared>>)
      tpu.yield
    }) : () -> ()
    %run_scoped3A_531 = arith.constant 1 : i32
    %run_scoped3A_532 = arith.constant 1 : i32
    "tpu.region"() ({
      %run_scoped3A_600 = tpu.sem_alloc : memref<!tpu.dma_semaphore, #tpu.memory_space<semaphore_mem>>
      %dma_start3A_601 = arith.constant 0 : i32
      %dma_start3A_602 = tpu.memref_slice %arg8[%run_scoped3A_531, %run_scoped3A_532, %dma_start3A_601] : memref<4x2x128xi32, #tpu.memory_space<vmem>> -> memref<1x1x128xi32, #tpu.memory_space<vmem>>
      %dma_start3A_603 = tpu.memref_squeeze %dma_start3A_602 : memref<1x1x128xi32, #tpu.memory_space<vmem>> -> memref<128xi32, #tpu.memory_space<vmem>>
      %dma_start3A_604 = arith.constant 0 : i32
      %dma_start3A_605 = arith.constant 0 : i32
      %dma_start3A_606 = tpu.memref_slice %arg22[%dma_start3A_604, %dma_start3A_605] : memref<10240x16xf32, #tpu.memory_space<vmem_shared>> -> memref<10240x16xf32, #tpu.memory_space<vmem_shared>>
      tpu.enqueue_indirect_dma source(%arg21 : memref<128x16xf32, #tpu.memory_space<vmem>>) target(%dma_start3A_606 : memref<10240x16xf32, #tpu.memory_space<vmem_shared>>) offsets(%dma_start3A_603 : memref<128xi32, #tpu.memory_space<vmem>>) semaphore(%run_scoped3A_600 : memref<!tpu.dma_semaphore, #tpu.memory_space<semaphore_mem>>) {add = true}
      %dma_wait3A_607 = arith.constant 0 : i32
      %dma_wait3A_608 = tpu.memref_slice %arg8[%run_scoped3A_531, %run_scoped3A_532, %dma_wait3A_607] : memref<4x2x128xi32, #tpu.memory_space<vmem>> -> memref<1x1x128xi32, #tpu.memory_space<vmem>>
      %dma_wait3A_609 = tpu.memref_squeeze %dma_wait3A_608 : memref<1x1x128xi32, #tpu.memory_space<vmem>> -> memref<128xi32, #tpu.memory_space<vmem>>
      %dma_wait3A_610 = arith.constant 0 : i32
      %dma_wait3A_611 = arith.constant 0 : i32
      %dma_wait3A_612 = tpu.memref_slice %arg22[%dma_wait3A_610, %dma_wait3A_611] : memref<10240x16xf32, #tpu.memory_space<vmem_shared>> -> memref<10240x16xf32, #tpu.memory_space<vmem_shared>>
      tpu.wait_indirect_dma semaphore(%run_scoped3A_600 : memref<!tpu.dma_semaphore, #tpu.memory_space<semaphore_mem>>) src(%arg21 : memref<128x16xf32, #tpu.memory_space<vmem>>) dst(%dma_wait3A_612 : memref<10240x16xf32, #tpu.memory_space<vmem_shared>>)
      tpu.yield
    }) : () -> ()
    %add3A_533 = arith.constant 9984 : i32
    %add3A_534 = arith.addi %mul3A_8, %add3A_533 : i32
    %dma_start3A_535 = arith.constant 0 : i32
    %dma_start3A_536 = arith.constant 0 : i32
    %dma_start3A_537 = arith.constant 0 : i32
    %dma_start3A_538 = tpu.memref_slice %arg10[%dma_start3A_536, %dma_start3A_537] : memref<2x16xi32, #tpu.memory_space<vmem>> -> memref<1x16xi32, #tpu.memory_space<vmem>>
    %dma_start3A_539 = tpu.memref_squeeze %dma_start3A_538 : memref<1x16xi32, #tpu.memory_space<vmem>> -> memref<16xi32, #tpu.memory_space<vmem>>
    %dma_start3A_540 = tpu.memref_slice %arg3[%dma_start3A_535, %add3A_534] : memref<2x320000xi32, #tpu.memory_space<hbm>> -> memref<1x16xi32, #tpu.memory_space<hbm>>
    %dma_start3A_541 = tpu.memref_squeeze %dma_start3A_540 : memref<1x16xi32, #tpu.memory_space<hbm>> -> memref<16xi32, #tpu.memory_space<hbm>>
    %dma_start3A_542 = arith.constant 0 : i32
    %dma_start3A_543 = tpu.memref_slice %arg10[%dma_start3A_536, %dma_start3A_542] : memref<2x16xi32, #tpu.memory_space<vmem>> -> memref<1x16xi32, #tpu.memory_space<vmem>>
    %dma_start3A_544 = tpu.memref_squeeze %dma_start3A_543 : memref<1x16xi32, #tpu.memory_space<vmem>> -> memref<16xi32, #tpu.memory_space<vmem>>
    %dma_start3A_545 = tpu.memref_slice %arg3[%dma_start3A_535, %add3A_534] : memref<2x320000xi32, #tpu.memory_space<hbm>> -> memref<1x16xi32, #tpu.memory_space<hbm>>
    %dma_start3A_546 = tpu.memref_squeeze %dma_start3A_545 : memref<1x16xi32, #tpu.memory_space<hbm>> -> memref<16xi32, #tpu.memory_space<hbm>>
    tpu.enqueue_dma source(%dma_start3A_546 : memref<16xi32, #tpu.memory_space<hbm>>) target(%dma_start3A_544 : memref<16xi32, #tpu.memory_space<vmem>>) target_semaphore(%arg12 : memref<!tpu.dma_semaphore, #tpu.memory_space<semaphore_mem>>)
    %dma_start3A_547 = arith.constant 1 : i32
    %dma_start3A_548 = arith.constant 1 : i32
    %dma_start3A_549 = arith.constant 0 : i32
    %dma_start3A_550 = tpu.memref_slice %arg10[%dma_start3A_548, %dma_start3A_549] : memref<2x16xi32, #tpu.memory_space<vmem>> -> memref<1x16xi32, #tpu.memory_space<vmem>>
    %dma_start3A_551 = tpu.memref_squeeze %dma_start3A_550 : memref<1x16xi32, #tpu.memory_space<vmem>> -> memref<16xi32, #tpu.memory_space<vmem>>
    %dma_start3A_552 = tpu.memref_slice %arg3[%dma_start3A_547, %add3A_534] : memref<2x320000xi32, #tpu.memory_space<hbm>> -> memref<1x16xi32, #tpu.memory_space<hbm>>
    %dma_start3A_553 = tpu.memref_squeeze %dma_start3A_552 : memref<1x16xi32, #tpu.memory_space<hbm>> -> memref<16xi32, #tpu.memory_space<hbm>>
    %dma_start3A_554 = arith.constant 0 : i32
    %dma_start3A_555 = tpu.memref_slice %arg10[%dma_start3A_548, %dma_start3A_554] : memref<2x16xi32, #tpu.memory_space<vmem>> -> memref<1x16xi32, #tpu.memory_space<vmem>>
    %dma_start3A_556 = tpu.memref_squeeze %dma_start3A_555 : memref<1x16xi32, #tpu.memory_space<vmem>> -> memref<16xi32, #tpu.memory_space<vmem>>
    %dma_start3A_557 = tpu.memref_slice %arg3[%dma_start3A_547, %add3A_534] : memref<2x320000xi32, #tpu.memory_space<hbm>> -> memref<1x16xi32, #tpu.memory_space<hbm>>
    %dma_start3A_558 = tpu.memref_squeeze %dma_start3A_557 : memref<1x16xi32, #tpu.memory_space<hbm>> -> memref<16xi32, #tpu.memory_space<hbm>>
    tpu.enqueue_dma source(%dma_start3A_558 : memref<16xi32, #tpu.memory_space<hbm>>) target(%dma_start3A_556 : memref<16xi32, #tpu.memory_space<vmem>>) target_semaphore(%arg12 : memref<!tpu.dma_semaphore, #tpu.memory_space<semaphore_mem>>)
    %dma_wait3A_559 = arith.constant 0 : i32
    %dma_wait3A_560 = arith.constant 0 : i32
    %dma_wait3A_561 = arith.constant 0 : i32
    %dma_wait3A_562 = tpu.memref_slice %arg10[%dma_wait3A_560, %dma_wait3A_561] : memref<2x16xi32, #tpu.memory_space<vmem>> -> memref<1x16xi32, #tpu.memory_space<vmem>>
    %dma_wait3A_563 = tpu.memref_squeeze %dma_wait3A_562 : memref<1x16xi32, #tpu.memory_space<vmem>> -> memref<16xi32, #tpu.memory_space<vmem>>
    %dma_wait3A_564 = tpu.memref_slice %arg3[%dma_wait3A_559, %add3A_534] : memref<2x320000xi32, #tpu.memory_space<hbm>> -> memref<1x16xi32, #tpu.memory_space<hbm>>
    %dma_wait3A_565 = tpu.memref_squeeze %dma_wait3A_564 : memref<1x16xi32, #tpu.memory_space<hbm>> -> memref<16xi32, #tpu.memory_space<hbm>>
    %dma_wait3A_566 = arith.constant 0 : i32
    %dma_wait3A_567 = tpu.memref_slice %arg10[%dma_wait3A_560, %dma_wait3A_566] : memref<2x16xi32, #tpu.memory_space<vmem>> -> memref<1x16xi32, #tpu.memory_space<vmem>>
    %dma_wait3A_568 = tpu.memref_squeeze %dma_wait3A_567 : memref<1x16xi32, #tpu.memory_space<vmem>> -> memref<16xi32, #tpu.memory_space<vmem>>
    %dma_wait3A_569 = tpu.memref_slice %arg3[%dma_wait3A_559, %add3A_534] : memref<2x320000xi32, #tpu.memory_space<hbm>> -> memref<1x16xi32, #tpu.memory_space<hbm>>
    %dma_wait3A_570 = tpu.memref_squeeze %dma_wait3A_569 : memref<1x16xi32, #tpu.memory_space<hbm>> -> memref<16xi32, #tpu.memory_space<hbm>>
    tpu.wait_dma2 semaphore(%arg12 : memref<!tpu.dma_semaphore, #tpu.memory_space<semaphore_mem>>) src(%dma_wait3A_570 : memref<16xi32, #tpu.memory_space<hbm>>) dst(%dma_wait3A_568 : memref<16xi32, #tpu.memory_space<vmem>>)
    %dma_wait3A_571 = arith.constant 1 : i32
    %dma_wait3A_572 = arith.constant 1 : i32
    %dma_wait3A_573 = arith.constant 0 : i32
    %dma_wait3A_574 = tpu.memref_slice %arg10[%dma_wait3A_572, %dma_wait3A_573] : memref<2x16xi32, #tpu.memory_space<vmem>> -> memref<1x16xi32, #tpu.memory_space<vmem>>
    %dma_wait3A_575 = tpu.memref_squeeze %dma_wait3A_574 : memref<1x16xi32, #tpu.memory_space<vmem>> -> memref<16xi32, #tpu.memory_space<vmem>>
    %dma_wait3A_576 = tpu.memref_slice %arg3[%dma_wait3A_571, %add3A_534] : memref<2x320000xi32, #tpu.memory_space<hbm>> -> memref<1x16xi32, #tpu.memory_space<hbm>>
    %dma_wait3A_577 = tpu.memref_squeeze %dma_wait3A_576 : memref<1x16xi32, #tpu.memory_space<hbm>> -> memref<16xi32, #tpu.memory_space<hbm>>
    %dma_wait3A_578 = arith.constant 0 : i32
    %dma_wait3A_579 = tpu.memref_slice %arg10[%dma_wait3A_572, %dma_wait3A_578] : memref<2x16xi32, #tpu.memory_space<vmem>> -> memref<1x16xi32, #tpu.memory_space<vmem>>
    %dma_wait3A_580 = tpu.memref_squeeze %dma_wait3A_579 : memref<1x16xi32, #tpu.memory_space<vmem>> -> memref<16xi32, #tpu.memory_space<vmem>>
    %dma_wait3A_581 = tpu.memref_slice %arg3[%dma_wait3A_571, %add3A_534] : memref<2x320000xi32, #tpu.memory_space<hbm>> -> memref<1x16xi32, #tpu.memory_space<hbm>>
    %dma_wait3A_582 = tpu.memref_squeeze %dma_wait3A_581 : memref<1x16xi32, #tpu.memory_space<hbm>> -> memref<16xi32, #tpu.memory_space<hbm>>
    tpu.wait_dma2 semaphore(%arg12 : memref<!tpu.dma_semaphore, #tpu.memory_space<semaphore_mem>>) src(%dma_wait3A_582 : memref<16xi32, #tpu.memory_space<hbm>>) dst(%dma_wait3A_580 : memref<16xi32, #tpu.memory_space<vmem>>)
    %dma_start3A_583 = arith.constant 0 : i32
    %dma_start3A_584 = arith.constant 0 : i32
    %dma_start3A_585 = tpu.memref_slice %arg10[%dma_start3A_583, %dma_start3A_584] : memref<2x16xi32, #tpu.memory_space<vmem>> -> memref<1x16xi32, #tpu.memory_space<vmem>>
    %dma_start3A_586 = tpu.memref_squeeze %dma_start3A_585 : memref<1x16xi32, #tpu.memory_space<vmem>> -> memref<16xi32, #tpu.memory_space<vmem>>
    %dma_start3A_587 = arith.constant 0 : i32
    %dma_start3A_588 = arith.constant 0 : i32
    %dma_start3A_589 = tpu.memref_slice %arg2[%dma_start3A_587, %dma_start3A_588] : memref<10000x128xbf16, #tpu.memory_space<hbm>> -> memref<10000x128xbf16, #tpu.memory_space<hbm>>
    tpu.enqueue_indirect_dma source(%dma_start3A_589 : memref<10000x128xbf16, #tpu.memory_space<hbm>>) target(%arg11 : memref<16x128xbf16, #tpu.memory_space<vmem>>) offsets(%dma_start3A_586 : memref<16xi32, #tpu.memory_space<vmem>>) semaphore(%arg16 : memref<!tpu.dma_semaphore, #tpu.memory_space<semaphore_mem>>)
    %dma_wait3A_590 = arith.constant 0 : i32
    %dma_wait3A_591 = arith.constant 0 : i32
    %dma_wait3A_592 = tpu.memref_slice %arg10[%dma_wait3A_590, %dma_wait3A_591] : memref<2x16xi32, #tpu.memory_space<vmem>> -> memref<1x16xi32, #tpu.memory_space<vmem>>
    %dma_wait3A_593 = tpu.memref_squeeze %dma_wait3A_592 : memref<1x16xi32, #tpu.memory_space<vmem>> -> memref<16xi32, #tpu.memory_space<vmem>>
    %dma_wait3A_594 = arith.constant 0 : i32
    %dma_wait3A_595 = arith.constant 0 : i32
    %dma_wait3A_596 = tpu.memref_slice %arg2[%dma_wait3A_594, %dma_wait3A_595] : memref<10000x128xbf16, #tpu.memory_space<hbm>> -> memref<10000x128xbf16, #tpu.memory_space<hbm>>
    tpu.wait_indirect_dma semaphore(%arg16 : memref<!tpu.dma_semaphore, #tpu.memory_space<semaphore_mem>>) src(%dma_wait3A_596 : memref<10000x128xbf16, #tpu.memory_space<hbm>>) dst(%arg11 : memref<16x128xbf16, #tpu.memory_space<vmem>>)
    %run_scoped3A_597 = arith.constant 1 : i32
    "tpu.region"() ({
      %run_scoped3A_600 = tpu.sem_alloc : memref<!tpu.dma_semaphore, #tpu.memory_space<semaphore_mem>>
      %dma_start3A_601 = arith.constant 0 : i32
      %dma_start3A_602 = tpu.memref_slice %arg10[%run_scoped3A_597, %dma_start3A_601] : memref<2x16xi32, #tpu.memory_space<vmem>> -> memref<1x16xi32, #tpu.memory_space<vmem>>
      %dma_start3A_603 = tpu.memref_squeeze %dma_start3A_602 : memref<1x16xi32, #tpu.memory_space<vmem>> -> memref<16xi32, #tpu.memory_space<vmem>>
      %dma_start3A_604 = arith.constant 0 : i32
      %dma_start3A_605 = arith.constant 0 : i32
      %dma_start3A_606 = tpu.memref_slice %arg20[%dma_start3A_604, %dma_start3A_605] : memref<10240x128xbf16, #tpu.memory_space<vmem_shared>> -> memref<10240x128xbf16, #tpu.memory_space<vmem_shared>>
      tpu.enqueue_indirect_dma source(%arg11 : memref<16x128xbf16, #tpu.memory_space<vmem>>) target(%dma_start3A_606 : memref<10240x128xbf16, #tpu.memory_space<vmem_shared>>) offsets(%dma_start3A_603 : memref<16xi32, #tpu.memory_space<vmem>>) semaphore(%run_scoped3A_600 : memref<!tpu.dma_semaphore, #tpu.memory_space<semaphore_mem>>) {add = true}
      %dma_wait3A_607 = arith.constant 0 : i32
      %dma_wait3A_608 = tpu.memref_slice %arg10[%run_scoped3A_597, %dma_wait3A_607] : memref<2x16xi32, #tpu.memory_space<vmem>> -> memref<1x16xi32, #tpu.memory_space<vmem>>
      %dma_wait3A_609 = tpu.memref_squeeze %dma_wait3A_608 : memref<1x16xi32, #tpu.memory_space<vmem>> -> memref<16xi32, #tpu.memory_space<vmem>>
      %dma_wait3A_610 = arith.constant 0 : i32
      %dma_wait3A_611 = arith.constant 0 : i32
      %dma_wait3A_612 = tpu.memref_slice %arg20[%dma_wait3A_610, %dma_wait3A_611] : memref<10240x128xbf16, #tpu.memory_space<vmem_shared>> -> memref<10240x128xbf16, #tpu.memory_space<vmem_shared>>
      tpu.wait_indirect_dma semaphore(%run_scoped3A_600 : memref<!tpu.dma_semaphore, #tpu.memory_space<semaphore_mem>>) src(%arg11 : memref<16x128xbf16, #tpu.memory_space<vmem>>) dst(%dma_wait3A_612 : memref<10240x128xbf16, #tpu.memory_space<vmem_shared>>)
      tpu.yield
    }) : () -> ()
    %run_scoped3A_598 = arith.constant 1 : i32
    "tpu.region"() ({
      %run_scoped3A_600 = tpu.sem_alloc : memref<!tpu.dma_semaphore, #tpu.memory_space<semaphore_mem>>
      %dma_start3A_601 = arith.constant 0 : i32
      %dma_start3A_602 = arith.constant 0 : i32
      %dma_start3A_603 = tpu.memref_slice %arg21[%dma_start3A_601, %dma_start3A_602] : memref<128x16xf32, #tpu.memory_space<vmem>> -> memref<16x16xf32, #tpu.memory_space<vmem>>
      %dma_start3A_604 = arith.constant 0 : i32
      %dma_start3A_605 = tpu.memref_slice %arg10[%run_scoped3A_598, %dma_start3A_604] : memref<2x16xi32, #tpu.memory_space<vmem>> -> memref<1x16xi32, #tpu.memory_space<vmem>>
      %dma_start3A_606 = tpu.memref_squeeze %dma_start3A_605 : memref<1x16xi32, #tpu.memory_space<vmem>> -> memref<16xi32, #tpu.memory_space<vmem>>
      %dma_start3A_607 = arith.constant 0 : i32
      %dma_start3A_608 = arith.constant 0 : i32
      %dma_start3A_609 = tpu.memref_slice %arg22[%dma_start3A_607, %dma_start3A_608] : memref<10240x16xf32, #tpu.memory_space<vmem_shared>> -> memref<10240x16xf32, #tpu.memory_space<vmem_shared>>
      tpu.enqueue_indirect_dma source(%dma_start3A_603 : memref<16x16xf32, #tpu.memory_space<vmem>>) target(%dma_start3A_609 : memref<10240x16xf32, #tpu.memory_space<vmem_shared>>) offsets(%dma_start3A_606 : memref<16xi32, #tpu.memory_space<vmem>>) semaphore(%run_scoped3A_600 : memref<!tpu.dma_semaphore, #tpu.memory_space<semaphore_mem>>) {add = true}
      %dma_wait3A_610 = arith.constant 0 : i32
      %dma_wait3A_611 = arith.constant 0 : i32
      %dma_wait3A_612 = tpu.memref_slice %arg21[%dma_wait3A_610, %dma_wait3A_611] : memref<128x16xf32, #tpu.memory_space<vmem>> -> memref<16x16xf32, #tpu.memory_space<vmem>>
      %dma_wait3A_613 = arith.constant 0 : i32
      %dma_wait3A_614 = tpu.memref_slice %arg10[%run_scoped3A_598, %dma_wait3A_613] : memref<2x16xi32, #tpu.memory_space<vmem>> -> memref<1x16xi32, #tpu.memory_space<vmem>>
      %dma_wait3A_615 = tpu.memref_squeeze %dma_wait3A_614 : memref<1x16xi32, #tpu.memory_space<vmem>> -> memref<16xi32, #tpu.memory_space<vmem>>
      %dma_wait3A_616 = arith.constant 0 : i32
      %dma_wait3A_617 = arith.constant 0 : i32
      %dma_wait3A_618 = tpu.memref_slice %arg22[%dma_wait3A_616, %dma_wait3A_617] : memref<10240x16xf32, #tpu.memory_space<vmem_shared>> -> memref<10240x16xf32, #tpu.memory_space<vmem_shared>>
      tpu.wait_indirect_dma semaphore(%run_scoped3A_600 : memref<!tpu.dma_semaphore, #tpu.memory_space<semaphore_mem>>) src(%dma_wait3A_612 : memref<16x16xf32, #tpu.memory_space<vmem>>) dst(%dma_wait3A_618 : memref<10240x16xf32, #tpu.memory_space<vmem_shared>>)
      tpu.yield
    }) : () -> ()
    %barrier3A_599 = arith.constant 0 : index
    tpu.barrier barrier_id(%barrier3A_599)
    "tpu.region"() ({
      %run_scoped3A_600 = tpu.sem_alloc : memref<!tpu.dma_semaphore, #tpu.memory_space<semaphore_mem>>
      %dma_start3A_601 = arith.constant 0 : i32
      %dma_start3A_602 = tpu.memref_slice %arg6[%arg0, %mul3A_2, %dma_start3A_601] : memref<2x10240x128xbf16, #tpu.memory_space<hbm>> -> memref<1x640x128xbf16, #tpu.memory_space<hbm>>
      %dma_start3A_603 = tpu.memref_squeeze %dma_start3A_602 : memref<1x640x128xbf16, #tpu.memory_space<hbm>> -> memref<640x128xbf16, #tpu.memory_space<hbm>>
      %dma_start3A_604 = arith.constant 0 : i32
      %dma_start3A_605 = tpu.memref_slice %arg20[%mul3A_2, %dma_start3A_604] : memref<10240x128xbf16, #tpu.memory_space<vmem_shared>> -> memref<640x128xbf16, #tpu.memory_space<vmem_shared>>
      tpu.enqueue_dma source(%dma_start3A_605 : memref<640x128xbf16, #tpu.memory_space<vmem_shared>>) target(%dma_start3A_603 : memref<640x128xbf16, #tpu.memory_space<hbm>>) target_semaphore(%run_scoped3A_600 : memref<!tpu.dma_semaphore, #tpu.memory_space<semaphore_mem>>)
      %dma_wait3A_606 = arith.constant 0 : i32
      %dma_wait3A_607 = tpu.memref_slice %arg6[%arg0, %mul3A_2, %dma_wait3A_606] : memref<2x10240x128xbf16, #tpu.memory_space<hbm>> -> memref<1x640x128xbf16, #tpu.memory_space<hbm>>
      %dma_wait3A_608 = tpu.memref_squeeze %dma_wait3A_607 : memref<1x640x128xbf16, #tpu.memory_space<hbm>> -> memref<640x128xbf16, #tpu.memory_space<hbm>>
      %dma_wait3A_609 = arith.constant 0 : i32
      %dma_wait3A_610 = tpu.memref_slice %arg20[%mul3A_2, %dma_wait3A_609] : memref<10240x128xbf16, #tpu.memory_space<vmem_shared>> -> memref<640x128xbf16, #tpu.memory_space<vmem_shared>>
      tpu.wait_dma2 semaphore(%run_scoped3A_600 : memref<!tpu.dma_semaphore, #tpu.memory_space<semaphore_mem>>) src(%dma_wait3A_610 : memref<640x128xbf16, #tpu.memory_space<vmem_shared>>) dst(%dma_wait3A_608 : memref<640x128xbf16, #tpu.memory_space<hbm>>)
      tpu.yield
    }) : () -> ()
    "tpu.region"() ({
      %run_scoped3A_600 = tpu.sem_alloc : memref<!tpu.dma_semaphore, #tpu.memory_space<semaphore_mem>>
      %dma_start3A_601 = arith.constant 0 : i32
      %dma_start3A_602 = tpu.memref_slice %arg7[%arg0, %mul3A_2, %dma_start3A_601] : memref<2x10240x16xf32, #tpu.memory_space<hbm>> -> memref<1x640x16xf32, #tpu.memory_space<hbm>>
      %dma_start3A_603 = tpu.memref_squeeze %dma_start3A_602 : memref<1x640x16xf32, #tpu.memory_space<hbm>> -> memref<640x16xf32, #tpu.memory_space<hbm>>
      %dma_start3A_604 = arith.constant 0 : i32
      %dma_start3A_605 = tpu.memref_slice %arg22[%mul3A_2, %dma_start3A_604] : memref<10240x16xf32, #tpu.memory_space<vmem_shared>> -> memref<640x16xf32, #tpu.memory_space<vmem_shared>>
      tpu.enqueue_dma source(%dma_start3A_605 : memref<640x16xf32, #tpu.memory_space<vmem_shared>>) target(%dma_start3A_603 : memref<640x16xf32, #tpu.memory_space<hbm>>) target_semaphore(%run_scoped3A_600 : memref<!tpu.dma_semaphore, #tpu.memory_space<semaphore_mem>>)
      %dma_wait3A_606 = arith.constant 0 : i32
      %dma_wait3A_607 = tpu.memref_slice %arg7[%arg0, %mul3A_2, %dma_wait3A_606] : memref<2x10240x16xf32, #tpu.memory_space<hbm>> -> memref<1x640x16xf32, #tpu.memory_space<hbm>>
      %dma_wait3A_608 = tpu.memref_squeeze %dma_wait3A_607 : memref<1x640x16xf32, #tpu.memory_space<hbm>> -> memref<640x16xf32, #tpu.memory_space<hbm>>
      %dma_wait3A_609 = arith.constant 0 : i32
      %dma_wait3A_610 = tpu.memref_slice %arg22[%mul3A_2, %dma_wait3A_609] : memref<10240x16xf32, #tpu.memory_space<vmem_shared>> -> memref<640x16xf32, #tpu.memory_space<vmem_shared>>
      tpu.wait_dma2 semaphore(%run_scoped3A_600 : memref<!tpu.dma_semaphore, #tpu.memory_space<semaphore_mem>>) src(%dma_wait3A_610 : memref<640x16xf32, #tpu.memory_space<vmem_shared>>) dst(%dma_wait3A_608 : memref<640x16xf32, #tpu.memory_space<hbm>>)
      tpu.yield
    }) : () -> ()
    return
  }
}

module attributes {stable_mosaic.version = 14 : i64} {
  func.func @_tc1_body(%arg0: i32, %arg1: memref<2x5000x128xbf16, #tpu.memory_space<vmem>>, %arg2: memref<2x5000x16xf32, #tpu.memory_space<vmem>>, %arg3: memref<5000x128xf32, #tpu.memory_space<vmem>>, %arg4: memref<128x128xf32, #tpu.memory_space<vmem>>, %arg5: memref<1x128xf32, #tpu.memory_space<vmem>>, %arg6: memref<128x128xf32, #tpu.memory_space<vmem>>, %arg7: memref<5000x128xbf16, #tpu.memory_space<vmem>>) attributes {dimension_semantics = [#tpu.dimension_semantics<arbitrary>], iteration_bounds = array<i64: 2>, scalar_prefetch = 0 : i64, scratch_operands = 0 : i64, tpu.core_type = #tpu.core_type<tc>, window_params = [{transform_indices = @transform_0, window_bounds = array<i64: 2, 5000, 128>}, {transform_indices = @transform_1, window_bounds = array<i64: 2, 5000, 16>}, {transform_indices = @transform_2, window_bounds = array<i64: 5000, 128>}, {pipeline_mode = #tpu.pipeline_mode<synchronous>, transform_indices = @transform_3, window_bounds = array<i64: 128, 128>}, {pipeline_mode = #tpu.pipeline_mode<synchronous>, transform_indices = @transform_4, window_bounds = array<i64: 1, 128>}, {pipeline_mode = #tpu.pipeline_mode<synchronous>, transform_indices = @transform_5, window_bounds = array<i64: 128, 128>}, {transform_indices = @transform_6, window_bounds = array<i64: 5000, 128>}]} {
    %get3A = arith.constant 0 : index
    %get3A_0 = arith.constant 0 : index
    %get3A_1 = arith.constant 0 : index
    %get3A_2 = vector.load %arg1[%get3A, %get3A_0, %get3A_1] : memref<2x5000x128xbf16, #tpu.memory_space<vmem>>, vector<2x5000x128xbf16>
    %convert_element_type3A = arith.extf %get3A_2 : vector<2x5000x128xbf16> to vector<2x5000x128xf32>
    %slice3A = vector.extract_strided_slice %convert_element_type3A {offsets = [0, 0, 0], sizes = [1, 5000, 128], strides = [1, 1, 1]} : vector<2x5000x128xf32> to vector<1x5000x128xf32>
    %squeeze3A = vector.shape_cast %slice3A : vector<1x5000x128xf32> to vector<5000x128xf32>
    %slice3A_3 = vector.extract_strided_slice %convert_element_type3A {offsets = [1, 0, 0], sizes = [1, 5000, 128], strides = [1, 1, 1]} : vector<2x5000x128xf32> to vector<1x5000x128xf32>
    %squeeze3A_4 = vector.shape_cast %slice3A_3 : vector<1x5000x128xf32> to vector<5000x128xf32>
    %add3A = arith.addf %squeeze3A, %squeeze3A_4 : vector<5000x128xf32>
    %get3A_5 = arith.constant 0 : index
    %get3A_6 = arith.constant 0 : index
    %get3A_7 = arith.constant 0 : index
    %get3A_8 = vector.load %arg2[%get3A_5, %get3A_6, %get3A_7] : memref<2x5000x16xf32, #tpu.memory_space<vmem>>, vector<2x5000x16xf32>
    %slice3A_9 = vector.extract_strided_slice %get3A_8 {offsets = [0, 0, 0], sizes = [1, 5000, 16], strides = [1, 1, 1]} : vector<2x5000x16xf32> to vector<1x5000x16xf32>
    %squeeze3A_10 = vector.shape_cast %slice3A_9 : vector<1x5000x16xf32> to vector<5000x16xf32>
    %slice3A_11 = vector.extract_strided_slice %get3A_8 {offsets = [1, 0, 0], sizes = [1, 5000, 16], strides = [1, 1, 1]} : vector<2x5000x16xf32> to vector<1x5000x16xf32>
    %squeeze3A_12 = vector.shape_cast %slice3A_11 : vector<1x5000x16xf32> to vector<5000x16xf32>
    %add3A_13 = arith.addf %squeeze3A_10, %squeeze3A_12 : vector<5000x16xf32>
    %slice3A_14 = vector.extract_strided_slice %add3A_13 {offsets = [0, 0], sizes = [5000, 1], strides = [1, 1]} : vector<5000x16xf32> to vector<5000x1xf32>
    %max3A = arith.constant 1.000000e+00 : f32
    %max3A_15 = vector.broadcast %max3A : f32 to vector<5000x1xf32>
    %max3A_16 = arith.maximumf %slice3A_14, %max3A_15 : vector<5000x1xf32>
    %div3A = arith.constant 1.000000e+00 : f32
    %div3A_17 = vector.broadcast %div3A : f32 to vector<5000x1xf32>
    %div3A_18 = arith.divf %div3A_17, %max3A_16 : vector<5000x1xf32>
    %mul3A = vector.broadcast %div3A_18 : vector<5000x1xf32> to vector<5000x128xf32>
    %mul3A_19 = arith.mulf %add3A, %mul3A : vector<5000x128xf32>
    %get3A_20 = arith.constant 0 : index
    %get3A_21 = arith.constant 0 : index
    %get3A_22 = vector.load %arg4[%get3A_20, %get3A_21] : memref<128x128xf32, #tpu.memory_space<vmem>>, vector<128x128xf32>
    %dot_general3A = arith.constant dense<0.000000e+00> : vector<5000x128xf32>
    %dot_general3A_23 = tpu.matmul %mul3A_19, %get3A_22, %dot_general3A {dimension_numbers = #tpu.dot_dimension_numbers<[1], [1], [0], [0], [0, 0, 1, 0], [], []>, transpose_lhs_hint = false} : vector<5000x128xf32>, vector<128x128xf32>, vector<5000x128xf32> -> vector<5000x128xf32>
    %get3A_24 = arith.constant 0 : index
    %get3A_25 = arith.constant 0 : index
    %get3A_26 = vector.load %arg5[%get3A_24, %get3A_25] : memref<1x128xf32, #tpu.memory_space<vmem>>, vector<1x128xf32>
    %add3A_27 = vector.broadcast %get3A_26 : vector<1x128xf32> to vector<5000x128xf32>
    %add3A_28 = arith.addf %dot_general3A_23, %add3A_27 : vector<5000x128xf32>
    %get3A_29 = arith.constant 0 : index
    %get3A_30 = arith.constant 0 : index
    %get3A_31 = vector.load %arg3[%get3A_29, %get3A_30] : memref<5000x128xf32, #tpu.memory_space<vmem>>, vector<5000x128xf32>
    %get3A_32 = arith.constant 0 : index
    %get3A_33 = arith.constant 0 : index
    %get3A_34 = vector.load %arg6[%get3A_32, %get3A_33] : memref<128x128xf32, #tpu.memory_space<vmem>>, vector<128x128xf32>
    %dot_general3A_35 = arith.constant dense<0.000000e+00> : vector<5000x128xf32>
    %dot_general3A_36 = tpu.matmul %get3A_31, %get3A_34, %dot_general3A_35 {dimension_numbers = #tpu.dot_dimension_numbers<[1], [1], [0], [0], [0, 0, 1, 0], [], []>, transpose_lhs_hint = false} : vector<5000x128xf32>, vector<128x128xf32>, vector<5000x128xf32> -> vector<5000x128xf32>
    %add3A_37 = arith.addf %add3A_28, %dot_general3A_36 : vector<5000x128xf32>
    %mul3A_38 = arith.mulf %add3A_37, %add3A_37 : vector<5000x128xf32>
    %reduce_sum3A = arith.constant dense<0.000000e+00> : vector<5000xf32>
    %reduce_sum3A_39 = vector.multi_reduction <add>, %mul3A_38, %reduce_sum3A [1] : vector<5000x128xf32> to vector<5000xf32>
    %broadcast_in_dim3A = vector.shape_cast %reduce_sum3A_39 : vector<5000xf32> to vector<5000x1xf32>
    %sqrt3A = math.sqrt %broadcast_in_dim3A : vector<5000x1xf32>
    %max3A_40 = arith.constant 9.99999996E-13 : f32
    %max3A_41 = vector.broadcast %max3A_40 : f32 to vector<5000x1xf32>
    %max3A_42 = arith.maximumf %sqrt3A, %max3A_41 : vector<5000x1xf32>
    %div3A_43 = vector.broadcast %max3A_42 : vector<5000x1xf32> to vector<5000x128xf32>
    %div3A_44 = arith.divf %add3A_37, %div3A_43 : vector<5000x128xf32>
    %max3A_45 = arith.constant 0.000000e+00 : f32
    %max3A_46 = vector.broadcast %max3A_45 : f32 to vector<5000x128xf32>
    %max3A_47 = arith.maximumf %div3A_44, %max3A_46 : vector<5000x128xf32>
    %convert_element_type3A_48 = arith.truncf %max3A_47 : vector<5000x128xf32> to vector<5000x128xbf16>
    %swap3A = arith.constant 0 : index
    %swap3A_49 = arith.constant 0 : index
    %swap3A_50 = vector.load %arg7[%swap3A, %swap3A_49] : memref<5000x128xbf16, #tpu.memory_space<vmem>>, vector<5000x128xbf16>
    tpu.vector_store %arg7[%swap3A, %swap3A_49], %convert_element_type3A_48 {strides = array<i32>} : memref<5000x128xbf16, #tpu.memory_space<vmem>>, vector<5000x128xbf16>,
    return
  }
  func.func @transform_0(%arg0: i32) -> (i32, i32, i32) {
    %c0_i32 = arith.constant 0 : i32
    %c0_i32_0 = arith.constant 0 : i32
    %c0_i32_1 = arith.constant 0 : i32
    return %c0_i32, %arg0, %c0_i32_0 : i32, i32, i32
  }
  func.func @transform_1(%arg0: i32) -> (i32, i32, i32) {
    %c0_i32 = arith.constant 0 : i32
    %c0_i32_0 = arith.constant 0 : i32
    %c0_i32_1 = arith.constant 0 : i32
    return %c0_i32, %arg0, %c0_i32_0 : i32, i32, i32
  }
  func.func @transform_2(%arg0: i32) -> (i32, i32) {
    %c0_i32 = arith.constant 0 : i32
    %c0_i32_0 = arith.constant 0 : i32
    return %arg0, %c0_i32 : i32, i32
  }
  func.func @transform_3(%arg0: i32) -> (i32, i32) {
    %c0_i32 = arith.constant 0 : i32
    %c0_i32_0 = arith.constant 0 : i32
    %c0_i32_1 = arith.constant 0 : i32
    return %c0_i32, %c0_i32_0 : i32, i32
  }
  func.func @transform_4(%arg0: i32) -> (i32, i32) {
    %c0_i32 = arith.constant 0 : i32
    %c0_i32_0 = arith.constant 0 : i32
    %c0_i32_1 = arith.constant 0 : i32
    return %c0_i32, %c0_i32_0 : i32, i32
  }
  func.func @transform_5(%arg0: i32) -> (i32, i32) {
    %c0_i32 = arith.constant 0 : i32
    %c0_i32_0 = arith.constant 0 : i32
    %c0_i32_1 = arith.constant 0 : i32
    return %c0_i32, %c0_i32_0 : i32, i32
  }
  func.func @transform_6(%arg0: i32) -> (i32, i32) {
    %c0_i32 = arith.constant 0 : i32
    %c0_i32_0 = arith.constant 0 : i32
    return %arg0, %c0_i32 : i32, i32
  }
}

module attributes {stable_mosaic.version = 14 : i64} {
  func.func @_tc2_body(%arg0: i32, %arg1: memref<2x5000x128xbf16, #tpu.memory_space<vmem>>, %arg2: memref<2x5000x16xf32, #tpu.memory_space<vmem>>, %arg3: memref<5000x128xbf16, #tpu.memory_space<vmem>>, %arg4: memref<128x128xf32, #tpu.memory_space<vmem>>, %arg5: memref<1x128xf32, #tpu.memory_space<vmem>>, %arg6: memref<128x128xf32, #tpu.memory_space<vmem>>, %arg7: memref<2x128xf32, #tpu.memory_space<vmem>>, %arg8: memref<1x2xf32, #tpu.memory_space<vmem>>, %arg9: memref<5000x2xf32, #tpu.memory_space<vmem>>) attributes {dimension_semantics = [#tpu.dimension_semantics<arbitrary>], iteration_bounds = array<i64: 2>, scalar_prefetch = 0 : i64, scratch_operands = 0 : i64, tpu.core_type = #tpu.core_type<tc>, window_params = [{transform_indices = @transform_0, window_bounds = array<i64: 2, 5000, 128>}, {transform_indices = @transform_1, window_bounds = array<i64: 2, 5000, 16>}, {transform_indices = @transform_2, window_bounds = array<i64: 5000, 128>}, {pipeline_mode = #tpu.pipeline_mode<synchronous>, transform_indices = @transform_3, window_bounds = array<i64: 128, 128>}, {pipeline_mode = #tpu.pipeline_mode<synchronous>, transform_indices = @transform_4, window_bounds = array<i64: 1, 128>}, {pipeline_mode = #tpu.pipeline_mode<synchronous>, transform_indices = @transform_5, window_bounds = array<i64: 128, 128>}, {pipeline_mode = #tpu.pipeline_mode<synchronous>, transform_indices = @transform_6, window_bounds = array<i64: 2, 128>}, {pipeline_mode = #tpu.pipeline_mode<synchronous>, transform_indices = @transform_7, window_bounds = array<i64: 1, 2>}, {transform_indices = @transform_8, window_bounds = array<i64: 5000, 2>}]} {
    %get3A = arith.constant 0 : index
    %get3A_0 = arith.constant 0 : index
    %get3A_1 = arith.constant 0 : index
    %get3A_2 = vector.load %arg1[%get3A, %get3A_0, %get3A_1] : memref<2x5000x128xbf16, #tpu.memory_space<vmem>>, vector<2x5000x128xbf16>
    %convert_element_type3A = arith.extf %get3A_2 : vector<2x5000x128xbf16> to vector<2x5000x128xf32>
    %slice3A = vector.extract_strided_slice %convert_element_type3A {offsets = [0, 0, 0], sizes = [1, 5000, 128], strides = [1, 1, 1]} : vector<2x5000x128xf32> to vector<1x5000x128xf32>
    %squeeze3A = vector.shape_cast %slice3A : vector<1x5000x128xf32> to vector<5000x128xf32>
    %slice3A_3 = vector.extract_strided_slice %convert_element_type3A {offsets = [1, 0, 0], sizes = [1, 5000, 128], strides = [1, 1, 1]} : vector<2x5000x128xf32> to vector<1x5000x128xf32>
    %squeeze3A_4 = vector.shape_cast %slice3A_3 : vector<1x5000x128xf32> to vector<5000x128xf32>
    %add3A = arith.addf %squeeze3A, %squeeze3A_4 : vector<5000x128xf32>
    %get3A_5 = arith.constant 0 : index
    %get3A_6 = arith.constant 0 : index
    %get3A_7 = arith.constant 0 : index
    %get3A_8 = vector.load %arg2[%get3A_5, %get3A_6, %get3A_7] : memref<2x5000x16xf32, #tpu.memory_space<vmem>>, vector<2x5000x16xf32>
    %slice3A_9 = vector.extract_strided_slice %get3A_8 {offsets = [0, 0, 0], sizes = [1, 5000, 16], strides = [1, 1, 1]} : vector<2x5000x16xf32> to vector<1x5000x16xf32>
    %squeeze3A_10 = vector.shape_cast %slice3A_9 : vector<1x5000x16xf32> to vector<5000x16xf32>
    %slice3A_11 = vector.extract_strided_slice %get3A_8 {offsets = [1, 0, 0], sizes = [1, 5000, 16], strides = [1, 1, 1]} : vector<2x5000x16xf32> to vector<1x5000x16xf32>
    %squeeze3A_12 = vector.shape_cast %slice3A_11 : vector<1x5000x16xf32> to vector<5000x16xf32>
    %add3A_13 = arith.addf %squeeze3A_10, %squeeze3A_12 : vector<5000x16xf32>
    %slice3A_14 = vector.extract_strided_slice %add3A_13 {offsets = [0, 0], sizes = [5000, 1], strides = [1, 1]} : vector<5000x16xf32> to vector<5000x1xf32>
    %max3A = arith.constant 1.000000e+00 : f32
    %max3A_15 = vector.broadcast %max3A : f32 to vector<5000x1xf32>
    %max3A_16 = arith.maximumf %slice3A_14, %max3A_15 : vector<5000x1xf32>
    %div3A = arith.constant 1.000000e+00 : f32
    %div3A_17 = vector.broadcast %div3A : f32 to vector<5000x1xf32>
    %div3A_18 = arith.divf %div3A_17, %max3A_16 : vector<5000x1xf32>
    %mul3A = vector.broadcast %div3A_18 : vector<5000x1xf32> to vector<5000x128xf32>
    %mul3A_19 = arith.mulf %add3A, %mul3A : vector<5000x128xf32>
    %get3A_20 = arith.constant 0 : index
    %get3A_21 = arith.constant 0 : index
    %get3A_22 = vector.load %arg4[%get3A_20, %get3A_21] : memref<128x128xf32, #tpu.memory_space<vmem>>, vector<128x128xf32>
    %dot_general3A = arith.constant dense<0.000000e+00> : vector<5000x128xf32>
    %dot_general3A_23 = tpu.matmul %mul3A_19, %get3A_22, %dot_general3A {dimension_numbers = #tpu.dot_dimension_numbers<[1], [1], [0], [0], [0, 0, 1, 0], [], []>, transpose_lhs_hint = false} : vector<5000x128xf32>, vector<128x128xf32>, vector<5000x128xf32> -> vector<5000x128xf32>
    %get3A_24 = arith.constant 0 : index
    %get3A_25 = arith.constant 0 : index
    %get3A_26 = vector.load %arg5[%get3A_24, %get3A_25] : memref<1x128xf32, #tpu.memory_space<vmem>>, vector<1x128xf32>
    %add3A_27 = vector.broadcast %get3A_26 : vector<1x128xf32> to vector<5000x128xf32>
    %add3A_28 = arith.addf %dot_general3A_23, %add3A_27 : vector<5000x128xf32>
    %get3A_29 = arith.constant 0 : index
    %get3A_30 = arith.constant 0 : index
    %get3A_31 = vector.load %arg3[%get3A_29, %get3A_30] : memref<5000x128xbf16, #tpu.memory_space<vmem>>, vector<5000x128xbf16>
    %convert_element_type3A_32 = arith.extf %get3A_31 : vector<5000x128xbf16> to vector<5000x128xf32>
    %get3A_33 = arith.constant 0 : index
    %get3A_34 = arith.constant 0 : index
    %get3A_35 = vector.load %arg6[%get3A_33, %get3A_34] : memref<128x128xf32, #tpu.memory_space<vmem>>, vector<128x128xf32>
    %dot_general3A_36 = arith.constant dense<0.000000e+00> : vector<5000x128xf32>
    %dot_general3A_37 = tpu.matmul %convert_element_type3A_32, %get3A_35, %dot_general3A_36 {dimension_numbers = #tpu.dot_dimension_numbers<[1], [1], [0], [0], [0, 0, 1, 0], [], []>, transpose_lhs_hint = false} : vector<5000x128xf32>, vector<128x128xf32>, vector<5000x128xf32> -> vector<5000x128xf32>
    %add3A_38 = arith.addf %add3A_28, %dot_general3A_37 : vector<5000x128xf32>
    %mul3A_39 = arith.mulf %add3A_38, %add3A_38 : vector<5000x128xf32>
    %reduce_sum3A = arith.constant dense<0.000000e+00> : vector<5000xf32>
    %reduce_sum3A_40 = vector.multi_reduction <add>, %mul3A_39, %reduce_sum3A [1] : vector<5000x128xf32> to vector<5000xf32>
    %broadcast_in_dim3A = vector.shape_cast %reduce_sum3A_40 : vector<5000xf32> to vector<5000x1xf32>
    %sqrt3A = math.sqrt %broadcast_in_dim3A : vector<5000x1xf32>
    %max3A_41 = arith.constant 9.99999996E-13 : f32
    %max3A_42 = vector.broadcast %max3A_41 : f32 to vector<5000x1xf32>
    %max3A_43 = arith.maximumf %sqrt3A, %max3A_42 : vector<5000x1xf32>
    %div3A_44 = vector.broadcast %max3A_43 : vector<5000x1xf32> to vector<5000x128xf32>
    %div3A_45 = arith.divf %add3A_38, %div3A_44 : vector<5000x128xf32>
    %get3A_46 = arith.constant 0 : index
    %get3A_47 = arith.constant 0 : index
    %get3A_48 = vector.load %arg7[%get3A_46, %get3A_47] : memref<2x128xf32, #tpu.memory_space<vmem>>, vector<2x128xf32>
    %dot_general3A_49 = arith.constant dense<0.000000e+00> : vector<5000x2xf32>
    %dot_general3A_50 = tpu.matmul %div3A_45, %get3A_48, %dot_general3A_49 {dimension_numbers = #tpu.dot_dimension_numbers<[1], [1], [0], [0], [0, 0, 1, 0], [], []>, transpose_lhs_hint = false} : vector<5000x128xf32>, vector<2x128xf32>, vector<5000x2xf32> -> vector<5000x2xf32>
    %get3A_51 = arith.constant 0 : index
    %get3A_52 = arith.constant 0 : index
    %get3A_53 = vector.load %arg8[%get3A_51, %get3A_52] : memref<1x2xf32, #tpu.memory_space<vmem>>, vector<1x2xf32>
    %add3A_54 = vector.broadcast %get3A_53 : vector<1x2xf32> to vector<5000x2xf32>
    %add3A_55 = arith.addf %dot_general3A_50, %add3A_54 : vector<5000x2xf32>
    %reduce_max3A = arith.constant dense<0xFF800000> : vector<5000xf32>
    %reduce_max3A_56 = vector.multi_reduction <maximumf>, %add3A_55, %reduce_max3A [1] : vector<5000x2xf32> to vector<5000xf32>
    %broadcast_in_dim3A_57 = vector.shape_cast %reduce_max3A_56 : vector<5000xf32> to vector<5000x1xf32>
    %sub3A = vector.broadcast %broadcast_in_dim3A_57 : vector<5000x1xf32> to vector<5000x2xf32>
    %sub3A_58 = arith.subf %add3A_55, %sub3A : vector<5000x2xf32>
    %exp3A = math.exp %sub3A_58 : vector<5000x2xf32>
    %reduce_sum3A_59 = arith.constant dense<0.000000e+00> : vector<5000xf32>
    %reduce_sum3A_60 = vector.multi_reduction <add>, %exp3A, %reduce_sum3A_59 [1] : vector<5000x2xf32> to vector<5000xf32>
    %broadcast_in_dim3A_61 = vector.shape_cast %reduce_sum3A_60 : vector<5000xf32> to vector<5000x1xf32>
    %div3A_62 = vector.broadcast %broadcast_in_dim3A_61 : vector<5000x1xf32> to vector<5000x2xf32>
    %div3A_63 = arith.divf %exp3A, %div3A_62 : vector<5000x2xf32>
    %swap3A = arith.constant 0 : index
    %swap3A_64 = arith.constant 0 : index
    %swap3A_65 = vector.load %arg9[%swap3A, %swap3A_64] : memref<5000x2xf32, #tpu.memory_space<vmem>>, vector<5000x2xf32>
    tpu.vector_store %arg9[%swap3A, %swap3A_64], %div3A_63 {strides = array<i32>} : memref<5000x2xf32, #tpu.memory_space<vmem>>, vector<5000x2xf32>,
    return
  }
  func.func @transform_0(%arg0: i32) -> (i32, i32, i32) {
    %c0_i32 = arith.constant 0 : i32
    %c0_i32_0 = arith.constant 0 : i32
    %c0_i32_1 = arith.constant 0 : i32
    return %c0_i32, %arg0, %c0_i32_0 : i32, i32, i32
  }
  func.func @transform_1(%arg0: i32) -> (i32, i32, i32) {
    %c0_i32 = arith.constant 0 : i32
    %c0_i32_0 = arith.constant 0 : i32
    %c0_i32_1 = arith.constant 0 : i32
    return %c0_i32, %arg0, %c0_i32_0 : i32, i32, i32
  }
  func.func @transform_2(%arg0: i32) -> (i32, i32) {
    %c0_i32 = arith.constant 0 : i32
    %c0_i32_0 = arith.constant 0 : i32
    return %arg0, %c0_i32 : i32, i32
  }
  func.func @transform_3(%arg0: i32) -> (i32, i32) {
    %c0_i32 = arith.constant 0 : i32
    %c0_i32_0 = arith.constant 0 : i32
    %c0_i32_1 = arith.constant 0 : i32
    return %c0_i32, %c0_i32_0 : i32, i32
  }
  func.func @transform_4(%arg0: i32) -> (i32, i32) {
    %c0_i32 = arith.constant 0 : i32
    %c0_i32_0 = arith.constant 0 : i32
    %c0_i32_1 = arith.constant 0 : i32
    return %c0_i32, %c0_i32_0 : i32, i32
  }
  func.func @transform_5(%arg0: i32) -> (i32, i32) {
    %c0_i32 = arith.constant 0 : i32
    %c0_i32_0 = arith.constant 0 : i32
    %c0_i32_1 = arith.constant 0 : i32
    return %c0_i32, %c0_i32_0 : i32, i32
  }
  func.func @transform_6(%arg0: i32) -> (i32, i32) {
    %c0_i32 = arith.constant 0 : i32
    %c0_i32_0 = arith.constant 0 : i32
    %c0_i32_1 = arith.constant 0 : i32
    return %c0_i32, %c0_i32_0 : i32, i32
  }
  func.func @transform_7(%arg0: i32) -> (i32, i32) {
    %c0_i32 = arith.constant 0 : i32
    %c0_i32_0 = arith.constant 0 : i32
    %c0_i32_1 = arith.constant 0 : i32
    return %c0_i32, %c0_i32_0 : i32, i32
  }
  func.func @transform_8(%arg0: i32) -> (i32, i32) {
    %c0_i32 = arith.constant 0 : i32
    %c0_i32_0 = arith.constant 0 : i32
    return %arg0, %c0_i32 : i32, i32
  }
}

</mosaic_0001>

<sc_bundles>
// kernel: kernel.6.cloned.1.call-start
scs
__scs_entry_jumppad:
0x0: {  	(pc) =	sbr.rel $0x88, $3  }
0x1: {  	(tag) =	ssettag $0x0;
	lr =	simm.s32 $0x1  }
0x2: {  	[smem:$0x3F97] =	sst lr;
	_ =	strace $0xD0000000  }
0x3: {  	_ = 	snop  }
0x4: {  	_ = 	snop  }
0x5: {  	_ = 	snop  }
0x6: {  	_ = 	snop  }
0x7: {  	_ = 	snop  }
__scs_overlays_trampoline_lowered:
0x8: {  	[smem:$0x3FA6] =	sst s0  }
0x9: {  	[smem:$0x3FA7] =	sst s1  }
0xa: {  	[smem:$0x3FA8] =	sst s2  }
0xb: {  	[smem:$0x3FA9] =	sst s3  }
0xc: {  	[smem:$0x3FAA] =	sst s4  }
0xd: {  	[smem:$0x3FAB] =	sst s5  }
0xe: {  	[smem:$0x3FAC] =	sst s6  }
0xf: {  	[smem:$0x3FAD] =	sst s7  }
0x10: {  	[smem:$0x3FAE] =	sst s8  }
0x11: {  	[smem:$0x3FAF] =	sst s9;
	s0 =	simm.s32 @!p0 $0x0  }
0x12: {  	s1 =	sld [smem:$0x3F95];
	s0 =	simm.s32 @p0 $0x1  }
0x13: {  	[smem:$0x3FB0] =	sst s0;
	s0 =	simm.s32 @!p1 $0x0  }
0x14: {  	s2 =	sld [smem:$0x3F94];
	s0 =	simm.s32 @p1 $0x1  }
0x15: {  	[smem:$0x3FB1] =	sst s0;
	s0 =	simm.s32 @!p2 $0x0  }
0x16: {  	s3 =	sld [smem:$0x3FDB];
	s0 =	simm.s32 @p2 $0x1  }
0x17: {  	s4 =	simm.s32 $0x1BF5;
	[smem:$0x3FB3] =	sst s0  }
0x18: {  	s0 =	sld [smem:$0x3F96];
	_ =	swait.ge [sflag:s4], $0x0  }
0x19: {  	s7 =	sld [smem:$0x3F97]  }
0x1a: {  	s8 =	sadd.s32 $0xFFFFE003, lr  }
0x1b: {  	s9 =	sadd.s32 $0xFFFFFEF7, lr;
	s5 =	simm.s32 $0xFFFFFFFF;
	p2 =	slt.u32 s8, $0xFFFFF086  }
0x1c: {  	p1 =	slt.u32 s9, $0xF7A;
	s5 =	simm.s32 @!p2 $0x0  }
0x1d: {  	s5 =	simm.s32 @p1 $0x1;
	p0 =	seq.s32 s7, s2  }
0x1e: {  	s7 =	smul.u32 @!p0 $0xF7A, s2;
	p2 =	seq.s32 @!p0 s5, $0x0  }
0x1f: {  	s9 =	smul.u32 $0xF7A, s1;
	s8 =	simm.s32 @!p0 $0x1BF5;
	p2 =	por !p2, p0  }
0x20: {  	[sflag:s8] =	ssyncset.s32 @!p0 $0xFFFFF086;
	s6 =	sadd.s32 @!p0 s3, s7;
	s7 =	simm.s32 @!p0 $0x108  }
0x21: {  	s3 =	sadd.s32 s3, s9;
	s6 =	sadd.s32 @!p0 $0x88, s6;
	s7 =	simm.s32 @p2 $0x1082  }
0x22: {  	[simem:s7], [sflag:s8] =	dma.local @!p0 [hbm:s6], $0xF7A  }
0x23: {  	s9 =	sor.u32 $0xD0000000, s2;
	s6 =	simm.s32 $0x108;
	_ =	swait.ge @!p0 [sflag:s8], $0x0  }
0x24: {  	s3 =	sadd.s32 $0x88, s3;
	s6 =	simm.s32 @!p1 $0x1082;
	[sflag:s4] =	ssyncset.s32 $0xFFFFF086  }
0x25: {  	[simem:s6], [sflag:s4] =	dma.local [hbm:s3], $0xF7A  }
0x26: {  	[smem:$0x3F97] =	sst s1;
	(tag) =	ssettag s2;
	_ =	strace s9  }
0x27: {  	s1 =	sld [smem:$0x3FA7]  }
0x28: {  	s2 =	sld [smem:$0x3FA8]  }
0x29: {  	s4 =	sld [smem:$0x3FAA]  }
0x2a: {  	p0 =	seq.s32 s5, $0x0;
	s5 =	sld [smem:$0x3FAB]  }
0x2b: {  	s6 =	sld [smem:$0x3FAC]  }
0x2c: {  	s7 =	sld [smem:$0x3FAD]  }
0x2d: {  	s3 =	simm.s32 $0x108;
	s8 =	sld [smem:$0x3FAE]  }
0x2e: {  	s3 =	simm.s32 @!p0 $0x1082;
	s9 =	sld [smem:$0x3FAF]  }
0x2f: {  	lr =	sadd.s32 s0, s3;
	s0 =	sld [smem:$0x3FA6]  }
0x30: {  	s3 =	sld [smem:$0x3FA9]  }
0x31: {  	[smem:$0x3FB2] =	sst s10  }
0x32: {  	s10 =	sld [smem:$0x3FB0];
	_ =	sdelay $0x3  }
0x33: {  	p0 =	seq.s32 s10, $0x1;
	s10 =	sld [smem:$0x3FB2];
	_ =	sdelay $0x3  }
0x34: {  	[smem:$0x3FB2] =	sst s10  }
0x35: {  	s10 =	sld [smem:$0x3FB1];
	_ =	sdelay $0x3  }
0x36: {  	p1 =	seq.s32 s10, $0x1;
	s10 =	sld [smem:$0x3FB2];
	_ =	sdelay $0x3  }
0x37: {  	[smem:$0x3FB2] =	sst s10  }
0x38: {  	s10 =	sld [smem:$0x3FB3]  }
0x39: {  	_ = 	snop;
	(pc) =	sbr.ind lr, $3  }
0x3a: {  	_ = 	snop  }
0x3b: {  	_ = 	snop  }
0x3c: {  	p2 =	seq.s32 s10, $0x1;
	s10 =	sld [smem:$0x3FB2]  }
0x3d: {  	_ =	shalt  }
0x3e: {  	_ =	shalt  }
0x3f: {  	_ =	shalt  }
0x40: {  	_ =	shalt  }
0x41: {  	_ =	shalt  }
0x42: {  	_ =	shalt  }
0x43: {  	_ =	shalt  }
0x44: {  	_ =	shalt  }
0x45: {  	_ =	shalt  }
0x46: {  	_ =	shalt  }
0x47: {  	_ =	shalt  }
0x48: {  	_ =	shalt  }
0x49: {  	_ =	shalt  }
0x4a: {  	_ =	shalt  }
0x4b: {  	_ =	shalt  }
0x4c: {  	_ =	shalt  }
0x4d: {  	_ =	shalt  }
0x4e: {  	_ =	shalt  }
0x4f: {  	_ =	shalt  }
0x50: {  	_ =	shalt  }
0x51: {  	_ =	shalt  }
0x52: {  	_ =	shalt  }
0x53: {  	_ =	shalt  }
0x54: {  	_ =	shalt  }
0x55: {  	_ =	shalt  }
0x56: {  	_ =	shalt  }
0x57: {  	_ =	shalt  }
0x58: {  	_ =	shalt  }
0x59: {  	_ =	shalt  }
0x5a: {  	_ =	shalt  }
0x5b: {  	_ =	shalt  }
0x5c: {  	_ =	shalt  }
0x5d: {  	_ =	shalt  }
0x5e: {  	_ =	shalt  }
0x5f: {  	_ =	shalt  }
0x60: {  	_ =	shalt  }
0x61: {  	_ =	shalt  }
0x62: {  	_ =	shalt  }
0x63: {  	_ =	shalt  }
0x64: {  	_ =	shalt  }
0x65: {  	_ =	shalt  }
0x66: {  	_ =	shalt  }
0x67: {  	_ =	shalt  }
0x68: {  	_ =	shalt  }
0x69: {  	_ =	shalt  }
0x6a: {  	_ =	shalt  }
0x6b: {  	_ =	shalt  }
0x6c: {  	_ =	shalt  }
0x6d: {  	_ =	shalt  }
0x6e: {  	_ =	shalt  }
0x6f: {  	_ =	shalt  }
0x70: {  	_ =	shalt  }
0x71: {  	_ =	shalt  }
0x72: {  	_ =	shalt  }
0x73: {  	_ =	shalt  }
0x74: {  	_ =	shalt  }
0x75: {  	_ =	shalt  }
0x76: {  	_ =	shalt  }
0x77: {  	_ =	shalt  }
0x78: {  	_ =	shalt  }
0x79: {  	_ =	shalt  }
0x7a: {  	_ =	shalt  }
0x7b: {  	_ =	shalt  }
0x7c: {  	_ =	shalt  }
0x7d: {  	_ =	shalt  }
0x7e: {  	_ =	shalt  }
0x7f: {  	_ =	shalt  }
0x80: {  	_ =	shalt  }
0x81: {  	_ =	shalt  }
0x82: {  	_ =	shalt  }
0x83: {  	_ =	shalt  }
0x84: {  	_ =	shalt  }
0x85: {  	_ =	shalt  }
0x86: {  	_ =	shalt  }
0x87: {  	_ =	shalt  }
.Lfunc_end0:
.L_simem_size_0:
called_computation_lowered:
.L_overlay_start_0:
0x88: {  	s2 =	sld [smem:$0x3FD9]  }
0x89: {  	s3 =	sld [smem:$0x3FFE];
	_ =	sdelay $0x1  }
0x8a: {  	s1 =	srdreg.scid  }
0x8b: {  	s0 =	sand.u32 $0x1, s1  }
0x8c: {  	s17 =	sshll.u32 s0, $0xA;
	s2 =	sadd.s32 s3, s2  }
0x8d: {  	s2 =	sadd.s32 s2, s17  }
0x8e: {  	[smem:$0x3FBE] =	sst s2  }
0x8f: {  	_ = 	snop  }
0x90: {  	s2 =	sld [smem:$0x3FD0];
	(tm) =	ssettm $0x1  }
0x91: {  	s18 =	sld [smem:$0x3FFB];
	_ =	sdelay $0x3  }
0x92: {  	_ =	strace s18  }
0x93: {  	s3 =	sld [smem:$0x3FFC];
	_ =	sdelay $0x3  }
0x94: {  	_ =	strace s3  }
0x95: {  	s3 =	sld [smem:$0x3FFD];
	_ =	sdelay $0x3  }
0x96: {  	_ =	strace s3  }
0x97: {  	_ =	strace $0x8FFFFFFF  }
0x98: {  	s19 =	sld [smem:$0x3FDB];
	_ =	sdelay $0x1  }
0x99: {  	s4 =	simm.s32 $_scs_section_size  }
0x9a: {  	s5 =	simm.s32 $_size__tile_overlayer_lowered;
	s6 =	simm.s32 $_tile_overlayer_lowered  }
0x9b: {  	s22 =	simm.s32 $0x1BFF;
	s21 =	sshll.u32 s6, $0x1;
	s3 =	sadd.s32 s4, s19  }
0x9c: {  	s7 =	simm.s32 $0x0;
	s20 =	sshll.u32 s5, $0x1;
	s5 =	sadd.s32 s21, s3  }
0x9d: {  	[timem:s7], [sflag:s22] =	dma.local [hbm:s5], s20  }
0x9e: {  	_ =	swait.ge [sflag:s22], s20  }
0x9f: {  	s4 =	ssub.s32 $0x0, s20;
	[sflag:s22] =	ssyncset.done $0x0  }
0xa0: {  	[sflag:s22] =	ssyncadd.s32 s4;
	_ =	sdelay $0x1  }
0xa1: {  	s23 =	simm.s32 $0x1B8B  }
0xa2: {  	_ =	swait.ge [sflag:s23], $0x1  }
0xa3: {  	[sflag:s23] =	ssyncset.done $0x0  }
0xa4: {  	s25 =	simm.s32 $0x1B8E;
	s24 =	sld [smem:$0x3FFE];
	[sflag:s23] =	ssyncadd.s32 $0xFFFFFFFF  }
0xa5: {  	s26 =	simm.s32 $execute0_lowered;
	[smem:$0x3FD2] =	sst s25  }
0xa6: {  	s5 =	sshll.u32 s26, $0x1;
	_ =	strace $0x80000046;
	[dreg:$0x1] =	wrdreg $0xFFFFFFFF  }
0xa7: {  	s28 =	simm.s32 $_size_execute0_lowered;
	s3 =	sadd.s32 s3, s5;
	[dreg:$0x0] =	wrdreg $0x0  }
0xa8: {  	s5 =	sshll.u32 s28, $0x1;
	[dreg:$0x2] =	wrdreg s3  }
0xa9: {  	[dreg:$0x3] =	wrdreg s5  }
0xaa: {  	[dreg:$0x4] =	wrdreg $0xC0  }
0xab: {  	_ =	task [dreg:s7], $0x5FFFF  }
0xac: {  	[dreg:$0x1] =	wrdreg $0xFFFFFFFF  }
0xad: {  	[dreg:$0x0] =	wrdreg $0x60  }
0xae: {  	[dreg:$0x2] =	wrdreg s24  }
0xaf: {  	[dreg:$0x3] =	wrdreg s2  }
0xb0: {  	[dreg:$0x4] =	wrdreg $0x88200  }
0xb1: {  	[dreg:$0x5] =	wrdreg $0x130200  }
0xb2: {  	[dreg:$0x6] =	wrdreg $0x9  }
0xb3: {  	_ =	task.clear_ibuf [dreg:s7], $0x7FFFF;
	_ =	strace $0x90000046  }
0xb4: {  	s29 =	simm.s32 $0x9;
	_ =	strace $0x80000048  }
0xb5: {  	_ =	swait.ge [sflag:s29], $0x1  }
0xb6: {  	[sflag:s29] =	ssyncadd.s32 $0xFFFFFFFF  }
0xb7: {  	_ =	strace $0x90000048  }
0xb8: {  	_ =	sfence  }
0xb9: {  	s30 =	sld [smem:$0x0];
	_ =	sdelay $0x2  }
0xba: {  	s31 =	sshll.u32 s1, $0xD;
	s1 =	sshrl.u32 s1, $0x2  }
0xbb: {  	s3 =	sand.u32 $0x4000, s31;
	s1 =	sadd.s32 s1, s30  }
0xbc: {  	s0 =	sor.u32 s3, s0;
	s1 =	sshll.u32 s1, $0x11  }
0xbd: {  	s0 =	sor.u32 s1, s0  }
0xbe: {  	s0 =	sadd.s32 $0x8F2B, s0  }
0xbf: {  	[sflag:s0] =	ssyncadd.remote.s32 $0x1  }
0xc0: {  	_ =	sfence.sel $0xFFFF  }
0xc1: {  	[dreg:$0x0] =	wrdreg $0xFFFFFFFF;
	(pc) =	sbr.abs _section_cstart, $3  }
0xc2: {  	[dreg:$0x1] =	wrdreg $0xFFFFFFFF  }
0xc3: {  	_ =	task.clear_ibuf [dreg:s7], $0x2FFFF;
	_ =	strace $0x9FFFFFFF  }
0xc4: {  	(tm) =	ssettm $0x7FFFFFFF  }
0xc5: {  	_ =	shalt  }
tec
execute0_lowered:
.L_overlay_start_1:
0x0: {  	(tag) =	ssettag $0x1  }
0x1: {  	s0 =	rddreg [dreg:$0x0]  }
0x2: {  	s3 =	rddreg [dreg:$0x2]  }
0x3: {  	s1 =	srdreg.scid;
	s13 =	stileid.u32  }
0x4: {  	s4 =	rddreg [dreg:$0x3];
	s5 =	simm.s32 $0x0;
	s31 =	simm.s32 $0x9  }
0x5: {  	s28 =	simm.s32 $0x8;
	s1 =	sand.u32 $0x1, s1;
	s2 =	smul.u32 $0x14000, s13  }
0x6: {  	[smem:$0x7FF] =	sst s5;
	s9 =	smul.u32 $0x2800, s13;
	s6 =	sadd.s32 $0x16E00, s0  }
0x7: {  	s7 =	sadd.s32 $0x3400, s0;
	s11 =	sadd.s32 $0x2000, s0;
	s14 =	smul.u32 $0x4E20, s13  }
0x8: {  	s29 =	sshll.u32 s13, $0x1;
	s15 =	sshll.u32 s13, $0x6;
	s8 =	smul.u32 $0x140000, s1  }
0x9: {  	_ =	strace $0x80000047;
	s10 =	smul.u32 $0x28000, s1;
	[dreg:$0xc] =	wrdreg s11  }
0xa: {  	s30 =	ssub.s32 $0x2, s1;
	s11 =	sor.u32 s1, s29;
	s1 =	smul.u32 $0x2710, s1  }
0xb: {  	s25 =	sor.u32 $0x1C09, s15;
	s12 =	sshrl.u32 s30, $0x1;
	s11 =	smul.u32 $0x2710, s11  }
0xc: {  	[dreg:$0xe] =	wrdreg s25;
	s8 =	sadd.s32 s2, s8;
	s10 =	sadd.s32 s9, s10  }
0xd: {  	s2 =	sshrl.u32 s2, $0x1;
	s12 =	ssub.s32 s30, s12;
	s9 =	sadd.s32 s9, s4  }
0xe: {  	s1 =	sadd.s32 s1, s14;
	s8 =	sshrl.u32 s8, $0x4;
	s10 =	sshrl.u32 s10, $0x3  }
0xf: {  	s2 =	sadd.s32 s2, s3;
	s11 =	sshrl.u32 s11, $0x3;
	[dreg:$0xf] =	wrdreg s9  }
0x10: {  	s20 =	sadd.s32 $0x380, s1;
	s22 =	sadd.s32 $0x4E580, s1;
	s8 =	sadd.s32 s8, s0  }
0x11: {  	[dreg:$0xd] =	wrdreg s2;
	s9 =	sshrl.u32 s22, $0x3;
	s22 =	smax.u32 s12, $0x1  }
0x12: {  	s0 =	sadd.s32 s10, s0;
	s10 =	sadd.s32 s7, s11;
	[dreg:$0x1c] =	wrdreg s22  }
0x13: {  	s24 =	sadd.s32 $0x300, s1;
	s16 =	sadd.s32 $0x9C40, s10;
	[dreg:$0x10] =	wrdreg s10  }
0x14: {  	s29 =	sadd.s32 $0x4E500, s1;
	s17 =	sadd.s32 $0x10, s10;
	[dreg:$0x11] =	wrdreg s16  }
0x15: {  	s30 =	sadd.s32 $0x280, s1;
	s18 =	sadd.s32 $0x9C50, s10;
	[dreg:$0x12] =	wrdreg s17  }
0x16: {  	s14 =	sadd.s32 $0x4E480, s1;
	s19 =	sadd.s32 $0x20, s10;
	[dreg:$0x13] =	wrdreg s18  }
0x17: {  	s2 =	sshrl.u32 s20, $0x3;
	s21 =	sadd.s32 $0x9C60, s10;
	[dreg:$0x14] =	wrdreg s19  }
0x18: {  	s26 =	sshrl.u32 s24, $0x3;
	s11 =	sadd.s32 $0x30, s10;
	[dreg:$0x15] =	wrdreg s21  }
0x19: {  	s15 =	sshrl.u32 s14, $0x3;
	s2 =	sadd.s32 s2, s7;
	[dreg:$0x16] =	wrdreg s11  }
0x1a: {  	s14 =	simm.s32 $0x1;
	s23 =	sadd.s32 s9, s7;
	[dreg:$0x5] =	wrdreg s2  }
0x1b: {  	s12 =	simm.s32 $0x0;
	s20 =	sadd.s32 $0xA100, s10;
	[dreg:$0x6] =	wrdreg s23  }
0x1c: {  	s9 =	sshrl.u32 s29, $0x3;
	s0 =	sadd.s32 $0x52800, s0;
	[dreg:$0x19] =	wrdreg s20  }
0x1d: {  	s24 =	sadd.s32 $0x4D0, s10;
	s29 =	sadd.s32 $0x4E0, s10;
	[dreg:$0x1b] =	wrdreg s0  }
0x1e: {  	s22 =	simm.s32 $0x4;
	s2 =	sadd.s32 s26, s7;
	[dreg:$0x1e] =	wrdreg s24  }
0x1f: {  	s9 =	sadd.s32 s9, s7;
	s11 =	sshrl.u32 s30, $0x3;
	[smem:$0x7FC] =	sst s29  }
0x20: {  	s16 =	sadd.s32 $0x4E400, s1;
	s17 =	sadd.s32 $0x9C70, s10;
	[dreg:$0x7] =	wrdreg s2  }
0x21: {  	s18 =	sadd.s32 $0x4C0, s10;
	s21 =	sadd.s32 $0x2A800, s8;
	[dreg:$0x8] =	wrdreg s9  }
0x22: {  	s23 =	sadd.s32 $0x200, s1;
	s26 =	sadd.s32 $0xA110, s10;
	[dreg:$0x17] =	wrdreg s17  }
0x23: {  	s30 =	sadd.s32 $0xA120, s10;
	s0 =	simm.s32 $0x100;
	[dreg:$0x18] =	wrdreg s18  }
0x24: {  	s1 =	simm.s32 $0x180;
	s8 =	simm.s32 $0x200;
	[dreg:$0x1a] =	wrdreg s21  }
0x25: {  	s20 =	simm.s32 $0x5;
	s24 =	simm.s32 $0x6;
	[dreg:$0x1d] =	wrdreg s23  }
0x26: {  	s13 =	sadd.s32 s11, s7;
	s2 =	sadd.s32 s15, s7;
	[dreg:$0x1f] =	wrdreg s26  }
0x27: {  	s9 =	sshrl.u32 s16, $0x3;
	[smem:$0x7FD] =	sst s30;
	s11 =	simm.s32 $0x300  }
0x28: {  	s15 =	simm.s32 $0x400;
	s16 =	simm.s32 $0x2;
	s17 =	simm.s32 $0x2400  }
0x29: {  	s18 =	simm.s32 $0x3;
	s21 =	simm.s32 $0x12820;
	[dreg:$0x9] =	wrdreg s13  }
0x2a: {  	s23 =	simm.s32 $0x6400;
	s26 =	simm.s32 $0x7;
	[dreg:$0xa] =	wrdreg s2  }
0x2b: {  	s19 =	sadd.s32 s9, s7;
	s2 =	simm.s32 $0x80;
	s9 =	simm.s32 $0x280  }
0x2c: {  	v0 =	vimm.f32 $1.000000000e+00;
	s13 =	simm.s32 $0x380;
	[dreg:$0xb] =	wrdreg s19;
	s19 =	simm.s32 $0x4400  }
.LBB2_1:
0x2d: {  	s10 =	rddreg [dreg:$0xd]  }
0x2e: {  	s30 =	rddreg [dreg:$0xc];
	s29 =	sshrl.u32 s10, $0x3  }
0x2f: {  	[smem:$0x7FA] =	sst s29  }
0x30: {  	[spmem:s29], [sflag:s25] =	dma.local [hbm:s30], $0x1400  }
0x31: {  	_ =	swait.ge [sflag:s31], $0x1400  }
0x32: {  	[sflag:s31] =	ssyncset.done $0x0  }
0x33: {  	s30 =	rddreg [dreg:$0xf];
	[sflag:s31] =	ssyncadd.s32 $0xFFFFEC00  }
0x34: {  	s29 =	sshrl.u32 s30, $0x3;
	s30 =	rddreg [dreg:$0x1]  }
0x35: {  	[smem:$0x7FB] =	sst s29  }
0x36: {  	[spmem:s29], [sflag:s25] =	dma.local [hbm:s30], $0x500  }
0x37: {  	_ =	swait.ge [sflag:s31], $0x500  }
0x38: {  	[sflag:s31] =	ssyncset.done $0x0  }
0x39: {  	s25 =	simm.s32 $0x40;
	s29 =	simm.s32 $0x0;
	[sflag:s31] =	ssyncadd.s32 $0xFFFFFB00  }
.LBB2_2:
0x3a: {  	p0 =	sne.s32 s25, $0x1FC0;
	[tilespmem:s29+$0x12820] =	vst v0;
	s29 =	smov.u32 s25;
	s25 =	sadd.s32 $0x40, s25  }
.Ltmp0:
0x3b: {  	(pc) =	sbr.rel @p0 .LBB2_2-.Ltmp0, $2  }
0x3c: {  	_ =	sdelay $0x2  }
0x3d: {  	s29 =	sshra.s32 s29, $0x2  }
0x3e: {  	[smem:$0x7F9] =	sst s12;
	[tilespmem:s29+$0x12820] =	vst v0  }
0x3f: {  	[bflag:$0x0] =	sbarrier.arrive $0xFFFF  }
0x40: {  	s25 =	simm.s32 $0x0;
	s10 =	rddreg [dreg:$0x10]  }
0x41: {  	[tilespmem:s25], [sflag:$0x1] =	stream.linear.gather [hbm4b:s10+s25], $0x80, $0x38;
	[tilespmem:$0x15820] =	vst v63  }
0x42: {  	s29 =	rddreg [dreg:$0x11]  }
0x43: {  	[tilespmem:s2], [sflag:$0x1] =	stream.linear.gather [hbm4b:s29+s25], $0x80, $0x38;
	[tilespmem:$0x15820] =	vst v63  }
0x44: {  	s12 =	rddreg [dreg:$0x12]  }
0x45: {  	[tilespmem:s0], [sflag:$0x2] =	stream.linear.gather [hbm4b:s12+s25], $0x80, $0x38;
	[tilespmem:$0x15820] =	vst v63  }
0x46: {  	s29 =	rddreg [dreg:$0x13]  }
0x47: {  	[tilespmem:s1], [sflag:$0x2] =	stream.linear.gather [hbm4b:s29+s25], $0x80, $0x38;
	[tilespmem:$0x15820] =	vst v63  }
0x48: {  	s12 =	rddreg [dreg:$0x14]  }
0x49: {  	[tilespmem:s8], [sflag:$0x3] =	stream.linear.gather [hbm4b:s12+s25], $0x80, $0x38;
	[tilespmem:$0x15820] =	vst v63  }
0x4a: {  	s29 =	rddreg [dreg:$0x15]  }
0x4b: {  	[tilespmem:s9], [sflag:$0x3] =	stream.linear.gather [hbm4b:s29+s25], $0x80, $0x38;
	[tilespmem:$0x15820] =	vst v63  }
0x4c: {  	s12 =	rddreg [dreg:$0x16]  }
0x4d: {  	[tilespmem:s11], [sflag:$0x4] =	stream.linear.gather [hbm4b:s12+s25], $0x80, $0x38;
	[tilespmem:$0x15820] =	vst v63  }
0x4e: {  	s29 =	rddreg [dreg:$0x17]  }
0x4f: {  	[tilespmem:s13], [sflag:$0x4] =	stream.linear.gather [hbm4b:s29+s25], $0x80, $0x38;
	[tilespmem:$0x15820] =	vst v63  }
0x50: {  	_ =	swait.ge [sflag:s14], $0x80  }
0x51: {  	[sflag:s14] =	ssyncset.done $0x0  }
0x52: {  	[sflag:s14] =	ssyncadd.s32 $0xFFFFFF80  }
0x53: {  	_ =	swait.ge [sflag:s14], $0x80  }
0x54: {  	[sflag:s14] =	ssyncset.done $0x0  }
0x55: {  	[sflag:s14] =	ssyncadd.s32 $0xFFFFFF80  }
0x56: {  	[tilespmem:s15], [sflag:$0x5] =	stream.indirect.gather [hbm4b:s6+s2], $0x40, s25, s2, $0xb8;
	[tilespmem:$0x15820] =	vst v63  }
0x57: {  	_ =	swait.ge [sflag:s16], $0x80  }
0x58: {  	[sflag:s16] =	ssyncset.done $0x0  }
0x59: {  	[sflag:s16] =	ssyncadd.s32 $0xFFFFFF80  }
0x5a: {  	_ =	swait.ge [sflag:s16], $0x80  }
0x5b: {  	[sflag:s16] =	ssyncset.done $0x0  }
0x5c: {  	[sflag:s16] =	ssyncadd.s32 $0xFFFFFF80  }
0x5d: {  	[tilespmem:s17], [sflag:$0x6] =	stream.indirect.gather [hbm4b:s6+s2], $0x40, s0, s2, $0xb8;
	[tilespmem:$0x15820] =	vst v63  }
0x5e: {  	_ =	swait.ge [sflag:s18], $0x80  }
0x5f: {  	[sflag:s18] =	ssyncset.done $0x0  }
0x60: {  	[sflag:s18] =	ssyncadd.s32 $0xFFFFFF80  }
0x61: {  	_ =	swait.ge [sflag:s18], $0x80  }
0x62: {  	[sflag:s18] =	ssyncset.done $0x0  }
0x63: {  	[sflag:s18] =	ssyncadd.s32 $0xFFFFFF80  }
0x64: {  	[tilespmem:s19], [sflag:$0x7] =	stream.indirect.gather [hbm4b:s6+s2], $0x40, s8, s2, $0xb8;
	[tilespmem:$0x15820] =	vst v63  }
0x65: {  	_ =	swait.ge [sflag:s20], $0x2000  }
0x66: {  	[sflag:s20] =	ssyncset.done $0x0  }
0x67: {  	[sflag:s20] =	ssyncadd.s32 $0xFFFFE000  }
0x68: {  	[spmem:s3] =	stream.indirect.scatter.add.bf16 [tilespmem:s15], [sflag:$0x9], $0x40, s2, s2, $0xb8;
	[tilespmem:$0x15820] =	vst v63  }
0x69: {  	_ =	swait.ge [sflag:s31], $0x2000  }
0x6a: {  	[sflag:s31] =	ssyncset.done $0x0  }
0x6b: {  	[sflag:s31] =	ssyncadd.s32 $0xFFFFE000  }
0x6c: {  	[spmem:s4] =	stream.indirect.scatter.add.f32 [tilespmem:s21], [sflag:$0x9], $0x10, s2, s2, $0xb8;
	[tilespmem:$0x15820] =	vst v63  }
0x6d: {  	_ =	swait.ge [sflag:s31], $0x800  }
0x6e: {  	s10 =	rddreg [dreg:$0x1d]  }
0x6f: {  	[sflag:s31] =	ssyncset.done $0x0;
	s25 =	sshrl.u32 s10, $0x3  }
0x70: {  	s12 =	rddreg [dreg:$0xb];
	[sflag:s31] =	ssyncadd.s32 $0xFFFFF800;
	s25 =	sadd.s32 s7, s25  }
0x71: {  	[tilespmem:s5], [sflag:$0x1] =	stream.linear.gather [hbm4b:s25+s5], $0x80, $0x38;
	[tilespmem:$0x15820] =	vst v63  }
0x72: {  	s29 =	sadd.s32 $0x0, s12  }
0x73: {  	[tilespmem:s2], [sflag:$0x1] =	stream.linear.gather [hbm4b:s29+s5], $0x80, $0x38;
	[tilespmem:$0x15820] =	vst v63  }
0x74: {  	_ =	swait.ge [sflag:s22], $0x80  }
0x75: {  	[sflag:s22] =	ssyncset.done $0x0  }
0x76: {  	[sflag:s22] =	ssyncadd.s32 $0xFFFFFF80  }
0x77: {  	_ =	swait.ge [sflag:s22], $0x80  }
0x78: {  	[sflag:s22] =	ssyncset.done $0x0  }
0x79: {  	[sflag:s22] =	ssyncadd.s32 $0xFFFFFF80  }
0x7a: {  	[tilespmem:s23], [sflag:$0x8] =	stream.indirect.gather [hbm4b:s6+s2], $0x40, s11, s2, $0xb8;
	[tilespmem:$0x15820] =	vst v63  }
0x7b: {  	_ =	swait.ge [sflag:s24], $0x2000  }
0x7c: {  	[sflag:s24] =	ssyncset.done $0x0  }
0x7d: {  	[sflag:s24] =	ssyncadd.s32 $0xFFFFE000  }
0x7e: {  	[spmem:s3] =	stream.indirect.scatter.add.bf16 [tilespmem:s17], [sflag:$0x9], $0x40, s1, s2, $0xb8;
	[tilespmem:$0x15820] =	vst v63  }
0x7f: {  	_ =	swait.ge [sflag:s31], $0x2000  }
0x80: {  	[sflag:s31] =	ssyncset.done $0x0  }
0x81: {  	[sflag:s31] =	ssyncadd.s32 $0xFFFFE000  }
0x82: {  	[spmem:s4] =	stream.indirect.scatter.add.f32 [tilespmem:s21], [sflag:$0x9], $0x10, s1, s2, $0xb8;
	[tilespmem:$0x15820] =	vst v63  }
0x83: {  	_ =	swait.ge [sflag:s31], $0x800  }
0x84: {  	s25 =	rddreg [dreg:$0x9];
	[sflag:s31] =	ssyncset.done $0x0  }
0x85: {  	s12 =	rddreg [dreg:$0xa];
	[sflag:s31] =	ssyncadd.s32 $0xFFFFF800;
	s25 =	sadd.s32 $0x0, s25  }
0x86: {  	[tilespmem:s0], [sflag:$0x2] =	stream.linear.gather [hbm4b:s25+s5], $0x80, $0x38;
	[tilespmem:$0x15820] =	vst v63  }
0x87: {  	s29 =	sadd.s32 $0x0, s12  }
0x88: {  	[tilespmem:s1], [sflag:$0x2] =	stream.linear.gather [hbm4b:s29+s5], $0x80, $0x38;
	[tilespmem:$0x15820] =	vst v63  }
0x89: {  	_ =	swait.ge [sflag:s14], $0x80  }
0x8a: {  	[sflag:s14] =	ssyncset.done $0x0  }
0x8b: {  	[sflag:s14] =	ssyncadd.s32 $0xFFFFFF80  }
0x8c: {  	_ =	swait.ge [sflag:s14], $0x80  }
0x8d: {  	[sflag:s14] =	ssyncset.done $0x0  }
0x8e: {  	[sflag:s14] =	ssyncadd.s32 $0xFFFFFF80  }
0x8f: {  	[tilespmem:s15], [sflag:$0x5] =	stream.indirect.gather [hbm4b:s6+s2], $0x40, s5, s2, $0xb8;
	[tilespmem:$0x15820] =	vst v63  }
0x90: {  	_ =	swait.ge [sflag:s26], $0x2000  }
0x91: {  	[sflag:s26] =	ssyncset.done $0x0  }
0x92: {  	[sflag:s26] =	ssyncadd.s32 $0xFFFFE000  }
0x93: {  	[spmem:s3] =	stream.indirect.scatter.add.bf16 [tilespmem:s19], [sflag:$0x9], $0x40, s9, s2, $0xb8;
	[tilespmem:$0x15820] =	vst v63  }
0x94: {  	_ =	swait.ge [sflag:s31], $0x2000  }
0x95: {  	[sflag:s31] =	ssyncset.done $0x0  }
0x96: {  	[sflag:s31] =	ssyncadd.s32 $0xFFFFE000  }
0x97: {  	[spmem:s4] =	stream.indirect.scatter.add.f32 [tilespmem:s21], [sflag:$0x9], $0x10, s9, s2, $0xb8;
	[tilespmem:$0x15820] =	vst v63  }
0x98: {  	_ =	swait.ge [sflag:s31], $0x800  }
0x99: {  	s25 =	rddreg [dreg:$0x7];
	[sflag:s31] =	ssyncset.done $0x0  }
0x9a: {  	s12 =	rddreg [dreg:$0x8];
	[sflag:s31] =	ssyncadd.s32 $0xFFFFF800;
	s25 =	sadd.s32 $0x0, s25  }
0x9b: {  	[tilespmem:s8], [sflag:$0x3] =	stream.linear.gather [hbm4b:s25+s5], $0x80, $0x38;
	[tilespmem:$0x15820] =	vst v63  }
0x9c: {  	s29 =	sadd.s32 $0x0, s12  }
0x9d: {  	[tilespmem:s9], [sflag:$0x3] =	stream.linear.gather [hbm4b:s29+s5], $0x80, $0x38;
	[tilespmem:$0x15820] =	vst v63  }
0x9e: {  	_ =	swait.ge [sflag:s16], $0x80  }
0x9f: {  	[sflag:s16] =	ssyncset.done $0x0  }
0xa0: {  	[sflag:s16] =	ssyncadd.s32 $0xFFFFFF80  }
0xa1: {  	_ =	swait.ge [sflag:s16], $0x80  }
0xa2: {  	[sflag:s16] =	ssyncset.done $0x0  }
0xa3: {  	[sflag:s16] =	ssyncadd.s32 $0xFFFFFF80  }
0xa4: {  	[tilespmem:s17], [sflag:$0x6] =	stream.indirect.gather [hbm4b:s6+s2], $0x40, s0, s2, $0xb8;
	[tilespmem:$0x15820] =	vst v63  }
0xa5: {  	_ =	swait.ge [sflag:s28], $0x2000  }
0xa6: {  	[sflag:s28] =	ssyncset.done $0x0  }
0xa7: {  	[sflag:s28] =	ssyncadd.s32 $0xFFFFE000  }
0xa8: {  	[spmem:s3] =	stream.indirect.scatter.add.bf16 [tilespmem:s23], [sflag:$0x9], $0x40, s13, s2, $0xb8;
	[tilespmem:$0x15820] =	vst v63  }
0xa9: {  	_ =	swait.ge [sflag:s31], $0x2000  }
0xaa: {  	[sflag:s31] =	ssyncset.done $0x0  }
0xab: {  	[sflag:s31] =	ssyncadd.s32 $0xFFFFE000  }
0xac: {  	[spmem:s4] =	stream.indirect.scatter.add.f32 [tilespmem:s21], [sflag:$0x9], $0x10, s13, s2, $0xb8;
	[tilespmem:$0x15820] =	vst v63  }
0xad: {  	_ =	swait.ge [sflag:s31], $0x800  }
0xae: {  	s25 =	rddreg [dreg:$0x5];
	[sflag:s31] =	ssyncset.done $0x0  }
0xaf: {  	s12 =	rddreg [dreg:$0x6];
	[sflag:s31] =	ssyncadd.s32 $0xFFFFF800;
	s25 =	sadd.s32 $0x0, s25  }
0xb0: {  	[tilespmem:s11], [sflag:$0x4] =	stream.linear.gather [hbm4b:s25+s5], $0x80, $0x38;
	[tilespmem:$0x15820] =	vst v63  }
0xb1: {  	s29 =	sadd.s32 $0x0, s12  }
0xb2: {  	[tilespmem:s13], [sflag:$0x4] =	stream.linear.gather [hbm4b:s29+s5], $0x80, $0x38;
	[tilespmem:$0x15820] =	vst v63  }
0xb3: {  	_ =	swait.ge [sflag:s18], $0x80  }
0xb4: {  	[sflag:s18] =	ssyncset.done $0x0  }
0xb5: {  	[sflag:s18] =	ssyncadd.s32 $0xFFFFFF80  }
0xb6: {  	_ =	swait.ge [sflag:s18], $0x80  }
0xb7: {  	[sflag:s18] =	ssyncset.done $0x0  }
0xb8: {  	s30 =	sadd.s32 $0x200, s10;
	s25 =	simm.s32 $0x40;
	[sflag:s18] =	ssyncadd.s32 $0xFFFFFF80  }
.LBB2_4:
0xb9: {  	[tilespmem:s19], [sflag:$0x7] =	stream.indirect.gather [hbm4b:s6+s2], $0x40, s8, s2, $0xb8;
	[tilespmem:$0x15820] =	vst v63  }
0xba: {  	_ =	swait.ge [sflag:s20], $0x2000  }
0xbb: {  	[sflag:s20] =	ssyncset.done $0x0  }
0xbc: {  	[sflag:s20] =	ssyncadd.s32 $0xFFFFE000  }
0xbd: {  	[spmem:s3] =	stream.indirect.scatter.add.bf16 [tilespmem:s15], [sflag:$0x9], $0x40, s2, s2, $0xb8;
	[tilespmem:$0x15820] =	vst v63  }
0xbe: {  	_ =	swait.ge [sflag:s31], $0x2000  }
0xbf: {  	[sflag:s31] =	ssyncset.done $0x0  }
0xc0: {  	[sflag:s31] =	ssyncadd.s32 $0xFFFFE000  }
0xc1: {  	[spmem:s4] =	stream.indirect.scatter.add.f32 [tilespmem:s21], [sflag:$0x9], $0x10, s2, s2, $0xb8;
	[tilespmem:$0x15820] =	vst v63  }
0xc2: {  	_ =	swait.ge [sflag:s31], $0x800  }
0xc3: {  	s29 =	smov.u32 s25;
	s10 =	sshrl.u32 s30, $0x3;
	[sflag:s31] =	ssyncset.done $0x0  }
0xc4: {  	s10 =	sadd.s32 s7, s10;
	s12 =	rddreg [dreg:$0xb];
	[sflag:s31] =	ssyncadd.s32 $0xFFFFF800  }
0xc5: {  	[tilespmem:s5], [sflag:$0x1] =	stream.linear.gather [hbm4b:s10+s5], $0x80, $0x38;
	[tilespmem:$0x15820] =	vst v63  }
0xc6: {  	s12 =	sadd.s32 s29, s12  }
0xc7: {  	[tilespmem:s2], [sflag:$0x1] =	stream.linear.gather [hbm4b:s12+s5], $0x80, $0x38;
	[tilespmem:$0x15820] =	vst v63  }
0xc8: {  	_ =	swait.ge [sflag:s22], $0x80  }
0xc9: {  	[sflag:s22] =	ssyncset.done $0x0  }
0xca: {  	[sflag:s22] =	ssyncadd.s32 $0xFFFFFF80  }
0xcb: {  	_ =	swait.ge [sflag:s22], $0x80  }
0xcc: {  	[sflag:s22] =	ssyncset.done $0x0  }
0xcd: {  	[sflag:s22] =	ssyncadd.s32 $0xFFFFFF80  }
0xce: {  	[tilespmem:s23], [sflag:$0x8] =	stream.indirect.gather [hbm4b:s6+s2], $0x40, s11, s2, $0xb8;
	[tilespmem:$0x15820] =	vst v63  }
0xcf: {  	_ =	swait.ge [sflag:s24], $0x2000  }
0xd0: {  	[sflag:s24] =	ssyncset.done $0x0  }
0xd1: {  	[sflag:s24] =	ssyncadd.s32 $0xFFFFE000  }
0xd2: {  	[spmem:s3] =	stream.indirect.scatter.add.bf16 [tilespmem:s17], [sflag:$0x9], $0x40, s1, s2, $0xb8;
	[tilespmem:$0x15820] =	vst v63  }
0xd3: {  	_ =	swait.ge [sflag:s31], $0x2000  }
0xd4: {  	[sflag:s31] =	ssyncset.done $0x0  }
0xd5: {  	[sflag:s31] =	ssyncadd.s32 $0xFFFFE000  }
0xd6: {  	[spmem:s4] =	stream.indirect.scatter.add.f32 [tilespmem:s21], [sflag:$0x9], $0x10, s1, s2, $0xb8;
	[tilespmem:$0x15820] =	vst v63  }
0xd7: {  	_ =	swait.ge [sflag:s31], $0x800  }
0xd8: {  	s10 =	rddreg [dreg:$0x9];
	[sflag:s31] =	ssyncset.done $0x0  }
0xd9: {  	s12 =	rddreg [dreg:$0xa];
	[sflag:s31] =	ssyncadd.s32 $0xFFFFF800;
	s10 =	sadd.s32 s29, s10  }
0xda: {  	[tilespmem:s0], [sflag:$0x2] =	stream.linear.gather [hbm4b:s10+s5], $0x80, $0x38;
	[tilespmem:$0x15820] =	vst v63  }
0xdb: {  	s12 =	sadd.s32 s29, s12  }
0xdc: {  	[tilespmem:s1], [sflag:$0x2] =	stream.linear.gather [hbm4b:s12+s5], $0x80, $0x38;
	[tilespmem:$0x15820] =	vst v63  }
0xdd: {  	_ =	swait.ge [sflag:s14], $0x80  }
0xde: {  	[sflag:s14] =	ssyncset.done $0x0  }
0xdf: {  	[sflag:s14] =	ssyncadd.s32 $0xFFFFFF80  }
0xe0: {  	_ =	swait.ge [sflag:s14], $0x80  }
0xe1: {  	[sflag:s14] =	ssyncset.done $0x0  }
0xe2: {  	[sflag:s14] =	ssyncadd.s32 $0xFFFFFF80  }
0xe3: {  	[tilespmem:s15], [sflag:$0x5] =	stream.indirect.gather [hbm4b:s6+s2], $0x40, s5, s2, $0xb8;
	[tilespmem:$0x15820] =	vst v63  }
0xe4: {  	_ =	swait.ge [sflag:s26], $0x2000  }
0xe5: {  	[sflag:s26] =	ssyncset.done $0x0  }
0xe6: {  	[sflag:s26] =	ssyncadd.s32 $0xFFFFE000  }
0xe7: {  	[spmem:s3] =	stream.indirect.scatter.add.bf16 [tilespmem:s19], [sflag:$0x9], $0x40, s9, s2, $0xb8;
	[tilespmem:$0x15820] =	vst v63  }
0xe8: {  	_ =	swait.ge [sflag:s31], $0x2000  }
0xe9: {  	[sflag:s31] =	ssyncset.done $0x0  }
0xea: {  	[sflag:s31] =	ssyncadd.s32 $0xFFFFE000  }
0xeb: {  	[spmem:s4] =	stream.indirect.scatter.add.f32 [tilespmem:s21], [sflag:$0x9], $0x10, s9, s2, $0xb8;
	[tilespmem:$0x15820] =	vst v63  }
0xec: {  	_ =	swait.ge [sflag:s31], $0x800  }
0xed: {  	s10 =	rddreg [dreg:$0x7];
	[sflag:s31] =	ssyncset.done $0x0  }
0xee: {  	s12 =	rddreg [dreg:$0x8];
	[sflag:s31] =	ssyncadd.s32 $0xFFFFF800;
	s10 =	sadd.s32 s29, s10  }
0xef: {  	[tilespmem:s8], [sflag:$0x3] =	stream.linear.gather [hbm4b:s10+s5], $0x80, $0x38;
	[tilespmem:$0x15820] =	vst v63  }
0xf0: {  	s12 =	sadd.s32 s29, s12  }
0xf1: {  	[tilespmem:s9], [sflag:$0x3] =	stream.linear.gather [hbm4b:s12+s5], $0x80, $0x38;
	[tilespmem:$0x15820] =	vst v63  }
0xf2: {  	_ =	swait.ge [sflag:s16], $0x80  }
0xf3: {  	[sflag:s16] =	ssyncset.done $0x0  }
0xf4: {  	[sflag:s16] =	ssyncadd.s32 $0xFFFFFF80  }
0xf5: {  	_ =	swait.ge [sflag:s16], $0x80  }
0xf6: {  	[sflag:s16] =	ssyncset.done $0x0  }
0xf7: {  	[sflag:s16] =	ssyncadd.s32 $0xFFFFFF80  }
0xf8: {  	[tilespmem:s17], [sflag:$0x6] =	stream.indirect.gather [hbm4b:s6+s2], $0x40, s0, s2, $0xb8;
	[tilespmem:$0x15820] =	vst v63  }
0xf9: {  	_ =	swait.ge [sflag:s28], $0x2000  }
0xfa: {  	[sflag:s28] =	ssyncset.done $0x0  }
0xfb: {  	[sflag:s28] =	ssyncadd.s32 $0xFFFFE000  }
0xfc: {  	[spmem:s3] =	stream.indirect.scatter.add.bf16 [tilespmem:s23], [sflag:$0x9], $0x40, s13, s2, $0xb8;
	[tilespmem:$0x15820] =	vst v63  }
0xfd: {  	_ =	swait.ge [sflag:s31], $0x2000  }
0xfe: {  	[sflag:s31] =	ssyncset.done $0x0  }
0xff: {  	[sflag:s31] =	ssyncadd.s32 $0xFFFFE000  }
0x100: {  	[spmem:s4] =	stream.indirect.scatter.add.f32 [tilespmem:s21], [sflag:$0x9], $0x10, s13, s2, $0xb8;
	[tilespmem:$0x15820] =	vst v63  }
0x101: {  	_ =	swait.ge [sflag:s31], $0x800  }
0x102: {  	s10 =	rddreg [dreg:$0x5];
	[sflag:s31] =	ssyncset.done $0x0  }
0x103: {  	s12 =	rddreg [dreg:$0x6];
	[sflag:s31] =	ssyncadd.s32 $0xFFFFF800;
	s10 =	sadd.s32 s29, s10  }
0x104: {  	[tilespmem:s11], [sflag:$0x4] =	stream.linear.gather [hbm4b:s10+s5], $0x80, $0x38;
	[tilespmem:$0x15820] =	vst v63  }
0x105: {  	s29 =	sadd.s32 s29, s12  }
0x106: {  	[tilespmem:s13], [sflag:$0x4] =	stream.linear.gather [hbm4b:s29+s5], $0x80, $0x38;
	[tilespmem:$0x15820] =	vst v63  }
0x107: {  	p0 =	sne.s32 s25, $0x440;
	_ =	swait.ge [sflag:s18], $0x80  }
.Ltmp1:
0x108: {  	[sflag:s18] =	ssyncset.done $0x0;
	(pc) =	sbr.rel @p0 .LBB2_4-.Ltmp1, $4  }
0x109: {  	[sflag:s18] =	ssyncadd.s32 $0xFFFFFF80  }
0x10a: {  	_ =	swait.ge [sflag:s18], $0x80  }
0x10b: {  	[sflag:s18] =	ssyncset.done $0x0  }
0x10c: {  	s25 =	sadd.s32 $0x40, s25;
	s30 =	sadd.s32 $0x200, s30;
	[sflag:s18] =	ssyncadd.s32 $0xFFFFFF80  }
0x10d: {  	[tilespmem:s19], [sflag:$0x7] =	stream.indirect.gather [hbm4b:s6+s2], $0x40, s8, s2, $0xb8;
	[tilespmem:$0x15820] =	vst v63  }
0x10e: {  	_ =	swait.ge [sflag:s20], $0x2000  }
0x10f: {  	[sflag:s20] =	ssyncset.done $0x0  }
0x110: {  	[sflag:s20] =	ssyncadd.s32 $0xFFFFE000  }
0x111: {  	[spmem:s3] =	stream.indirect.scatter.add.bf16 [tilespmem:s15], [sflag:$0x9], $0x40, s2, s2, $0xb8;
	[tilespmem:$0x15820] =	vst v63  }
0x112: {  	_ =	swait.ge [sflag:s31], $0x2000  }
0x113: {  	[sflag:s31] =	ssyncset.done $0x0  }
0x114: {  	[sflag:s31] =	ssyncadd.s32 $0xFFFFE000  }
0x115: {  	[spmem:s4] =	stream.indirect.scatter.add.f32 [tilespmem:s21], [sflag:$0x9], $0x10, s2, s2, $0xb8;
	[tilespmem:$0x15820] =	vst v63  }
0x116: {  	_ =	swait.ge [sflag:s31], $0x800  }
0x117: {  	[sflag:s31] =	ssyncset.done $0x0  }
0x118: {  	s10 =	rddreg [dreg:$0x18];
	[sflag:s31] =	ssyncadd.s32 $0xFFFFF800  }
0x119: {  	[tilespmem:s5], [sflag:$0x1] =	stream.linear.gather [hbm4b:s10+s5], $0x80, $0x38;
	[tilespmem:$0x15820] =	vst v63  }
0x11a: {  	s29 =	rddreg [dreg:$0x19]  }
0x11b: {  	[tilespmem:s2], [sflag:$0x1] =	stream.linear.gather [hbm4b:s29+s5], $0x80, $0x38;
	[tilespmem:$0x15820] =	vst v63  }
0x11c: {  	_ =	swait.ge [sflag:s22], $0x80  }
0x11d: {  	[sflag:s22] =	ssyncset.done $0x0  }
0x11e: {  	[sflag:s22] =	ssyncadd.s32 $0xFFFFFF80  }
0x11f: {  	_ =	swait.ge [sflag:s22], $0x80  }
0x120: {  	[sflag:s22] =	ssyncset.done $0x0  }
0x121: {  	[sflag:s22] =	ssyncadd.s32 $0xFFFFFF80  }
0x122: {  	[tilespmem:s23], [sflag:$0x8] =	stream.indirect.gather [hbm4b:s6+s2], $0x40, s11, s2, $0xb8;
	[tilespmem:$0x15820] =	vst v63  }
0x123: {  	_ =	swait.ge [sflag:s24], $0x2000  }
0x124: {  	[sflag:s24] =	ssyncset.done $0x0  }
0x125: {  	[sflag:s24] =	ssyncadd.s32 $0xFFFFE000  }
0x126: {  	[spmem:s3] =	stream.indirect.scatter.add.bf16 [tilespmem:s17], [sflag:$0x9], $0x40, s1, s2, $0xb8;
	[tilespmem:$0x15820] =	vst v63  }
0x127: {  	_ =	swait.ge [sflag:s31], $0x2000  }
0x128: {  	[sflag:s31] =	ssyncset.done $0x0  }
0x129: {  	[sflag:s31] =	ssyncadd.s32 $0xFFFFE000  }
0x12a: {  	[spmem:s4] =	stream.indirect.scatter.add.f32 [tilespmem:s21], [sflag:$0x9], $0x10, s1, s2, $0xb8;
	[tilespmem:$0x15820] =	vst v63  }
0x12b: {  	_ =	swait.ge [sflag:s31], $0x800  }
0x12c: {  	[sflag:s31] =	ssyncset.done $0x0  }
0x12d: {  	s30 =	rddreg [dreg:$0x1e];
	[sflag:s31] =	ssyncadd.s32 $0xFFFFF800  }
0x12e: {  	[tilespmem:s0], [sflag:$0x2] =	stream.linear.gather [hbm4b:s30+s5], $0x80, $0x38;
	[tilespmem:$0x15820] =	vst v63  }
0x12f: {  	s12 =	rddreg [dreg:$0x1f]  }
0x130: {  	[tilespmem:s1], [sflag:$0x2] =	stream.linear.gather [hbm4b:s12+s5], $0x80, $0x38;
	[tilespmem:$0x15820] =	vst v63  }
0x131: {  	_ =	swait.ge [sflag:s14], $0x80  }
0x132: {  	[sflag:s14] =	ssyncset.done $0x0  }
0x133: {  	[sflag:s14] =	ssyncadd.s32 $0xFFFFFF80  }
0x134: {  	_ =	swait.ge [sflag:s14], $0x80  }
0x135: {  	[sflag:s14] =	ssyncset.done $0x0  }
0x136: {  	[sflag:s14] =	ssyncadd.s32 $0xFFFFFF80  }
0x137: {  	[tilespmem:s15], [sflag:$0x5] =	stream.indirect.gather [hbm4b:s6+s2], $0x40, s5, s2, $0xb8;
	[tilespmem:$0x15820] =	vst v63  }
0x138: {  	_ =	swait.ge [sflag:s26], $0x2000  }
0x139: {  	[sflag:s26] =	ssyncset.done $0x0  }
0x13a: {  	[sflag:s26] =	ssyncadd.s32 $0xFFFFE000  }
0x13b: {  	[spmem:s3] =	stream.indirect.scatter.add.bf16 [tilespmem:s19], [sflag:$0x9], $0x40, s9, s2, $0xb8;
	[tilespmem:$0x15820] =	vst v63  }
0x13c: {  	_ =	swait.ge [sflag:s31], $0x2000  }
0x13d: {  	[sflag:s31] =	ssyncset.done $0x0  }
0x13e: {  	[sflag:s31] =	ssyncadd.s32 $0xFFFFE000  }
0x13f: {  	[spmem:s4] =	stream.indirect.scatter.add.f32 [tilespmem:s21], [sflag:$0x9], $0x10, s9, s2, $0xb8;
	[tilespmem:$0x15820] =	vst v63  }
0x140: {  	_ =	swait.ge [sflag:s31], $0x800  }
0x141: {  	[sflag:s31] =	ssyncset.done $0x0  }
0x142: {  	[sflag:s31] =	ssyncadd.s32 $0xFFFFF800  }
0x143: {  	_ =	swait.ge [sflag:s16], $0x80  }
0x144: {  	[sflag:s16] =	ssyncset.done $0x0  }
0x145: {  	[sflag:s16] =	ssyncadd.s32 $0xFFFFFF80  }
0x146: {  	_ =	swait.ge [sflag:s16], $0x80  }
0x147: {  	[sflag:s16] =	ssyncset.done $0x0  }
0x148: {  	[sflag:s16] =	ssyncadd.s32 $0xFFFFFF80  }
0x149: {  	[tilespmem:s17], [sflag:$0x6] =	stream.indirect.gather [hbm4b:s6+s2], $0x40, s0, s2, $0xb8;
	[tilespmem:$0x15820] =	vst v63  }
0x14a: {  	_ =	swait.ge [sflag:s28], $0x2000  }
0x14b: {  	[sflag:s28] =	ssyncset.done $0x0  }
0x14c: {  	[sflag:s28] =	ssyncadd.s32 $0xFFFFE000  }
0x14d: {  	[spmem:s3] =	stream.indirect.scatter.add.bf16 [tilespmem:s23], [sflag:$0x9], $0x40, s13, s2, $0xb8;
	[tilespmem:$0x15820] =	vst v63  }
0x14e: {  	_ =	swait.ge [sflag:s31], $0x2000  }
0x14f: {  	[sflag:s31] =	ssyncset.done $0x0  }
0x150: {  	[sflag:s31] =	ssyncadd.s32 $0xFFFFE000  }
0x151: {  	[spmem:s4] =	stream.indirect.scatter.add.f32 [tilespmem:s21], [sflag:$0x9], $0x10, s13, s2, $0xb8;
	[tilespmem:$0x15820] =	vst v63  }
0x152: {  	_ =	swait.ge [sflag:s31], $0x800  }
0x153: {  	[sflag:s31] =	ssyncset.done $0x0  }
0x154: {  	[sflag:s31] =	ssyncadd.s32 $0xFFFFF800  }
0x155: {  	_ =	swait.ge [sflag:s20], $0x2000  }
0x156: {  	[sflag:s20] =	ssyncset.done $0x0  }
0x157: {  	[sflag:s20] =	ssyncadd.s32 $0xFFFFE000  }
0x158: {  	[spmem:s3] =	stream.indirect.scatter.add.bf16 [tilespmem:s15], [sflag:$0x9], $0x40, s2, s2, $0xb8;
	[tilespmem:$0x15820] =	vst v63  }
0x159: {  	_ =	swait.ge [sflag:s31], $0x2000  }
0x15a: {  	[sflag:s31] =	ssyncset.done $0x0  }
0x15b: {  	[sflag:s31] =	ssyncadd.s32 $0xFFFFE000  }
0x15c: {  	[spmem:s4] =	stream.indirect.scatter.add.f32 [tilespmem:s21], [sflag:$0x9], $0x10, s2, s2, $0xb8;
	[tilespmem:$0x15820] =	vst v63  }
0x15d: {  	_ =	swait.ge [sflag:s31], $0x800  }
0x15e: {  	[sflag:s31] =	ssyncset.done $0x0  }
0x15f: {  	[sflag:s31] =	ssyncadd.s32 $0xFFFFF800  }
0x160: {  	_ =	swait.ge [sflag:s24], $0x2000  }
0x161: {  	[sflag:s24] =	ssyncset.done $0x0  }
0x162: {  	[sflag:s24] =	ssyncadd.s32 $0xFFFFE000  }
0x163: {  	[spmem:s3] =	stream.indirect.scatter.add.bf16 [tilespmem:s17], [sflag:$0x9], $0x40, s1, s2, $0xb8;
	[tilespmem:$0x15820] =	vst v63  }
0x164: {  	_ =	swait.ge [sflag:s31], $0x2000  }
0x165: {  	[sflag:s31] =	ssyncset.done $0x0  }
0x166: {  	[sflag:s31] =	ssyncadd.s32 $0xFFFFE000  }
0x167: {  	[spmem:s4] =	stream.indirect.scatter.add.f32 [tilespmem:s21], [sflag:$0x9], $0x10, s1, s2, $0xb8;
	[tilespmem:$0x15820] =	vst v63  }
0x168: {  	_ =	swait.ge [sflag:s31], $0x800  }
0x169: {  	s25 =	sld [smem:$0x7FC]  }
0x16a: {  	[sflag:s31] =	ssyncset.done $0x0  }
0x16b: {  	s12 =	simm.s32 $0x8400;
	s29 =	sld [smem:$0x7FD];
	[sflag:s31] =	ssyncadd.s32 $0xFFFFF800  }
0x16c: {  	[tilespmem:s12], [sflag:$0x1] =	stream.linear.gather [hbm4b:s25+s5], $0x10, $0x38;
	[tilespmem:$0x15820] =	vst v63  }
0x16d: {  	s25 =	simm.s32 $0x8410  }
0x16e: {  	[tilespmem:s25], [sflag:$0x1] =	stream.linear.gather [hbm4b:s29+s5], $0x10, $0x38;
	[tilespmem:$0x15820] =	vst v63  }
0x16f: {  	_ =	swait.ge [sflag:s14], $0x10  }
0x170: {  	[sflag:s14] =	ssyncset.done $0x0  }
0x171: {  	[sflag:s14] =	ssyncadd.s32 $0xFFFFFFF0  }
0x172: {  	_ =	swait.ge [sflag:s14], $0x10  }
0x173: {  	[sflag:s14] =	ssyncset.done $0x0  }
0x174: {  	s30 =	simm.s32 $0x10;
	s29 =	simm.s32 $0x8420;
	[sflag:s14] =	ssyncadd.s32 $0xFFFFFFF0  }
0x175: {  	[tilespmem:s29], [sflag:$0x5] =	stream.indirect.gather [hbm4b:s6+s30], $0x40, s12, s30, $0xb8;
	[tilespmem:$0x15820] =	vst v63  }
0x176: {  	_ =	swait.ge [sflag:s20], $0x400  }
0x177: {  	[sflag:s20] =	ssyncset.done $0x0  }
0x178: {  	[sflag:s20] =	ssyncadd.s32 $0xFFFFFC00  }
0x179: {  	[spmem:s3] =	stream.indirect.scatter.add.bf16 [tilespmem:s29], [sflag:$0x9], $0x40, s25, s30, $0xb8;
	[tilespmem:$0x15820] =	vst v63  }
0x17a: {  	_ =	swait.ge [sflag:s31], $0x400  }
0x17b: {  	[sflag:s31] =	ssyncset.done $0x0  }
0x17c: {  	[sflag:s31] =	ssyncadd.s32 $0xFFFFFC00  }
0x17d: {  	[spmem:s4] =	stream.indirect.scatter.add.f32 [tilespmem:s21], [sflag:$0x9], $0x10, s25, s30, $0xb8;
	[tilespmem:$0x15820] =	vst v63  }
0x17e: {  	_ =	swait.ge [sflag:s31], $0x100  }
0x17f: {  	[sflag:s31] =	ssyncset.done $0x0  }
0x180: {  	[sflag:s31] =	ssyncadd.s32 $0xFFFFFF00  }
0x181: {  	[bflag:$0x0] =	sbarrier.arrive $0xFFFF  }
0x182: {  	s30 =	sld [smem:$0x7FA]  }
0x183: {  	s25 =	rddreg [dreg:$0xe]  }
0x184: {  	s29 =	rddreg [dreg:$0x1a]  }
0x185: {  	[hbm:s29], [sflag:s25] =	dma.local [spmem:s30], $0x1400  }
0x186: {  	_ =	swait.ge [sflag:s31], $0x1400  }
0x187: {  	s30 =	sld [smem:$0x7FB]  }
0x188: {  	[sflag:s31] =	ssyncset.done $0x0  }
0x189: {  	s29 =	rddreg [dreg:$0x1b];
	[sflag:s31] =	ssyncadd.s32 $0xFFFFEC00  }
0x18a: {  	[hbm:s29], [sflag:s25] =	dma.local [spmem:s30], $0x500  }
0x18b: {  	_ =	swait.ge [sflag:s31], $0x500  }
0x18c: {  	s29 =	sld [smem:$0x7F9];
	_ =	sdelay $0x2  }
0x18d: {  	s30 =	rddreg [dreg:$0x1c];
	s12 =	sadd.s32 $0x1, s29  }
0x18e: {  	p0 =	sne.s32 s12, s30  }
.Ltmp2:
0x18f: {  	_ = 	snop;
	(pc) =	sbr.rel @p0 .LBB2_1-.Ltmp2, $3  }
0x190: {  	_ =	sdelay $0x1  }
0x191: {  	[sflag:s31] =	ssyncset.done $0x0  }
0x192: {  	[sflag:s31] =	ssyncadd.s32 $0xFFFFFB00  }
0x193: {  	_ =	sfence.sel $0x180000  }
0x194: {  	[bflag:$0x0] =	sbarrier.arrive $0xFFFF  }
0x195: {  	_ =	strace $0x90000047  }
0x196: {  	s0 =	stileid.u32;
	[bflag:$0x2] =	sbarrier.arrive $0xFFFF  }
0x197: {  	p0 =	sne.s32 s0, $0x0;
	s0 =	rddreg [dreg:$0x4]  }
0x198: {  	s0 =	sadd.s32 @!p0 $0x100000, s0  }
0x199: {  	[sflag:s0] =	ssyncadd.tile.s32 @!p0 $0x1;
	_ =	shalt  }
.Lfunc_end2:
_tile_overlayer_lowered:
.L_overlay_start_2:
0x19a: {  	(tag) =	ssettag $0x2  }
0x19b: {  	s0 =	rddreg [dreg:$0x0];
	s2 =	stileid.u32  }
0x19c: {  	s1 =	rddreg [dreg:$0x1];
	p0 =	sne.s32 s2, $0x0  }
0x19d: {  	s3 =	rddreg [dreg:$0x2];
	[bflag:$0x3] =	sbarrier.arrive $0xFFFF;
	s2 =	simm.s32 @!p0 $0x1C09  }
0x19e: {  	[timem:s3], [sflag:s2] =	dma.local @!p0 [hbm:s0], s1  }
0x19f: {  	s0 =	simm.s32 @!p0 $0x9  }
0x1a0: {  	_ =	swait.ge @!p0 [sflag:s0], s1  }
0x1a1: {  	s1 =	ssub.s32 @!p0 $0x0, s1;
	[sflag:s0] =	ssyncset.done @!p0 $0x0  }
0x1a2: {  	[sflag:s0] =	ssyncadd.s32 @!p0 s1  }
0x1a3: {  	[bflag:$0x3] =	sbarrier.arrive $0xFFFF  }
0x1a4: {  	_ =	shalt  }

// kernel: kernel.9.cloned.1.call-start
scs
__scs_entry_jumppad:
0x0: {  	(pc) =	sbr.rel $0x88, $3  }
0x1: {  	(tag) =	ssettag $0x0;
	lr =	simm.s32 $0x1  }
0x2: {  	[smem:$0x3F97] =	sst lr;
	_ =	strace $0xD0000000  }
0x3: {  	_ = 	snop  }
0x4: {  	_ = 	snop  }
0x5: {  	_ = 	snop  }
0x6: {  	_ = 	snop  }
0x7: {  	_ = 	snop  }
__scs_overlays_trampoline_lowered:
0x8: {  	[smem:$0x3FA6] =	sst s0  }
0x9: {  	[smem:$0x3FA7] =	sst s1  }
0xa: {  	[smem:$0x3FA8] =	sst s2  }
0xb: {  	[smem:$0x3FA9] =	sst s3  }
0xc: {  	[smem:$0x3FAA] =	sst s4  }
0xd: {  	[smem:$0x3FAB] =	sst s5  }
0xe: {  	[smem:$0x3FAC] =	sst s6  }
0xf: {  	[smem:$0x3FAD] =	sst s7  }
0x10: {  	[smem:$0x3FAE] =	sst s8  }
0x11: {  	[smem:$0x3FAF] =	sst s9;
	s0 =	simm.s32 @!p0 $0x0  }
0x12: {  	s1 =	sld [smem:$0x3F95];
	s0 =	simm.s32 @p0 $0x1  }
0x13: {  	[smem:$0x3FB0] =	sst s0;
	s0 =	simm.s32 @!p1 $0x0  }
0x14: {  	s2 =	sld [smem:$0x3F94];
	s0 =	simm.s32 @p1 $0x1  }
0x15: {  	[smem:$0x3FB1] =	sst s0;
	s0 =	simm.s32 @!p2 $0x0  }
0x16: {  	s3 =	sld [smem:$0x3FDB];
	s0 =	simm.s32 @p2 $0x1  }
0x17: {  	s4 =	simm.s32 $0x1BF5;
	[smem:$0x3FB3] =	sst s0  }
0x18: {  	s0 =	sld [smem:$0x3F96];
	_ =	swait.ge [sflag:s4], $0x0  }
0x19: {  	s7 =	sld [smem:$0x3F97]  }
0x1a: {  	s8 =	sadd.s32 $0xFFFFE003, lr  }
0x1b: {  	s9 =	sadd.s32 $0xFFFFFEF7, lr;
	s5 =	simm.s32 $0xFFFFFFFF;
	p2 =	slt.u32 s8, $0xFFFFF086  }
0x1c: {  	p1 =	slt.u32 s9, $0xF7A;
	s5 =	simm.s32 @!p2 $0x0  }
0x1d: {  	s5 =	simm.s32 @p1 $0x1;
	p0 =	seq.s32 s7, s2  }
0x1e: {  	s7 =	smul.u32 @!p0 $0xF7A, s2;
	p2 =	seq.s32 @!p0 s5, $0x0  }
0x1f: {  	s9 =	smul.u32 $0xF7A, s1;
	s8 =	simm.s32 @!p0 $0x1BF5;
	p2 =	por !p2, p0  }
0x20: {  	[sflag:s8] =	ssyncset.s32 @!p0 $0xFFFFF086;
	s6 =	sadd.s32 @!p0 s3, s7;
	s7 =	simm.s32 @!p0 $0x108  }
0x21: {  	s3 =	sadd.s32 s3, s9;
	s6 =	sadd.s32 @!p0 $0x88, s6;
	s7 =	simm.s32 @p2 $0x1082  }
0x22: {  	[simem:s7], [sflag:s8] =	dma.local @!p0 [hbm:s6], $0xF7A  }
0x23: {  	s9 =	sor.u32 $0xD0000000, s2;
	s6 =	simm.s32 $0x108;
	_ =	swait.ge @!p0 [sflag:s8], $0x0  }
0x24: {  	s3 =	sadd.s32 $0x88, s3;
	s6 =	simm.s32 @!p1 $0x1082;
	[sflag:s4] =	ssyncset.s32 $0xFFFFF086  }
0x25: {  	[simem:s6], [sflag:s4] =	dma.local [hbm:s3], $0xF7A  }
0x26: {  	[smem:$0x3F97] =	sst s1;
	(tag) =	ssettag s2;
	_ =	strace s9  }
0x27: {  	s1 =	sld [smem:$0x3FA7]  }
0x28: {  	s2 =	sld [smem:$0x3FA8]  }
0x29: {  	s4 =	sld [smem:$0x3FAA]  }
0x2a: {  	p0 =	seq.s32 s5, $0x0;
	s5 =	sld [smem:$0x3FAB]  }
0x2b: {  	s6 =	sld [smem:$0x3FAC]  }
0x2c: {  	s7 =	sld [smem:$0x3FAD]  }
0x2d: {  	s3 =	simm.s32 $0x108;
	s8 =	sld [smem:$0x3FAE]  }
0x2e: {  	s3 =	simm.s32 @!p0 $0x1082;
	s9 =	sld [smem:$0x3FAF]  }
0x2f: {  	lr =	sadd.s32 s0, s3;
	s0 =	sld [smem:$0x3FA6]  }
0x30: {  	s3 =	sld [smem:$0x3FA9]  }
0x31: {  	[smem:$0x3FB2] =	sst s10  }
0x32: {  	s10 =	sld [smem:$0x3FB0];
	_ =	sdelay $0x3  }
0x33: {  	p0 =	seq.s32 s10, $0x1;
	s10 =	sld [smem:$0x3FB2];
	_ =	sdelay $0x3  }
0x34: {  	[smem:$0x3FB2] =	sst s10  }
0x35: {  	s10 =	sld [smem:$0x3FB1];
	_ =	sdelay $0x3  }
0x36: {  	p1 =	seq.s32 s10, $0x1;
	s10 =	sld [smem:$0x3FB2];
	_ =	sdelay $0x3  }
0x37: {  	[smem:$0x3FB2] =	sst s10  }
0x38: {  	s10 =	sld [smem:$0x3FB3]  }
0x39: {  	_ = 	snop;
	(pc) =	sbr.ind lr, $3  }
0x3a: {  	_ = 	snop  }
0x3b: {  	_ = 	snop  }
0x3c: {  	p2 =	seq.s32 s10, $0x1;
	s10 =	sld [smem:$0x3FB2]  }
0x3d: {  	_ =	shalt  }
0x3e: {  	_ =	shalt  }
0x3f: {  	_ =	shalt  }
0x40: {  	_ =	shalt  }
0x41: {  	_ =	shalt  }
0x42: {  	_ =	shalt  }
0x43: {  	_ =	shalt  }
0x44: {  	_ =	shalt  }
0x45: {  	_ =	shalt  }
0x46: {  	_ =	shalt  }
0x47: {  	_ =	shalt  }
0x48: {  	_ =	shalt  }
0x49: {  	_ =	shalt  }
0x4a: {  	_ =	shalt  }
0x4b: {  	_ =	shalt  }
0x4c: {  	_ =	shalt  }
0x4d: {  	_ =	shalt  }
0x4e: {  	_ =	shalt  }
0x4f: {  	_ =	shalt  }
0x50: {  	_ =	shalt  }
0x51: {  	_ =	shalt  }
0x52: {  	_ =	shalt  }
0x53: {  	_ =	shalt  }
0x54: {  	_ =	shalt  }
0x55: {  	_ =	shalt  }
0x56: {  	_ =	shalt  }
0x57: {  	_ =	shalt  }
0x58: {  	_ =	shalt  }
0x59: {  	_ =	shalt  }
0x5a: {  	_ =	shalt  }
0x5b: {  	_ =	shalt  }
0x5c: {  	_ =	shalt  }
0x5d: {  	_ =	shalt  }
0x5e: {  	_ =	shalt  }
0x5f: {  	_ =	shalt  }
0x60: {  	_ =	shalt  }
0x61: {  	_ =	shalt  }
0x62: {  	_ =	shalt  }
0x63: {  	_ =	shalt  }
0x64: {  	_ =	shalt  }
0x65: {  	_ =	shalt  }
0x66: {  	_ =	shalt  }
0x67: {  	_ =	shalt  }
0x68: {  	_ =	shalt  }
0x69: {  	_ =	shalt  }
0x6a: {  	_ =	shalt  }
0x6b: {  	_ =	shalt  }
0x6c: {  	_ =	shalt  }
0x6d: {  	_ =	shalt  }
0x6e: {  	_ =	shalt  }
0x6f: {  	_ =	shalt  }
0x70: {  	_ =	shalt  }
0x71: {  	_ =	shalt  }
0x72: {  	_ =	shalt  }
0x73: {  	_ =	shalt  }
0x74: {  	_ =	shalt  }
0x75: {  	_ =	shalt  }
0x76: {  	_ =	shalt  }
0x77: {  	_ =	shalt  }
0x78: {  	_ =	shalt  }
0x79: {  	_ =	shalt  }
0x7a: {  	_ =	shalt  }
0x7b: {  	_ =	shalt  }
0x7c: {  	_ =	shalt  }
0x7d: {  	_ =	shalt  }
0x7e: {  	_ =	shalt  }
0x7f: {  	_ =	shalt  }
0x80: {  	_ =	shalt  }
0x81: {  	_ =	shalt  }
0x82: {  	_ =	shalt  }
0x83: {  	_ =	shalt  }
0x84: {  	_ =	shalt  }
0x85: {  	_ =	shalt  }
0x86: {  	_ =	shalt  }
0x87: {  	_ =	shalt  }
.Lfunc_end0:
.L_simem_size_0:
called_computation.1_lowered:
.L_overlay_start_0:
0x88: {  	s2 =	sld [smem:$0x3FD9]  }
0x89: {  	s3 =	sld [smem:$0x3FFE];
	_ =	sdelay $0x1  }
0x8a: {  	s1 =	srdreg.scid  }
0x8b: {  	s0 =	sand.u32 $0x1, s1  }
0x8c: {  	s16 =	sshll.u32 s0, $0xA;
	s2 =	sadd.s32 s3, s2  }
0x8d: {  	s2 =	sadd.s32 s2, s16  }
0x8e: {  	[smem:$0x3FBE] =	sst s2  }
0x8f: {  	_ = 	snop  }
0x90: {  	(tm) =	ssettm $0x1  }
0x91: {  	s17 =	sld [smem:$0x3FFB];
	_ =	sdelay $0x3  }
0x92: {  	_ =	strace s17  }
0x93: {  	s2 =	sld [smem:$0x3FFC];
	_ =	sdelay $0x3  }
0x94: {  	_ =	strace s2  }
0x95: {  	s2 =	sld [smem:$0x3FFD];
	_ =	sdelay $0x3  }
0x96: {  	_ =	strace s2  }
0x97: {  	_ =	strace $0x8FFFFFFF  }
0x98: {  	s18 =	sld [smem:$0x3FDB];
	_ =	sdelay $0x1  }
0x99: {  	s19 =	simm.s32 $_scs_section_size  }
0x9a: {  	s4 =	simm.s32 $_size__tile_overlayer_lowered;
	s5 =	simm.s32 $_tile_overlayer_lowered  }
0x9b: {  	s22 =	simm.s32 $0x1BFF;
	s21 =	sshll.u32 s5, $0x1;
	s2 =	sadd.s32 s19, s18  }
0x9c: {  	s6 =	simm.s32 $0x0;
	s20 =	sshll.u32 s4, $0x1;
	s4 =	sadd.s32 s21, s2  }
0x9d: {  	[timem:s6], [sflag:s22] =	dma.local [hbm:s4], s20  }
0x9e: {  	_ =	swait.ge [sflag:s22], s20  }
0x9f: {  	s3 =	ssub.s32 $0x0, s20;
	[sflag:s22] =	ssyncset.done $0x0  }
0xa0: {  	[sflag:s22] =	ssyncadd.s32 s3;
	_ =	sdelay $0x1  }
0xa1: {  	s23 =	simm.s32 $0x1B8B  }
0xa2: {  	_ =	swait.ge [sflag:s23], $0x1  }
0xa3: {  	[sflag:s23] =	ssyncset.done $0x0  }
0xa4: {  	s25 =	simm.s32 $0x1B8E;
	s24 =	sld [smem:$0x3FFE];
	[sflag:s23] =	ssyncadd.s32 $0xFFFFFFFF  }
0xa5: {  	s26 =	simm.s32 $execute0_lowered;
	[smem:$0x3FD2] =	sst s25  }
0xa6: {  	s4 =	sshll.u32 s26, $0x1;
	_ =	strace $0x80000049;
	[dreg:$0x1] =	wrdreg $0xFFFFFFFF  }
0xa7: {  	s28 =	simm.s32 $_size_execute0_lowered;
	s2 =	sadd.s32 s2, s4;
	[dreg:$0x0] =	wrdreg $0x0  }
0xa8: {  	s4 =	sshll.u32 s28, $0x1;
	[dreg:$0x2] =	wrdreg s2  }
0xa9: {  	[dreg:$0x3] =	wrdreg s4  }
0xaa: {  	[dreg:$0x4] =	wrdreg $0xC0  }
0xab: {  	_ =	task [dreg:s6], $0x5FFFF  }
0xac: {  	[dreg:$0x1] =	wrdreg $0xFFFFFFFF  }
0xad: {  	[dreg:$0x0] =	wrdreg $0x60  }
0xae: {  	[dreg:$0x2] =	wrdreg s24  }
0xaf: {  	[dreg:$0x3] =	wrdreg $0x88200  }
0xb0: {  	[dreg:$0x4] =	wrdreg $0x9  }
0xb1: {  	_ =	task.clear_ibuf [dreg:s6], $0x5FFFF;
	_ =	strace $0x90000049  }
0xb2: {  	s29 =	simm.s32 $0x9;
	_ =	strace $0x8000004B  }
0xb3: {  	_ =	swait.ge [sflag:s29], $0x1  }
0xb4: {  	[sflag:s29] =	ssyncadd.s32 $0xFFFFFFFF  }
0xb5: {  	_ =	strace $0x9000004B  }
0xb6: {  	_ =	sfence  }
0xb7: {  	s30 =	sld [smem:$0x0];
	_ =	sdelay $0x2  }
0xb8: {  	s31 =	sshll.u32 s1, $0xD;
	s1 =	sshrl.u32 s1, $0x2  }
0xb9: {  	s3 =	sand.u32 $0x4000, s31;
	s1 =	sadd.s32 s1, s30  }
0xba: {  	s0 =	sor.u32 s3, s0;
	s1 =	sshll.u32 s1, $0x11  }
0xbb: {  	s0 =	sor.u32 s1, s0  }
0xbc: {  	s0 =	sadd.s32 $0x8F2B, s0  }
0xbd: {  	[sflag:s0] =	ssyncadd.remote.s32 $0x1  }
0xbe: {  	_ =	sfence.sel $0xFFFF  }
0xbf: {  	[dreg:$0x0] =	wrdreg $0xFFFFFFFF;
	(pc) =	sbr.abs _section_cstart, $3  }
0xc0: {  	[dreg:$0x1] =	wrdreg $0xFFFFFFFF  }
0xc1: {  	_ =	task.clear_ibuf [dreg:s6], $0x2FFFF;
	_ =	strace $0x9FFFFFFF  }
0xc2: {  	(tm) =	ssettm $0x7FFFFFFF  }
0xc3: {  	_ =	shalt  }
tec
execute0_lowered:
.L_overlay_start_1:
0x0: {  	(tag) =	ssettag $0x1  }
0x1: {  	s0 =	rddreg [dreg:$0x0]  }
0x2: {  	s2 =	rddreg [dreg:$0x1]  }
0x3: {  	s3 =	simm.s32 $0x0;
	s1 =	srdreg.scid;
	s10 =	stileid.u32  }
0x4: {  	s28 =	simm.s32 $0x80;
	s29 =	simm.s32 $0x100;
	s30 =	simm.s32 $0x180  }
0x5: {  	s31 =	simm.s32 $0x200;
	[smem:$0x7FF] =	sst s3;
	s1 =	sand.u32 $0x1, s1  }
0x6: {  	s6 =	smul.u32 $0x14000, s10;
	s4 =	sadd.s32 $0x66E00, s0;
	s5 =	sadd.s32 $0x3400, s0  }
0x7: {  	s8 =	sshll.u32 s10, $0x1;
	s9 =	sadd.s32 $0x2000, s0;
	s13 =	smul.u32 $0x4E20, s10  }
0x8: {  	s12 =	sshll.u32 s10, $0x6;
	_ =	strace $0x8000004A;
	s7 =	smul.u32 $0x140000, s1  }
0x9: {  	s8 =	sor.u32 s1, s8;
	s25 =	ssub.s32 $0x2, s1;
	s1 =	smul.u32 $0x2710, s1  }
0xa: {  	[dreg:$0xa] =	wrdreg s9;
	s23 =	sor.u32 $0x1C09, s12;
	s8 =	smul.u32 $0x2710, s8  }
0xb: {  	s26 =	sshrl.u32 s25, $0x1;
	[dreg:$0xd] =	wrdreg s23;
	s7 =	sadd.s32 s6, s7  }
0xc: {  	s6 =	sshrl.u32 s6, $0x1;
	s1 =	sadd.s32 s1, s13;
	s7 =	sshrl.u32 s7, $0x4  }
0xd: {  	s6 =	sadd.s32 s6, s2;
	s11 =	sshrl.u32 s8, $0x3;
	s22 =	sadd.s32 $0x380, s1  }
0xe: {  	s10 =	sadd.s32 $0x300, s1;
	[dreg:$0xb] =	wrdreg s6;
	s9 =	sadd.s32 s5, s11  }
0xf: {  	s12 =	sadd.s32 $0x4E500, s1;
	s14 =	sadd.s32 $0x9C40, s9;
	[dreg:$0xc] =	wrdreg s9  }
0x10: {  	s13 =	sadd.s32 $0x280, s1;
	s15 =	sadd.s32 $0x10, s9;
	[dreg:$0xe] =	wrdreg s14  }
0x11: {  	s0 =	sadd.s32 s7, s0;
	s16 =	sadd.s32 $0x9C50, s9;
	[dreg:$0xf] =	wrdreg s15  }
0x12: {  	s7 =	ssub.s32 s25, s26;
	s17 =	sadd.s32 $0x20, s9;
	[dreg:$0x10] =	wrdreg s16  }
0x13: {  	s6 =	sshrl.u32 s22, $0x3;
	s18 =	sadd.s32 $0x9C60, s9;
	[dreg:$0x11] =	wrdreg s17  }
0x14: {  	s25 =	sadd.s32 $0x4E580, s1;
	s19 =	sadd.s32 $0x30, s9;
	[dreg:$0x12] =	wrdreg s18  }
0x15: {  	s11 =	sshrl.u32 s10, $0x3;
	s20 =	sadd.s32 $0x9C70, s9;
	[dreg:$0x13] =	wrdreg s19  }
0x16: {  	s10 =	simm.s32 $0x400;
	s21 =	sadd.s32 $0x4C0, s9;
	[dreg:$0x14] =	wrdreg s20  }
0x17: {  	s24 =	sadd.s32 $0xA100, s9;
	s26 =	sadd.s32 $0x4D0, s9;
	[dreg:$0x15] =	wrdreg s21  }
0x18: {  	s6 =	sadd.s32 s6, s5;
	s8 =	sshrl.u32 s25, $0x3;
	[dreg:$0x16] =	wrdreg s24  }
0x19: {  	s0 =	sadd.s32 $0x7A800, s0;
	s25 =	smax.u32 s7, $0x1;
	[dreg:$0x17] =	wrdreg s26  }
0x1a: {  	s7 =	simm.s32 $0x1;
	[dreg:$0x3] =	wrdreg s6;
	s8 =	sadd.s32 s8, s5  }
0x1b: {  	s6 =	sadd.s32 s11, s5;
	s15 =	sshrl.u32 s13, $0x3;
	[dreg:$0x1b] =	wrdreg s0  }
0x1c: {  	s17 =	sadd.s32 $0x4E480, s1;
	s19 =	sadd.s32 $0x4E400, s1;
	[dreg:$0x1c] =	wrdreg s25  }
0x1d: {  	s20 =	sadd.s32 $0xA110, s9;
	s21 =	sadd.s32 $0x4E0, s9;
	[dreg:$0x4] =	wrdreg s8  }
0x1e: {  	s24 =	sadd.s32 $0xA120, s9;
	s26 =	sadd.s32 $0x200, s1;
	[dreg:$0x5] =	wrdreg s6  }
0x1f: {  	s0 =	simm.s32 $0x280;
	s1 =	simm.s32 $0x300;
	[dreg:$0x18] =	wrdreg s20  }
0x20: {  	s11 =	simm.s32 $0x2;
	s13 =	simm.s32 $0x3;
	[dreg:$0x19] =	wrdreg s21  }
0x21: {  	s8 =	sshrl.u32 s12, $0x3;
	s16 =	sadd.s32 s15, s5;
	[dreg:$0x1a] =	wrdreg s24  }
0x22: {  	s18 =	sshrl.u32 s17, $0x3;
	[dreg:$0x1d] =	wrdreg s26;
	s26 =	simm.s32 $0x9  }
0x23: {  	s12 =	simm.s32 $0x2400;
	s15 =	simm.s32 $0x5;
	s17 =	simm.s32 $0x6400  }
0x24: {  	s20 =	simm.s32 $0x8;
	s21 =	simm.s32 $0x0;
	s14 =	sadd.s32 s8, s5  }
0x25: {  	[dreg:$0x7] =	wrdreg s16;
	s6 =	sadd.s32 s18, s5;
	s8 =	sshrl.u32 s19, $0x3  }
0x26: {  	s16 =	simm.s32 $0x4;
	s18 =	simm.s32 $0x6;
	[dreg:$0x6] =	wrdreg s14  }
0x27: {  	s19 =	simm.s32 $0x7;
	[dreg:$0x8] =	wrdreg s6;
	s22 =	sadd.s32 s8, s5  }
0x28: {  	s6 =	simm.s32 $0x380;
	s14 =	simm.s32 $0x4400;
	[dreg:$0x9] =	wrdreg s22  }
.LBB2_1:
0x29: {  	s8 =	rddreg [dreg:$0xb]  }
0x2a: {  	s9 =	rddreg [dreg:$0xa];
	s22 =	sshrl.u32 s8, $0x3  }
0x2b: {  	[spmem:s22], [sflag:s23] =	dma.local [hbm:s9], $0x1400  }
0x2c: {  	_ =	swait.ge [sflag:s26], $0x1400  }
0x2d: {  	[sflag:s26] =	ssyncset.done $0x0  }
0x2e: {  	[sflag:s26] =	ssyncadd.s32 $0xFFFFEC00  }
0x2f: {  	[bflag:$0x0] =	sbarrier.arrive $0xFFFF  }
0x30: {  	s23 =	rddreg [dreg:$0xc]  }
0x31: {  	[tilespmem:s3], [sflag:$0x1] =	stream.linear.gather [hbm4b:s23+s3], $0x80, $0x38;
	[tilespmem:$0x12820] =	vst v63  }
0x32: {  	s24 =	rddreg [dreg:$0xe]  }
0x33: {  	[tilespmem:s28], [sflag:$0x1] =	stream.linear.gather [hbm4b:s24+s3], $0x80, $0x38;
	[tilespmem:$0x12820] =	vst v63  }
0x34: {  	s25 =	rddreg [dreg:$0xf]  }
0x35: {  	[tilespmem:s29], [sflag:$0x2] =	stream.linear.gather [hbm4b:s25+s3], $0x80, $0x38;
	[tilespmem:$0x12820] =	vst v63  }
0x36: {  	s9 =	rddreg [dreg:$0x10]  }
0x37: {  	[tilespmem:s30], [sflag:$0x2] =	stream.linear.gather [hbm4b:s9+s3], $0x80, $0x38;
	[tilespmem:$0x12820] =	vst v63  }
0x38: {  	s23 =	rddreg [dreg:$0x11]  }
0x39: {  	[tilespmem:s31], [sflag:$0x3] =	stream.linear.gather [hbm4b:s23+s3], $0x80, $0x38;
	[tilespmem:$0x12820] =	vst v63  }
0x3a: {  	s24 =	rddreg [dreg:$0x12]  }
0x3b: {  	[tilespmem:s0], [sflag:$0x3] =	stream.linear.gather [hbm4b:s24+s3], $0x80, $0x38;
	[tilespmem:$0x12820] =	vst v63  }
0x3c: {  	s25 =	rddreg [dreg:$0x13]  }
0x3d: {  	[tilespmem:s1], [sflag:$0x4] =	stream.linear.gather [hbm4b:s25+s3], $0x80, $0x38;
	[tilespmem:$0x12820] =	vst v63  }
0x3e: {  	s9 =	rddreg [dreg:$0x14]  }
0x3f: {  	[tilespmem:s6], [sflag:$0x4] =	stream.linear.gather [hbm4b:s9+s3], $0x80, $0x38;
	[tilespmem:$0x12820] =	vst v63  }
0x40: {  	_ =	swait.ge [sflag:s7], $0x80  }
0x41: {  	[sflag:s7] =	ssyncset.done $0x0  }
0x42: {  	[sflag:s7] =	ssyncadd.s32 $0xFFFFFF80  }
0x43: {  	_ =	swait.ge [sflag:s7], $0x80  }
0x44: {  	[sflag:s7] =	ssyncset.done $0x0  }
0x45: {  	[sflag:s7] =	ssyncadd.s32 $0xFFFFFF80  }
0x46: {  	[tilespmem:s10], [sflag:$0x5] =	stream.indirect.gather [hbm4b:s4+s28], $0x40, s3, s28, $0xb8;
	[tilespmem:$0x12820] =	vst v63  }
0x47: {  	_ =	swait.ge [sflag:s11], $0x80  }
0x48: {  	[sflag:s11] =	ssyncset.done $0x0  }
0x49: {  	[sflag:s11] =	ssyncadd.s32 $0xFFFFFF80  }
0x4a: {  	_ =	swait.ge [sflag:s11], $0x80  }
0x4b: {  	[sflag:s11] =	ssyncset.done $0x0  }
0x4c: {  	[sflag:s11] =	ssyncadd.s32 $0xFFFFFF80  }
0x4d: {  	[tilespmem:s12], [sflag:$0x6] =	stream.indirect.gather [hbm4b:s4+s28], $0x40, s29, s28, $0xb8;
	[tilespmem:$0x12820] =	vst v63  }
0x4e: {  	_ =	swait.ge [sflag:s13], $0x80  }
0x4f: {  	[sflag:s13] =	ssyncset.done $0x0  }
0x50: {  	[sflag:s13] =	ssyncadd.s32 $0xFFFFFF80  }
0x51: {  	_ =	swait.ge [sflag:s13], $0x80  }
0x52: {  	[sflag:s13] =	ssyncset.done $0x0  }
0x53: {  	[sflag:s13] =	ssyncadd.s32 $0xFFFFFF80  }
0x54: {  	[tilespmem:s14], [sflag:$0x7] =	stream.indirect.gather [hbm4b:s4+s28], $0x40, s31, s28, $0xb8;
	[tilespmem:$0x12820] =	vst v63  }
0x55: {  	_ =	swait.ge [sflag:s15], $0x2000  }
0x56: {  	[sflag:s15] =	ssyncset.done $0x0  }
0x57: {  	[sflag:s15] =	ssyncadd.s32 $0xFFFFE000  }
0x58: {  	[spmem:s2] =	stream.indirect.scatter.add.bf16 [tilespmem:s10], [sflag:$0x9], $0x40, s28, s28, $0xb8;
	[tilespmem:$0x12820] =	vst v63  }
0x59: {  	_ =	swait.ge [sflag:s26], $0x2000  }
0x5a: {  	s9 =	rddreg [dreg:$0x1d]  }
0x5b: {  	[sflag:s26] =	ssyncset.done $0x0;
	s23 =	sshrl.u32 s9, $0x3  }
0x5c: {  	s24 =	rddreg [dreg:$0x9];
	[sflag:s26] =	ssyncadd.s32 $0xFFFFE000;
	s8 =	sadd.s32 s5, s23  }
0x5d: {  	[tilespmem:s3], [sflag:$0x1] =	stream.linear.gather [hbm4b:s8+s3], $0x80, $0x38;
	[tilespmem:$0x12820] =	vst v63  }
0x5e: {  	s25 =	sadd.s32 $0x0, s24  }
0x5f: {  	[tilespmem:s28], [sflag:$0x1] =	stream.linear.gather [hbm4b:s25+s3], $0x80, $0x38;
	[tilespmem:$0x12820] =	vst v63  }
0x60: {  	_ =	swait.ge [sflag:s16], $0x80  }
0x61: {  	[sflag:s16] =	ssyncset.done $0x0  }
0x62: {  	[sflag:s16] =	ssyncadd.s32 $0xFFFFFF80  }
0x63: {  	_ =	swait.ge [sflag:s16], $0x80  }
0x64: {  	[sflag:s16] =	ssyncset.done $0x0  }
0x65: {  	[sflag:s16] =	ssyncadd.s32 $0xFFFFFF80  }
0x66: {  	[tilespmem:s17], [sflag:$0x8] =	stream.indirect.gather [hbm4b:s4+s28], $0x40, s1, s28, $0xb8;
	[tilespmem:$0x12820] =	vst v63  }
0x67: {  	_ =	swait.ge [sflag:s18], $0x2000  }
0x68: {  	[sflag:s18] =	ssyncset.done $0x0  }
0x69: {  	[sflag:s18] =	ssyncadd.s32 $0xFFFFE000  }
0x6a: {  	[spmem:s2] =	stream.indirect.scatter.add.bf16 [tilespmem:s12], [sflag:$0x9], $0x40, s30, s28, $0xb8;
	[tilespmem:$0x12820] =	vst v63  }
0x6b: {  	_ =	swait.ge [sflag:s26], $0x2000  }
0x6c: {  	s23 =	rddreg [dreg:$0x7];
	[sflag:s26] =	ssyncset.done $0x0  }
0x6d: {  	s24 =	rddreg [dreg:$0x8];
	[sflag:s26] =	ssyncadd.s32 $0xFFFFE000;
	s8 =	sadd.s32 $0x0, s23  }
0x6e: {  	[tilespmem:s29], [sflag:$0x2] =	stream.linear.gather [hbm4b:s8+s3], $0x80, $0x38;
	[tilespmem:$0x12820] =	vst v63  }
0x6f: {  	s25 =	sadd.s32 $0x0, s24  }
0x70: {  	[tilespmem:s30], [sflag:$0x2] =	stream.linear.gather [hbm4b:s25+s3], $0x80, $0x38;
	[tilespmem:$0x12820] =	vst v63  }
0x71: {  	_ =	swait.ge [sflag:s7], $0x80  }
0x72: {  	[sflag:s7] =	ssyncset.done $0x0  }
0x73: {  	[sflag:s7] =	ssyncadd.s32 $0xFFFFFF80  }
0x74: {  	_ =	swait.ge [sflag:s7], $0x80  }
0x75: {  	[sflag:s7] =	ssyncset.done $0x0  }
0x76: {  	[sflag:s7] =	ssyncadd.s32 $0xFFFFFF80  }
0x77: {  	[tilespmem:s10], [sflag:$0x5] =	stream.indirect.gather [hbm4b:s4+s28], $0x40, s3, s28, $0xb8;
	[tilespmem:$0x12820] =	vst v63  }
0x78: {  	_ =	swait.ge [sflag:s19], $0x2000  }
0x79: {  	[sflag:s19] =	ssyncset.done $0x0  }
0x7a: {  	[sflag:s19] =	ssyncadd.s32 $0xFFFFE000  }
0x7b: {  	[spmem:s2] =	stream.indirect.scatter.add.bf16 [tilespmem:s14], [sflag:$0x9], $0x40, s0, s28, $0xb8;
	[tilespmem:$0x12820] =	vst v63  }
0x7c: {  	_ =	swait.ge [sflag:s26], $0x2000  }
0x7d: {  	s23 =	rddreg [dreg:$0x5];
	[sflag:s26] =	ssyncset.done $0x0  }
0x7e: {  	s24 =	rddreg [dreg:$0x6];
	[sflag:s26] =	ssyncadd.s32 $0xFFFFE000;
	s8 =	sadd.s32 $0x0, s23  }
0x7f: {  	[tilespmem:s31], [sflag:$0x3] =	stream.linear.gather [hbm4b:s8+s3], $0x80, $0x38;
	[tilespmem:$0x12820] =	vst v63  }
0x80: {  	s25 =	sadd.s32 $0x0, s24  }
0x81: {  	[tilespmem:s0], [sflag:$0x3] =	stream.linear.gather [hbm4b:s25+s3], $0x80, $0x38;
	[tilespmem:$0x12820] =	vst v63  }
0x82: {  	_ =	swait.ge [sflag:s11], $0x80  }
0x83: {  	[sflag:s11] =	ssyncset.done $0x0  }
0x84: {  	[sflag:s11] =	ssyncadd.s32 $0xFFFFFF80  }
0x85: {  	_ =	swait.ge [sflag:s11], $0x80  }
0x86: {  	[sflag:s11] =	ssyncset.done $0x0  }
0x87: {  	[sflag:s11] =	ssyncadd.s32 $0xFFFFFF80  }
0x88: {  	[tilespmem:s12], [sflag:$0x6] =	stream.indirect.gather [hbm4b:s4+s28], $0x40, s29, s28, $0xb8;
	[tilespmem:$0x12820] =	vst v63  }
0x89: {  	_ =	swait.ge [sflag:s20], $0x2000  }
0x8a: {  	[sflag:s20] =	ssyncset.done $0x0  }
0x8b: {  	[sflag:s20] =	ssyncadd.s32 $0xFFFFE000  }
0x8c: {  	[spmem:s2] =	stream.indirect.scatter.add.bf16 [tilespmem:s17], [sflag:$0x9], $0x40, s6, s28, $0xb8;
	[tilespmem:$0x12820] =	vst v63  }
0x8d: {  	_ =	swait.ge [sflag:s26], $0x2000  }
0x8e: {  	s23 =	rddreg [dreg:$0x3];
	[sflag:s26] =	ssyncset.done $0x0  }
0x8f: {  	s24 =	rddreg [dreg:$0x4];
	[sflag:s26] =	ssyncadd.s32 $0xFFFFE000;
	s8 =	sadd.s32 $0x0, s23  }
0x90: {  	[tilespmem:s1], [sflag:$0x4] =	stream.linear.gather [hbm4b:s8+s3], $0x80, $0x38;
	[tilespmem:$0x12820] =	vst v63  }
0x91: {  	s25 =	sadd.s32 $0x0, s24  }
0x92: {  	[tilespmem:s6], [sflag:$0x4] =	stream.linear.gather [hbm4b:s25+s3], $0x80, $0x38;
	[tilespmem:$0x12820] =	vst v63  }
0x93: {  	_ =	swait.ge [sflag:s13], $0x80  }
0x94: {  	[sflag:s13] =	ssyncset.done $0x0  }
0x95: {  	[sflag:s13] =	ssyncadd.s32 $0xFFFFFF80  }
0x96: {  	_ =	swait.ge [sflag:s13], $0x80  }
0x97: {  	[sflag:s13] =	ssyncset.done $0x0  }
0x98: {  	s23 =	simm.s32 $0x40;
	s24 =	sadd.s32 $0x200, s9;
	[sflag:s13] =	ssyncadd.s32 $0xFFFFFF80  }
.LBB2_2:
0x99: {  	[tilespmem:s14], [sflag:$0x7] =	stream.indirect.gather [hbm4b:s4+s28], $0x40, s31, s28, $0xb8;
	[tilespmem:$0x12820] =	vst v63  }
0x9a: {  	_ =	swait.ge [sflag:s15], $0x2000  }
0x9b: {  	[sflag:s15] =	ssyncset.done $0x0  }
0x9c: {  	[sflag:s15] =	ssyncadd.s32 $0xFFFFE000  }
0x9d: {  	[spmem:s2] =	stream.indirect.scatter.add.bf16 [tilespmem:s10], [sflag:$0x9], $0x40, s28, s28, $0xb8;
	[tilespmem:$0x12820] =	vst v63  }
0x9e: {  	_ =	swait.ge [sflag:s26], $0x2000  }
0x9f: {  	s8 =	smov.u32 s23;
	s9 =	sshrl.u32 s24, $0x3;
	[sflag:s26] =	ssyncset.done $0x0  }
0xa0: {  	s9 =	sadd.s32 s5, s9;
	s25 =	rddreg [dreg:$0x9];
	[sflag:s26] =	ssyncadd.s32 $0xFFFFE000  }
0xa1: {  	[tilespmem:s3], [sflag:$0x1] =	stream.linear.gather [hbm4b:s9+s3], $0x80, $0x38;
	[tilespmem:$0x12820] =	vst v63  }
0xa2: {  	s25 =	sadd.s32 s8, s25  }
0xa3: {  	[tilespmem:s28], [sflag:$0x1] =	stream.linear.gather [hbm4b:s25+s3], $0x80, $0x38;
	[tilespmem:$0x12820] =	vst v63  }
0xa4: {  	_ =	swait.ge [sflag:s16], $0x80  }
0xa5: {  	[sflag:s16] =	ssyncset.done $0x0  }
0xa6: {  	[sflag:s16] =	ssyncadd.s32 $0xFFFFFF80  }
0xa7: {  	_ =	swait.ge [sflag:s16], $0x80  }
0xa8: {  	[sflag:s16] =	ssyncset.done $0x0  }
0xa9: {  	[sflag:s16] =	ssyncadd.s32 $0xFFFFFF80  }
0xaa: {  	[tilespmem:s17], [sflag:$0x8] =	stream.indirect.gather [hbm4b:s4+s28], $0x40, s1, s28, $0xb8;
	[tilespmem:$0x12820] =	vst v63  }
0xab: {  	_ =	swait.ge [sflag:s18], $0x2000  }
0xac: {  	[sflag:s18] =	ssyncset.done $0x0  }
0xad: {  	[sflag:s18] =	ssyncadd.s32 $0xFFFFE000  }
0xae: {  	[spmem:s2] =	stream.indirect.scatter.add.bf16 [tilespmem:s12], [sflag:$0x9], $0x40, s30, s28, $0xb8;
	[tilespmem:$0x12820] =	vst v63  }
0xaf: {  	_ =	swait.ge [sflag:s26], $0x2000  }
0xb0: {  	s9 =	rddreg [dreg:$0x7];
	[sflag:s26] =	ssyncset.done $0x0  }
0xb1: {  	s25 =	rddreg [dreg:$0x8];
	[sflag:s26] =	ssyncadd.s32 $0xFFFFE000;
	s9 =	sadd.s32 s8, s9  }
0xb2: {  	[tilespmem:s29], [sflag:$0x2] =	stream.linear.gather [hbm4b:s9+s3], $0x80, $0x38;
	[tilespmem:$0x12820] =	vst v63  }
0xb3: {  	s25 =	sadd.s32 s8, s25  }
0xb4: {  	[tilespmem:s30], [sflag:$0x2] =	stream.linear.gather [hbm4b:s25+s3], $0x80, $0x38;
	[tilespmem:$0x12820] =	vst v63  }
0xb5: {  	_ =	swait.ge [sflag:s7], $0x80  }
0xb6: {  	[sflag:s7] =	ssyncset.done $0x0  }
0xb7: {  	[sflag:s7] =	ssyncadd.s32 $0xFFFFFF80  }
0xb8: {  	_ =	swait.ge [sflag:s7], $0x80  }
0xb9: {  	[sflag:s7] =	ssyncset.done $0x0  }
0xba: {  	[sflag:s7] =	ssyncadd.s32 $0xFFFFFF80  }
0xbb: {  	[tilespmem:s10], [sflag:$0x5] =	stream.indirect.gather [hbm4b:s4+s28], $0x40, s3, s28, $0xb8;
	[tilespmem:$0x12820] =	vst v63  }
0xbc: {  	_ =	swait.ge [sflag:s19], $0x2000  }
0xbd: {  	[sflag:s19] =	ssyncset.done $0x0  }
0xbe: {  	[sflag:s19] =	ssyncadd.s32 $0xFFFFE000  }
0xbf: {  	[spmem:s2] =	stream.indirect.scatter.add.bf16 [tilespmem:s14], [sflag:$0x9], $0x40, s0, s28, $0xb8;
	[tilespmem:$0x12820] =	vst v63  }
0xc0: {  	_ =	swait.ge [sflag:s26], $0x2000  }
0xc1: {  	s9 =	rddreg [dreg:$0x5];
	[sflag:s26] =	ssyncset.done $0x0  }
0xc2: {  	s25 =	rddreg [dreg:$0x6];
	[sflag:s26] =	ssyncadd.s32 $0xFFFFE000;
	s9 =	sadd.s32 s8, s9  }
0xc3: {  	[tilespmem:s31], [sflag:$0x3] =	stream.linear.gather [hbm4b:s9+s3], $0x80, $0x38;
	[tilespmem:$0x12820] =	vst v63  }
0xc4: {  	s25 =	sadd.s32 s8, s25  }
0xc5: {  	[tilespmem:s0], [sflag:$0x3] =	stream.linear.gather [hbm4b:s25+s3], $0x80, $0x38;
	[tilespmem:$0x12820] =	vst v63  }
0xc6: {  	_ =	swait.ge [sflag:s11], $0x80  }
0xc7: {  	[sflag:s11] =	ssyncset.done $0x0  }
0xc8: {  	[sflag:s11] =	ssyncadd.s32 $0xFFFFFF80  }
0xc9: {  	_ =	swait.ge [sflag:s11], $0x80  }
0xca: {  	[sflag:s11] =	ssyncset.done $0x0  }
0xcb: {  	[sflag:s11] =	ssyncadd.s32 $0xFFFFFF80  }
0xcc: {  	[tilespmem:s12], [sflag:$0x6] =	stream.indirect.gather [hbm4b:s4+s28], $0x40, s29, s28, $0xb8;
	[tilespmem:$0x12820] =	vst v63  }
0xcd: {  	_ =	swait.ge [sflag:s20], $0x2000  }
0xce: {  	[sflag:s20] =	ssyncset.done $0x0  }
0xcf: {  	[sflag:s20] =	ssyncadd.s32 $0xFFFFE000  }
0xd0: {  	[spmem:s2] =	stream.indirect.scatter.add.bf16 [tilespmem:s17], [sflag:$0x9], $0x40, s6, s28, $0xb8;
	[tilespmem:$0x12820] =	vst v63  }
0xd1: {  	_ =	swait.ge [sflag:s26], $0x2000  }
0xd2: {  	s9 =	rddreg [dreg:$0x3];
	[sflag:s26] =	ssyncset.done $0x0  }
0xd3: {  	s25 =	rddreg [dreg:$0x4];
	[sflag:s26] =	ssyncadd.s32 $0xFFFFE000;
	s9 =	sadd.s32 s8, s9  }
0xd4: {  	[tilespmem:s1], [sflag:$0x4] =	stream.linear.gather [hbm4b:s9+s3], $0x80, $0x38;
	[tilespmem:$0x12820] =	vst v63  }
0xd5: {  	s8 =	sadd.s32 s8, s25  }
0xd6: {  	[tilespmem:s6], [sflag:$0x4] =	stream.linear.gather [hbm4b:s8+s3], $0x80, $0x38;
	[tilespmem:$0x12820] =	vst v63  }
0xd7: {  	p0 =	sne.s32 s23, $0x440;
	_ =	swait.ge [sflag:s13], $0x80  }
.Ltmp0:
0xd8: {  	[sflag:s13] =	ssyncset.done $0x0;
	(pc) =	sbr.rel @p0 .LBB2_2-.Ltmp0, $4  }
0xd9: {  	[sflag:s13] =	ssyncadd.s32 $0xFFFFFF80  }
0xda: {  	_ =	swait.ge [sflag:s13], $0x80  }
0xdb: {  	[sflag:s13] =	ssyncset.done $0x0  }
0xdc: {  	s23 =	sadd.s32 $0x40, s23;
	s24 =	sadd.s32 $0x200, s24;
	[sflag:s13] =	ssyncadd.s32 $0xFFFFFF80  }
0xdd: {  	[tilespmem:s14], [sflag:$0x7] =	stream.indirect.gather [hbm4b:s4+s28], $0x40, s31, s28, $0xb8;
	[tilespmem:$0x12820] =	vst v63  }
0xde: {  	_ =	swait.ge [sflag:s15], $0x2000  }
0xdf: {  	[sflag:s15] =	ssyncset.done $0x0  }
0xe0: {  	[sflag:s15] =	ssyncadd.s32 $0xFFFFE000  }
0xe1: {  	[spmem:s2] =	stream.indirect.scatter.add.bf16 [tilespmem:s10], [sflag:$0x9], $0x40, s28, s28, $0xb8;
	[tilespmem:$0x12820] =	vst v63  }
0xe2: {  	_ =	swait.ge [sflag:s26], $0x2000  }
0xe3: {  	[sflag:s26] =	ssyncset.done $0x0  }
0xe4: {  	s8 =	rddreg [dreg:$0x15];
	[sflag:s26] =	ssyncadd.s32 $0xFFFFE000  }
0xe5: {  	[tilespmem:s3], [sflag:$0x1] =	stream.linear.gather [hbm4b:s8+s3], $0x80, $0x38;
	[tilespmem:$0x12820] =	vst v63  }
0xe6: {  	s24 =	rddreg [dreg:$0x16]  }
0xe7: {  	[tilespmem:s28], [sflag:$0x1] =	stream.linear.gather [hbm4b:s24+s3], $0x80, $0x38;
	[tilespmem:$0x12820] =	vst v63  }
0xe8: {  	_ =	swait.ge [sflag:s16], $0x80  }
0xe9: {  	[sflag:s16] =	ssyncset.done $0x0  }
0xea: {  	[sflag:s16] =	ssyncadd.s32 $0xFFFFFF80  }
0xeb: {  	_ =	swait.ge [sflag:s16], $0x80  }
0xec: {  	[sflag:s16] =	ssyncset.done $0x0  }
0xed: {  	[sflag:s16] =	ssyncadd.s32 $0xFFFFFF80  }
0xee: {  	[tilespmem:s17], [sflag:$0x8] =	stream.indirect.gather [hbm4b:s4+s28], $0x40, s1, s28, $0xb8;
	[tilespmem:$0x12820] =	vst v63  }
0xef: {  	_ =	swait.ge [sflag:s18], $0x2000  }
0xf0: {  	[sflag:s18] =	ssyncset.done $0x0  }
0xf1: {  	[sflag:s18] =	ssyncadd.s32 $0xFFFFE000  }
0xf2: {  	[spmem:s2] =	stream.indirect.scatter.add.bf16 [tilespmem:s12], [sflag:$0x9], $0x40, s30, s28, $0xb8;
	[tilespmem:$0x12820] =	vst v63  }
0xf3: {  	_ =	swait.ge [sflag:s26], $0x2000  }
0xf4: {  	[sflag:s26] =	ssyncset.done $0x0  }
0xf5: {  	s25 =	rddreg [dreg:$0x17];
	[sflag:s26] =	ssyncadd.s32 $0xFFFFE000  }
0xf6: {  	[tilespmem:s29], [sflag:$0x2] =	stream.linear.gather [hbm4b:s25+s3], $0x80, $0x38;
	[tilespmem:$0x12820] =	vst v63  }
0xf7: {  	s9 =	rddreg [dreg:$0x18]  }
0xf8: {  	[tilespmem:s30], [sflag:$0x2] =	stream.linear.gather [hbm4b:s9+s3], $0x80, $0x38;
	[tilespmem:$0x12820] =	vst v63  }
0xf9: {  	_ =	swait.ge [sflag:s7], $0x80  }
0xfa: {  	[sflag:s7] =	ssyncset.done $0x0  }
0xfb: {  	[sflag:s7] =	ssyncadd.s32 $0xFFFFFF80  }
0xfc: {  	_ =	swait.ge [sflag:s7], $0x80  }
0xfd: {  	[sflag:s7] =	ssyncset.done $0x0  }
0xfe: {  	[sflag:s7] =	ssyncadd.s32 $0xFFFFFF80  }
0xff: {  	[tilespmem:s10], [sflag:$0x5] =	stream.indirect.gather [hbm4b:s4+s28], $0x40, s3, s28, $0xb8;
	[tilespmem:$0x12820] =	vst v63  }
0x100: {  	_ =	swait.ge [sflag:s19], $0x2000  }
0x101: {  	[sflag:s19] =	ssyncset.done $0x0  }
0x102: {  	[sflag:s19] =	ssyncadd.s32 $0xFFFFE000  }
0x103: {  	[spmem:s2] =	stream.indirect.scatter.add.bf16 [tilespmem:s14], [sflag:$0x9], $0x40, s0, s28, $0xb8;
	[tilespmem:$0x12820] =	vst v63  }
0x104: {  	_ =	swait.ge [sflag:s26], $0x2000  }
0x105: {  	[sflag:s26] =	ssyncset.done $0x0  }
0x106: {  	[sflag:s26] =	ssyncadd.s32 $0xFFFFE000  }
0x107: {  	_ =	swait.ge [sflag:s11], $0x80  }
0x108: {  	[sflag:s11] =	ssyncset.done $0x0  }
0x109: {  	[sflag:s11] =	ssyncadd.s32 $0xFFFFFF80  }
0x10a: {  	_ =	swait.ge [sflag:s11], $0x80  }
0x10b: {  	[sflag:s11] =	ssyncset.done $0x0  }
0x10c: {  	[sflag:s11] =	ssyncadd.s32 $0xFFFFFF80  }
0x10d: {  	[tilespmem:s12], [sflag:$0x6] =	stream.indirect.gather [hbm4b:s4+s28], $0x40, s29, s28, $0xb8;
	[tilespmem:$0x12820] =	vst v63  }
0x10e: {  	_ =	swait.ge [sflag:s20], $0x2000  }
0x10f: {  	[sflag:s20] =	ssyncset.done $0x0  }
0x110: {  	[sflag:s20] =	ssyncadd.s32 $0xFFFFE000  }
0x111: {  	[spmem:s2] =	stream.indirect.scatter.add.bf16 [tilespmem:s17], [sflag:$0x9], $0x40, s6, s28, $0xb8;
	[tilespmem:$0x12820] =	vst v63  }
0x112: {  	_ =	swait.ge [sflag:s26], $0x2000  }
0x113: {  	[sflag:s26] =	ssyncset.done $0x0  }
0x114: {  	[sflag:s26] =	ssyncadd.s32 $0xFFFFE000  }
0x115: {  	_ =	swait.ge [sflag:s15], $0x2000  }
0x116: {  	[sflag:s15] =	ssyncset.done $0x0  }
0x117: {  	[sflag:s15] =	ssyncadd.s32 $0xFFFFE000  }
0x118: {  	[spmem:s2] =	stream.indirect.scatter.add.bf16 [tilespmem:s10], [sflag:$0x9], $0x40, s28, s28, $0xb8;
	[tilespmem:$0x12820] =	vst v63  }
0x119: {  	_ =	swait.ge [sflag:s26], $0x2000  }
0x11a: {  	[sflag:s26] =	ssyncset.done $0x0  }
0x11b: {  	[sflag:s26] =	ssyncadd.s32 $0xFFFFE000  }
0x11c: {  	_ =	swait.ge [sflag:s18], $0x2000  }
0x11d: {  	[sflag:s18] =	ssyncset.done $0x0  }
0x11e: {  	[sflag:s18] =	ssyncadd.s32 $0xFFFFE000  }
0x11f: {  	[spmem:s2] =	stream.indirect.scatter.add.bf16 [tilespmem:s12], [sflag:$0x9], $0x40, s30, s28, $0xb8;
	[tilespmem:$0x12820] =	vst v63  }
0x120: {  	_ =	swait.ge [sflag:s26], $0x2000  }
0x121: {  	[sflag:s26] =	ssyncset.done $0x0  }
0x122: {  	s9 =	simm.s32 $0x8400;
	s23 =	rddreg [dreg:$0x19];
	[sflag:s26] =	ssyncadd.s32 $0xFFFFE000  }
0x123: {  	[tilespmem:s9], [sflag:$0x1] =	stream.linear.gather [hbm4b:s23+s3], $0x10, $0x38;
	[tilespmem:$0x12820] =	vst v63  }
0x124: {  	s24 =	rddreg [dreg:$0x1a];
	s23 =	simm.s32 $0x8410  }
0x125: {  	[tilespmem:s23], [sflag:$0x1] =	stream.linear.gather [hbm4b:s24+s3], $0x10, $0x38;
	[tilespmem:$0x12820] =	vst v63  }
0x126: {  	_ =	swait.ge [sflag:s7], $0x10  }
0x127: {  	[sflag:s7] =	ssyncset.done $0x0  }
0x128: {  	[sflag:s7] =	ssyncadd.s32 $0xFFFFFFF0  }
0x129: {  	_ =	swait.ge [sflag:s7], $0x10  }
0x12a: {  	[sflag:s7] =	ssyncset.done $0x0  }
0x12b: {  	s25 =	simm.s32 $0x10;
	s24 =	simm.s32 $0x8420;
	[sflag:s7] =	ssyncadd.s32 $0xFFFFFFF0  }
0x12c: {  	[tilespmem:s24], [sflag:$0x5] =	stream.indirect.gather [hbm4b:s4+s25], $0x40, s9, s25, $0xb8;
	[tilespmem:$0x12820] =	vst v63  }
0x12d: {  	_ =	swait.ge [sflag:s15], $0x400  }
0x12e: {  	[sflag:s15] =	ssyncset.done $0x0  }
0x12f: {  	[sflag:s15] =	ssyncadd.s32 $0xFFFFFC00  }
0x130: {  	[spmem:s2] =	stream.indirect.scatter.add.bf16 [tilespmem:s24], [sflag:$0x9], $0x40, s23, s25, $0xb8;
	[tilespmem:$0x12820] =	vst v63  }
0x131: {  	_ =	swait.ge [sflag:s26], $0x400  }
0x132: {  	[sflag:s26] =	ssyncset.done $0x0  }
0x133: {  	[sflag:s26] =	ssyncadd.s32 $0xFFFFFC00  }
0x134: {  	[bflag:$0x0] =	sbarrier.arrive $0xFFFF  }
0x135: {  	s23 =	rddreg [dreg:$0xd]  }
0x136: {  	s24 =	rddreg [dreg:$0x1b]  }
0x137: {  	[hbm:s24], [sflag:s23] =	dma.local [spmem:s22], $0x1400  }
0x138: {  	_ =	swait.ge [sflag:s26], $0x1400  }
0x139: {  	s21 =	sadd.s32 $0x1, s21;
	s25 =	rddreg [dreg:$0x1c]  }
0x13a: {  	p0 =	sne.s32 s21, s25  }
.Ltmp1:
0x13b: {  	_ = 	snop;
	(pc) =	sbr.rel @p0 .LBB2_1-.Ltmp1, $3  }
0x13c: {  	_ =	sdelay $0x1  }
0x13d: {  	[sflag:s26] =	ssyncset.done $0x0  }
0x13e: {  	[sflag:s26] =	ssyncadd.s32 $0xFFFFEC00  }
0x13f: {  	_ =	sfence.sel $0x180000  }
0x140: {  	[bflag:$0x0] =	sbarrier.arrive $0xFFFF  }
0x141: {  	_ =	strace $0x9000004A  }
0x142: {  	s0 =	stileid.u32;
	[bflag:$0x2] =	sbarrier.arrive $0xFFFF  }
0x143: {  	p0 =	sne.s32 s0, $0x0;
	s0 =	rddreg [dreg:$0x2]  }
0x144: {  	s0 =	sadd.s32 @!p0 $0x100000, s0  }
0x145: {  	[sflag:s0] =	ssyncadd.tile.s32 @!p0 $0x1;
	_ =	shalt  }
.Lfunc_end2:
_tile_overlayer_lowered:
.L_overlay_start_2:
0x146: {  	(tag) =	ssettag $0x2  }
0x147: {  	s0 =	rddreg [dreg:$0x0];
	s2 =	stileid.u32  }
0x148: {  	s1 =	rddreg [dreg:$0x1];
	p0 =	sne.s32 s2, $0x0  }
0x149: {  	s3 =	rddreg [dreg:$0x2];
	[bflag:$0x3] =	sbarrier.arrive $0xFFFF;
	s2 =	simm.s32 @!p0 $0x1C09  }
0x14a: {  	[timem:s3], [sflag:s2] =	dma.local @!p0 [hbm:s0], s1  }
0x14b: {  	s0 =	simm.s32 @!p0 $0x9  }
0x14c: {  	_ =	swait.ge @!p0 [sflag:s0], s1  }
0x14d: {  	s1 =	ssub.s32 @!p0 $0x0, s1;
	[sflag:s0] =	ssyncset.done @!p0 $0x0  }
0x14e: {  	[sflag:s0] =	ssyncadd.s32 @!p0 s1  }
0x14f: {  	[bflag:$0x3] =	sbarrier.arrive $0xFFFF  }
0x150: {  	_ =	shalt  }

</sc_bundles>
